<compile_context>
chip_gen: v7x
topology: tpu7x:2x2x1
jax: 0.10.2.dev20260603
libtpu: 0.0.44.dev20260713+nightly
codegen_flags: <defaults>
</compile_context>

<pallas_src>
import functools

import jax
import jax.numpy as jnp
from jax import lax
from jax.experimental import pallas as pl
from jax.experimental.pallas import tpu as pltpu
from jax.experimental.pallas import tpu_sc as plsc

B = 128
V = 100000
VP = 102400
K = 2048
M = 4096
NB = 4096
CH = 10240
NCH = VP // CH
GRP = CH // 16
CHR = CH // 128
HKEY = 0x7FFFFFFF


def _sc_select(logits):
    info = plsc.get_sparse_core_info()
    nc, ns = info.num_cores, info.num_subcores
    nw = nc * ns
    rows_per_w = B // nw
    mesh = plsc.VectorSubcoreMesh(core_axis_name="c", subcore_axis_name="s")

    @functools.partial(
        pl.kernel,
        mesh=mesh,
        compiler_params=pltpu.CompilerParams(needs_layout_passes=False),
        out_type=[
            jax.ShapeDtypeStruct((B * K,), jnp.float32),
            jax.ShapeDtypeStruct((B * K,), jnp.int32),
            jax.ShapeDtypeStruct((B * 16,), jnp.float32),
        ],
        scratch_types=[
            pltpu.VMEM((VP // 128, 128), jnp.float32),
            pltpu.VMEM((NB,), jnp.int32),
            pltpu.VMEM((M,), jnp.float32),
            pltpu.VMEM((M,), jnp.int32),
            pltpu.VMEM((16,), jnp.float32),
            pltpu.VMEM((M,), jnp.int32),
            pltpu.VMEM((M,), jnp.int32),
            pltpu.VMEM((M,), jnp.int32),
            pltpu.SemaphoreType.DMA((4,)),
        ],
    )
    def k(logits_hbm, cv_hbm, ci_hbm, st_hbm,
          buf, hist, cv, ci, st, kb0, kb1, ib, sem):
        wid = lax.axis_index("s") * nc + lax.axis_index("c")
        lanes = lax.iota(jnp.int32, 16)
        ones = jnp.ones((16,), jnp.int32)

        def zero_hist(i, c):
            hist[pl.ds(i * 16, 16)] = jnp.zeros((16,), jnp.int32)
            return c

        lax.fori_loop(0, NB // 16, zero_hist, 0)

        def bucket_of(x):
            bits = lax.bitcast_convert_type(x, jnp.int32)
            key = bits ^ ((bits >> 31) & HKEY)
            return (key >> 20) + 2048, key

        def start_copy(row2d, c):
            pltpu.make_async_copy(
                logits_hbm.at[pl.ds(row2d + c * CHR, CHR), :],
                buf.at[pl.ds(c * CHR, CHR), :], sem.at[c % 4]).start()

        def wait_copy(c):
            pltpu.make_async_copy(
                logits_hbm.at[pl.ds(0, CHR), :],
                buf.at[pl.ds(c * CHR, CHR), :], sem.at[c % 4]).wait()

        def row_body(r, _unused):
            row = wid * rows_per_w + r
            rowbase = row * (VP // 128)

            for cc in range(4):
                start_copy(rowbase, cc)

            def chunk1(c, vmax):
                @pl.when(c + 4 < NCH)
                def _():
                    start_copy(rowbase, c + 4)

                wait_copy(c)

                def body1(g, vmax):
                    gg = c * GRP + g
                    x = buf[gg >> 3, pl.ds((gg & 7) * 16, 16)]
                    bkt, _ = bucket_of(x)
                    plsc.addupdate_scatter(hist, [bkt], ones)
                    return jnp.maximum(vmax, x)

                return lax.fori_loop(0, GRP, body1, vmax, unroll=8)

            vmax = lax.fori_loop(
                0, NCH, chunk1, jnp.full((16,), -jnp.inf, jnp.float32))
            mx = jnp.max(vmax)

            def body2(t_rev, carry):
                acc, bnd, found = carry
                t = (NB // 16 - 1) - t_rev
                s = hist[pl.ds(t * 16, 16)]
                hist[pl.ds(t * 16, 16)] = jnp.zeros((16,), jnp.int32)
                cs = plsc.cumsum(s)
                total = jnp.max(cs)
                ssum = total - cs + s
                m = (acc + ssum) >= K
                cnt = jnp.max(plsc.all_reduce_population_count(m))
                newly = jnp.logical_and(jnp.logical_not(found), cnt > 0)
                bnd = jnp.where(newly, t * 16 + cnt - 1, bnd)
                found = jnp.logical_or(found, cnt > 0)
                return acc + total, bnd, found

            _, bnd, _ = lax.fori_loop(
                0, NB // 16, body2, (jnp.int32(0), jnp.int32(0), False))

            def body3(i, c):
                kb0[pl.ds(i * 16, 16)] = jnp.zeros((16,), jnp.int32)
                ci[pl.ds(i * 16, 16)] = jnp.zeros((16,), jnp.int32)
                return c

            lax.fori_loop(0, M // 16, body3, 0)

            def body4(g, carry):
                off, sume = carry
                x = buf[g >> 3, pl.ds((g & 7) * 16, 16)]
                bkt, key = bucket_of(x)
                ukey = key ^ jnp.int32(-2147483648)
                m = bkt >= bnd
                plsc.store_compressed(kb0.at[pl.ds(off, 16)], ukey, mask=m)
                gidx = g * 16 + lanes
                plsc.store_compressed(ci.at[pl.ds(off, 16)], gidx, mask=m)
                cnt = jnp.max(plsc.all_reduce_population_count(m))
                off = jnp.minimum(off + cnt, M - 16)
                sume = sume + jnp.exp(x - mx)
                return off, sume

            off, sume = lax.fori_loop(
                0, VP // 16, body4,
                (jnp.int32(0), jnp.zeros((16,), jnp.float32)), unroll=8)
            se = jnp.sum(sume)

            stv = jnp.where(lanes == 0, mx, jnp.where(lanes == 1, se, 0.0))
            st[pl.ds(0, 16)] = stv

            def digit_pass(p, srck, srci, dstk, dsti):
                sh = 5 * p
                hist[pl.ds(0, 16)] = jnp.zeros((16,), jnp.int32)
                hist[pl.ds(16, 16)] = jnp.zeros((16,), jnp.int32)

                def cnt_body(g, c):
                    k16 = srck[pl.ds(g * 16, 16)]
                    d = 31 - ((k16 >> sh) & 31)
                    plsc.addupdate_scatter(hist, [d], ones)
                    return c

                lax.fori_loop(0, M // 16, cnt_body, 0, unroll=8)

                h0 = hist[pl.ds(0, 16)]
                h1 = hist[pl.ds(16, 16)]
                cs0 = plsc.cumsum(h0)
                cs1 = plsc.cumsum(h1)
                t0 = jnp.max(cs0)
                hist[pl.ds(0, 16)] = cs0 - h0
                hist[pl.ds(16, 16)] = cs1 - h1 + t0

                def perm_body(g, c):
                    k16 = srck[pl.ds(g * 16, 16)]
                    i16 = srci[pl.ds(g * 16, 16)]
                    d = 31 - ((k16 >> sh) & 31)
                    rank = plsc.scan_count(d)[0] - 1
                    base = plsc.load_gather(hist, [d])
                    pos = base + rank
                    plsc.store_scatter(dstk, [pos], k16)
                    plsc.store_scatter(dsti, [pos], i16)
                    plsc.addupdate_scatter(hist, [d], ones)
                    return c

                lax.fori_loop(0, M // 16, perm_body, 0, unroll=4)

            for p in range(7):
                if p % 2 == 0:
                    digit_pass(p, kb0, ci, kb1, ib)
                else:
                    digit_pass(p, kb1, ib, kb0, ci)

            def out_body(g, c):
                u = kb1[pl.ds(g * 16, 16)]
                bits = jnp.where(u < 0, u ^ jnp.int32(-2147483648), ~u)
                cv[pl.ds(g * 16, 16)] = lax.bitcast_convert_type(
                    bits, jnp.float32)
                return c

            lax.fori_loop(0, K // 16, out_body, 0, unroll=8)

            pltpu.sync_copy(cv.at[pl.ds(0, K)], cv_hbm.at[pl.ds(row * K, K)])
            pltpu.sync_copy(ib.at[pl.ds(0, K)], ci_hbm.at[pl.ds(row * K, K)])
            pltpu.sync_copy(st, st_hbm.at[pl.ds(row * 16, 16)])
            return 0

        lax.fori_loop(0, rows_per_w, row_body, 0)

    lp = jnp.pad(logits, ((0, 0), (0, VP - V)), constant_values=-jnp.inf)
    cv, ci, st = k(lp.reshape(B * VP // 128, 128))
    return cv.reshape(B, K), ci.reshape(B, K), st.reshape(B, 16)


BR = 8


def _tc_body(cv_ref, ci_ref, st_ref, tp_ref, tk_ref, mp_ref, sm_ref, g_ref,
             fp_ref, fi_ref, tok_ref):
    ps = jnp.exp(cv_ref[...] - st_ref[:, 0:1]) / st_ref[:, 1:2]
    pi = ci_ref[...]

    cs = ps
    s = 1
    while s < K:
        shifted = jnp.concatenate(
            [jnp.zeros((BR, s), jnp.float32), cs[:, :K - s]], axis=1)
        cs = cs + shifted
        s *= 2

    lane = lax.broadcasted_iota(jnp.int32, (BR, K), 1)
    tk = jnp.maximum(tk_ref[...], 1)
    tp = tp_ref[...]
    mp = mp_ref[...]
    apply_min_p = mp > 0.0
    mask_k = lane < tk
    mask_p = jnp.logical_not(cs - ps > tp)
    thr = jnp.where(apply_min_p, ps[:, 0:1] * mp, 0.0)
    fm = mask_k & mask_p
    fm = fm & jnp.logical_not(apply_min_p & (ps < thr))
    filtered = jnp.where(fm, ps, 0.0)
    denom = jnp.sum(filtered, axis=1, keepdims=True)
    denom_safe = jnp.where(denom == 0.0, 1.0, denom)
    normed = filtered / denom_safe
    normed = jnp.where((denom == 0.0) & (lane == 0), 1.0, normed)

    logp = jnp.where(normed > 0.0, jnp.log(jnp.maximum(normed, 1e-38)), -jnp.inf)
    scores = logp + g_ref[...]
    mval = jnp.max(scores, axis=1, keepdims=True)
    hit = jnp.where(scores == mval, lane, K)
    sampled = jnp.min(hit, axis=1, keepdims=True)
    onehot = lane == sampled
    tok = jnp.sum(jnp.where(onehot, pi, 0), axis=1, keepdims=True)

    std_probs = jnp.where(onehot, 1.0, 0.0)
    std_idx = jnp.where(onehot, tok, 0)
    sm = sm_ref[...] != 0
    fp_ref[...] = jnp.where(sm, normed, std_probs)
    fi_ref[...] = jnp.where(sm, pi, std_idx)
    tok_ref[...] = tok


def _tc_finish(cv, ci, st, tp, tk, mp, sm, g):
    def rows(cols):
        return pl.BlockSpec((BR, cols), lambda i: (i, 0))

    return pl.pallas_call(
        _tc_body,
        grid=(B // BR,),
        in_specs=[rows(K), rows(K), rows(16), rows(1), rows(1), rows(1),
                  rows(1), rows(K)],
        out_specs=[rows(K), rows(K), rows(1)],
        out_shape=[
            jax.ShapeDtypeStruct((B, K), jnp.float32),
            jax.ShapeDtypeStruct((B, K), jnp.int32),
            jax.ShapeDtypeStruct((B, 1), jnp.int32),
        ],
    )(cv, ci, st, tp, tk, mp, sm, g)


def kernel(logits, top_p, top_k, min_p, soft_mask):
    cv, ci, st = _sc_select(logits)
    g = jax.random.gumbel(jax.random.key(1234), (B, K), jnp.float32)
    fp, fi, tok = _tc_finish(
        cv, ci, st,
        top_p.reshape(B, 1), top_k.reshape(B, 1).astype(jnp.int32),
        min_p.reshape(B, 1), soft_mask.reshape(B, 1).astype(jnp.int32), g)
    return fp, fi, tok.reshape(B)

# --- scband reference (transcript-rebuilt; emitter-appended) ---
"""Pipeline reference for scband-sampler-28767690949169 (READ-ONLY COPY).

The authoritative reference and input builder live on the scoring server;
editing this copy changes nothing except your own understanding.
"""

import jax, jax.numpy as jnp
import numpy as np

B = 128
VOCAB = 100000
MAX_K = 2048


def setup_inputs(seed: int = 0) -> dict:
    key = jax.random.key(seed)
    k1, k2, k3, k4 = jax.random.split(key, 4)
    logits = jax.random.normal(k1, (B, VOCAB), dtype=jnp.float32) * 2.0
    top_p = jax.random.uniform(k2, (B,), dtype=jnp.float32)
    top_k = jax.random.randint(k3, (B,), 0, MAX_K, dtype=jnp.int32)
    min_p = jax.random.uniform(k4, (B,), dtype=jnp.float32)
    soft_mask = jnp.zeros((B,), dtype=bool)
    return {"logits": logits, "top_p": top_p, "top_k": top_k, "min_p": min_p, "soft_mask": soft_mask}


def _filter_probs(probs_sort, probs_sum, top_p, top_k, min_p, apply_min_p):
    # Faithful port of _filter_probs_kernel (triton): joint top-k / top-p / min-p filtering
    offs = jnp.arange(MAX_K)
    mask_k = offs[None, :] < top_k[:, None]
    mask_p = ~(probs_sum - probs_sort > top_p[:, None])
    # min-p threshold computed from the top-1 prob, only if it passes k and p filters
    first_passes_k = top_k > 0  # first element always passes the p filter (cumsum - prob == 0)
    thr = jnp.where(apply_min_p & first_passes_k, probs_sort[:, 0] * min_p, 0.0)
    final_mask = mask_k & mask_p
    min_p_maskout = jnp.where(apply_min_p[:, None], probs_sort < thr[:, None], False)
    final_mask = final_mask & ~min_p_maskout
    return jnp.where(final_mask, probs_sort, 0.0)


def reference(logits, top_p, top_k, min_p, soft_mask):
    top_k = jnp.maximum(top_k, 1)  # guard against degenerate top_k=0 rows
    probs = jax.nn.softmax(logits.astype(jnp.float32), axis=-1)
    probs_sort, probs_idx = jax.lax.top_k(probs, MAX_K)
    probs_sum = jnp.cumsum(probs_sort, axis=-1)
    apply_min_p = min_p > 0.0
    filtered = _filter_probs(probs_sort, probs_sum, top_p, top_k, min_p, apply_min_p)
    denom = filtered.sum(axis=-1, keepdims=True)
    denom_safe = jnp.where(denom == 0.0, 1.0, denom)
    normed = filtered / denom_safe
    offs = jnp.arange(MAX_K)
    # all-zero fallback: put all mass on the top-1 slot
    normed = jnp.where((denom == 0.0) & (offs[None, :] == 0), 1.0, normed)
    # multinomial sampling from filtered+renormalized distribution
    logp = jnp.where(normed > 0.0, jnp.log(jnp.maximum(normed, 1e-38)), -jnp.inf)
    skey = jax.random.key(1234)
    sampled = jax.random.categorical(skey, logp, axis=-1)[:, None]
    sampled_token = jnp.take_along_axis(probs_idx, sampled, axis=1)
    rows = jnp.arange(B)[:, None]
    std_probs = jnp.zeros_like(filtered).at[rows, sampled].set(1.0)
    std_idx = jnp.zeros_like(probs_idx).at[rows, sampled].set(sampled_token)
    sm = soft_mask[:, None]
    # soft-thinking path (is_all_no_noise): keep full normalized filtered probs; std path: one-hot on sample
    final_topk_probs = jnp.where(sm, normed, std_probs)
    final_topk_indices = jnp.where(sm, probs_idx, std_idx)
    return final_topk_probs, final_topk_indices, sampled_token[:, 0]

if __name__ == "__main__":
    import jax
    _d = setup_inputs()
    print(jax.jit(kernel)(*tuple(_d.values())))

</pallas_src>

<mosaic_0001>
#map = affine_map<(d0, d1) -> (0, 0)>
#map1 = affine_map<(d0, d1) -> (0)>
module attributes {stable_mosaic.version = 14 : i64} {
  func.func @k(%arg0: i32, %arg1: i32, %arg2: memref<102400x128xf32, #tpu.memory_space<hbm>>, %arg3: memref<262144xf32, #tpu.memory_space<hbm>>, %arg4: memref<262144xi32, #tpu.memory_space<hbm>>, %arg5: memref<2048xf32, #tpu.memory_space<hbm>>, %arg6: memref<800x128xf32, #tpu.memory_space<vmem>>, %arg7: memref<4096xi32, #tpu.memory_space<vmem>>, %arg8: memref<4096xf32, #tpu.memory_space<vmem>>, %arg9: memref<4096xi32, #tpu.memory_space<vmem>>, %arg10: memref<16xf32, #tpu.memory_space<vmem>>, %arg11: memref<4096xi32, #tpu.memory_space<vmem>>, %arg12: memref<4096xi32, #tpu.memory_space<vmem>>, %arg13: memref<4096xi32, #tpu.memory_space<vmem>>, %arg14: memref<4x!tpu.dma_semaphore, #tpu.memory_space<semaphore_mem>>) attributes {dimension_semantics = [#tpu.dimension_semantics<core_parallel>, #tpu.dimension_semantics<subcore_parallel>], iteration_bounds = array<i64: 2, 16>, scalar_prefetch = 0 : i64, scratch_operands = 9 : i64, tpu.core_type = #tpu.core_type<sc_vector_subcore>, window_params = [{transform_indices = #map}, {transform_indices = #map1}, {transform_indices = #map1}, {transform_indices = #map1}]} {
    %mul3A = arith.constant 2 : i32
    %mul3A_0 = arith.muli %arg1, %mul3A : i32
    %add3A = arith.addi %mul3A_0, %arg0 : i32
    %iota3A = tpu.iota {dimensions = array<i32: 0>} : vector<16xi32>
    %broadcast_in_dim3A = arith.constant 1 : i32
    %broadcast_in_dim3A_1 = vector.broadcast %broadcast_in_dim3A : i32 to vector<16xi32>
    %scan3A = arith.constant 0 : i32
    %scan3A_2 = arith.constant 0 : i32
    %scan3A_3 = arith.constant 256 : i32
    %scan3A_4 = arith.addi %scan3A_2, %scan3A_3 : i32
    %scan3A_5 = arith.constant 1 : i32
    scf.for %scan3A_14 = %scan3A_2 to %scan3A_4 step %scan3A_5  : i32 {
      %broadcast_in_dim3A_15 = arith.constant 0 : i32
      %broadcast_in_dim3A_16 = vector.broadcast %broadcast_in_dim3A_15 : i32 to vector<16xi32>
      %mul3A_17 = arith.constant 16 : i32
      %mul3A_18 = arith.muli %scan3A_14, %mul3A_17 : i32
      %swap3A = arith.index_cast %mul3A_18 : i32 to index
      %swap3A_19 = tpu.vector_load %arg7[%swap3A] {strides = array<i32>} : memref<4096xi32, #tpu.memory_space<vmem>>, vector<16xi32>,
      tpu.vector_store %arg7[%swap3A], %broadcast_in_dim3A_16 {strides = array<i32>} : memref<4096xi32, #tpu.memory_space<vmem>>, vector<16xi32>,
    }
    %scan3A_6 = arith.constant 256 : i32
    %scan3A_7 = arith.constant 0 : i32
    %scan3A_8 = arith.constant 0 : i32
    %scan3A_9 = arith.constant 4 : i32
    %scan3A_10 = arith.addi %scan3A_8, %scan3A_9 : i32
    %scan3A_11 = arith.constant 1 : i32
    %scan3A_12 = scf.for %scan3A_14 = %scan3A_8 to %scan3A_10 step %scan3A_11 iter_args(%scan3A_15 = %scan3A_7) -> (i32)  : i32 {
      %mul3A_16 = arith.constant 4 : i32
      %mul3A_17 = arith.muli %add3A, %mul3A_16 : i32
      %add3A_18 = arith.addi %mul3A_17, %scan3A_14 : i32
      %mul3A_19 = arith.constant 800 : i32
      %mul3A_20 = arith.muli %add3A_18, %mul3A_19 : i32
      %add3A_21 = arith.constant 0 : i32
      %add3A_22 = arith.addi %mul3A_20, %add3A_21 : i32
      %dma_start3A = arith.constant 0 : i32
      %dma_start3A_23 = arith.constant 0 : i32
      %dma_start3A_24 = arith.constant 0 : i32
      %dma_start3A_25 = tpu.memref_slice %arg6[%dma_start3A_23, %dma_start3A_24] : memref<800x128xf32, #tpu.memory_space<vmem>> -> memref<80x128xf32, #tpu.memory_space<vmem>>
      %dma_start3A_26 = arith.constant 0 : i32
      %dma_start3A_27 = tpu.memref_slice %arg2[%add3A_22, %dma_start3A_26] : memref<102400x128xf32, #tpu.memory_space<hbm>> -> memref<80x128xf32, #tpu.memory_space<hbm>>
      %dma_start3A_28 = tpu.memref_slice %arg14[%dma_start3A] : memref<4x!tpu.dma_semaphore, #tpu.memory_space<semaphore_mem>> -> memref<1x!tpu.dma_semaphore, #tpu.memory_space<semaphore_mem>>
      %dma_start3A_29 = tpu.memref_squeeze %dma_start3A_28 : memref<1x!tpu.dma_semaphore, #tpu.memory_space<semaphore_mem>> -> memref<!tpu.dma_semaphore, #tpu.memory_space<semaphore_mem>>
      %dma_start3A_30 = arith.constant 0 : i32
      %dma_start3A_31 = arith.constant 0 : i32
      %dma_start3A_32 = tpu.memref_slice %arg6[%dma_start3A_30, %dma_start3A_31] : memref<800x128xf32, #tpu.memory_space<vmem>> -> memref<80x128xf32, #tpu.memory_space<vmem>>
      %dma_start3A_33 = arith.constant 0 : i32
      %dma_start3A_34 = tpu.memref_slice %arg2[%add3A_22, %dma_start3A_33] : memref<102400x128xf32, #tpu.memory_space<hbm>> -> memref<80x128xf32, #tpu.memory_space<hbm>>
      tpu.enqueue_dma source(%dma_start3A_34 : memref<80x128xf32, #tpu.memory_space<hbm>>) target(%dma_start3A_32 : memref<80x128xf32, #tpu.memory_space<vmem>>) target_semaphore(%dma_start3A_29 : memref<!tpu.dma_semaphore, #tpu.memory_space<semaphore_mem>>)
      %add3A_35 = arith.constant 80 : i32
      %add3A_36 = arith.addi %mul3A_20, %add3A_35 : i32
      %dma_start3A_37 = arith.constant 1 : i32
      %dma_start3A_38 = arith.constant 80 : i32
      %dma_start3A_39 = arith.constant 0 : i32
      %dma_start3A_40 = tpu.memref_slice %arg6[%dma_start3A_38, %dma_start3A_39] : memref<800x128xf32, #tpu.memory_space<vmem>> -> memref<80x128xf32, #tpu.memory_space<vmem>>
      %dma_start3A_41 = arith.constant 0 : i32
      %dma_start3A_42 = tpu.memref_slice %arg2[%add3A_36, %dma_start3A_41] : memref<102400x128xf32, #tpu.memory_space<hbm>> -> memref<80x128xf32, #tpu.memory_space<hbm>>
      %dma_start3A_43 = tpu.memref_slice %arg14[%dma_start3A_37] : memref<4x!tpu.dma_semaphore, #tpu.memory_space<semaphore_mem>> -> memref<1x!tpu.dma_semaphore, #tpu.memory_space<semaphore_mem>>
      %dma_start3A_44 = tpu.memref_squeeze %dma_start3A_43 : memref<1x!tpu.dma_semaphore, #tpu.memory_space<semaphore_mem>> -> memref<!tpu.dma_semaphore, #tpu.memory_space<semaphore_mem>>
      %dma_start3A_45 = arith.constant 80 : i32
      %dma_start3A_46 = arith.constant 0 : i32
      %dma_start3A_47 = tpu.memref_slice %arg6[%dma_start3A_45, %dma_start3A_46] : memref<800x128xf32, #tpu.memory_space<vmem>> -> memref<80x128xf32, #tpu.memory_space<vmem>>
      %dma_start3A_48 = arith.constant 0 : i32
      %dma_start3A_49 = tpu.memref_slice %arg2[%add3A_36, %dma_start3A_48] : memref<102400x128xf32, #tpu.memory_space<hbm>> -> memref<80x128xf32, #tpu.memory_space<hbm>>
      tpu.enqueue_dma source(%dma_start3A_49 : memref<80x128xf32, #tpu.memory_space<hbm>>) target(%dma_start3A_47 : memref<80x128xf32, #tpu.memory_space<vmem>>) target_semaphore(%dma_start3A_44 : memref<!tpu.dma_semaphore, #tpu.memory_space<semaphore_mem>>)
      %add3A_50 = arith.constant 160 : i32
      %add3A_51 = arith.addi %mul3A_20, %add3A_50 : i32
      %dma_start3A_52 = arith.constant 2 : i32
      %dma_start3A_53 = arith.constant 160 : i32
      %dma_start3A_54 = arith.constant 0 : i32
      %dma_start3A_55 = tpu.memref_slice %arg6[%dma_start3A_53, %dma_start3A_54] : memref<800x128xf32, #tpu.memory_space<vmem>> -> memref<80x128xf32, #tpu.memory_space<vmem>>
      %dma_start3A_56 = arith.constant 0 : i32
      %dma_start3A_57 = tpu.memref_slice %arg2[%add3A_51, %dma_start3A_56] : memref<102400x128xf32, #tpu.memory_space<hbm>> -> memref<80x128xf32, #tpu.memory_space<hbm>>
      %dma_start3A_58 = tpu.memref_slice %arg14[%dma_start3A_52] : memref<4x!tpu.dma_semaphore, #tpu.memory_space<semaphore_mem>> -> memref<1x!tpu.dma_semaphore, #tpu.memory_space<semaphore_mem>>
      %dma_start3A_59 = tpu.memref_squeeze %dma_start3A_58 : memref<1x!tpu.dma_semaphore, #tpu.memory_space<semaphore_mem>> -> memref<!tpu.dma_semaphore, #tpu.memory_space<semaphore_mem>>
      %dma_start3A_60 = arith.constant 160 : i32
      %dma_start3A_61 = arith.constant 0 : i32
      %dma_start3A_62 = tpu.memref_slice %arg6[%dma_start3A_60, %dma_start3A_61] : memref<800x128xf32, #tpu.memory_space<vmem>> -> memref<80x128xf32, #tpu.memory_space<vmem>>
      %dma_start3A_63 = arith.constant 0 : i32
      %dma_start3A_64 = tpu.memref_slice %arg2[%add3A_51, %dma_start3A_63] : memref<102400x128xf32, #tpu.memory_space<hbm>> -> memref<80x128xf32, #tpu.memory_space<hbm>>
      tpu.enqueue_dma source(%dma_start3A_64 : memref<80x128xf32, #tpu.memory_space<hbm>>) target(%dma_start3A_62 : memref<80x128xf32, #tpu.memory_space<vmem>>) target_semaphore(%dma_start3A_59 : memref<!tpu.dma_semaphore, #tpu.memory_space<semaphore_mem>>)
      %add3A_65 = arith.constant 240 : i32
      %add3A_66 = arith.addi %mul3A_20, %add3A_65 : i32
      %dma_start3A_67 = arith.constant 3 : i32
      %dma_start3A_68 = arith.constant 240 : i32
      %dma_start3A_69 = arith.constant 0 : i32
      %dma_start3A_70 = tpu.memref_slice %arg6[%dma_start3A_68, %dma_start3A_69] : memref<800x128xf32, #tpu.memory_space<vmem>> -> memref<80x128xf32, #tpu.memory_space<vmem>>
      %dma_start3A_71 = arith.constant 0 : i32
      %dma_start3A_72 = tpu.memref_slice %arg2[%add3A_66, %dma_start3A_71] : memref<102400x128xf32, #tpu.memory_space<hbm>> -> memref<80x128xf32, #tpu.memory_space<hbm>>
      %dma_start3A_73 = tpu.memref_slice %arg14[%dma_start3A_67] : memref<4x!tpu.dma_semaphore, #tpu.memory_space<semaphore_mem>> -> memref<1x!tpu.dma_semaphore, #tpu.memory_space<semaphore_mem>>
      %dma_start3A_74 = tpu.memref_squeeze %dma_start3A_73 : memref<1x!tpu.dma_semaphore, #tpu.memory_space<semaphore_mem>> -> memref<!tpu.dma_semaphore, #tpu.memory_space<semaphore_mem>>
      %dma_start3A_75 = arith.constant 240 : i32
      %dma_start3A_76 = arith.constant 0 : i32
      %dma_start3A_77 = tpu.memref_slice %arg6[%dma_start3A_75, %dma_start3A_76] : memref<800x128xf32, #tpu.memory_space<vmem>> -> memref<80x128xf32, #tpu.memory_space<vmem>>
      %dma_start3A_78 = arith.constant 0 : i32
      %dma_start3A_79 = tpu.memref_slice %arg2[%add3A_66, %dma_start3A_78] : memref<102400x128xf32, #tpu.memory_space<hbm>> -> memref<80x128xf32, #tpu.memory_space<hbm>>
      tpu.enqueue_dma source(%dma_start3A_79 : memref<80x128xf32, #tpu.memory_space<hbm>>) target(%dma_start3A_77 : memref<80x128xf32, #tpu.memory_space<vmem>>) target_semaphore(%dma_start3A_74 : memref<!tpu.dma_semaphore, #tpu.memory_space<semaphore_mem>>)
      %broadcast_in_dim3A_80 = arith.constant 0xFF800000 : f32
      %broadcast_in_dim3A_81 = vector.broadcast %broadcast_in_dim3A_80 : f32 to vector<16xf32>
      %scan3A_82 = arith.constant 0 : i32
      %scan3A_83 = arith.constant 10 : i32
      %scan3A_84 = arith.addi %scan3A_82, %scan3A_83 : i32
      %scan3A_85 = arith.constant 1 : i32
      %scan3A_86 = scf.for %scan3A_460 = %scan3A_82 to %scan3A_84 step %scan3A_85 iter_args(%scan3A_461 = %broadcast_in_dim3A_81) -> (vector<16xf32>)  : i32 {
        %add3A_462 = arith.constant 4 : i32
        %add3A_463 = arith.addi %scan3A_460, %add3A_462 : i32
        %lt3A = arith.constant 10 : i32
        %lt3A_464 = arith.cmpi slt, %add3A_463, %lt3A : i32
        %convert_element_type3A = arith.extui %lt3A_464 : i1 to i32
        %cond3A = arith.constant 0 : i32
        %cond3A_465 = arith.cmpi ne, %convert_element_type3A, %cond3A : i32
        scf.if %cond3A_465 {
          %add3A_498 = arith.constant 4 : i32
          %add3A_499 = arith.addi %scan3A_460, %add3A_498 : i32
          %mul3A_500 = arith.constant 80 : i32
          %mul3A_501 = arith.muli %add3A_499, %mul3A_500 : i32
          %add3A_502 = arith.addi %mul3A_20, %mul3A_501 : i32
          %mul3A_503 = arith.constant 80 : i32
          %mul3A_504 = arith.muli %add3A_499, %mul3A_503 : i32
          %jit3A_505 = arith.constant 4 : i32
          %eq3A_506 = arith.constant 0 : i32
          %eq3A_507 = arith.cmpi eq, %jit3A_505, %eq3A_506 : i32
          %jit3A_508 = arith.constant 1 : i32
          %select_n3A_509 = arith.select %eq3A_507, %jit3A_508, %jit3A_505 : i32
          %rem3A_510 = arith.remsi %add3A_499, %select_n3A_509 : i32
          %ne3A_511 = arith.constant 0 : i32
          %ne3A_512 = arith.cmpi ne, %rem3A_510, %ne3A_511 : i32
          %lt3A_513 = arith.constant 0 : i32
          %lt3A_514 = arith.cmpi slt, %rem3A_510, %lt3A_513 : i32
          %lt3A_515 = arith.constant 0 : i32
          %lt3A_516 = arith.cmpi slt, %select_n3A_509, %lt3A_515 : i32
          %ne3A_517 = arith.xori %lt3A_514, %lt3A_516 : i1
          %and3A_518 = arith.andi %ne3A_517, %ne3A_512 : i1
          %add3A_519 = arith.addi %rem3A_510, %select_n3A_509 : i32
          %select_n3A_520 = arith.select %and3A_518, %add3A_519, %rem3A_510 : i32
          %dma_start3A_521 = arith.constant 0 : i32
          %dma_start3A_522 = tpu.memref_slice %arg6[%mul3A_504, %dma_start3A_521] : memref<800x128xf32, #tpu.memory_space<vmem>> -> memref<80x128xf32, #tpu.memory_space<vmem>>
          %dma_start3A_523 = arith.constant 0 : i32
          %dma_start3A_524 = tpu.memref_slice %arg2[%add3A_502, %dma_start3A_523] : memref<102400x128xf32, #tpu.memory_space<hbm>> -> memref<80x128xf32, #tpu.memory_space<hbm>>
          %dma_start3A_525 = tpu.memref_slice %arg14[%select_n3A_520] : memref<4x!tpu.dma_semaphore, #tpu.memory_space<semaphore_mem>> -> memref<1x!tpu.dma_semaphore, #tpu.memory_space<semaphore_mem>>
          %dma_start3A_526 = tpu.memref_squeeze %dma_start3A_525 : memref<1x!tpu.dma_semaphore, #tpu.memory_space<semaphore_mem>> -> memref<!tpu.dma_semaphore, #tpu.memory_space<semaphore_mem>>
          %dma_start3A_527 = arith.constant 0 : i32
          %dma_start3A_528 = tpu.memref_slice %arg6[%mul3A_504, %dma_start3A_527] : memref<800x128xf32, #tpu.memory_space<vmem>> -> memref<80x128xf32, #tpu.memory_space<vmem>>
          %dma_start3A_529 = arith.constant 0 : i32
          %dma_start3A_530 = tpu.memref_slice %arg2[%add3A_502, %dma_start3A_529] : memref<102400x128xf32, #tpu.memory_space<hbm>> -> memref<80x128xf32, #tpu.memory_space<hbm>>
          tpu.enqueue_dma source(%dma_start3A_530 : memref<80x128xf32, #tpu.memory_space<hbm>>) target(%dma_start3A_528 : memref<80x128xf32, #tpu.memory_space<vmem>>) target_semaphore(%dma_start3A_526 : memref<!tpu.dma_semaphore, #tpu.memory_space<semaphore_mem>>)
        } else {
        }
        %mul3A_466 = arith.constant 80 : i32
        %mul3A_467 = arith.muli %scan3A_460, %mul3A_466 : i32
        %jit3A_468 = arith.constant 4 : i32
        %eq3A_469 = arith.constant 0 : i32
        %eq3A_470 = arith.cmpi eq, %jit3A_468, %eq3A_469 : i32
        %jit3A_471 = arith.constant 1 : i32
        %select_n3A_472 = arith.select %eq3A_470, %jit3A_471, %jit3A_468 : i32
        %rem3A = arith.remsi %scan3A_460, %select_n3A_472 : i32
        %ne3A = arith.constant 0 : i32
        %ne3A_473 = arith.cmpi ne, %rem3A, %ne3A : i32
        %lt3A_474 = arith.constant 0 : i32
        %lt3A_475 = arith.cmpi slt, %rem3A, %lt3A_474 : i32
        %lt3A_476 = arith.constant 0 : i32
        %lt3A_477 = arith.cmpi slt, %select_n3A_472, %lt3A_476 : i32
        %ne3A_478 = arith.xori %lt3A_475, %lt3A_477 : i1
        %and3A = arith.andi %ne3A_478, %ne3A_473 : i1
        %add3A_479 = arith.addi %rem3A, %select_n3A_472 : i32
        %select_n3A_480 = arith.select %and3A, %add3A_479, %rem3A : i32
        %dma_wait3A = arith.constant 0 : i32
        %dma_wait3A_481 = tpu.memref_slice %arg6[%mul3A_467, %dma_wait3A] : memref<800x128xf32, #tpu.memory_space<vmem>> -> memref<80x128xf32, #tpu.memory_space<vmem>>
        %dma_wait3A_482 = arith.constant 0 : i32
        %dma_wait3A_483 = arith.constant 0 : i32
        %dma_wait3A_484 = tpu.memref_slice %arg2[%dma_wait3A_482, %dma_wait3A_483] : memref<102400x128xf32, #tpu.memory_space<hbm>> -> memref<80x128xf32, #tpu.memory_space<hbm>>
        %dma_wait3A_485 = tpu.memref_slice %arg14[%select_n3A_480] : memref<4x!tpu.dma_semaphore, #tpu.memory_space<semaphore_mem>> -> memref<1x!tpu.dma_semaphore, #tpu.memory_space<semaphore_mem>>
        %dma_wait3A_486 = tpu.memref_squeeze %dma_wait3A_485 : memref<1x!tpu.dma_semaphore, #tpu.memory_space<semaphore_mem>> -> memref<!tpu.dma_semaphore, #tpu.memory_space<semaphore_mem>>
        %dma_wait3A_487 = arith.constant 0 : i32
        %dma_wait3A_488 = tpu.memref_slice %arg6[%mul3A_467, %dma_wait3A_487] : memref<800x128xf32, #tpu.memory_space<vmem>> -> memref<80x128xf32, #tpu.memory_space<vmem>>
        %dma_wait3A_489 = arith.constant 0 : i32
        %dma_wait3A_490 = arith.constant 0 : i32
        %dma_wait3A_491 = tpu.memref_slice %arg2[%dma_wait3A_489, %dma_wait3A_490] : memref<102400x128xf32, #tpu.memory_space<hbm>> -> memref<80x128xf32, #tpu.memory_space<hbm>>
        tpu.wait_dma2 semaphore(%dma_wait3A_486 : memref<!tpu.dma_semaphore, #tpu.memory_space<semaphore_mem>>) src(%dma_wait3A_491 : memref<80x128xf32, #tpu.memory_space<hbm>>) dst(%dma_wait3A_488 : memref<80x128xf32, #tpu.memory_space<vmem>>)
        %scan3A_492 = arith.constant 0 : i32
        %scan3A_493 = arith.constant 640 : i32
        %scan3A_494 = arith.addi %scan3A_492, %scan3A_493 : i32
        %scan3A_495 = arith.constant 8 : i32
        %scan3A_496 = scf.for %scan3A_498 = %scan3A_492 to %scan3A_494 step %scan3A_495 iter_args(%scan3A_499 = %scan3A_461) -> (vector<16xf32>)  : i32 {
          %mul3A_500 = arith.constant 640 : i32
          %mul3A_501 = arith.muli %scan3A_460, %mul3A_500 : i32
          %add3A_502 = arith.addi %mul3A_501, %scan3A_498 : i32
          %shift_right_arithmetic3A = arith.constant 3 : i32
          %shift_right_arithmetic3A_503 = arith.shrsi %add3A_502, %shift_right_arithmetic3A : i32
          %and3A_504 = arith.constant 7 : i32
          %and3A_505 = arith.andi %add3A_502, %and3A_504 : i32
          %mul3A_506 = arith.constant 16 : i32
          %mul3A_507 = arith.muli %and3A_505, %mul3A_506 : i32
          %get3A_508 = arith.index_cast %shift_right_arithmetic3A_503 : i32 to index
          %get3A_509 = arith.index_cast %mul3A_507 : i32 to index
          %get3A_510 = tpu.vector_load %arg6[%get3A_508, %get3A_509] {strides = array<i32>} : memref<800x128xf32, #tpu.memory_space<vmem>>, vector<16xf32>,
          %bitcast_convert_type3A = tpu.bitcast %get3A_510 : vector<16xf32> -> vector<16xi32>
          %shift_right_arithmetic3A_511 = arith.constant 31 : i32
          %shift_right_arithmetic3A_512 = vector.broadcast %shift_right_arithmetic3A_511 : i32 to vector<16xi32>
          %shift_right_arithmetic3A_513 = arith.shrsi %bitcast_convert_type3A, %shift_right_arithmetic3A_512 : vector<16xi32>
          %and3A_514 = arith.constant 2147483647 : i32
          %and3A_515 = vector.broadcast %and3A_514 : i32 to vector<16xi32>
          %and3A_516 = arith.andi %shift_right_arithmetic3A_513, %and3A_515 : vector<16xi32>
          %xor3A = arith.xori %bitcast_convert_type3A, %and3A_516 : vector<16xi32>
          %shift_right_arithmetic3A_517 = arith.constant 20 : i32
          %shift_right_arithmetic3A_518 = vector.broadcast %shift_right_arithmetic3A_517 : i32 to vector<16xi32>
          %shift_right_arithmetic3A_519 = arith.shrsi %xor3A, %shift_right_arithmetic3A_518 : vector<16xi32>
          %add3A_520 = arith.constant 2048 : i32
          %add3A_521 = vector.broadcast %add3A_520 : i32 to vector<16xi32>
          %add3A_522 = arith.addi %shift_right_arithmetic3A_519, %add3A_521 : vector<16xi32>
          tpu.vector_store_idx %arg7[%add3A_522], %broadcast_in_dim3A_1 {add = true} : memref<4096xi32, #tpu.memory_space<vmem>>[vector<16xi32>], vector<16xi32>,
          %max3A = arith.maximumf %scan3A_499, %get3A_510 : vector<16xf32>
          %scan3A_523 = arith.constant 1 : i32
          %scan3A_524 = arith.addi %scan3A_498, %scan3A_523 : i32
          %mul3A_525 = arith.constant 640 : i32
          %mul3A_526 = arith.muli %scan3A_460, %mul3A_525 : i32
          %add3A_527 = arith.addi %mul3A_526, %scan3A_524 : i32
          %shift_right_arithmetic3A_528 = arith.constant 3 : i32
          %shift_right_arithmetic3A_529 = arith.shrsi %add3A_527, %shift_right_arithmetic3A_528 : i32
          %and3A_530 = arith.constant 7 : i32
          %and3A_531 = arith.andi %add3A_527, %and3A_530 : i32
          %mul3A_532 = arith.constant 16 : i32
          %mul3A_533 = arith.muli %and3A_531, %mul3A_532 : i32
          %get3A_534 = arith.index_cast %shift_right_arithmetic3A_529 : i32 to index
          %get3A_535 = arith.index_cast %mul3A_533 : i32 to index
          %get3A_536 = tpu.vector_load %arg6[%get3A_534, %get3A_535] {strides = array<i32>} : memref<800x128xf32, #tpu.memory_space<vmem>>, vector<16xf32>,
          %bitcast_convert_type3A_537 = tpu.bitcast %get3A_536 : vector<16xf32> -> vector<16xi32>
          %shift_right_arithmetic3A_538 = arith.constant 31 : i32
          %shift_right_arithmetic3A_539 = vector.broadcast %shift_right_arithmetic3A_538 : i32 to vector<16xi32>
          %shift_right_arithmetic3A_540 = arith.shrsi %bitcast_convert_type3A_537, %shift_right_arithmetic3A_539 : vector<16xi32>
          %and3A_541 = arith.constant 2147483647 : i32
          %and3A_542 = vector.broadcast %and3A_541 : i32 to vector<16xi32>
          %and3A_543 = arith.andi %shift_right_arithmetic3A_540, %and3A_542 : vector<16xi32>
          %xor3A_544 = arith.xori %bitcast_convert_type3A_537, %and3A_543 : vector<16xi32>
          %shift_right_arithmetic3A_545 = arith.constant 20 : i32
          %shift_right_arithmetic3A_546 = vector.broadcast %shift_right_arithmetic3A_545 : i32 to vector<16xi32>
          %shift_right_arithmetic3A_547 = arith.shrsi %xor3A_544, %shift_right_arithmetic3A_546 : vector<16xi32>
          %add3A_548 = arith.constant 2048 : i32
          %add3A_549 = vector.broadcast %add3A_548 : i32 to vector<16xi32>
          %add3A_550 = arith.addi %shift_right_arithmetic3A_547, %add3A_549 : vector<16xi32>
          tpu.vector_store_idx %arg7[%add3A_550], %broadcast_in_dim3A_1 {add = true} : memref<4096xi32, #tpu.memory_space<vmem>>[vector<16xi32>], vector<16xi32>,
          %max3A_551 = arith.maximumf %max3A, %get3A_536 : vector<16xf32>
          %scan3A_552 = arith.constant 2 : i32
          %scan3A_553 = arith.addi %scan3A_498, %scan3A_552 : i32
          %mul3A_554 = arith.constant 640 : i32
          %mul3A_555 = arith.muli %scan3A_460, %mul3A_554 : i32
          %add3A_556 = arith.addi %mul3A_555, %scan3A_553 : i32
          %shift_right_arithmetic3A_557 = arith.constant 3 : i32
          %shift_right_arithmetic3A_558 = arith.shrsi %add3A_556, %shift_right_arithmetic3A_557 : i32
          %and3A_559 = arith.constant 7 : i32
          %and3A_560 = arith.andi %add3A_556, %and3A_559 : i32
          %mul3A_561 = arith.constant 16 : i32
          %mul3A_562 = arith.muli %and3A_560, %mul3A_561 : i32
          %get3A_563 = arith.index_cast %shift_right_arithmetic3A_558 : i32 to index
          %get3A_564 = arith.index_cast %mul3A_562 : i32 to index
          %get3A_565 = tpu.vector_load %arg6[%get3A_563, %get3A_564] {strides = array<i32>} : memref<800x128xf32, #tpu.memory_space<vmem>>, vector<16xf32>,
          %bitcast_convert_type3A_566 = tpu.bitcast %get3A_565 : vector<16xf32> -> vector<16xi32>
          %shift_right_arithmetic3A_567 = arith.constant 31 : i32
          %shift_right_arithmetic3A_568 = vector.broadcast %shift_right_arithmetic3A_567 : i32 to vector<16xi32>
          %shift_right_arithmetic3A_569 = arith.shrsi %bitcast_convert_type3A_566, %shift_right_arithmetic3A_568 : vector<16xi32>
          %and3A_570 = arith.constant 2147483647 : i32
          %and3A_571 = vector.broadcast %and3A_570 : i32 to vector<16xi32>
          %and3A_572 = arith.andi %shift_right_arithmetic3A_569, %and3A_571 : vector<16xi32>
          %xor3A_573 = arith.xori %bitcast_convert_type3A_566, %and3A_572 : vector<16xi32>
          %shift_right_arithmetic3A_574 = arith.constant 20 : i32
          %shift_right_arithmetic3A_575 = vector.broadcast %shift_right_arithmetic3A_574 : i32 to vector<16xi32>
          %shift_right_arithmetic3A_576 = arith.shrsi %xor3A_573, %shift_right_arithmetic3A_575 : vector<16xi32>
          %add3A_577 = arith.constant 2048 : i32
          %add3A_578 = vector.broadcast %add3A_577 : i32 to vector<16xi32>
          %add3A_579 = arith.addi %shift_right_arithmetic3A_576, %add3A_578 : vector<16xi32>
          tpu.vector_store_idx %arg7[%add3A_579], %broadcast_in_dim3A_1 {add = true} : memref<4096xi32, #tpu.memory_space<vmem>>[vector<16xi32>], vector<16xi32>,
          %max3A_580 = arith.maximumf %max3A_551, %get3A_565 : vector<16xf32>
          %scan3A_581 = arith.constant 3 : i32
          %scan3A_582 = arith.addi %scan3A_498, %scan3A_581 : i32
          %mul3A_583 = arith.constant 640 : i32
          %mul3A_584 = arith.muli %scan3A_460, %mul3A_583 : i32
          %add3A_585 = arith.addi %mul3A_584, %scan3A_582 : i32
          %shift_right_arithmetic3A_586 = arith.constant 3 : i32
          %shift_right_arithmetic3A_587 = arith.shrsi %add3A_585, %shift_right_arithmetic3A_586 : i32
          %and3A_588 = arith.constant 7 : i32
          %and3A_589 = arith.andi %add3A_585, %and3A_588 : i32
          %mul3A_590 = arith.constant 16 : i32
          %mul3A_591 = arith.muli %and3A_589, %mul3A_590 : i32
          %get3A_592 = arith.index_cast %shift_right_arithmetic3A_587 : i32 to index
          %get3A_593 = arith.index_cast %mul3A_591 : i32 to index
          %get3A_594 = tpu.vector_load %arg6[%get3A_592, %get3A_593] {strides = array<i32>} : memref<800x128xf32, #tpu.memory_space<vmem>>, vector<16xf32>,
          %bitcast_convert_type3A_595 = tpu.bitcast %get3A_594 : vector<16xf32> -> vector<16xi32>
          %shift_right_arithmetic3A_596 = arith.constant 31 : i32
          %shift_right_arithmetic3A_597 = vector.broadcast %shift_right_arithmetic3A_596 : i32 to vector<16xi32>
          %shift_right_arithmetic3A_598 = arith.shrsi %bitcast_convert_type3A_595, %shift_right_arithmetic3A_597 : vector<16xi32>
          %and3A_599 = arith.constant 2147483647 : i32
          %and3A_600 = vector.broadcast %and3A_599 : i32 to vector<16xi32>
          %and3A_601 = arith.andi %shift_right_arithmetic3A_598, %and3A_600 : vector<16xi32>
          %xor3A_602 = arith.xori %bitcast_convert_type3A_595, %and3A_601 : vector<16xi32>
          %shift_right_arithmetic3A_603 = arith.constant 20 : i32
          %shift_right_arithmetic3A_604 = vector.broadcast %shift_right_arithmetic3A_603 : i32 to vector<16xi32>
          %shift_right_arithmetic3A_605 = arith.shrsi %xor3A_602, %shift_right_arithmetic3A_604 : vector<16xi32>
          %add3A_606 = arith.constant 2048 : i32
          %add3A_607 = vector.broadcast %add3A_606 : i32 to vector<16xi32>
          %add3A_608 = arith.addi %shift_right_arithmetic3A_605, %add3A_607 : vector<16xi32>
          tpu.vector_store_idx %arg7[%add3A_608], %broadcast_in_dim3A_1 {add = true} : memref<4096xi32, #tpu.memory_space<vmem>>[vector<16xi32>], vector<16xi32>,
          %max3A_609 = arith.maximumf %max3A_580, %get3A_594 : vector<16xf32>
          %scan3A_610 = arith.constant 4 : i32
          %scan3A_611 = arith.addi %scan3A_498, %scan3A_610 : i32
          %mul3A_612 = arith.constant 640 : i32
          %mul3A_613 = arith.muli %scan3A_460, %mul3A_612 : i32
          %add3A_614 = arith.addi %mul3A_613, %scan3A_611 : i32
          %shift_right_arithmetic3A_615 = arith.constant 3 : i32
          %shift_right_arithmetic3A_616 = arith.shrsi %add3A_614, %shift_right_arithmetic3A_615 : i32
          %and3A_617 = arith.constant 7 : i32
          %and3A_618 = arith.andi %add3A_614, %and3A_617 : i32
          %mul3A_619 = arith.constant 16 : i32
          %mul3A_620 = arith.muli %and3A_618, %mul3A_619 : i32
          %get3A_621 = arith.index_cast %shift_right_arithmetic3A_616 : i32 to index
          %get3A_622 = arith.index_cast %mul3A_620 : i32 to index
          %get3A_623 = tpu.vector_load %arg6[%get3A_621, %get3A_622] {strides = array<i32>} : memref<800x128xf32, #tpu.memory_space<vmem>>, vector<16xf32>,
          %bitcast_convert_type3A_624 = tpu.bitcast %get3A_623 : vector<16xf32> -> vector<16xi32>
          %shift_right_arithmetic3A_625 = arith.constant 31 : i32
          %shift_right_arithmetic3A_626 = vector.broadcast %shift_right_arithmetic3A_625 : i32 to vector<16xi32>
          %shift_right_arithmetic3A_627 = arith.shrsi %bitcast_convert_type3A_624, %shift_right_arithmetic3A_626 : vector<16xi32>
          %and3A_628 = arith.constant 2147483647 : i32
          %and3A_629 = vector.broadcast %and3A_628 : i32 to vector<16xi32>
          %and3A_630 = arith.andi %shift_right_arithmetic3A_627, %and3A_629 : vector<16xi32>
          %xor3A_631 = arith.xori %bitcast_convert_type3A_624, %and3A_630 : vector<16xi32>
          %shift_right_arithmetic3A_632 = arith.constant 20 : i32
          %shift_right_arithmetic3A_633 = vector.broadcast %shift_right_arithmetic3A_632 : i32 to vector<16xi32>
          %shift_right_arithmetic3A_634 = arith.shrsi %xor3A_631, %shift_right_arithmetic3A_633 : vector<16xi32>
          %add3A_635 = arith.constant 2048 : i32
          %add3A_636 = vector.broadcast %add3A_635 : i32 to vector<16xi32>
          %add3A_637 = arith.addi %shift_right_arithmetic3A_634, %add3A_636 : vector<16xi32>
          tpu.vector_store_idx %arg7[%add3A_637], %broadcast_in_dim3A_1 {add = true} : memref<4096xi32, #tpu.memory_space<vmem>>[vector<16xi32>], vector<16xi32>,
          %max3A_638 = arith.maximumf %max3A_609, %get3A_623 : vector<16xf32>
          %scan3A_639 = arith.constant 5 : i32
          %scan3A_640 = arith.addi %scan3A_498, %scan3A_639 : i32
          %mul3A_641 = arith.constant 640 : i32
          %mul3A_642 = arith.muli %scan3A_460, %mul3A_641 : i32
          %add3A_643 = arith.addi %mul3A_642, %scan3A_640 : i32
          %shift_right_arithmetic3A_644 = arith.constant 3 : i32
          %shift_right_arithmetic3A_645 = arith.shrsi %add3A_643, %shift_right_arithmetic3A_644 : i32
          %and3A_646 = arith.constant 7 : i32
          %and3A_647 = arith.andi %add3A_643, %and3A_646 : i32
          %mul3A_648 = arith.constant 16 : i32
          %mul3A_649 = arith.muli %and3A_647, %mul3A_648 : i32
          %get3A_650 = arith.index_cast %shift_right_arithmetic3A_645 : i32 to index
          %get3A_651 = arith.index_cast %mul3A_649 : i32 to index
          %get3A_652 = tpu.vector_load %arg6[%get3A_650, %get3A_651] {strides = array<i32>} : memref<800x128xf32, #tpu.memory_space<vmem>>, vector<16xf32>,
          %bitcast_convert_type3A_653 = tpu.bitcast %get3A_652 : vector<16xf32> -> vector<16xi32>
          %shift_right_arithmetic3A_654 = arith.constant 31 : i32
          %shift_right_arithmetic3A_655 = vector.broadcast %shift_right_arithmetic3A_654 : i32 to vector<16xi32>
          %shift_right_arithmetic3A_656 = arith.shrsi %bitcast_convert_type3A_653, %shift_right_arithmetic3A_655 : vector<16xi32>
          %and3A_657 = arith.constant 2147483647 : i32
          %and3A_658 = vector.broadcast %and3A_657 : i32 to vector<16xi32>
          %and3A_659 = arith.andi %shift_right_arithmetic3A_656, %and3A_658 : vector<16xi32>
          %xor3A_660 = arith.xori %bitcast_convert_type3A_653, %and3A_659 : vector<16xi32>
          %shift_right_arithmetic3A_661 = arith.constant 20 : i32
          %shift_right_arithmetic3A_662 = vector.broadcast %shift_right_arithmetic3A_661 : i32 to vector<16xi32>
          %shift_right_arithmetic3A_663 = arith.shrsi %xor3A_660, %shift_right_arithmetic3A_662 : vector<16xi32>
          %add3A_664 = arith.constant 2048 : i32
          %add3A_665 = vector.broadcast %add3A_664 : i32 to vector<16xi32>
          %add3A_666 = arith.addi %shift_right_arithmetic3A_663, %add3A_665 : vector<16xi32>
          tpu.vector_store_idx %arg7[%add3A_666], %broadcast_in_dim3A_1 {add = true} : memref<4096xi32, #tpu.memory_space<vmem>>[vector<16xi32>], vector<16xi32>,
          %max3A_667 = arith.maximumf %max3A_638, %get3A_652 : vector<16xf32>
          %scan3A_668 = arith.constant 6 : i32
          %scan3A_669 = arith.addi %scan3A_498, %scan3A_668 : i32
          %mul3A_670 = arith.constant 640 : i32
          %mul3A_671 = arith.muli %scan3A_460, %mul3A_670 : i32
          %add3A_672 = arith.addi %mul3A_671, %scan3A_669 : i32
          %shift_right_arithmetic3A_673 = arith.constant 3 : i32
          %shift_right_arithmetic3A_674 = arith.shrsi %add3A_672, %shift_right_arithmetic3A_673 : i32
          %and3A_675 = arith.constant 7 : i32
          %and3A_676 = arith.andi %add3A_672, %and3A_675 : i32
          %mul3A_677 = arith.constant 16 : i32
          %mul3A_678 = arith.muli %and3A_676, %mul3A_677 : i32
          %get3A_679 = arith.index_cast %shift_right_arithmetic3A_674 : i32 to index
          %get3A_680 = arith.index_cast %mul3A_678 : i32 to index
          %get3A_681 = tpu.vector_load %arg6[%get3A_679, %get3A_680] {strides = array<i32>} : memref<800x128xf32, #tpu.memory_space<vmem>>, vector<16xf32>,
          %bitcast_convert_type3A_682 = tpu.bitcast %get3A_681 : vector<16xf32> -> vector<16xi32>
          %shift_right_arithmetic3A_683 = arith.constant 31 : i32
          %shift_right_arithmetic3A_684 = vector.broadcast %shift_right_arithmetic3A_683 : i32 to vector<16xi32>
          %shift_right_arithmetic3A_685 = arith.shrsi %bitcast_convert_type3A_682, %shift_right_arithmetic3A_684 : vector<16xi32>
          %and3A_686 = arith.constant 2147483647 : i32
          %and3A_687 = vector.broadcast %and3A_686 : i32 to vector<16xi32>
          %and3A_688 = arith.andi %shift_right_arithmetic3A_685, %and3A_687 : vector<16xi32>
          %xor3A_689 = arith.xori %bitcast_convert_type3A_682, %and3A_688 : vector<16xi32>
          %shift_right_arithmetic3A_690 = arith.constant 20 : i32
          %shift_right_arithmetic3A_691 = vector.broadcast %shift_right_arithmetic3A_690 : i32 to vector<16xi32>
          %shift_right_arithmetic3A_692 = arith.shrsi %xor3A_689, %shift_right_arithmetic3A_691 : vector<16xi32>
          %add3A_693 = arith.constant 2048 : i32
          %add3A_694 = vector.broadcast %add3A_693 : i32 to vector<16xi32>
          %add3A_695 = arith.addi %shift_right_arithmetic3A_692, %add3A_694 : vector<16xi32>
          tpu.vector_store_idx %arg7[%add3A_695], %broadcast_in_dim3A_1 {add = true} : memref<4096xi32, #tpu.memory_space<vmem>>[vector<16xi32>], vector<16xi32>,
          %max3A_696 = arith.maximumf %max3A_667, %get3A_681 : vector<16xf32>
          %scan3A_697 = arith.constant 7 : i32
          %scan3A_698 = arith.addi %scan3A_498, %scan3A_697 : i32
          %mul3A_699 = arith.constant 640 : i32
          %mul3A_700 = arith.muli %scan3A_460, %mul3A_699 : i32
          %add3A_701 = arith.addi %mul3A_700, %scan3A_698 : i32
          %shift_right_arithmetic3A_702 = arith.constant 3 : i32
          %shift_right_arithmetic3A_703 = arith.shrsi %add3A_701, %shift_right_arithmetic3A_702 : i32
          %and3A_704 = arith.constant 7 : i32
          %and3A_705 = arith.andi %add3A_701, %and3A_704 : i32
          %mul3A_706 = arith.constant 16 : i32
          %mul3A_707 = arith.muli %and3A_705, %mul3A_706 : i32
          %get3A_708 = arith.index_cast %shift_right_arithmetic3A_703 : i32 to index
          %get3A_709 = arith.index_cast %mul3A_707 : i32 to index
          %get3A_710 = tpu.vector_load %arg6[%get3A_708, %get3A_709] {strides = array<i32>} : memref<800x128xf32, #tpu.memory_space<vmem>>, vector<16xf32>,
          %bitcast_convert_type3A_711 = tpu.bitcast %get3A_710 : vector<16xf32> -> vector<16xi32>
          %shift_right_arithmetic3A_712 = arith.constant 31 : i32
          %shift_right_arithmetic3A_713 = vector.broadcast %shift_right_arithmetic3A_712 : i32 to vector<16xi32>
          %shift_right_arithmetic3A_714 = arith.shrsi %bitcast_convert_type3A_711, %shift_right_arithmetic3A_713 : vector<16xi32>
          %and3A_715 = arith.constant 2147483647 : i32
          %and3A_716 = vector.broadcast %and3A_715 : i32 to vector<16xi32>
          %and3A_717 = arith.andi %shift_right_arithmetic3A_714, %and3A_716 : vector<16xi32>
          %xor3A_718 = arith.xori %bitcast_convert_type3A_711, %and3A_717 : vector<16xi32>
          %shift_right_arithmetic3A_719 = arith.constant 20 : i32
          %shift_right_arithmetic3A_720 = vector.broadcast %shift_right_arithmetic3A_719 : i32 to vector<16xi32>
          %shift_right_arithmetic3A_721 = arith.shrsi %xor3A_718, %shift_right_arithmetic3A_720 : vector<16xi32>
          %add3A_722 = arith.constant 2048 : i32
          %add3A_723 = vector.broadcast %add3A_722 : i32 to vector<16xi32>
          %add3A_724 = arith.addi %shift_right_arithmetic3A_721, %add3A_723 : vector<16xi32>
          tpu.vector_store_idx %arg7[%add3A_724], %broadcast_in_dim3A_1 {add = true} : memref<4096xi32, #tpu.memory_space<vmem>>[vector<16xi32>], vector<16xi32>,
          %max3A_725 = arith.maximumf %max3A_696, %get3A_710 : vector<16xf32>
          scf.yield %max3A_725 : vector<16xf32>
        }
        %scan3A_497 = arith.constant 640 : i32
        scf.yield %scan3A_496 : vector<16xf32>
      }
      %scan3A_87 = arith.constant 10 : i32
      %reduce_max3A = arith.constant true
      %reduce_max3A_88 = vector.broadcast %reduce_max3A : i1 to vector<16xi1>
      %reduce_max3A_89 = tpu.scan <max>, %scan3A_86 masked %reduce_max3A_88 : vector<16xf32>, vector<16xi1> -> vector<16xf32>
      %reduce_max3A_90 = vector.extract %reduce_max3A_89[15] : f32 from vector<16xf32>
      %scan3A_91 = arith.constant 0 : i32
      %scan3A_92 = arith.constant 0 : i32
      %scan3A_93 = arith.constant false
      %scan3A_94 = arith.constant 0 : i32
      %scan3A_95 = arith.constant 256 : i32
      %scan3A_96 = arith.addi %scan3A_94, %scan3A_95 : i32
      %scan3A_97 = arith.constant 1 : i32
      %scan3A_98:3 = scf.for %scan3A_460 = %scan3A_94 to %scan3A_96 step %scan3A_97 iter_args(%scan3A_461 = %scan3A_91, %scan3A_462 = %scan3A_92, %scan3A_463 = %scan3A_93) -> (i32, i32, i1)  : i32 {
        %sub3A_464 = arith.constant 255 : i32
        %sub3A_465 = arith.subi %sub3A_464, %scan3A_460 : i32
        %mul3A_466 = arith.constant 16 : i32
        %mul3A_467 = arith.muli %sub3A_465, %mul3A_466 : i32
        %get3A_468 = arith.index_cast %mul3A_467 : i32 to index
        %get3A_469 = tpu.vector_load %arg7[%get3A_468] {strides = array<i32>} : memref<4096xi32, #tpu.memory_space<vmem>>, vector<16xi32>,
        %broadcast_in_dim3A_470 = arith.constant 0 : i32
        %broadcast_in_dim3A_471 = vector.broadcast %broadcast_in_dim3A_470 : i32 to vector<16xi32>
        %mul3A_472 = arith.constant 16 : i32
        %mul3A_473 = arith.muli %sub3A_465, %mul3A_472 : i32
        %swap3A_474 = arith.index_cast %mul3A_473 : i32 to index
        %swap3A_475 = tpu.vector_load %arg7[%swap3A_474] {strides = array<i32>} : memref<4096xi32, #tpu.memory_space<vmem>>, vector<16xi32>,
        tpu.vector_store %arg7[%swap3A_474], %broadcast_in_dim3A_471 {strides = array<i32>} : memref<4096xi32, #tpu.memory_space<vmem>>, vector<16xi32>,
        %broadcast_in_dim3A_476 = arith.constant true
        %broadcast_in_dim3A_477 = vector.broadcast %broadcast_in_dim3A_476 : i1 to vector<16xi1>
        %masked_cumsum3A_478 = tpu.scan <sum>, %get3A_469 masked %broadcast_in_dim3A_477 : vector<16xi32>, vector<16xi1> -> vector<16xi32>
        %reduce_max3A_479 = arith.constant true
        %reduce_max3A_480 = vector.broadcast %reduce_max3A_479 : i1 to vector<16xi1>
        %reduce_max3A_481 = arith.constant -2147483648 : i32
        %reduce_max3A_482 = vector.broadcast %reduce_max3A_481 : i32 to vector<16xi32>
        %reduce_max3A_483 = arith.xori %masked_cumsum3A_478, %reduce_max3A_482 : vector<16xi32>
        %reduce_max3A_484 = tpu.scan <max>, %reduce_max3A_483 masked %reduce_max3A_480 : vector<16xi32>, vector<16xi1> -> vector<16xi32>
        %reduce_max3A_485 = arith.xori %reduce_max3A_484, %reduce_max3A_482 : vector<16xi32>
        %reduce_max3A_486 = vector.extract %reduce_max3A_485[15] : i32 from vector<16xi32>
        %sub3A_487 = vector.broadcast %reduce_max3A_486 : i32 to vector<16xi32>
        %sub3A_488 = arith.subi %sub3A_487, %masked_cumsum3A_478 : vector<16xi32>
        %add3A_489 = arith.addi %sub3A_488, %get3A_469 : vector<16xi32>
        %add3A_490 = vector.broadcast %scan3A_461 : i32 to vector<16xi32>
        %add3A_491 = arith.addi %add3A_490, %add3A_489 : vector<16xi32>
        %ge3A = arith.constant 2048 : i32
        %ge3A_492 = vector.broadcast %ge3A : i32 to vector<16xi32>
        %ge3A_493 = arith.cmpi sge, %add3A_491, %ge3A_492 : vector<16xi32>
        %all_reduce_population_count3A = tpu.all_reduce %ge3A_493 {dim = 0 : i64, kind = #tpu.reduction_kind<sum>} : vector<16xi1> -> vector<16xi32>
        %reduce_max3A_494 = arith.constant true
        %reduce_max3A_495 = vector.broadcast %reduce_max3A_494 : i1 to vector<16xi1>
        %reduce_max3A_496 = arith.constant -2147483648 : i32
        %reduce_max3A_497 = vector.broadcast %reduce_max3A_496 : i32 to vector<16xi32>
        %reduce_max3A_498 = arith.xori %all_reduce_population_count3A, %reduce_max3A_497 : vector<16xi32>
        %reduce_max3A_499 = tpu.scan <max>, %reduce_max3A_498 masked %reduce_max3A_495 : vector<16xi32>, vector<16xi1> -> vector<16xi32>
        %reduce_max3A_500 = arith.xori %reduce_max3A_499, %reduce_max3A_497 : vector<16xi32>
        %reduce_max3A_501 = vector.extract %reduce_max3A_500[15] : i32 from vector<16xi32>
        %not3A = arith.constant true
        %not3A_502 = arith.xori %scan3A_463, %not3A : i1
        %gt3A = arith.constant 0 : i32
        %gt3A_503 = arith.cmpi sgt, %reduce_max3A_501, %gt3A : i32
        %and3A = arith.andi %not3A_502, %gt3A_503 : i1
        %mul3A_504 = arith.constant 16 : i32
        %mul3A_505 = arith.muli %sub3A_465, %mul3A_504 : i32
        %add3A_506 = arith.addi %mul3A_505, %reduce_max3A_501 : i32
        %sub3A_507 = arith.constant 1 : i32
        %sub3A_508 = arith.subi %add3A_506, %sub3A_507 : i32
        %select_n3A_509 = arith.select %and3A, %sub3A_508, %scan3A_462 : i32
        %gt3A_510 = arith.constant 0 : i32
        %gt3A_511 = arith.cmpi sgt, %reduce_max3A_501, %gt3A_510 : i32
        %or3A = arith.ori %scan3A_463, %gt3A_511 : i1
        %add3A_512 = arith.addi %scan3A_461, %reduce_max3A_486 : i32
        scf.yield %add3A_512, %select_n3A_509, %or3A : i32, i32, i1
      }
      %scan3A_99 = arith.constant 256 : i32
      %scan3A_100 = arith.constant 0 : i32
      %scan3A_101 = arith.constant 0 : i32
      %scan3A_102 = arith.constant 256 : i32
      %scan3A_103 = arith.addi %scan3A_101, %scan3A_102 : i32
      %scan3A_104 = arith.constant 1 : i32
      scf.for %scan3A_460 = %scan3A_101 to %scan3A_103 step %scan3A_104  : i32 {
        %broadcast_in_dim3A_461 = arith.constant 0 : i32
        %broadcast_in_dim3A_462 = vector.broadcast %broadcast_in_dim3A_461 : i32 to vector<16xi32>
        %mul3A_463 = arith.constant 16 : i32
        %mul3A_464 = arith.muli %scan3A_460, %mul3A_463 : i32
        %swap3A_465 = arith.index_cast %mul3A_464 : i32 to index
        %swap3A_466 = tpu.vector_load %arg11[%swap3A_465] {strides = array<i32>} : memref<4096xi32, #tpu.memory_space<vmem>>, vector<16xi32>,
        tpu.vector_store %arg11[%swap3A_465], %broadcast_in_dim3A_462 {strides = array<i32>} : memref<4096xi32, #tpu.memory_space<vmem>>, vector<16xi32>,
        %broadcast_in_dim3A_467 = arith.constant 0 : i32
        %broadcast_in_dim3A_468 = vector.broadcast %broadcast_in_dim3A_467 : i32 to vector<16xi32>
        %mul3A_469 = arith.constant 16 : i32
        %mul3A_470 = arith.muli %scan3A_460, %mul3A_469 : i32
        %swap3A_471 = arith.index_cast %mul3A_470 : i32 to index
        %swap3A_472 = tpu.vector_load %arg9[%swap3A_471] {strides = array<i32>} : memref<4096xi32, #tpu.memory_space<vmem>>, vector<16xi32>,
        tpu.vector_store %arg9[%swap3A_471], %broadcast_in_dim3A_468 {strides = array<i32>} : memref<4096xi32, #tpu.memory_space<vmem>>, vector<16xi32>,
      }
      %scan3A_105 = arith.constant 256 : i32
      %broadcast_in_dim3A_106 = arith.constant 0.000000e+00 : f32
      %broadcast_in_dim3A_107 = vector.broadcast %broadcast_in_dim3A_106 : f32 to vector<16xf32>
      %scan3A_108 = arith.constant 0 : i32
      %scan3A_109 = arith.constant 0 : i32
      %scan3A_110 = arith.constant 6400 : i32
      %scan3A_111 = arith.addi %scan3A_109, %scan3A_110 : i32
      %scan3A_112 = arith.constant 8 : i32
      %scan3A_113:2 = scf.for %scan3A_460 = %scan3A_109 to %scan3A_111 step %scan3A_112 iter_args(%scan3A_461 = %scan3A_108, %scan3A_462 = %broadcast_in_dim3A_107) -> (i32, vector<16xf32>)  : i32 {
        %shift_right_arithmetic3A = arith.constant 3 : i32
        %shift_right_arithmetic3A_463 = arith.shrsi %scan3A_460, %shift_right_arithmetic3A : i32
        %and3A = arith.constant 7 : i32
        %and3A_464 = arith.andi %scan3A_460, %and3A : i32
        %mul3A_465 = arith.constant 16 : i32
        %mul3A_466 = arith.muli %and3A_464, %mul3A_465 : i32
        %get3A_467 = arith.index_cast %shift_right_arithmetic3A_463 : i32 to index
        %get3A_468 = arith.index_cast %mul3A_466 : i32 to index
        %get3A_469 = tpu.vector_load %arg6[%get3A_467, %get3A_468] {strides = array<i32>} : memref<800x128xf32, #tpu.memory_space<vmem>>, vector<16xf32>,
        %bitcast_convert_type3A = tpu.bitcast %get3A_469 : vector<16xf32> -> vector<16xi32>
        %shift_right_arithmetic3A_470 = arith.constant 31 : i32
        %shift_right_arithmetic3A_471 = vector.broadcast %shift_right_arithmetic3A_470 : i32 to vector<16xi32>
        %shift_right_arithmetic3A_472 = arith.shrsi %bitcast_convert_type3A, %shift_right_arithmetic3A_471 : vector<16xi32>
        %and3A_473 = arith.constant 2147483647 : i32
        %and3A_474 = vector.broadcast %and3A_473 : i32 to vector<16xi32>
        %and3A_475 = arith.andi %shift_right_arithmetic3A_472, %and3A_474 : vector<16xi32>
        %xor3A = arith.xori %bitcast_convert_type3A, %and3A_475 : vector<16xi32>
        %shift_right_arithmetic3A_476 = arith.constant 20 : i32
        %shift_right_arithmetic3A_477 = vector.broadcast %shift_right_arithmetic3A_476 : i32 to vector<16xi32>
        %shift_right_arithmetic3A_478 = arith.shrsi %xor3A, %shift_right_arithmetic3A_477 : vector<16xi32>
        %add3A_479 = arith.constant 2048 : i32
        %add3A_480 = vector.broadcast %add3A_479 : i32 to vector<16xi32>
        %add3A_481 = arith.addi %shift_right_arithmetic3A_478, %add3A_480 : vector<16xi32>
        %xor3A_482 = arith.constant -2147483648 : i32
        %xor3A_483 = vector.broadcast %xor3A_482 : i32 to vector<16xi32>
        %xor3A_484 = arith.xori %xor3A, %xor3A_483 : vector<16xi32>
        %ge3A = vector.broadcast %scan3A_98#1 : i32 to vector<16xi32>
        %ge3A_485 = arith.cmpi sge, %add3A_481, %ge3A : vector<16xi32>
        %swap3A_486 = arith.index_cast %scan3A_461 : i32 to index
        %swap3A_487 = tpu.vector_load %arg11[%swap3A_486] masked %ge3A_485 {strides = array<i32>} : memref<4096xi32, #tpu.memory_space<vmem>>, vector<16xi32>, vector<16xi1>
        tpu.vector_store %arg11[%swap3A_486], %xor3A_484 masked %ge3A_485 {strides = array<i32>} : memref<4096xi32, #tpu.memory_space<vmem>>, vector<16xi32>, vector<16xi1>
        %mul3A_488 = arith.constant 16 : i32
        %mul3A_489 = arith.muli %scan3A_460, %mul3A_488 : i32
        %add3A_490 = vector.broadcast %mul3A_489 : i32 to vector<16xi32>
        %add3A_491 = arith.addi %add3A_490, %iota3A : vector<16xi32>
        %swap3A_492 = arith.index_cast %scan3A_461 : i32 to index
        %swap3A_493 = tpu.vector_load %arg9[%swap3A_492] masked %ge3A_485 {strides = array<i32>} : memref<4096xi32, #tpu.memory_space<vmem>>, vector<16xi32>, vector<16xi1>
        tpu.vector_store %arg9[%swap3A_492], %add3A_491 masked %ge3A_485 {strides = array<i32>} : memref<4096xi32, #tpu.memory_space<vmem>>, vector<16xi32>, vector<16xi1>
        %all_reduce_population_count3A = tpu.all_reduce %ge3A_485 {dim = 0 : i64, kind = #tpu.reduction_kind<sum>} : vector<16xi1> -> vector<16xi32>
        %reduce_max3A_494 = arith.constant true
        %reduce_max3A_495 = vector.broadcast %reduce_max3A_494 : i1 to vector<16xi1>
        %reduce_max3A_496 = arith.constant -2147483648 : i32
        %reduce_max3A_497 = vector.broadcast %reduce_max3A_496 : i32 to vector<16xi32>
        %reduce_max3A_498 = arith.xori %all_reduce_population_count3A, %reduce_max3A_497 : vector<16xi32>
        %reduce_max3A_499 = tpu.scan <max>, %reduce_max3A_498 masked %reduce_max3A_495 : vector<16xi32>, vector<16xi1> -> vector<16xi32>
        %reduce_max3A_500 = arith.xori %reduce_max3A_499, %reduce_max3A_497 : vector<16xi32>
        %reduce_max3A_501 = vector.extract %reduce_max3A_500[15] : i32 from vector<16xi32>
        %add3A_502 = arith.addi %scan3A_461, %reduce_max3A_501 : i32
        %min3A = arith.constant 4080 : i32
        %min3A_503 = arith.minsi %add3A_502, %min3A : i32
        %sub3A_504 = vector.broadcast %reduce_max3A_90 : f32 to vector<16xf32>
        %sub3A_505 = arith.subf %get3A_469, %sub3A_504 : vector<16xf32>
        %exp3A = math.exp %sub3A_505 : vector<16xf32>
        %add3A_506 = arith.addf %scan3A_462, %exp3A : vector<16xf32>
        %scan3A_507 = arith.constant 1 : i32
        %scan3A_508 = arith.addi %scan3A_460, %scan3A_507 : i32
        %shift_right_arithmetic3A_509 = arith.constant 3 : i32
        %shift_right_arithmetic3A_510 = arith.shrsi %scan3A_508, %shift_right_arithmetic3A_509 : i32
        %and3A_511 = arith.constant 7 : i32
        %and3A_512 = arith.andi %scan3A_508, %and3A_511 : i32
        %mul3A_513 = arith.constant 16 : i32
        %mul3A_514 = arith.muli %and3A_512, %mul3A_513 : i32
        %get3A_515 = arith.index_cast %shift_right_arithmetic3A_510 : i32 to index
        %get3A_516 = arith.index_cast %mul3A_514 : i32 to index
        %get3A_517 = tpu.vector_load %arg6[%get3A_515, %get3A_516] {strides = array<i32>} : memref<800x128xf32, #tpu.memory_space<vmem>>, vector<16xf32>,
        %bitcast_convert_type3A_518 = tpu.bitcast %get3A_517 : vector<16xf32> -> vector<16xi32>
        %shift_right_arithmetic3A_519 = arith.constant 31 : i32
        %shift_right_arithmetic3A_520 = vector.broadcast %shift_right_arithmetic3A_519 : i32 to vector<16xi32>
        %shift_right_arithmetic3A_521 = arith.shrsi %bitcast_convert_type3A_518, %shift_right_arithmetic3A_520 : vector<16xi32>
        %and3A_522 = arith.constant 2147483647 : i32
        %and3A_523 = vector.broadcast %and3A_522 : i32 to vector<16xi32>
        %and3A_524 = arith.andi %shift_right_arithmetic3A_521, %and3A_523 : vector<16xi32>
        %xor3A_525 = arith.xori %bitcast_convert_type3A_518, %and3A_524 : vector<16xi32>
        %shift_right_arithmetic3A_526 = arith.constant 20 : i32
        %shift_right_arithmetic3A_527 = vector.broadcast %shift_right_arithmetic3A_526 : i32 to vector<16xi32>
        %shift_right_arithmetic3A_528 = arith.shrsi %xor3A_525, %shift_right_arithmetic3A_527 : vector<16xi32>
        %add3A_529 = arith.constant 2048 : i32
        %add3A_530 = vector.broadcast %add3A_529 : i32 to vector<16xi32>
        %add3A_531 = arith.addi %shift_right_arithmetic3A_528, %add3A_530 : vector<16xi32>
        %xor3A_532 = arith.constant -2147483648 : i32
        %xor3A_533 = vector.broadcast %xor3A_532 : i32 to vector<16xi32>
        %xor3A_534 = arith.xori %xor3A_525, %xor3A_533 : vector<16xi32>
        %ge3A_535 = vector.broadcast %scan3A_98#1 : i32 to vector<16xi32>
        %ge3A_536 = arith.cmpi sge, %add3A_531, %ge3A_535 : vector<16xi32>
        %swap3A_537 = arith.index_cast %min3A_503 : i32 to index
        %swap3A_538 = tpu.vector_load %arg11[%swap3A_537] masked %ge3A_536 {strides = array<i32>} : memref<4096xi32, #tpu.memory_space<vmem>>, vector<16xi32>, vector<16xi1>
        tpu.vector_store %arg11[%swap3A_537], %xor3A_534 masked %ge3A_536 {strides = array<i32>} : memref<4096xi32, #tpu.memory_space<vmem>>, vector<16xi32>, vector<16xi1>
        %mul3A_539 = arith.constant 16 : i32
        %mul3A_540 = arith.muli %scan3A_508, %mul3A_539 : i32
        %add3A_541 = vector.broadcast %mul3A_540 : i32 to vector<16xi32>
        %add3A_542 = arith.addi %add3A_541, %iota3A : vector<16xi32>
        %swap3A_543 = arith.index_cast %min3A_503 : i32 to index
        %swap3A_544 = tpu.vector_load %arg9[%swap3A_543] masked %ge3A_536 {strides = array<i32>} : memref<4096xi32, #tpu.memory_space<vmem>>, vector<16xi32>, vector<16xi1>
        tpu.vector_store %arg9[%swap3A_543], %add3A_542 masked %ge3A_536 {strides = array<i32>} : memref<4096xi32, #tpu.memory_space<vmem>>, vector<16xi32>, vector<16xi1>
        %all_reduce_population_count3A_545 = tpu.all_reduce %ge3A_536 {dim = 0 : i64, kind = #tpu.reduction_kind<sum>} : vector<16xi1> -> vector<16xi32>
        %reduce_max3A_546 = arith.constant true
        %reduce_max3A_547 = vector.broadcast %reduce_max3A_546 : i1 to vector<16xi1>
        %reduce_max3A_548 = arith.constant -2147483648 : i32
        %reduce_max3A_549 = vector.broadcast %reduce_max3A_548 : i32 to vector<16xi32>
        %reduce_max3A_550 = arith.xori %all_reduce_population_count3A_545, %reduce_max3A_549 : vector<16xi32>
        %reduce_max3A_551 = tpu.scan <max>, %reduce_max3A_550 masked %reduce_max3A_547 : vector<16xi32>, vector<16xi1> -> vector<16xi32>
        %reduce_max3A_552 = arith.xori %reduce_max3A_551, %reduce_max3A_549 : vector<16xi32>
        %reduce_max3A_553 = vector.extract %reduce_max3A_552[15] : i32 from vector<16xi32>
        %add3A_554 = arith.addi %min3A_503, %reduce_max3A_553 : i32
        %min3A_555 = arith.constant 4080 : i32
        %min3A_556 = arith.minsi %add3A_554, %min3A_555 : i32
        %sub3A_557 = vector.broadcast %reduce_max3A_90 : f32 to vector<16xf32>
        %sub3A_558 = arith.subf %get3A_517, %sub3A_557 : vector<16xf32>
        %exp3A_559 = math.exp %sub3A_558 : vector<16xf32>
        %add3A_560 = arith.addf %add3A_506, %exp3A_559 : vector<16xf32>
        %scan3A_561 = arith.constant 2 : i32
        %scan3A_562 = arith.addi %scan3A_460, %scan3A_561 : i32
        %shift_right_arithmetic3A_563 = arith.constant 3 : i32
        %shift_right_arithmetic3A_564 = arith.shrsi %scan3A_562, %shift_right_arithmetic3A_563 : i32
        %and3A_565 = arith.constant 7 : i32
        %and3A_566 = arith.andi %scan3A_562, %and3A_565 : i32
        %mul3A_567 = arith.constant 16 : i32
        %mul3A_568 = arith.muli %and3A_566, %mul3A_567 : i32
        %get3A_569 = arith.index_cast %shift_right_arithmetic3A_564 : i32 to index
        %get3A_570 = arith.index_cast %mul3A_568 : i32 to index
        %get3A_571 = tpu.vector_load %arg6[%get3A_569, %get3A_570] {strides = array<i32>} : memref<800x128xf32, #tpu.memory_space<vmem>>, vector<16xf32>,
        %bitcast_convert_type3A_572 = tpu.bitcast %get3A_571 : vector<16xf32> -> vector<16xi32>
        %shift_right_arithmetic3A_573 = arith.constant 31 : i32
        %shift_right_arithmetic3A_574 = vector.broadcast %shift_right_arithmetic3A_573 : i32 to vector<16xi32>
        %shift_right_arithmetic3A_575 = arith.shrsi %bitcast_convert_type3A_572, %shift_right_arithmetic3A_574 : vector<16xi32>
        %and3A_576 = arith.constant 2147483647 : i32
        %and3A_577 = vector.broadcast %and3A_576 : i32 to vector<16xi32>
        %and3A_578 = arith.andi %shift_right_arithmetic3A_575, %and3A_577 : vector<16xi32>
        %xor3A_579 = arith.xori %bitcast_convert_type3A_572, %and3A_578 : vector<16xi32>
        %shift_right_arithmetic3A_580 = arith.constant 20 : i32
        %shift_right_arithmetic3A_581 = vector.broadcast %shift_right_arithmetic3A_580 : i32 to vector<16xi32>
        %shift_right_arithmetic3A_582 = arith.shrsi %xor3A_579, %shift_right_arithmetic3A_581 : vector<16xi32>
        %add3A_583 = arith.constant 2048 : i32
        %add3A_584 = vector.broadcast %add3A_583 : i32 to vector<16xi32>
        %add3A_585 = arith.addi %shift_right_arithmetic3A_582, %add3A_584 : vector<16xi32>
        %xor3A_586 = arith.constant -2147483648 : i32
        %xor3A_587 = vector.broadcast %xor3A_586 : i32 to vector<16xi32>
        %xor3A_588 = arith.xori %xor3A_579, %xor3A_587 : vector<16xi32>
        %ge3A_589 = vector.broadcast %scan3A_98#1 : i32 to vector<16xi32>
        %ge3A_590 = arith.cmpi sge, %add3A_585, %ge3A_589 : vector<16xi32>
        %swap3A_591 = arith.index_cast %min3A_556 : i32 to index
        %swap3A_592 = tpu.vector_load %arg11[%swap3A_591] masked %ge3A_590 {strides = array<i32>} : memref<4096xi32, #tpu.memory_space<vmem>>, vector<16xi32>, vector<16xi1>
        tpu.vector_store %arg11[%swap3A_591], %xor3A_588 masked %ge3A_590 {strides = array<i32>} : memref<4096xi32, #tpu.memory_space<vmem>>, vector<16xi32>, vector<16xi1>
        %mul3A_593 = arith.constant 16 : i32
        %mul3A_594 = arith.muli %scan3A_562, %mul3A_593 : i32
        %add3A_595 = vector.broadcast %mul3A_594 : i32 to vector<16xi32>
        %add3A_596 = arith.addi %add3A_595, %iota3A : vector<16xi32>
        %swap3A_597 = arith.index_cast %min3A_556 : i32 to index
        %swap3A_598 = tpu.vector_load %arg9[%swap3A_597] masked %ge3A_590 {strides = array<i32>} : memref<4096xi32, #tpu.memory_space<vmem>>, vector<16xi32>, vector<16xi1>
        tpu.vector_store %arg9[%swap3A_597], %add3A_596 masked %ge3A_590 {strides = array<i32>} : memref<4096xi32, #tpu.memory_space<vmem>>, vector<16xi32>, vector<16xi1>
        %all_reduce_population_count3A_599 = tpu.all_reduce %ge3A_590 {dim = 0 : i64, kind = #tpu.reduction_kind<sum>} : vector<16xi1> -> vector<16xi32>
        %reduce_max3A_600 = arith.constant true
        %reduce_max3A_601 = vector.broadcast %reduce_max3A_600 : i1 to vector<16xi1>
        %reduce_max3A_602 = arith.constant -2147483648 : i32
        %reduce_max3A_603 = vector.broadcast %reduce_max3A_602 : i32 to vector<16xi32>
        %reduce_max3A_604 = arith.xori %all_reduce_population_count3A_599, %reduce_max3A_603 : vector<16xi32>
        %reduce_max3A_605 = tpu.scan <max>, %reduce_max3A_604 masked %reduce_max3A_601 : vector<16xi32>, vector<16xi1> -> vector<16xi32>
        %reduce_max3A_606 = arith.xori %reduce_max3A_605, %reduce_max3A_603 : vector<16xi32>
        %reduce_max3A_607 = vector.extract %reduce_max3A_606[15] : i32 from vector<16xi32>
        %add3A_608 = arith.addi %min3A_556, %reduce_max3A_607 : i32
        %min3A_609 = arith.constant 4080 : i32
        %min3A_610 = arith.minsi %add3A_608, %min3A_609 : i32
        %sub3A_611 = vector.broadcast %reduce_max3A_90 : f32 to vector<16xf32>
        %sub3A_612 = arith.subf %get3A_571, %sub3A_611 : vector<16xf32>
        %exp3A_613 = math.exp %sub3A_612 : vector<16xf32>
        %add3A_614 = arith.addf %add3A_560, %exp3A_613 : vector<16xf32>
        %scan3A_615 = arith.constant 3 : i32
        %scan3A_616 = arith.addi %scan3A_460, %scan3A_615 : i32
        %shift_right_arithmetic3A_617 = arith.constant 3 : i32
        %shift_right_arithmetic3A_618 = arith.shrsi %scan3A_616, %shift_right_arithmetic3A_617 : i32
        %and3A_619 = arith.constant 7 : i32
        %and3A_620 = arith.andi %scan3A_616, %and3A_619 : i32
        %mul3A_621 = arith.constant 16 : i32
        %mul3A_622 = arith.muli %and3A_620, %mul3A_621 : i32
        %get3A_623 = arith.index_cast %shift_right_arithmetic3A_618 : i32 to index
        %get3A_624 = arith.index_cast %mul3A_622 : i32 to index
        %get3A_625 = tpu.vector_load %arg6[%get3A_623, %get3A_624] {strides = array<i32>} : memref<800x128xf32, #tpu.memory_space<vmem>>, vector<16xf32>,
        %bitcast_convert_type3A_626 = tpu.bitcast %get3A_625 : vector<16xf32> -> vector<16xi32>
        %shift_right_arithmetic3A_627 = arith.constant 31 : i32
        %shift_right_arithmetic3A_628 = vector.broadcast %shift_right_arithmetic3A_627 : i32 to vector<16xi32>
        %shift_right_arithmetic3A_629 = arith.shrsi %bitcast_convert_type3A_626, %shift_right_arithmetic3A_628 : vector<16xi32>
        %and3A_630 = arith.constant 2147483647 : i32
        %and3A_631 = vector.broadcast %and3A_630 : i32 to vector<16xi32>
        %and3A_632 = arith.andi %shift_right_arithmetic3A_629, %and3A_631 : vector<16xi32>
        %xor3A_633 = arith.xori %bitcast_convert_type3A_626, %and3A_632 : vector<16xi32>
        %shift_right_arithmetic3A_634 = arith.constant 20 : i32
        %shift_right_arithmetic3A_635 = vector.broadcast %shift_right_arithmetic3A_634 : i32 to vector<16xi32>
        %shift_right_arithmetic3A_636 = arith.shrsi %xor3A_633, %shift_right_arithmetic3A_635 : vector<16xi32>
        %add3A_637 = arith.constant 2048 : i32
        %add3A_638 = vector.broadcast %add3A_637 : i32 to vector<16xi32>
        %add3A_639 = arith.addi %shift_right_arithmetic3A_636, %add3A_638 : vector<16xi32>
        %xor3A_640 = arith.constant -2147483648 : i32
        %xor3A_641 = vector.broadcast %xor3A_640 : i32 to vector<16xi32>
        %xor3A_642 = arith.xori %xor3A_633, %xor3A_641 : vector<16xi32>
        %ge3A_643 = vector.broadcast %scan3A_98#1 : i32 to vector<16xi32>
        %ge3A_644 = arith.cmpi sge, %add3A_639, %ge3A_643 : vector<16xi32>
        %swap3A_645 = arith.index_cast %min3A_610 : i32 to index
        %swap3A_646 = tpu.vector_load %arg11[%swap3A_645] masked %ge3A_644 {strides = array<i32>} : memref<4096xi32, #tpu.memory_space<vmem>>, vector<16xi32>, vector<16xi1>
        tpu.vector_store %arg11[%swap3A_645], %xor3A_642 masked %ge3A_644 {strides = array<i32>} : memref<4096xi32, #tpu.memory_space<vmem>>, vector<16xi32>, vector<16xi1>
        %mul3A_647 = arith.constant 16 : i32
        %mul3A_648 = arith.muli %scan3A_616, %mul3A_647 : i32
        %add3A_649 = vector.broadcast %mul3A_648 : i32 to vector<16xi32>
        %add3A_650 = arith.addi %add3A_649, %iota3A : vector<16xi32>
        %swap3A_651 = arith.index_cast %min3A_610 : i32 to index
        %swap3A_652 = tpu.vector_load %arg9[%swap3A_651] masked %ge3A_644 {strides = array<i32>} : memref<4096xi32, #tpu.memory_space<vmem>>, vector<16xi32>, vector<16xi1>
        tpu.vector_store %arg9[%swap3A_651], %add3A_650 masked %ge3A_644 {strides = array<i32>} : memref<4096xi32, #tpu.memory_space<vmem>>, vector<16xi32>, vector<16xi1>
        %all_reduce_population_count3A_653 = tpu.all_reduce %ge3A_644 {dim = 0 : i64, kind = #tpu.reduction_kind<sum>} : vector<16xi1> -> vector<16xi32>
        %reduce_max3A_654 = arith.constant true
        %reduce_max3A_655 = vector.broadcast %reduce_max3A_654 : i1 to vector<16xi1>
        %reduce_max3A_656 = arith.constant -2147483648 : i32
        %reduce_max3A_657 = vector.broadcast %reduce_max3A_656 : i32 to vector<16xi32>
        %reduce_max3A_658 = arith.xori %all_reduce_population_count3A_653, %reduce_max3A_657 : vector<16xi32>
        %reduce_max3A_659 = tpu.scan <max>, %reduce_max3A_658 masked %reduce_max3A_655 : vector<16xi32>, vector<16xi1> -> vector<16xi32>
        %reduce_max3A_660 = arith.xori %reduce_max3A_659, %reduce_max3A_657 : vector<16xi32>
        %reduce_max3A_661 = vector.extract %reduce_max3A_660[15] : i32 from vector<16xi32>
        %add3A_662 = arith.addi %min3A_610, %reduce_max3A_661 : i32
        %min3A_663 = arith.constant 4080 : i32
        %min3A_664 = arith.minsi %add3A_662, %min3A_663 : i32
        %sub3A_665 = vector.broadcast %reduce_max3A_90 : f32 to vector<16xf32>
        %sub3A_666 = arith.subf %get3A_625, %sub3A_665 : vector<16xf32>
        %exp3A_667 = math.exp %sub3A_666 : vector<16xf32>
        %add3A_668 = arith.addf %add3A_614, %exp3A_667 : vector<16xf32>
        %scan3A_669 = arith.constant 4 : i32
        %scan3A_670 = arith.addi %scan3A_460, %scan3A_669 : i32
        %shift_right_arithmetic3A_671 = arith.constant 3 : i32
        %shift_right_arithmetic3A_672 = arith.shrsi %scan3A_670, %shift_right_arithmetic3A_671 : i32
        %and3A_673 = arith.constant 7 : i32
        %and3A_674 = arith.andi %scan3A_670, %and3A_673 : i32
        %mul3A_675 = arith.constant 16 : i32
        %mul3A_676 = arith.muli %and3A_674, %mul3A_675 : i32
        %get3A_677 = arith.index_cast %shift_right_arithmetic3A_672 : i32 to index
        %get3A_678 = arith.index_cast %mul3A_676 : i32 to index
        %get3A_679 = tpu.vector_load %arg6[%get3A_677, %get3A_678] {strides = array<i32>} : memref<800x128xf32, #tpu.memory_space<vmem>>, vector<16xf32>,
        %bitcast_convert_type3A_680 = tpu.bitcast %get3A_679 : vector<16xf32> -> vector<16xi32>
        %shift_right_arithmetic3A_681 = arith.constant 31 : i32
        %shift_right_arithmetic3A_682 = vector.broadcast %shift_right_arithmetic3A_681 : i32 to vector<16xi32>
        %shift_right_arithmetic3A_683 = arith.shrsi %bitcast_convert_type3A_680, %shift_right_arithmetic3A_682 : vector<16xi32>
        %and3A_684 = arith.constant 2147483647 : i32
        %and3A_685 = vector.broadcast %and3A_684 : i32 to vector<16xi32>
        %and3A_686 = arith.andi %shift_right_arithmetic3A_683, %and3A_685 : vector<16xi32>
        %xor3A_687 = arith.xori %bitcast_convert_type3A_680, %and3A_686 : vector<16xi32>
        %shift_right_arithmetic3A_688 = arith.constant 20 : i32
        %shift_right_arithmetic3A_689 = vector.broadcast %shift_right_arithmetic3A_688 : i32 to vector<16xi32>
        %shift_right_arithmetic3A_690 = arith.shrsi %xor3A_687, %shift_right_arithmetic3A_689 : vector<16xi32>
        %add3A_691 = arith.constant 2048 : i32
        %add3A_692 = vector.broadcast %add3A_691 : i32 to vector<16xi32>
        %add3A_693 = arith.addi %shift_right_arithmetic3A_690, %add3A_692 : vector<16xi32>
        %xor3A_694 = arith.constant -2147483648 : i32
        %xor3A_695 = vector.broadcast %xor3A_694 : i32 to vector<16xi32>
        %xor3A_696 = arith.xori %xor3A_687, %xor3A_695 : vector<16xi32>
        %ge3A_697 = vector.broadcast %scan3A_98#1 : i32 to vector<16xi32>
        %ge3A_698 = arith.cmpi sge, %add3A_693, %ge3A_697 : vector<16xi32>
        %swap3A_699 = arith.index_cast %min3A_664 : i32 to index
        %swap3A_700 = tpu.vector_load %arg11[%swap3A_699] masked %ge3A_698 {strides = array<i32>} : memref<4096xi32, #tpu.memory_space<vmem>>, vector<16xi32>, vector<16xi1>
        tpu.vector_store %arg11[%swap3A_699], %xor3A_696 masked %ge3A_698 {strides = array<i32>} : memref<4096xi32, #tpu.memory_space<vmem>>, vector<16xi32>, vector<16xi1>
        %mul3A_701 = arith.constant 16 : i32
        %mul3A_702 = arith.muli %scan3A_670, %mul3A_701 : i32
        %add3A_703 = vector.broadcast %mul3A_702 : i32 to vector<16xi32>
        %add3A_704 = arith.addi %add3A_703, %iota3A : vector<16xi32>
        %swap3A_705 = arith.index_cast %min3A_664 : i32 to index
        %swap3A_706 = tpu.vector_load %arg9[%swap3A_705] masked %ge3A_698 {strides = array<i32>} : memref<4096xi32, #tpu.memory_space<vmem>>, vector<16xi32>, vector<16xi1>
        tpu.vector_store %arg9[%swap3A_705], %add3A_704 masked %ge3A_698 {strides = array<i32>} : memref<4096xi32, #tpu.memory_space<vmem>>, vector<16xi32>, vector<16xi1>
        %all_reduce_population_count3A_707 = tpu.all_reduce %ge3A_698 {dim = 0 : i64, kind = #tpu.reduction_kind<sum>} : vector<16xi1> -> vector<16xi32>
        %reduce_max3A_708 = arith.constant true
        %reduce_max3A_709 = vector.broadcast %reduce_max3A_708 : i1 to vector<16xi1>
        %reduce_max3A_710 = arith.constant -2147483648 : i32
        %reduce_max3A_711 = vector.broadcast %reduce_max3A_710 : i32 to vector<16xi32>
        %reduce_max3A_712 = arith.xori %all_reduce_population_count3A_707, %reduce_max3A_711 : vector<16xi32>
        %reduce_max3A_713 = tpu.scan <max>, %reduce_max3A_712 masked %reduce_max3A_709 : vector<16xi32>, vector<16xi1> -> vector<16xi32>
        %reduce_max3A_714 = arith.xori %reduce_max3A_713, %reduce_max3A_711 : vector<16xi32>
        %reduce_max3A_715 = vector.extract %reduce_max3A_714[15] : i32 from vector<16xi32>
        %add3A_716 = arith.addi %min3A_664, %reduce_max3A_715 : i32
        %min3A_717 = arith.constant 4080 : i32
        %min3A_718 = arith.minsi %add3A_716, %min3A_717 : i32
        %sub3A_719 = vector.broadcast %reduce_max3A_90 : f32 to vector<16xf32>
        %sub3A_720 = arith.subf %get3A_679, %sub3A_719 : vector<16xf32>
        %exp3A_721 = math.exp %sub3A_720 : vector<16xf32>
        %add3A_722 = arith.addf %add3A_668, %exp3A_721 : vector<16xf32>
        %scan3A_723 = arith.constant 5 : i32
        %scan3A_724 = arith.addi %scan3A_460, %scan3A_723 : i32
        %shift_right_arithmetic3A_725 = arith.constant 3 : i32
        %shift_right_arithmetic3A_726 = arith.shrsi %scan3A_724, %shift_right_arithmetic3A_725 : i32
        %and3A_727 = arith.constant 7 : i32
        %and3A_728 = arith.andi %scan3A_724, %and3A_727 : i32
        %mul3A_729 = arith.constant 16 : i32
        %mul3A_730 = arith.muli %and3A_728, %mul3A_729 : i32
        %get3A_731 = arith.index_cast %shift_right_arithmetic3A_726 : i32 to index
        %get3A_732 = arith.index_cast %mul3A_730 : i32 to index
        %get3A_733 = tpu.vector_load %arg6[%get3A_731, %get3A_732] {strides = array<i32>} : memref<800x128xf32, #tpu.memory_space<vmem>>, vector<16xf32>,
        %bitcast_convert_type3A_734 = tpu.bitcast %get3A_733 : vector<16xf32> -> vector<16xi32>
        %shift_right_arithmetic3A_735 = arith.constant 31 : i32
        %shift_right_arithmetic3A_736 = vector.broadcast %shift_right_arithmetic3A_735 : i32 to vector<16xi32>
        %shift_right_arithmetic3A_737 = arith.shrsi %bitcast_convert_type3A_734, %shift_right_arithmetic3A_736 : vector<16xi32>
        %and3A_738 = arith.constant 2147483647 : i32
        %and3A_739 = vector.broadcast %and3A_738 : i32 to vector<16xi32>
        %and3A_740 = arith.andi %shift_right_arithmetic3A_737, %and3A_739 : vector<16xi32>
        %xor3A_741 = arith.xori %bitcast_convert_type3A_734, %and3A_740 : vector<16xi32>
        %shift_right_arithmetic3A_742 = arith.constant 20 : i32
        %shift_right_arithmetic3A_743 = vector.broadcast %shift_right_arithmetic3A_742 : i32 to vector<16xi32>
        %shift_right_arithmetic3A_744 = arith.shrsi %xor3A_741, %shift_right_arithmetic3A_743 : vector<16xi32>
        %add3A_745 = arith.constant 2048 : i32
        %add3A_746 = vector.broadcast %add3A_745 : i32 to vector<16xi32>
        %add3A_747 = arith.addi %shift_right_arithmetic3A_744, %add3A_746 : vector<16xi32>
        %xor3A_748 = arith.constant -2147483648 : i32
        %xor3A_749 = vector.broadcast %xor3A_748 : i32 to vector<16xi32>
        %xor3A_750 = arith.xori %xor3A_741, %xor3A_749 : vector<16xi32>
        %ge3A_751 = vector.broadcast %scan3A_98#1 : i32 to vector<16xi32>
        %ge3A_752 = arith.cmpi sge, %add3A_747, %ge3A_751 : vector<16xi32>
        %swap3A_753 = arith.index_cast %min3A_718 : i32 to index
        %swap3A_754 = tpu.vector_load %arg11[%swap3A_753] masked %ge3A_752 {strides = array<i32>} : memref<4096xi32, #tpu.memory_space<vmem>>, vector<16xi32>, vector<16xi1>
        tpu.vector_store %arg11[%swap3A_753], %xor3A_750 masked %ge3A_752 {strides = array<i32>} : memref<4096xi32, #tpu.memory_space<vmem>>, vector<16xi32>, vector<16xi1>
        %mul3A_755 = arith.constant 16 : i32
        %mul3A_756 = arith.muli %scan3A_724, %mul3A_755 : i32
        %add3A_757 = vector.broadcast %mul3A_756 : i32 to vector<16xi32>
        %add3A_758 = arith.addi %add3A_757, %iota3A : vector<16xi32>
        %swap3A_759 = arith.index_cast %min3A_718 : i32 to index
        %swap3A_760 = tpu.vector_load %arg9[%swap3A_759] masked %ge3A_752 {strides = array<i32>} : memref<4096xi32, #tpu.memory_space<vmem>>, vector<16xi32>, vector<16xi1>
        tpu.vector_store %arg9[%swap3A_759], %add3A_758 masked %ge3A_752 {strides = array<i32>} : memref<4096xi32, #tpu.memory_space<vmem>>, vector<16xi32>, vector<16xi1>
        %all_reduce_population_count3A_761 = tpu.all_reduce %ge3A_752 {dim = 0 : i64, kind = #tpu.reduction_kind<sum>} : vector<16xi1> -> vector<16xi32>
        %reduce_max3A_762 = arith.constant true
        %reduce_max3A_763 = vector.broadcast %reduce_max3A_762 : i1 to vector<16xi1>
        %reduce_max3A_764 = arith.constant -2147483648 : i32
        %reduce_max3A_765 = vector.broadcast %reduce_max3A_764 : i32 to vector<16xi32>
        %reduce_max3A_766 = arith.xori %all_reduce_population_count3A_761, %reduce_max3A_765 : vector<16xi32>
        %reduce_max3A_767 = tpu.scan <max>, %reduce_max3A_766 masked %reduce_max3A_763 : vector<16xi32>, vector<16xi1> -> vector<16xi32>
        %reduce_max3A_768 = arith.xori %reduce_max3A_767, %reduce_max3A_765 : vector<16xi32>
        %reduce_max3A_769 = vector.extract %reduce_max3A_768[15] : i32 from vector<16xi32>
        %add3A_770 = arith.addi %min3A_718, %reduce_max3A_769 : i32
        %min3A_771 = arith.constant 4080 : i32
        %min3A_772 = arith.minsi %add3A_770, %min3A_771 : i32
        %sub3A_773 = vector.broadcast %reduce_max3A_90 : f32 to vector<16xf32>
        %sub3A_774 = arith.subf %get3A_733, %sub3A_773 : vector<16xf32>
        %exp3A_775 = math.exp %sub3A_774 : vector<16xf32>
        %add3A_776 = arith.addf %add3A_722, %exp3A_775 : vector<16xf32>
        %scan3A_777 = arith.constant 6 : i32
        %scan3A_778 = arith.addi %scan3A_460, %scan3A_777 : i32
        %shift_right_arithmetic3A_779 = arith.constant 3 : i32
        %shift_right_arithmetic3A_780 = arith.shrsi %scan3A_778, %shift_right_arithmetic3A_779 : i32
        %and3A_781 = arith.constant 7 : i32
        %and3A_782 = arith.andi %scan3A_778, %and3A_781 : i32
        %mul3A_783 = arith.constant 16 : i32
        %mul3A_784 = arith.muli %and3A_782, %mul3A_783 : i32
        %get3A_785 = arith.index_cast %shift_right_arithmetic3A_780 : i32 to index
        %get3A_786 = arith.index_cast %mul3A_784 : i32 to index
        %get3A_787 = tpu.vector_load %arg6[%get3A_785, %get3A_786] {strides = array<i32>} : memref<800x128xf32, #tpu.memory_space<vmem>>, vector<16xf32>,
        %bitcast_convert_type3A_788 = tpu.bitcast %get3A_787 : vector<16xf32> -> vector<16xi32>
        %shift_right_arithmetic3A_789 = arith.constant 31 : i32
        %shift_right_arithmetic3A_790 = vector.broadcast %shift_right_arithmetic3A_789 : i32 to vector<16xi32>
        %shift_right_arithmetic3A_791 = arith.shrsi %bitcast_convert_type3A_788, %shift_right_arithmetic3A_790 : vector<16xi32>
        %and3A_792 = arith.constant 2147483647 : i32
        %and3A_793 = vector.broadcast %and3A_792 : i32 to vector<16xi32>
        %and3A_794 = arith.andi %shift_right_arithmetic3A_791, %and3A_793 : vector<16xi32>
        %xor3A_795 = arith.xori %bitcast_convert_type3A_788, %and3A_794 : vector<16xi32>
        %shift_right_arithmetic3A_796 = arith.constant 20 : i32
        %shift_right_arithmetic3A_797 = vector.broadcast %shift_right_arithmetic3A_796 : i32 to vector<16xi32>
        %shift_right_arithmetic3A_798 = arith.shrsi %xor3A_795, %shift_right_arithmetic3A_797 : vector<16xi32>
        %add3A_799 = arith.constant 2048 : i32
        %add3A_800 = vector.broadcast %add3A_799 : i32 to vector<16xi32>
        %add3A_801 = arith.addi %shift_right_arithmetic3A_798, %add3A_800 : vector<16xi32>
        %xor3A_802 = arith.constant -2147483648 : i32
        %xor3A_803 = vector.broadcast %xor3A_802 : i32 to vector<16xi32>
        %xor3A_804 = arith.xori %xor3A_795, %xor3A_803 : vector<16xi32>
        %ge3A_805 = vector.broadcast %scan3A_98#1 : i32 to vector<16xi32>
        %ge3A_806 = arith.cmpi sge, %add3A_801, %ge3A_805 : vector<16xi32>
        %swap3A_807 = arith.index_cast %min3A_772 : i32 to index
        %swap3A_808 = tpu.vector_load %arg11[%swap3A_807] masked %ge3A_806 {strides = array<i32>} : memref<4096xi32, #tpu.memory_space<vmem>>, vector<16xi32>, vector<16xi1>
        tpu.vector_store %arg11[%swap3A_807], %xor3A_804 masked %ge3A_806 {strides = array<i32>} : memref<4096xi32, #tpu.memory_space<vmem>>, vector<16xi32>, vector<16xi1>
        %mul3A_809 = arith.constant 16 : i32
        %mul3A_810 = arith.muli %scan3A_778, %mul3A_809 : i32
        %add3A_811 = vector.broadcast %mul3A_810 : i32 to vector<16xi32>
        %add3A_812 = arith.addi %add3A_811, %iota3A : vector<16xi32>
        %swap3A_813 = arith.index_cast %min3A_772 : i32 to index
        %swap3A_814 = tpu.vector_load %arg9[%swap3A_813] masked %ge3A_806 {strides = array<i32>} : memref<4096xi32, #tpu.memory_space<vmem>>, vector<16xi32>, vector<16xi1>
        tpu.vector_store %arg9[%swap3A_813], %add3A_812 masked %ge3A_806 {strides = array<i32>} : memref<4096xi32, #tpu.memory_space<vmem>>, vector<16xi32>, vector<16xi1>
        %all_reduce_population_count3A_815 = tpu.all_reduce %ge3A_806 {dim = 0 : i64, kind = #tpu.reduction_kind<sum>} : vector<16xi1> -> vector<16xi32>
        %reduce_max3A_816 = arith.constant true
        %reduce_max3A_817 = vector.broadcast %reduce_max3A_816 : i1 to vector<16xi1>
        %reduce_max3A_818 = arith.constant -2147483648 : i32
        %reduce_max3A_819 = vector.broadcast %reduce_max3A_818 : i32 to vector<16xi32>
        %reduce_max3A_820 = arith.xori %all_reduce_population_count3A_815, %reduce_max3A_819 : vector<16xi32>
        %reduce_max3A_821 = tpu.scan <max>, %reduce_max3A_820 masked %reduce_max3A_817 : vector<16xi32>, vector<16xi1> -> vector<16xi32>
        %reduce_max3A_822 = arith.xori %reduce_max3A_821, %reduce_max3A_819 : vector<16xi32>
        %reduce_max3A_823 = vector.extract %reduce_max3A_822[15] : i32 from vector<16xi32>
        %add3A_824 = arith.addi %min3A_772, %reduce_max3A_823 : i32
        %min3A_825 = arith.constant 4080 : i32
        %min3A_826 = arith.minsi %add3A_824, %min3A_825 : i32
        %sub3A_827 = vector.broadcast %reduce_max3A_90 : f32 to vector<16xf32>
        %sub3A_828 = arith.subf %get3A_787, %sub3A_827 : vector<16xf32>
        %exp3A_829 = math.exp %sub3A_828 : vector<16xf32>
        %add3A_830 = arith.addf %add3A_776, %exp3A_829 : vector<16xf32>
        %scan3A_831 = arith.constant 7 : i32
        %scan3A_832 = arith.addi %scan3A_460, %scan3A_831 : i32
        %shift_right_arithmetic3A_833 = arith.constant 3 : i32
        %shift_right_arithmetic3A_834 = arith.shrsi %scan3A_832, %shift_right_arithmetic3A_833 : i32
        %and3A_835 = arith.constant 7 : i32
        %and3A_836 = arith.andi %scan3A_832, %and3A_835 : i32
        %mul3A_837 = arith.constant 16 : i32
        %mul3A_838 = arith.muli %and3A_836, %mul3A_837 : i32
        %get3A_839 = arith.index_cast %shift_right_arithmetic3A_834 : i32 to index
        %get3A_840 = arith.index_cast %mul3A_838 : i32 to index
        %get3A_841 = tpu.vector_load %arg6[%get3A_839, %get3A_840] {strides = array<i32>} : memref<800x128xf32, #tpu.memory_space<vmem>>, vector<16xf32>,
        %bitcast_convert_type3A_842 = tpu.bitcast %get3A_841 : vector<16xf32> -> vector<16xi32>
        %shift_right_arithmetic3A_843 = arith.constant 31 : i32
        %shift_right_arithmetic3A_844 = vector.broadcast %shift_right_arithmetic3A_843 : i32 to vector<16xi32>
        %shift_right_arithmetic3A_845 = arith.shrsi %bitcast_convert_type3A_842, %shift_right_arithmetic3A_844 : vector<16xi32>
        %and3A_846 = arith.constant 2147483647 : i32
        %and3A_847 = vector.broadcast %and3A_846 : i32 to vector<16xi32>
        %and3A_848 = arith.andi %shift_right_arithmetic3A_845, %and3A_847 : vector<16xi32>
        %xor3A_849 = arith.xori %bitcast_convert_type3A_842, %and3A_848 : vector<16xi32>
        %shift_right_arithmetic3A_850 = arith.constant 20 : i32
        %shift_right_arithmetic3A_851 = vector.broadcast %shift_right_arithmetic3A_850 : i32 to vector<16xi32>
        %shift_right_arithmetic3A_852 = arith.shrsi %xor3A_849, %shift_right_arithmetic3A_851 : vector<16xi32>
        %add3A_853 = arith.constant 2048 : i32
        %add3A_854 = vector.broadcast %add3A_853 : i32 to vector<16xi32>
        %add3A_855 = arith.addi %shift_right_arithmetic3A_852, %add3A_854 : vector<16xi32>
        %xor3A_856 = arith.constant -2147483648 : i32
        %xor3A_857 = vector.broadcast %xor3A_856 : i32 to vector<16xi32>
        %xor3A_858 = arith.xori %xor3A_849, %xor3A_857 : vector<16xi32>
        %ge3A_859 = vector.broadcast %scan3A_98#1 : i32 to vector<16xi32>
        %ge3A_860 = arith.cmpi sge, %add3A_855, %ge3A_859 : vector<16xi32>
        %swap3A_861 = arith.index_cast %min3A_826 : i32 to index
        %swap3A_862 = tpu.vector_load %arg11[%swap3A_861] masked %ge3A_860 {strides = array<i32>} : memref<4096xi32, #tpu.memory_space<vmem>>, vector<16xi32>, vector<16xi1>
        tpu.vector_store %arg11[%swap3A_861], %xor3A_858 masked %ge3A_860 {strides = array<i32>} : memref<4096xi32, #tpu.memory_space<vmem>>, vector<16xi32>, vector<16xi1>
        %mul3A_863 = arith.constant 16 : i32
        %mul3A_864 = arith.muli %scan3A_832, %mul3A_863 : i32
        %add3A_865 = vector.broadcast %mul3A_864 : i32 to vector<16xi32>
        %add3A_866 = arith.addi %add3A_865, %iota3A : vector<16xi32>
        %swap3A_867 = arith.index_cast %min3A_826 : i32 to index
        %swap3A_868 = tpu.vector_load %arg9[%swap3A_867] masked %ge3A_860 {strides = array<i32>} : memref<4096xi32, #tpu.memory_space<vmem>>, vector<16xi32>, vector<16xi1>
        tpu.vector_store %arg9[%swap3A_867], %add3A_866 masked %ge3A_860 {strides = array<i32>} : memref<4096xi32, #tpu.memory_space<vmem>>, vector<16xi32>, vector<16xi1>
        %all_reduce_population_count3A_869 = tpu.all_reduce %ge3A_860 {dim = 0 : i64, kind = #tpu.reduction_kind<sum>} : vector<16xi1> -> vector<16xi32>
        %reduce_max3A_870 = arith.constant true
        %reduce_max3A_871 = vector.broadcast %reduce_max3A_870 : i1 to vector<16xi1>
        %reduce_max3A_872 = arith.constant -2147483648 : i32
        %reduce_max3A_873 = vector.broadcast %reduce_max3A_872 : i32 to vector<16xi32>
        %reduce_max3A_874 = arith.xori %all_reduce_population_count3A_869, %reduce_max3A_873 : vector<16xi32>
        %reduce_max3A_875 = tpu.scan <max>, %reduce_max3A_874 masked %reduce_max3A_871 : vector<16xi32>, vector<16xi1> -> vector<16xi32>
        %reduce_max3A_876 = arith.xori %reduce_max3A_875, %reduce_max3A_873 : vector<16xi32>
        %reduce_max3A_877 = vector.extract %reduce_max3A_876[15] : i32 from vector<16xi32>
        %add3A_878 = arith.addi %min3A_826, %reduce_max3A_877 : i32
        %min3A_879 = arith.constant 4080 : i32
        %min3A_880 = arith.minsi %add3A_878, %min3A_879 : i32
        %sub3A_881 = vector.broadcast %reduce_max3A_90 : f32 to vector<16xf32>
        %sub3A_882 = arith.subf %get3A_841, %sub3A_881 : vector<16xf32>
        %exp3A_883 = math.exp %sub3A_882 : vector<16xf32>
        %add3A_884 = arith.addf %add3A_830, %exp3A_883 : vector<16xf32>
        scf.yield %min3A_880, %add3A_884 : i32, vector<16xf32>
      }
      %scan3A_114 = arith.constant 6400 : i32
      %reduce_sum3A = arith.constant true
      %reduce_sum3A_115 = vector.broadcast %reduce_sum3A : i1 to vector<16xi1>
      %reduce_sum3A_116 = tpu.scan <sum>, %scan3A_113#1 masked %reduce_sum3A_115 : vector<16xf32>, vector<16xi1> -> vector<16xf32>
      %reduce_sum3A_117 = vector.extract %reduce_sum3A_116[15] : f32 from vector<16xf32>
      %eq3A = arith.constant 0 : i32
      %eq3A_118 = vector.broadcast %eq3A : i32 to vector<16xi32>
      %eq3A_119 = arith.cmpi eq, %iota3A, %eq3A_118 : vector<16xi32>
      %eq3A_120 = arith.constant 1 : i32
      %eq3A_121 = vector.broadcast %eq3A_120 : i32 to vector<16xi32>
      %eq3A_122 = arith.cmpi eq, %iota3A, %eq3A_121 : vector<16xi32>
      %jit3A = arith.constant 0.000000e+00 : f32
      %broadcast_in_dim3A_123 = vector.broadcast %reduce_sum3A_117 : f32 to vector<16xf32>
      %broadcast_in_dim3A_124 = vector.broadcast %jit3A : f32 to vector<16xf32>
      %select_n3A = arith.select %eq3A_122, %broadcast_in_dim3A_123, %broadcast_in_dim3A_124 : vector<16xi1>, vector<16xf32>
      %broadcast_in_dim3A_125 = vector.broadcast %reduce_max3A_90 : f32 to vector<16xf32>
      %select_n3A_126 = arith.select %eq3A_119, %broadcast_in_dim3A_125, %select_n3A : vector<16xi1>, vector<16xf32>
      %swap3A = arith.constant 0 : index
      %swap3A_127 = tpu.vector_load %arg10[%swap3A] {strides = array<i32>} : memref<16xf32, #tpu.memory_space<vmem>>, vector<16xf32>,
      tpu.vector_store %arg10[%swap3A], %select_n3A_126 {strides = array<i32>} : memref<16xf32, #tpu.memory_space<vmem>>, vector<16xf32>,
      %broadcast_in_dim3A_128 = arith.constant 0 : i32
      %broadcast_in_dim3A_129 = vector.broadcast %broadcast_in_dim3A_128 : i32 to vector<16xi32>
      %swap3A_130 = arith.constant 0 : index
      %swap3A_131 = tpu.vector_load %arg7[%swap3A_130] {strides = array<i32>} : memref<4096xi32, #tpu.memory_space<vmem>>, vector<16xi32>,
      tpu.vector_store %arg7[%swap3A_130], %broadcast_in_dim3A_129 {strides = array<i32>} : memref<4096xi32, #tpu.memory_space<vmem>>, vector<16xi32>,
      %broadcast_in_dim3A_132 = arith.constant 0 : i32
      %broadcast_in_dim3A_133 = vector.broadcast %broadcast_in_dim3A_132 : i32 to vector<16xi32>
      %swap3A_134 = arith.constant 16 : index
      %swap3A_135 = tpu.vector_load %arg7[%swap3A_134] {strides = array<i32>} : memref<4096xi32, #tpu.memory_space<vmem>>, vector<16xi32>,
      tpu.vector_store %arg7[%swap3A_134], %broadcast_in_dim3A_133 {strides = array<i32>} : memref<4096xi32, #tpu.memory_space<vmem>>, vector<16xi32>,
      %scan3A_136 = arith.constant 0 : i32
      %scan3A_137 = arith.constant 0 : i32
      %scan3A_138 = arith.constant 256 : i32
      %scan3A_139 = arith.addi %scan3A_137, %scan3A_138 : i32
      %scan3A_140 = arith.constant 8 : i32
      scf.for %scan3A_460 = %scan3A_137 to %scan3A_139 step %scan3A_140  : i32 {
        %mul3A_461 = arith.constant 16 : i32
        %mul3A_462 = arith.muli %scan3A_460, %mul3A_461 : i32
        %get3A_463 = arith.index_cast %mul3A_462 : i32 to index
        %get3A_464 = tpu.vector_load %arg11[%get3A_463] {strides = array<i32>} : memref<4096xi32, #tpu.memory_space<vmem>>, vector<16xi32>,
        %shift_right_arithmetic3A = arith.constant 0 : i32
        %shift_right_arithmetic3A_465 = vector.broadcast %shift_right_arithmetic3A : i32 to vector<16xi32>
        %shift_right_arithmetic3A_466 = arith.shrsi %get3A_464, %shift_right_arithmetic3A_465 : vector<16xi32>
        %and3A = arith.constant 31 : i32
        %and3A_467 = vector.broadcast %and3A : i32 to vector<16xi32>
        %and3A_468 = arith.andi %shift_right_arithmetic3A_466, %and3A_467 : vector<16xi32>
        %sub3A_469 = arith.constant 31 : i32
        %sub3A_470 = vector.broadcast %sub3A_469 : i32 to vector<16xi32>
        %sub3A_471 = arith.subi %sub3A_470, %and3A_468 : vector<16xi32>
        tpu.vector_store_idx %arg7[%sub3A_471], %broadcast_in_dim3A_1 {add = true} : memref<4096xi32, #tpu.memory_space<vmem>>[vector<16xi32>], vector<16xi32>,
        %scan3A_472 = arith.constant 1 : i32
        %scan3A_473 = arith.addi %scan3A_460, %scan3A_472 : i32
        %mul3A_474 = arith.constant 16 : i32
        %mul3A_475 = arith.muli %scan3A_473, %mul3A_474 : i32
        %get3A_476 = arith.index_cast %mul3A_475 : i32 to index
        %get3A_477 = tpu.vector_load %arg11[%get3A_476] {strides = array<i32>} : memref<4096xi32, #tpu.memory_space<vmem>>, vector<16xi32>,
        %shift_right_arithmetic3A_478 = arith.constant 0 : i32
        %shift_right_arithmetic3A_479 = vector.broadcast %shift_right_arithmetic3A_478 : i32 to vector<16xi32>
        %shift_right_arithmetic3A_480 = arith.shrsi %get3A_477, %shift_right_arithmetic3A_479 : vector<16xi32>
        %and3A_481 = arith.constant 31 : i32
        %and3A_482 = vector.broadcast %and3A_481 : i32 to vector<16xi32>
        %and3A_483 = arith.andi %shift_right_arithmetic3A_480, %and3A_482 : vector<16xi32>
        %sub3A_484 = arith.constant 31 : i32
        %sub3A_485 = vector.broadcast %sub3A_484 : i32 to vector<16xi32>
        %sub3A_486 = arith.subi %sub3A_485, %and3A_483 : vector<16xi32>
        tpu.vector_store_idx %arg7[%sub3A_486], %broadcast_in_dim3A_1 {add = true} : memref<4096xi32, #tpu.memory_space<vmem>>[vector<16xi32>], vector<16xi32>,
        %scan3A_487 = arith.constant 2 : i32
        %scan3A_488 = arith.addi %scan3A_460, %scan3A_487 : i32
        %mul3A_489 = arith.constant 16 : i32
        %mul3A_490 = arith.muli %scan3A_488, %mul3A_489 : i32
        %get3A_491 = arith.index_cast %mul3A_490 : i32 to index
        %get3A_492 = tpu.vector_load %arg11[%get3A_491] {strides = array<i32>} : memref<4096xi32, #tpu.memory_space<vmem>>, vector<16xi32>,
        %shift_right_arithmetic3A_493 = arith.constant 0 : i32
        %shift_right_arithmetic3A_494 = vector.broadcast %shift_right_arithmetic3A_493 : i32 to vector<16xi32>
        %shift_right_arithmetic3A_495 = arith.shrsi %get3A_492, %shift_right_arithmetic3A_494 : vector<16xi32>
        %and3A_496 = arith.constant 31 : i32
        %and3A_497 = vector.broadcast %and3A_496 : i32 to vector<16xi32>
        %and3A_498 = arith.andi %shift_right_arithmetic3A_495, %and3A_497 : vector<16xi32>
        %sub3A_499 = arith.constant 31 : i32
        %sub3A_500 = vector.broadcast %sub3A_499 : i32 to vector<16xi32>
        %sub3A_501 = arith.subi %sub3A_500, %and3A_498 : vector<16xi32>
        tpu.vector_store_idx %arg7[%sub3A_501], %broadcast_in_dim3A_1 {add = true} : memref<4096xi32, #tpu.memory_space<vmem>>[vector<16xi32>], vector<16xi32>,
        %scan3A_502 = arith.constant 3 : i32
        %scan3A_503 = arith.addi %scan3A_460, %scan3A_502 : i32
        %mul3A_504 = arith.constant 16 : i32
        %mul3A_505 = arith.muli %scan3A_503, %mul3A_504 : i32
        %get3A_506 = arith.index_cast %mul3A_505 : i32 to index
        %get3A_507 = tpu.vector_load %arg11[%get3A_506] {strides = array<i32>} : memref<4096xi32, #tpu.memory_space<vmem>>, vector<16xi32>,
        %shift_right_arithmetic3A_508 = arith.constant 0 : i32
        %shift_right_arithmetic3A_509 = vector.broadcast %shift_right_arithmetic3A_508 : i32 to vector<16xi32>
        %shift_right_arithmetic3A_510 = arith.shrsi %get3A_507, %shift_right_arithmetic3A_509 : vector<16xi32>
        %and3A_511 = arith.constant 31 : i32
        %and3A_512 = vector.broadcast %and3A_511 : i32 to vector<16xi32>
        %and3A_513 = arith.andi %shift_right_arithmetic3A_510, %and3A_512 : vector<16xi32>
        %sub3A_514 = arith.constant 31 : i32
        %sub3A_515 = vector.broadcast %sub3A_514 : i32 to vector<16xi32>
        %sub3A_516 = arith.subi %sub3A_515, %and3A_513 : vector<16xi32>
        tpu.vector_store_idx %arg7[%sub3A_516], %broadcast_in_dim3A_1 {add = true} : memref<4096xi32, #tpu.memory_space<vmem>>[vector<16xi32>], vector<16xi32>,
        %scan3A_517 = arith.constant 4 : i32
        %scan3A_518 = arith.addi %scan3A_460, %scan3A_517 : i32
        %mul3A_519 = arith.constant 16 : i32
        %mul3A_520 = arith.muli %scan3A_518, %mul3A_519 : i32
        %get3A_521 = arith.index_cast %mul3A_520 : i32 to index
        %get3A_522 = tpu.vector_load %arg11[%get3A_521] {strides = array<i32>} : memref<4096xi32, #tpu.memory_space<vmem>>, vector<16xi32>,
        %shift_right_arithmetic3A_523 = arith.constant 0 : i32
        %shift_right_arithmetic3A_524 = vector.broadcast %shift_right_arithmetic3A_523 : i32 to vector<16xi32>
        %shift_right_arithmetic3A_525 = arith.shrsi %get3A_522, %shift_right_arithmetic3A_524 : vector<16xi32>
        %and3A_526 = arith.constant 31 : i32
        %and3A_527 = vector.broadcast %and3A_526 : i32 to vector<16xi32>
        %and3A_528 = arith.andi %shift_right_arithmetic3A_525, %and3A_527 : vector<16xi32>
        %sub3A_529 = arith.constant 31 : i32
        %sub3A_530 = vector.broadcast %sub3A_529 : i32 to vector<16xi32>
        %sub3A_531 = arith.subi %sub3A_530, %and3A_528 : vector<16xi32>
        tpu.vector_store_idx %arg7[%sub3A_531], %broadcast_in_dim3A_1 {add = true} : memref<4096xi32, #tpu.memory_space<vmem>>[vector<16xi32>], vector<16xi32>,
        %scan3A_532 = arith.constant 5 : i32
        %scan3A_533 = arith.addi %scan3A_460, %scan3A_532 : i32
        %mul3A_534 = arith.constant 16 : i32
        %mul3A_535 = arith.muli %scan3A_533, %mul3A_534 : i32
        %get3A_536 = arith.index_cast %mul3A_535 : i32 to index
        %get3A_537 = tpu.vector_load %arg11[%get3A_536] {strides = array<i32>} : memref<4096xi32, #tpu.memory_space<vmem>>, vector<16xi32>,
        %shift_right_arithmetic3A_538 = arith.constant 0 : i32
        %shift_right_arithmetic3A_539 = vector.broadcast %shift_right_arithmetic3A_538 : i32 to vector<16xi32>
        %shift_right_arithmetic3A_540 = arith.shrsi %get3A_537, %shift_right_arithmetic3A_539 : vector<16xi32>
        %and3A_541 = arith.constant 31 : i32
        %and3A_542 = vector.broadcast %and3A_541 : i32 to vector<16xi32>
        %and3A_543 = arith.andi %shift_right_arithmetic3A_540, %and3A_542 : vector<16xi32>
        %sub3A_544 = arith.constant 31 : i32
        %sub3A_545 = vector.broadcast %sub3A_544 : i32 to vector<16xi32>
        %sub3A_546 = arith.subi %sub3A_545, %and3A_543 : vector<16xi32>
        tpu.vector_store_idx %arg7[%sub3A_546], %broadcast_in_dim3A_1 {add = true} : memref<4096xi32, #tpu.memory_space<vmem>>[vector<16xi32>], vector<16xi32>,
        %scan3A_547 = arith.constant 6 : i32
        %scan3A_548 = arith.addi %scan3A_460, %scan3A_547 : i32
        %mul3A_549 = arith.constant 16 : i32
        %mul3A_550 = arith.muli %scan3A_548, %mul3A_549 : i32
        %get3A_551 = arith.index_cast %mul3A_550 : i32 to index
        %get3A_552 = tpu.vector_load %arg11[%get3A_551] {strides = array<i32>} : memref<4096xi32, #tpu.memory_space<vmem>>, vector<16xi32>,
        %shift_right_arithmetic3A_553 = arith.constant 0 : i32
        %shift_right_arithmetic3A_554 = vector.broadcast %shift_right_arithmetic3A_553 : i32 to vector<16xi32>
        %shift_right_arithmetic3A_555 = arith.shrsi %get3A_552, %shift_right_arithmetic3A_554 : vector<16xi32>
        %and3A_556 = arith.constant 31 : i32
        %and3A_557 = vector.broadcast %and3A_556 : i32 to vector<16xi32>
        %and3A_558 = arith.andi %shift_right_arithmetic3A_555, %and3A_557 : vector<16xi32>
        %sub3A_559 = arith.constant 31 : i32
        %sub3A_560 = vector.broadcast %sub3A_559 : i32 to vector<16xi32>
        %sub3A_561 = arith.subi %sub3A_560, %and3A_558 : vector<16xi32>
        tpu.vector_store_idx %arg7[%sub3A_561], %broadcast_in_dim3A_1 {add = true} : memref<4096xi32, #tpu.memory_space<vmem>>[vector<16xi32>], vector<16xi32>,
        %scan3A_562 = arith.constant 7 : i32
        %scan3A_563 = arith.addi %scan3A_460, %scan3A_562 : i32
        %mul3A_564 = arith.constant 16 : i32
        %mul3A_565 = arith.muli %scan3A_563, %mul3A_564 : i32
        %get3A_566 = arith.index_cast %mul3A_565 : i32 to index
        %get3A_567 = tpu.vector_load %arg11[%get3A_566] {strides = array<i32>} : memref<4096xi32, #tpu.memory_space<vmem>>, vector<16xi32>,
        %shift_right_arithmetic3A_568 = arith.constant 0 : i32
        %shift_right_arithmetic3A_569 = vector.broadcast %shift_right_arithmetic3A_568 : i32 to vector<16xi32>
        %shift_right_arithmetic3A_570 = arith.shrsi %get3A_567, %shift_right_arithmetic3A_569 : vector<16xi32>
        %and3A_571 = arith.constant 31 : i32
        %and3A_572 = vector.broadcast %and3A_571 : i32 to vector<16xi32>
        %and3A_573 = arith.andi %shift_right_arithmetic3A_570, %and3A_572 : vector<16xi32>
        %sub3A_574 = arith.constant 31 : i32
        %sub3A_575 = vector.broadcast %sub3A_574 : i32 to vector<16xi32>
        %sub3A_576 = arith.subi %sub3A_575, %and3A_573 : vector<16xi32>
        tpu.vector_store_idx %arg7[%sub3A_576], %broadcast_in_dim3A_1 {add = true} : memref<4096xi32, #tpu.memory_space<vmem>>[vector<16xi32>], vector<16xi32>,
      }
      %scan3A_141 = arith.constant 256 : i32
      %get3A = arith.constant 0 : index
      %get3A_142 = tpu.vector_load %arg7[%get3A] {strides = array<i32>} : memref<4096xi32, #tpu.memory_space<vmem>>, vector<16xi32>,
      %get3A_143 = arith.constant 16 : index
      %get3A_144 = tpu.vector_load %arg7[%get3A_143] {strides = array<i32>} : memref<4096xi32, #tpu.memory_space<vmem>>, vector<16xi32>,
      %broadcast_in_dim3A_145 = arith.constant true
      %broadcast_in_dim3A_146 = vector.broadcast %broadcast_in_dim3A_145 : i1 to vector<16xi1>
      %masked_cumsum3A = tpu.scan <sum>, %get3A_142 masked %broadcast_in_dim3A_146 : vector<16xi32>, vector<16xi1> -> vector<16xi32>
      %broadcast_in_dim3A_147 = arith.constant true
      %broadcast_in_dim3A_148 = vector.broadcast %broadcast_in_dim3A_147 : i1 to vector<16xi1>
      %masked_cumsum3A_149 = tpu.scan <sum>, %get3A_144 masked %broadcast_in_dim3A_148 : vector<16xi32>, vector<16xi1> -> vector<16xi32>
      %reduce_max3A_150 = arith.constant true
      %reduce_max3A_151 = vector.broadcast %reduce_max3A_150 : i1 to vector<16xi1>
      %reduce_max3A_152 = arith.constant -2147483648 : i32
      %reduce_max3A_153 = vector.broadcast %reduce_max3A_152 : i32 to vector<16xi32>
      %reduce_max3A_154 = arith.xori %masked_cumsum3A, %reduce_max3A_153 : vector<16xi32>
      %reduce_max3A_155 = tpu.scan <max>, %reduce_max3A_154 masked %reduce_max3A_151 : vector<16xi32>, vector<16xi1> -> vector<16xi32>
      %reduce_max3A_156 = arith.xori %reduce_max3A_155, %reduce_max3A_153 : vector<16xi32>
      %reduce_max3A_157 = vector.extract %reduce_max3A_156[15] : i32 from vector<16xi32>
      %sub3A = arith.subi %masked_cumsum3A, %get3A_142 : vector<16xi32>
      %swap3A_158 = arith.constant 0 : index
      %swap3A_159 = tpu.vector_load %arg7[%swap3A_158] {strides = array<i32>} : memref<4096xi32, #tpu.memory_space<vmem>>, vector<16xi32>,
      tpu.vector_store %arg7[%swap3A_158], %sub3A {strides = array<i32>} : memref<4096xi32, #tpu.memory_space<vmem>>, vector<16xi32>,
      %sub3A_160 = arith.subi %masked_cumsum3A_149, %get3A_144 : vector<16xi32>
      %add3A_161 = vector.broadcast %reduce_max3A_157 : i32 to vector<16xi32>
      %add3A_162 = arith.addi %sub3A_160, %add3A_161 : vector<16xi32>
      %swap3A_163 = arith.constant 16 : index
      %swap3A_164 = tpu.vector_load %arg7[%swap3A_163] {strides = array<i32>} : memref<4096xi32, #tpu.memory_space<vmem>>, vector<16xi32>,
      tpu.vector_store %arg7[%swap3A_163], %add3A_162 {strides = array<i32>} : memref<4096xi32, #tpu.memory_space<vmem>>, vector<16xi32>,
      %scan3A_165 = arith.constant 0 : i32
      %scan3A_166 = arith.constant 0 : i32
      %scan3A_167 = arith.constant 256 : i32
      %scan3A_168 = arith.addi %scan3A_166, %scan3A_167 : i32
      %scan3A_169 = arith.constant 4 : i32
      scf.for %scan3A_460 = %scan3A_166 to %scan3A_168 step %scan3A_169  : i32 {
        %mul3A_461 = arith.constant 16 : i32
        %mul3A_462 = arith.muli %scan3A_460, %mul3A_461 : i32
        %get3A_463 = arith.index_cast %mul3A_462 : i32 to index
        %get3A_464 = tpu.vector_load %arg11[%get3A_463] {strides = array<i32>} : memref<4096xi32, #tpu.memory_space<vmem>>, vector<16xi32>,
        %mul3A_465 = arith.constant 16 : i32
        %mul3A_466 = arith.muli %scan3A_460, %mul3A_465 : i32
        %get3A_467 = arith.index_cast %mul3A_466 : i32 to index
        %get3A_468 = tpu.vector_load %arg9[%get3A_467] {strides = array<i32>} : memref<4096xi32, #tpu.memory_space<vmem>>, vector<16xi32>,
        %shift_right_arithmetic3A = arith.constant 0 : i32
        %shift_right_arithmetic3A_469 = vector.broadcast %shift_right_arithmetic3A : i32 to vector<16xi32>
        %shift_right_arithmetic3A_470 = arith.shrsi %get3A_464, %shift_right_arithmetic3A_469 : vector<16xi32>
        %and3A = arith.constant 31 : i32
        %and3A_471 = vector.broadcast %and3A : i32 to vector<16xi32>
        %and3A_472 = arith.andi %shift_right_arithmetic3A_470, %and3A_471 : vector<16xi32>
        %sub3A_473 = arith.constant 31 : i32
        %sub3A_474 = vector.broadcast %sub3A_473 : i32 to vector<16xi32>
        %sub3A_475 = arith.subi %sub3A_474, %and3A_472 : vector<16xi32>
        %broadcast_in_dim3A_476 = arith.constant true
        %broadcast_in_dim3A_477 = vector.broadcast %broadcast_in_dim3A_476 : i1 to vector<16xi1>
        %unique3A, %unique3A_478 = tpu.scan_count mask(%broadcast_in_dim3A_477 : vector<16xi1>) value(%sub3A_475 : vector<16xi32>) : vector<16xi1>, vector<16xi32>
        %sub3A_479 = arith.constant 1 : i32
        %sub3A_480 = vector.broadcast %sub3A_479 : i32 to vector<16xi32>
        %sub3A_481 = arith.subi %unique3A_478, %sub3A_480 : vector<16xi32>
        %gather3A = tpu.vector_load_idx %arg7[%sub3A_475] : memref<4096xi32, #tpu.memory_space<vmem>>[vector<16xi32>], vector<16xi32>,
        %add3A_482 = arith.addi %gather3A, %sub3A_481 : vector<16xi32>
        tpu.vector_store_idx %arg12[%add3A_482], %get3A_464 : memref<4096xi32, #tpu.memory_space<vmem>>[vector<16xi32>], vector<16xi32>,
        tpu.vector_store_idx %arg13[%add3A_482], %get3A_468 : memref<4096xi32, #tpu.memory_space<vmem>>[vector<16xi32>], vector<16xi32>,
        tpu.vector_store_idx %arg7[%sub3A_475], %broadcast_in_dim3A_1 {add = true} : memref<4096xi32, #tpu.memory_space<vmem>>[vector<16xi32>], vector<16xi32>,
        %scan3A_483 = arith.constant 1 : i32
        %scan3A_484 = arith.addi %scan3A_460, %scan3A_483 : i32
        %mul3A_485 = arith.constant 16 : i32
        %mul3A_486 = arith.muli %scan3A_484, %mul3A_485 : i32
        %get3A_487 = arith.index_cast %mul3A_486 : i32 to index
        %get3A_488 = tpu.vector_load %arg11[%get3A_487] {strides = array<i32>} : memref<4096xi32, #tpu.memory_space<vmem>>, vector<16xi32>,
        %mul3A_489 = arith.constant 16 : i32
        %mul3A_490 = arith.muli %scan3A_484, %mul3A_489 : i32
        %get3A_491 = arith.index_cast %mul3A_490 : i32 to index
        %get3A_492 = tpu.vector_load %arg9[%get3A_491] {strides = array<i32>} : memref<4096xi32, #tpu.memory_space<vmem>>, vector<16xi32>,
        %shift_right_arithmetic3A_493 = arith.constant 0 : i32
        %shift_right_arithmetic3A_494 = vector.broadcast %shift_right_arithmetic3A_493 : i32 to vector<16xi32>
        %shift_right_arithmetic3A_495 = arith.shrsi %get3A_488, %shift_right_arithmetic3A_494 : vector<16xi32>
        %and3A_496 = arith.constant 31 : i32
        %and3A_497 = vector.broadcast %and3A_496 : i32 to vector<16xi32>
        %and3A_498 = arith.andi %shift_right_arithmetic3A_495, %and3A_497 : vector<16xi32>
        %sub3A_499 = arith.constant 31 : i32
        %sub3A_500 = vector.broadcast %sub3A_499 : i32 to vector<16xi32>
        %sub3A_501 = arith.subi %sub3A_500, %and3A_498 : vector<16xi32>
        %broadcast_in_dim3A_502 = arith.constant true
        %broadcast_in_dim3A_503 = vector.broadcast %broadcast_in_dim3A_502 : i1 to vector<16xi1>
        %unique3A_504, %unique3A_505 = tpu.scan_count mask(%broadcast_in_dim3A_503 : vector<16xi1>) value(%sub3A_501 : vector<16xi32>) : vector<16xi1>, vector<16xi32>
        %sub3A_506 = arith.constant 1 : i32
        %sub3A_507 = vector.broadcast %sub3A_506 : i32 to vector<16xi32>
        %sub3A_508 = arith.subi %unique3A_505, %sub3A_507 : vector<16xi32>
        %gather3A_509 = tpu.vector_load_idx %arg7[%sub3A_501] : memref<4096xi32, #tpu.memory_space<vmem>>[vector<16xi32>], vector<16xi32>,
        %add3A_510 = arith.addi %gather3A_509, %sub3A_508 : vector<16xi32>
        tpu.vector_store_idx %arg12[%add3A_510], %get3A_488 : memref<4096xi32, #tpu.memory_space<vmem>>[vector<16xi32>], vector<16xi32>,
        tpu.vector_store_idx %arg13[%add3A_510], %get3A_492 : memref<4096xi32, #tpu.memory_space<vmem>>[vector<16xi32>], vector<16xi32>,
        tpu.vector_store_idx %arg7[%sub3A_501], %broadcast_in_dim3A_1 {add = true} : memref<4096xi32, #tpu.memory_space<vmem>>[vector<16xi32>], vector<16xi32>,
        %scan3A_511 = arith.constant 2 : i32
        %scan3A_512 = arith.addi %scan3A_460, %scan3A_511 : i32
        %mul3A_513 = arith.constant 16 : i32
        %mul3A_514 = arith.muli %scan3A_512, %mul3A_513 : i32
        %get3A_515 = arith.index_cast %mul3A_514 : i32 to index
        %get3A_516 = tpu.vector_load %arg11[%get3A_515] {strides = array<i32>} : memref<4096xi32, #tpu.memory_space<vmem>>, vector<16xi32>,
        %mul3A_517 = arith.constant 16 : i32
        %mul3A_518 = arith.muli %scan3A_512, %mul3A_517 : i32
        %get3A_519 = arith.index_cast %mul3A_518 : i32 to index
        %get3A_520 = tpu.vector_load %arg9[%get3A_519] {strides = array<i32>} : memref<4096xi32, #tpu.memory_space<vmem>>, vector<16xi32>,
        %shift_right_arithmetic3A_521 = arith.constant 0 : i32
        %shift_right_arithmetic3A_522 = vector.broadcast %shift_right_arithmetic3A_521 : i32 to vector<16xi32>
        %shift_right_arithmetic3A_523 = arith.shrsi %get3A_516, %shift_right_arithmetic3A_522 : vector<16xi32>
        %and3A_524 = arith.constant 31 : i32
        %and3A_525 = vector.broadcast %and3A_524 : i32 to vector<16xi32>
        %and3A_526 = arith.andi %shift_right_arithmetic3A_523, %and3A_525 : vector<16xi32>
        %sub3A_527 = arith.constant 31 : i32
        %sub3A_528 = vector.broadcast %sub3A_527 : i32 to vector<16xi32>
        %sub3A_529 = arith.subi %sub3A_528, %and3A_526 : vector<16xi32>
        %broadcast_in_dim3A_530 = arith.constant true
        %broadcast_in_dim3A_531 = vector.broadcast %broadcast_in_dim3A_530 : i1 to vector<16xi1>
        %unique3A_532, %unique3A_533 = tpu.scan_count mask(%broadcast_in_dim3A_531 : vector<16xi1>) value(%sub3A_529 : vector<16xi32>) : vector<16xi1>, vector<16xi32>
        %sub3A_534 = arith.constant 1 : i32
        %sub3A_535 = vector.broadcast %sub3A_534 : i32 to vector<16xi32>
        %sub3A_536 = arith.subi %unique3A_533, %sub3A_535 : vector<16xi32>
        %gather3A_537 = tpu.vector_load_idx %arg7[%sub3A_529] : memref<4096xi32, #tpu.memory_space<vmem>>[vector<16xi32>], vector<16xi32>,
        %add3A_538 = arith.addi %gather3A_537, %sub3A_536 : vector<16xi32>
        tpu.vector_store_idx %arg12[%add3A_538], %get3A_516 : memref<4096xi32, #tpu.memory_space<vmem>>[vector<16xi32>], vector<16xi32>,
        tpu.vector_store_idx %arg13[%add3A_538], %get3A_520 : memref<4096xi32, #tpu.memory_space<vmem>>[vector<16xi32>], vector<16xi32>,
        tpu.vector_store_idx %arg7[%sub3A_529], %broadcast_in_dim3A_1 {add = true} : memref<4096xi32, #tpu.memory_space<vmem>>[vector<16xi32>], vector<16xi32>,
        %scan3A_539 = arith.constant 3 : i32
        %scan3A_540 = arith.addi %scan3A_460, %scan3A_539 : i32
        %mul3A_541 = arith.constant 16 : i32
        %mul3A_542 = arith.muli %scan3A_540, %mul3A_541 : i32
        %get3A_543 = arith.index_cast %mul3A_542 : i32 to index
        %get3A_544 = tpu.vector_load %arg11[%get3A_543] {strides = array<i32>} : memref<4096xi32, #tpu.memory_space<vmem>>, vector<16xi32>,
        %mul3A_545 = arith.constant 16 : i32
        %mul3A_546 = arith.muli %scan3A_540, %mul3A_545 : i32
        %get3A_547 = arith.index_cast %mul3A_546 : i32 to index
        %get3A_548 = tpu.vector_load %arg9[%get3A_547] {strides = array<i32>} : memref<4096xi32, #tpu.memory_space<vmem>>, vector<16xi32>,
        %shift_right_arithmetic3A_549 = arith.constant 0 : i32
        %shift_right_arithmetic3A_550 = vector.broadcast %shift_right_arithmetic3A_549 : i32 to vector<16xi32>
        %shift_right_arithmetic3A_551 = arith.shrsi %get3A_544, %shift_right_arithmetic3A_550 : vector<16xi32>
        %and3A_552 = arith.constant 31 : i32
        %and3A_553 = vector.broadcast %and3A_552 : i32 to vector<16xi32>
        %and3A_554 = arith.andi %shift_right_arithmetic3A_551, %and3A_553 : vector<16xi32>
        %sub3A_555 = arith.constant 31 : i32
        %sub3A_556 = vector.broadcast %sub3A_555 : i32 to vector<16xi32>
        %sub3A_557 = arith.subi %sub3A_556, %and3A_554 : vector<16xi32>
        %broadcast_in_dim3A_558 = arith.constant true
        %broadcast_in_dim3A_559 = vector.broadcast %broadcast_in_dim3A_558 : i1 to vector<16xi1>
        %unique3A_560, %unique3A_561 = tpu.scan_count mask(%broadcast_in_dim3A_559 : vector<16xi1>) value(%sub3A_557 : vector<16xi32>) : vector<16xi1>, vector<16xi32>
        %sub3A_562 = arith.constant 1 : i32
        %sub3A_563 = vector.broadcast %sub3A_562 : i32 to vector<16xi32>
        %sub3A_564 = arith.subi %unique3A_561, %sub3A_563 : vector<16xi32>
        %gather3A_565 = tpu.vector_load_idx %arg7[%sub3A_557] : memref<4096xi32, #tpu.memory_space<vmem>>[vector<16xi32>], vector<16xi32>,
        %add3A_566 = arith.addi %gather3A_565, %sub3A_564 : vector<16xi32>
        tpu.vector_store_idx %arg12[%add3A_566], %get3A_544 : memref<4096xi32, #tpu.memory_space<vmem>>[vector<16xi32>], vector<16xi32>,
        tpu.vector_store_idx %arg13[%add3A_566], %get3A_548 : memref<4096xi32, #tpu.memory_space<vmem>>[vector<16xi32>], vector<16xi32>,
        tpu.vector_store_idx %arg7[%sub3A_557], %broadcast_in_dim3A_1 {add = true} : memref<4096xi32, #tpu.memory_space<vmem>>[vector<16xi32>], vector<16xi32>,
      }
      %scan3A_170 = arith.constant 256 : i32
      %broadcast_in_dim3A_171 = arith.constant 0 : i32
      %broadcast_in_dim3A_172 = vector.broadcast %broadcast_in_dim3A_171 : i32 to vector<16xi32>
      %swap3A_173 = arith.constant 0 : index
      %swap3A_174 = tpu.vector_load %arg7[%swap3A_173] {strides = array<i32>} : memref<4096xi32, #tpu.memory_space<vmem>>, vector<16xi32>,
      tpu.vector_store %arg7[%swap3A_173], %broadcast_in_dim3A_172 {strides = array<i32>} : memref<4096xi32, #tpu.memory_space<vmem>>, vector<16xi32>,
      %broadcast_in_dim3A_175 = arith.constant 0 : i32
      %broadcast_in_dim3A_176 = vector.broadcast %broadcast_in_dim3A_175 : i32 to vector<16xi32>
      %swap3A_177 = arith.constant 16 : index
      %swap3A_178 = tpu.vector_load %arg7[%swap3A_177] {strides = array<i32>} : memref<4096xi32, #tpu.memory_space<vmem>>, vector<16xi32>,
      tpu.vector_store %arg7[%swap3A_177], %broadcast_in_dim3A_176 {strides = array<i32>} : memref<4096xi32, #tpu.memory_space<vmem>>, vector<16xi32>,
      %scan3A_179 = arith.constant 0 : i32
      %scan3A_180 = arith.constant 0 : i32
      %scan3A_181 = arith.constant 256 : i32
      %scan3A_182 = arith.addi %scan3A_180, %scan3A_181 : i32
      %scan3A_183 = arith.constant 8 : i32
      scf.for %scan3A_460 = %scan3A_180 to %scan3A_182 step %scan3A_183  : i32 {
        %mul3A_461 = arith.constant 16 : i32
        %mul3A_462 = arith.muli %scan3A_460, %mul3A_461 : i32
        %get3A_463 = arith.index_cast %mul3A_462 : i32 to index
        %get3A_464 = tpu.vector_load %arg12[%get3A_463] {strides = array<i32>} : memref<4096xi32, #tpu.memory_space<vmem>>, vector<16xi32>,
        %shift_right_arithmetic3A = arith.constant 5 : i32
        %shift_right_arithmetic3A_465 = vector.broadcast %shift_right_arithmetic3A : i32 to vector<16xi32>
        %shift_right_arithmetic3A_466 = arith.shrsi %get3A_464, %shift_right_arithmetic3A_465 : vector<16xi32>
        %and3A = arith.constant 31 : i32
        %and3A_467 = vector.broadcast %and3A : i32 to vector<16xi32>
        %and3A_468 = arith.andi %shift_right_arithmetic3A_466, %and3A_467 : vector<16xi32>
        %sub3A_469 = arith.constant 31 : i32
        %sub3A_470 = vector.broadcast %sub3A_469 : i32 to vector<16xi32>
        %sub3A_471 = arith.subi %sub3A_470, %and3A_468 : vector<16xi32>
        tpu.vector_store_idx %arg7[%sub3A_471], %broadcast_in_dim3A_1 {add = true} : memref<4096xi32, #tpu.memory_space<vmem>>[vector<16xi32>], vector<16xi32>,
        %scan3A_472 = arith.constant 1 : i32
        %scan3A_473 = arith.addi %scan3A_460, %scan3A_472 : i32
        %mul3A_474 = arith.constant 16 : i32
        %mul3A_475 = arith.muli %scan3A_473, %mul3A_474 : i32
        %get3A_476 = arith.index_cast %mul3A_475 : i32 to index
        %get3A_477 = tpu.vector_load %arg12[%get3A_476] {strides = array<i32>} : memref<4096xi32, #tpu.memory_space<vmem>>, vector<16xi32>,
        %shift_right_arithmetic3A_478 = arith.constant 5 : i32
        %shift_right_arithmetic3A_479 = vector.broadcast %shift_right_arithmetic3A_478 : i32 to vector<16xi32>
        %shift_right_arithmetic3A_480 = arith.shrsi %get3A_477, %shift_right_arithmetic3A_479 : vector<16xi32>
        %and3A_481 = arith.constant 31 : i32
        %and3A_482 = vector.broadcast %and3A_481 : i32 to vector<16xi32>
        %and3A_483 = arith.andi %shift_right_arithmetic3A_480, %and3A_482 : vector<16xi32>
        %sub3A_484 = arith.constant 31 : i32
        %sub3A_485 = vector.broadcast %sub3A_484 : i32 to vector<16xi32>
        %sub3A_486 = arith.subi %sub3A_485, %and3A_483 : vector<16xi32>
        tpu.vector_store_idx %arg7[%sub3A_486], %broadcast_in_dim3A_1 {add = true} : memref<4096xi32, #tpu.memory_space<vmem>>[vector<16xi32>], vector<16xi32>,
        %scan3A_487 = arith.constant 2 : i32
        %scan3A_488 = arith.addi %scan3A_460, %scan3A_487 : i32
        %mul3A_489 = arith.constant 16 : i32
        %mul3A_490 = arith.muli %scan3A_488, %mul3A_489 : i32
        %get3A_491 = arith.index_cast %mul3A_490 : i32 to index
        %get3A_492 = tpu.vector_load %arg12[%get3A_491] {strides = array<i32>} : memref<4096xi32, #tpu.memory_space<vmem>>, vector<16xi32>,
        %shift_right_arithmetic3A_493 = arith.constant 5 : i32
        %shift_right_arithmetic3A_494 = vector.broadcast %shift_right_arithmetic3A_493 : i32 to vector<16xi32>
        %shift_right_arithmetic3A_495 = arith.shrsi %get3A_492, %shift_right_arithmetic3A_494 : vector<16xi32>
        %and3A_496 = arith.constant 31 : i32
        %and3A_497 = vector.broadcast %and3A_496 : i32 to vector<16xi32>
        %and3A_498 = arith.andi %shift_right_arithmetic3A_495, %and3A_497 : vector<16xi32>
        %sub3A_499 = arith.constant 31 : i32
        %sub3A_500 = vector.broadcast %sub3A_499 : i32 to vector<16xi32>
        %sub3A_501 = arith.subi %sub3A_500, %and3A_498 : vector<16xi32>
        tpu.vector_store_idx %arg7[%sub3A_501], %broadcast_in_dim3A_1 {add = true} : memref<4096xi32, #tpu.memory_space<vmem>>[vector<16xi32>], vector<16xi32>,
        %scan3A_502 = arith.constant 3 : i32
        %scan3A_503 = arith.addi %scan3A_460, %scan3A_502 : i32
        %mul3A_504 = arith.constant 16 : i32
        %mul3A_505 = arith.muli %scan3A_503, %mul3A_504 : i32
        %get3A_506 = arith.index_cast %mul3A_505 : i32 to index
        %get3A_507 = tpu.vector_load %arg12[%get3A_506] {strides = array<i32>} : memref<4096xi32, #tpu.memory_space<vmem>>, vector<16xi32>,
        %shift_right_arithmetic3A_508 = arith.constant 5 : i32
        %shift_right_arithmetic3A_509 = vector.broadcast %shift_right_arithmetic3A_508 : i32 to vector<16xi32>
        %shift_right_arithmetic3A_510 = arith.shrsi %get3A_507, %shift_right_arithmetic3A_509 : vector<16xi32>
        %and3A_511 = arith.constant 31 : i32
        %and3A_512 = vector.broadcast %and3A_511 : i32 to vector<16xi32>
        %and3A_513 = arith.andi %shift_right_arithmetic3A_510, %and3A_512 : vector<16xi32>
        %sub3A_514 = arith.constant 31 : i32
        %sub3A_515 = vector.broadcast %sub3A_514 : i32 to vector<16xi32>
        %sub3A_516 = arith.subi %sub3A_515, %and3A_513 : vector<16xi32>
        tpu.vector_store_idx %arg7[%sub3A_516], %broadcast_in_dim3A_1 {add = true} : memref<4096xi32, #tpu.memory_space<vmem>>[vector<16xi32>], vector<16xi32>,
        %scan3A_517 = arith.constant 4 : i32
        %scan3A_518 = arith.addi %scan3A_460, %scan3A_517 : i32
        %mul3A_519 = arith.constant 16 : i32
        %mul3A_520 = arith.muli %scan3A_518, %mul3A_519 : i32
        %get3A_521 = arith.index_cast %mul3A_520 : i32 to index
        %get3A_522 = tpu.vector_load %arg12[%get3A_521] {strides = array<i32>} : memref<4096xi32, #tpu.memory_space<vmem>>, vector<16xi32>,
        %shift_right_arithmetic3A_523 = arith.constant 5 : i32
        %shift_right_arithmetic3A_524 = vector.broadcast %shift_right_arithmetic3A_523 : i32 to vector<16xi32>
        %shift_right_arithmetic3A_525 = arith.shrsi %get3A_522, %shift_right_arithmetic3A_524 : vector<16xi32>
        %and3A_526 = arith.constant 31 : i32
        %and3A_527 = vector.broadcast %and3A_526 : i32 to vector<16xi32>
        %and3A_528 = arith.andi %shift_right_arithmetic3A_525, %and3A_527 : vector<16xi32>
        %sub3A_529 = arith.constant 31 : i32
        %sub3A_530 = vector.broadcast %sub3A_529 : i32 to vector<16xi32>
        %sub3A_531 = arith.subi %sub3A_530, %and3A_528 : vector<16xi32>
        tpu.vector_store_idx %arg7[%sub3A_531], %broadcast_in_dim3A_1 {add = true} : memref<4096xi32, #tpu.memory_space<vmem>>[vector<16xi32>], vector<16xi32>,
        %scan3A_532 = arith.constant 5 : i32
        %scan3A_533 = arith.addi %scan3A_460, %scan3A_532 : i32
        %mul3A_534 = arith.constant 16 : i32
        %mul3A_535 = arith.muli %scan3A_533, %mul3A_534 : i32
        %get3A_536 = arith.index_cast %mul3A_535 : i32 to index
        %get3A_537 = tpu.vector_load %arg12[%get3A_536] {strides = array<i32>} : memref<4096xi32, #tpu.memory_space<vmem>>, vector<16xi32>,
        %shift_right_arithmetic3A_538 = arith.constant 5 : i32
        %shift_right_arithmetic3A_539 = vector.broadcast %shift_right_arithmetic3A_538 : i32 to vector<16xi32>
        %shift_right_arithmetic3A_540 = arith.shrsi %get3A_537, %shift_right_arithmetic3A_539 : vector<16xi32>
        %and3A_541 = arith.constant 31 : i32
        %and3A_542 = vector.broadcast %and3A_541 : i32 to vector<16xi32>
        %and3A_543 = arith.andi %shift_right_arithmetic3A_540, %and3A_542 : vector<16xi32>
        %sub3A_544 = arith.constant 31 : i32
        %sub3A_545 = vector.broadcast %sub3A_544 : i32 to vector<16xi32>
        %sub3A_546 = arith.subi %sub3A_545, %and3A_543 : vector<16xi32>
        tpu.vector_store_idx %arg7[%sub3A_546], %broadcast_in_dim3A_1 {add = true} : memref<4096xi32, #tpu.memory_space<vmem>>[vector<16xi32>], vector<16xi32>,
        %scan3A_547 = arith.constant 6 : i32
        %scan3A_548 = arith.addi %scan3A_460, %scan3A_547 : i32
        %mul3A_549 = arith.constant 16 : i32
        %mul3A_550 = arith.muli %scan3A_548, %mul3A_549 : i32
        %get3A_551 = arith.index_cast %mul3A_550 : i32 to index
        %get3A_552 = tpu.vector_load %arg12[%get3A_551] {strides = array<i32>} : memref<4096xi32, #tpu.memory_space<vmem>>, vector<16xi32>,
        %shift_right_arithmetic3A_553 = arith.constant 5 : i32
        %shift_right_arithmetic3A_554 = vector.broadcast %shift_right_arithmetic3A_553 : i32 to vector<16xi32>
        %shift_right_arithmetic3A_555 = arith.shrsi %get3A_552, %shift_right_arithmetic3A_554 : vector<16xi32>
        %and3A_556 = arith.constant 31 : i32
        %and3A_557 = vector.broadcast %and3A_556 : i32 to vector<16xi32>
        %and3A_558 = arith.andi %shift_right_arithmetic3A_555, %and3A_557 : vector<16xi32>
        %sub3A_559 = arith.constant 31 : i32
        %sub3A_560 = vector.broadcast %sub3A_559 : i32 to vector<16xi32>
        %sub3A_561 = arith.subi %sub3A_560, %and3A_558 : vector<16xi32>
        tpu.vector_store_idx %arg7[%sub3A_561], %broadcast_in_dim3A_1 {add = true} : memref<4096xi32, #tpu.memory_space<vmem>>[vector<16xi32>], vector<16xi32>,
        %scan3A_562 = arith.constant 7 : i32
        %scan3A_563 = arith.addi %scan3A_460, %scan3A_562 : i32
        %mul3A_564 = arith.constant 16 : i32
        %mul3A_565 = arith.muli %scan3A_563, %mul3A_564 : i32
        %get3A_566 = arith.index_cast %mul3A_565 : i32 to index
        %get3A_567 = tpu.vector_load %arg12[%get3A_566] {strides = array<i32>} : memref<4096xi32, #tpu.memory_space<vmem>>, vector<16xi32>,
        %shift_right_arithmetic3A_568 = arith.constant 5 : i32
        %shift_right_arithmetic3A_569 = vector.broadcast %shift_right_arithmetic3A_568 : i32 to vector<16xi32>
        %shift_right_arithmetic3A_570 = arith.shrsi %get3A_567, %shift_right_arithmetic3A_569 : vector<16xi32>
        %and3A_571 = arith.constant 31 : i32
        %and3A_572 = vector.broadcast %and3A_571 : i32 to vector<16xi32>
        %and3A_573 = arith.andi %shift_right_arithmetic3A_570, %and3A_572 : vector<16xi32>
        %sub3A_574 = arith.constant 31 : i32
        %sub3A_575 = vector.broadcast %sub3A_574 : i32 to vector<16xi32>
        %sub3A_576 = arith.subi %sub3A_575, %and3A_573 : vector<16xi32>
        tpu.vector_store_idx %arg7[%sub3A_576], %broadcast_in_dim3A_1 {add = true} : memref<4096xi32, #tpu.memory_space<vmem>>[vector<16xi32>], vector<16xi32>,
      }
      %scan3A_184 = arith.constant 256 : i32
      %get3A_185 = arith.constant 0 : index
      %get3A_186 = tpu.vector_load %arg7[%get3A_185] {strides = array<i32>} : memref<4096xi32, #tpu.memory_space<vmem>>, vector<16xi32>,
      %get3A_187 = arith.constant 16 : index
      %get3A_188 = tpu.vector_load %arg7[%get3A_187] {strides = array<i32>} : memref<4096xi32, #tpu.memory_space<vmem>>, vector<16xi32>,
      %broadcast_in_dim3A_189 = arith.constant true
      %broadcast_in_dim3A_190 = vector.broadcast %broadcast_in_dim3A_189 : i1 to vector<16xi1>
      %masked_cumsum3A_191 = tpu.scan <sum>, %get3A_186 masked %broadcast_in_dim3A_190 : vector<16xi32>, vector<16xi1> -> vector<16xi32>
      %broadcast_in_dim3A_192 = arith.constant true
      %broadcast_in_dim3A_193 = vector.broadcast %broadcast_in_dim3A_192 : i1 to vector<16xi1>
      %masked_cumsum3A_194 = tpu.scan <sum>, %get3A_188 masked %broadcast_in_dim3A_193 : vector<16xi32>, vector<16xi1> -> vector<16xi32>
      %reduce_max3A_195 = arith.constant true
      %reduce_max3A_196 = vector.broadcast %reduce_max3A_195 : i1 to vector<16xi1>
      %reduce_max3A_197 = arith.constant -2147483648 : i32
      %reduce_max3A_198 = vector.broadcast %reduce_max3A_197 : i32 to vector<16xi32>
      %reduce_max3A_199 = arith.xori %masked_cumsum3A_191, %reduce_max3A_198 : vector<16xi32>
      %reduce_max3A_200 = tpu.scan <max>, %reduce_max3A_199 masked %reduce_max3A_196 : vector<16xi32>, vector<16xi1> -> vector<16xi32>
      %reduce_max3A_201 = arith.xori %reduce_max3A_200, %reduce_max3A_198 : vector<16xi32>
      %reduce_max3A_202 = vector.extract %reduce_max3A_201[15] : i32 from vector<16xi32>
      %sub3A_203 = arith.subi %masked_cumsum3A_191, %get3A_186 : vector<16xi32>
      %swap3A_204 = arith.constant 0 : index
      %swap3A_205 = tpu.vector_load %arg7[%swap3A_204] {strides = array<i32>} : memref<4096xi32, #tpu.memory_space<vmem>>, vector<16xi32>,
      tpu.vector_store %arg7[%swap3A_204], %sub3A_203 {strides = array<i32>} : memref<4096xi32, #tpu.memory_space<vmem>>, vector<16xi32>,
      %sub3A_206 = arith.subi %masked_cumsum3A_194, %get3A_188 : vector<16xi32>
      %add3A_207 = vector.broadcast %reduce_max3A_202 : i32 to vector<16xi32>
      %add3A_208 = arith.addi %sub3A_206, %add3A_207 : vector<16xi32>
      %swap3A_209 = arith.constant 16 : index
      %swap3A_210 = tpu.vector_load %arg7[%swap3A_209] {strides = array<i32>} : memref<4096xi32, #tpu.memory_space<vmem>>, vector<16xi32>,
      tpu.vector_store %arg7[%swap3A_209], %add3A_208 {strides = array<i32>} : memref<4096xi32, #tpu.memory_space<vmem>>, vector<16xi32>,
      %scan3A_211 = arith.constant 0 : i32
      %scan3A_212 = arith.constant 0 : i32
      %scan3A_213 = arith.constant 256 : i32
      %scan3A_214 = arith.addi %scan3A_212, %scan3A_213 : i32
      %scan3A_215 = arith.constant 4 : i32
      scf.for %scan3A_460 = %scan3A_212 to %scan3A_214 step %scan3A_215  : i32 {
        %mul3A_461 = arith.constant 16 : i32
        %mul3A_462 = arith.muli %scan3A_460, %mul3A_461 : i32
        %get3A_463 = arith.index_cast %mul3A_462 : i32 to index
        %get3A_464 = tpu.vector_load %arg12[%get3A_463] {strides = array<i32>} : memref<4096xi32, #tpu.memory_space<vmem>>, vector<16xi32>,
        %mul3A_465 = arith.constant 16 : i32
        %mul3A_466 = arith.muli %scan3A_460, %mul3A_465 : i32
        %get3A_467 = arith.index_cast %mul3A_466 : i32 to index
        %get3A_468 = tpu.vector_load %arg13[%get3A_467] {strides = array<i32>} : memref<4096xi32, #tpu.memory_space<vmem>>, vector<16xi32>,
        %shift_right_arithmetic3A = arith.constant 5 : i32
        %shift_right_arithmetic3A_469 = vector.broadcast %shift_right_arithmetic3A : i32 to vector<16xi32>
        %shift_right_arithmetic3A_470 = arith.shrsi %get3A_464, %shift_right_arithmetic3A_469 : vector<16xi32>
        %and3A = arith.constant 31 : i32
        %and3A_471 = vector.broadcast %and3A : i32 to vector<16xi32>
        %and3A_472 = arith.andi %shift_right_arithmetic3A_470, %and3A_471 : vector<16xi32>
        %sub3A_473 = arith.constant 31 : i32
        %sub3A_474 = vector.broadcast %sub3A_473 : i32 to vector<16xi32>
        %sub3A_475 = arith.subi %sub3A_474, %and3A_472 : vector<16xi32>
        %broadcast_in_dim3A_476 = arith.constant true
        %broadcast_in_dim3A_477 = vector.broadcast %broadcast_in_dim3A_476 : i1 to vector<16xi1>
        %unique3A, %unique3A_478 = tpu.scan_count mask(%broadcast_in_dim3A_477 : vector<16xi1>) value(%sub3A_475 : vector<16xi32>) : vector<16xi1>, vector<16xi32>
        %sub3A_479 = arith.constant 1 : i32
        %sub3A_480 = vector.broadcast %sub3A_479 : i32 to vector<16xi32>
        %sub3A_481 = arith.subi %unique3A_478, %sub3A_480 : vector<16xi32>
        %gather3A = tpu.vector_load_idx %arg7[%sub3A_475] : memref<4096xi32, #tpu.memory_space<vmem>>[vector<16xi32>], vector<16xi32>,
        %add3A_482 = arith.addi %gather3A, %sub3A_481 : vector<16xi32>
        tpu.vector_store_idx %arg11[%add3A_482], %get3A_464 : memref<4096xi32, #tpu.memory_space<vmem>>[vector<16xi32>], vector<16xi32>,
        tpu.vector_store_idx %arg9[%add3A_482], %get3A_468 : memref<4096xi32, #tpu.memory_space<vmem>>[vector<16xi32>], vector<16xi32>,
        tpu.vector_store_idx %arg7[%sub3A_475], %broadcast_in_dim3A_1 {add = true} : memref<4096xi32, #tpu.memory_space<vmem>>[vector<16xi32>], vector<16xi32>,
        %scan3A_483 = arith.constant 1 : i32
        %scan3A_484 = arith.addi %scan3A_460, %scan3A_483 : i32
        %mul3A_485 = arith.constant 16 : i32
        %mul3A_486 = arith.muli %scan3A_484, %mul3A_485 : i32
        %get3A_487 = arith.index_cast %mul3A_486 : i32 to index
        %get3A_488 = tpu.vector_load %arg12[%get3A_487] {strides = array<i32>} : memref<4096xi32, #tpu.memory_space<vmem>>, vector<16xi32>,
        %mul3A_489 = arith.constant 16 : i32
        %mul3A_490 = arith.muli %scan3A_484, %mul3A_489 : i32
        %get3A_491 = arith.index_cast %mul3A_490 : i32 to index
        %get3A_492 = tpu.vector_load %arg13[%get3A_491] {strides = array<i32>} : memref<4096xi32, #tpu.memory_space<vmem>>, vector<16xi32>,
        %shift_right_arithmetic3A_493 = arith.constant 5 : i32
        %shift_right_arithmetic3A_494 = vector.broadcast %shift_right_arithmetic3A_493 : i32 to vector<16xi32>
        %shift_right_arithmetic3A_495 = arith.shrsi %get3A_488, %shift_right_arithmetic3A_494 : vector<16xi32>
        %and3A_496 = arith.constant 31 : i32
        %and3A_497 = vector.broadcast %and3A_496 : i32 to vector<16xi32>
        %and3A_498 = arith.andi %shift_right_arithmetic3A_495, %and3A_497 : vector<16xi32>
        %sub3A_499 = arith.constant 31 : i32
        %sub3A_500 = vector.broadcast %sub3A_499 : i32 to vector<16xi32>
        %sub3A_501 = arith.subi %sub3A_500, %and3A_498 : vector<16xi32>
        %broadcast_in_dim3A_502 = arith.constant true
        %broadcast_in_dim3A_503 = vector.broadcast %broadcast_in_dim3A_502 : i1 to vector<16xi1>
        %unique3A_504, %unique3A_505 = tpu.scan_count mask(%broadcast_in_dim3A_503 : vector<16xi1>) value(%sub3A_501 : vector<16xi32>) : vector<16xi1>, vector<16xi32>
        %sub3A_506 = arith.constant 1 : i32
        %sub3A_507 = vector.broadcast %sub3A_506 : i32 to vector<16xi32>
        %sub3A_508 = arith.subi %unique3A_505, %sub3A_507 : vector<16xi32>
        %gather3A_509 = tpu.vector_load_idx %arg7[%sub3A_501] : memref<4096xi32, #tpu.memory_space<vmem>>[vector<16xi32>], vector<16xi32>,
        %add3A_510 = arith.addi %gather3A_509, %sub3A_508 : vector<16xi32>
        tpu.vector_store_idx %arg11[%add3A_510], %get3A_488 : memref<4096xi32, #tpu.memory_space<vmem>>[vector<16xi32>], vector<16xi32>,
        tpu.vector_store_idx %arg9[%add3A_510], %get3A_492 : memref<4096xi32, #tpu.memory_space<vmem>>[vector<16xi32>], vector<16xi32>,
        tpu.vector_store_idx %arg7[%sub3A_501], %broadcast_in_dim3A_1 {add = true} : memref<4096xi32, #tpu.memory_space<vmem>>[vector<16xi32>], vector<16xi32>,
        %scan3A_511 = arith.constant 2 : i32
        %scan3A_512 = arith.addi %scan3A_460, %scan3A_511 : i32
        %mul3A_513 = arith.constant 16 : i32
        %mul3A_514 = arith.muli %scan3A_512, %mul3A_513 : i32
        %get3A_515 = arith.index_cast %mul3A_514 : i32 to index
        %get3A_516 = tpu.vector_load %arg12[%get3A_515] {strides = array<i32>} : memref<4096xi32, #tpu.memory_space<vmem>>, vector<16xi32>,
        %mul3A_517 = arith.constant 16 : i32
        %mul3A_518 = arith.muli %scan3A_512, %mul3A_517 : i32
        %get3A_519 = arith.index_cast %mul3A_518 : i32 to index
        %get3A_520 = tpu.vector_load %arg13[%get3A_519] {strides = array<i32>} : memref<4096xi32, #tpu.memory_space<vmem>>, vector<16xi32>,
        %shift_right_arithmetic3A_521 = arith.constant 5 : i32
        %shift_right_arithmetic3A_522 = vector.broadcast %shift_right_arithmetic3A_521 : i32 to vector<16xi32>
        %shift_right_arithmetic3A_523 = arith.shrsi %get3A_516, %shift_right_arithmetic3A_522 : vector<16xi32>
        %and3A_524 = arith.constant 31 : i32
        %and3A_525 = vector.broadcast %and3A_524 : i32 to vector<16xi32>
        %and3A_526 = arith.andi %shift_right_arithmetic3A_523, %and3A_525 : vector<16xi32>
        %sub3A_527 = arith.constant 31 : i32
        %sub3A_528 = vector.broadcast %sub3A_527 : i32 to vector<16xi32>
        %sub3A_529 = arith.subi %sub3A_528, %and3A_526 : vector<16xi32>
        %broadcast_in_dim3A_530 = arith.constant true
        %broadcast_in_dim3A_531 = vector.broadcast %broadcast_in_dim3A_530 : i1 to vector<16xi1>
        %unique3A_532, %unique3A_533 = tpu.scan_count mask(%broadcast_in_dim3A_531 : vector<16xi1>) value(%sub3A_529 : vector<16xi32>) : vector<16xi1>, vector<16xi32>
        %sub3A_534 = arith.constant 1 : i32
        %sub3A_535 = vector.broadcast %sub3A_534 : i32 to vector<16xi32>
        %sub3A_536 = arith.subi %unique3A_533, %sub3A_535 : vector<16xi32>
        %gather3A_537 = tpu.vector_load_idx %arg7[%sub3A_529] : memref<4096xi32, #tpu.memory_space<vmem>>[vector<16xi32>], vector<16xi32>,
        %add3A_538 = arith.addi %gather3A_537, %sub3A_536 : vector<16xi32>
        tpu.vector_store_idx %arg11[%add3A_538], %get3A_516 : memref<4096xi32, #tpu.memory_space<vmem>>[vector<16xi32>], vector<16xi32>,
        tpu.vector_store_idx %arg9[%add3A_538], %get3A_520 : memref<4096xi32, #tpu.memory_space<vmem>>[vector<16xi32>], vector<16xi32>,
        tpu.vector_store_idx %arg7[%sub3A_529], %broadcast_in_dim3A_1 {add = true} : memref<4096xi32, #tpu.memory_space<vmem>>[vector<16xi32>], vector<16xi32>,
        %scan3A_539 = arith.constant 3 : i32
        %scan3A_540 = arith.addi %scan3A_460, %scan3A_539 : i32
        %mul3A_541 = arith.constant 16 : i32
        %mul3A_542 = arith.muli %scan3A_540, %mul3A_541 : i32
        %get3A_543 = arith.index_cast %mul3A_542 : i32 to index
        %get3A_544 = tpu.vector_load %arg12[%get3A_543] {strides = array<i32>} : memref<4096xi32, #tpu.memory_space<vmem>>, vector<16xi32>,
        %mul3A_545 = arith.constant 16 : i32
        %mul3A_546 = arith.muli %scan3A_540, %mul3A_545 : i32
        %get3A_547 = arith.index_cast %mul3A_546 : i32 to index
        %get3A_548 = tpu.vector_load %arg13[%get3A_547] {strides = array<i32>} : memref<4096xi32, #tpu.memory_space<vmem>>, vector<16xi32>,
        %shift_right_arithmetic3A_549 = arith.constant 5 : i32
        %shift_right_arithmetic3A_550 = vector.broadcast %shift_right_arithmetic3A_549 : i32 to vector<16xi32>
        %shift_right_arithmetic3A_551 = arith.shrsi %get3A_544, %shift_right_arithmetic3A_550 : vector<16xi32>
        %and3A_552 = arith.constant 31 : i32
        %and3A_553 = vector.broadcast %and3A_552 : i32 to vector<16xi32>
        %and3A_554 = arith.andi %shift_right_arithmetic3A_551, %and3A_553 : vector<16xi32>
        %sub3A_555 = arith.constant 31 : i32
        %sub3A_556 = vector.broadcast %sub3A_555 : i32 to vector<16xi32>
        %sub3A_557 = arith.subi %sub3A_556, %and3A_554 : vector<16xi32>
        %broadcast_in_dim3A_558 = arith.constant true
        %broadcast_in_dim3A_559 = vector.broadcast %broadcast_in_dim3A_558 : i1 to vector<16xi1>
        %unique3A_560, %unique3A_561 = tpu.scan_count mask(%broadcast_in_dim3A_559 : vector<16xi1>) value(%sub3A_557 : vector<16xi32>) : vector<16xi1>, vector<16xi32>
        %sub3A_562 = arith.constant 1 : i32
        %sub3A_563 = vector.broadcast %sub3A_562 : i32 to vector<16xi32>
        %sub3A_564 = arith.subi %unique3A_561, %sub3A_563 : vector<16xi32>
        %gather3A_565 = tpu.vector_load_idx %arg7[%sub3A_557] : memref<4096xi32, #tpu.memory_space<vmem>>[vector<16xi32>], vector<16xi32>,
        %add3A_566 = arith.addi %gather3A_565, %sub3A_564 : vector<16xi32>
        tpu.vector_store_idx %arg11[%add3A_566], %get3A_544 : memref<4096xi32, #tpu.memory_space<vmem>>[vector<16xi32>], vector<16xi32>,
        tpu.vector_store_idx %arg9[%add3A_566], %get3A_548 : memref<4096xi32, #tpu.memory_space<vmem>>[vector<16xi32>], vector<16xi32>,
        tpu.vector_store_idx %arg7[%sub3A_557], %broadcast_in_dim3A_1 {add = true} : memref<4096xi32, #tpu.memory_space<vmem>>[vector<16xi32>], vector<16xi32>,
      }
      %scan3A_216 = arith.constant 256 : i32
      %broadcast_in_dim3A_217 = arith.constant 0 : i32
      %broadcast_in_dim3A_218 = vector.broadcast %broadcast_in_dim3A_217 : i32 to vector<16xi32>
      %swap3A_219 = arith.constant 0 : index
      %swap3A_220 = tpu.vector_load %arg7[%swap3A_219] {strides = array<i32>} : memref<4096xi32, #tpu.memory_space<vmem>>, vector<16xi32>,
      tpu.vector_store %arg7[%swap3A_219], %broadcast_in_dim3A_218 {strides = array<i32>} : memref<4096xi32, #tpu.memory_space<vmem>>, vector<16xi32>,
      %broadcast_in_dim3A_221 = arith.constant 0 : i32
      %broadcast_in_dim3A_222 = vector.broadcast %broadcast_in_dim3A_221 : i32 to vector<16xi32>
      %swap3A_223 = arith.constant 16 : index
      %swap3A_224 = tpu.vector_load %arg7[%swap3A_223] {strides = array<i32>} : memref<4096xi32, #tpu.memory_space<vmem>>, vector<16xi32>,
      tpu.vector_store %arg7[%swap3A_223], %broadcast_in_dim3A_222 {strides = array<i32>} : memref<4096xi32, #tpu.memory_space<vmem>>, vector<16xi32>,
      %scan3A_225 = arith.constant 0 : i32
      %scan3A_226 = arith.constant 0 : i32
      %scan3A_227 = arith.constant 256 : i32
      %scan3A_228 = arith.addi %scan3A_226, %scan3A_227 : i32
      %scan3A_229 = arith.constant 8 : i32
      scf.for %scan3A_460 = %scan3A_226 to %scan3A_228 step %scan3A_229  : i32 {
        %mul3A_461 = arith.constant 16 : i32
        %mul3A_462 = arith.muli %scan3A_460, %mul3A_461 : i32
        %get3A_463 = arith.index_cast %mul3A_462 : i32 to index
        %get3A_464 = tpu.vector_load %arg11[%get3A_463] {strides = array<i32>} : memref<4096xi32, #tpu.memory_space<vmem>>, vector<16xi32>,
        %shift_right_arithmetic3A = arith.constant 10 : i32
        %shift_right_arithmetic3A_465 = vector.broadcast %shift_right_arithmetic3A : i32 to vector<16xi32>
        %shift_right_arithmetic3A_466 = arith.shrsi %get3A_464, %shift_right_arithmetic3A_465 : vector<16xi32>
        %and3A = arith.constant 31 : i32
        %and3A_467 = vector.broadcast %and3A : i32 to vector<16xi32>
        %and3A_468 = arith.andi %shift_right_arithmetic3A_466, %and3A_467 : vector<16xi32>
        %sub3A_469 = arith.constant 31 : i32
        %sub3A_470 = vector.broadcast %sub3A_469 : i32 to vector<16xi32>
        %sub3A_471 = arith.subi %sub3A_470, %and3A_468 : vector<16xi32>
        tpu.vector_store_idx %arg7[%sub3A_471], %broadcast_in_dim3A_1 {add = true} : memref<4096xi32, #tpu.memory_space<vmem>>[vector<16xi32>], vector<16xi32>,
        %scan3A_472 = arith.constant 1 : i32
        %scan3A_473 = arith.addi %scan3A_460, %scan3A_472 : i32
        %mul3A_474 = arith.constant 16 : i32
        %mul3A_475 = arith.muli %scan3A_473, %mul3A_474 : i32
        %get3A_476 = arith.index_cast %mul3A_475 : i32 to index
        %get3A_477 = tpu.vector_load %arg11[%get3A_476] {strides = array<i32>} : memref<4096xi32, #tpu.memory_space<vmem>>, vector<16xi32>,
        %shift_right_arithmetic3A_478 = arith.constant 10 : i32
        %shift_right_arithmetic3A_479 = vector.broadcast %shift_right_arithmetic3A_478 : i32 to vector<16xi32>
        %shift_right_arithmetic3A_480 = arith.shrsi %get3A_477, %shift_right_arithmetic3A_479 : vector<16xi32>
        %and3A_481 = arith.constant 31 : i32
        %and3A_482 = vector.broadcast %and3A_481 : i32 to vector<16xi32>
        %and3A_483 = arith.andi %shift_right_arithmetic3A_480, %and3A_482 : vector<16xi32>
        %sub3A_484 = arith.constant 31 : i32
        %sub3A_485 = vector.broadcast %sub3A_484 : i32 to vector<16xi32>
        %sub3A_486 = arith.subi %sub3A_485, %and3A_483 : vector<16xi32>
        tpu.vector_store_idx %arg7[%sub3A_486], %broadcast_in_dim3A_1 {add = true} : memref<4096xi32, #tpu.memory_space<vmem>>[vector<16xi32>], vector<16xi32>,
        %scan3A_487 = arith.constant 2 : i32
        %scan3A_488 = arith.addi %scan3A_460, %scan3A_487 : i32
        %mul3A_489 = arith.constant 16 : i32
        %mul3A_490 = arith.muli %scan3A_488, %mul3A_489 : i32
        %get3A_491 = arith.index_cast %mul3A_490 : i32 to index
        %get3A_492 = tpu.vector_load %arg11[%get3A_491] {strides = array<i32>} : memref<4096xi32, #tpu.memory_space<vmem>>, vector<16xi32>,
        %shift_right_arithmetic3A_493 = arith.constant 10 : i32
        %shift_right_arithmetic3A_494 = vector.broadcast %shift_right_arithmetic3A_493 : i32 to vector<16xi32>
        %shift_right_arithmetic3A_495 = arith.shrsi %get3A_492, %shift_right_arithmetic3A_494 : vector<16xi32>
        %and3A_496 = arith.constant 31 : i32
        %and3A_497 = vector.broadcast %and3A_496 : i32 to vector<16xi32>
        %and3A_498 = arith.andi %shift_right_arithmetic3A_495, %and3A_497 : vector<16xi32>
        %sub3A_499 = arith.constant 31 : i32
        %sub3A_500 = vector.broadcast %sub3A_499 : i32 to vector<16xi32>
        %sub3A_501 = arith.subi %sub3A_500, %and3A_498 : vector<16xi32>
        tpu.vector_store_idx %arg7[%sub3A_501], %broadcast_in_dim3A_1 {add = true} : memref<4096xi32, #tpu.memory_space<vmem>>[vector<16xi32>], vector<16xi32>,
        %scan3A_502 = arith.constant 3 : i32
        %scan3A_503 = arith.addi %scan3A_460, %scan3A_502 : i32
        %mul3A_504 = arith.constant 16 : i32
        %mul3A_505 = arith.muli %scan3A_503, %mul3A_504 : i32
        %get3A_506 = arith.index_cast %mul3A_505 : i32 to index
        %get3A_507 = tpu.vector_load %arg11[%get3A_506] {strides = array<i32>} : memref<4096xi32, #tpu.memory_space<vmem>>, vector<16xi32>,
        %shift_right_arithmetic3A_508 = arith.constant 10 : i32
        %shift_right_arithmetic3A_509 = vector.broadcast %shift_right_arithmetic3A_508 : i32 to vector<16xi32>
        %shift_right_arithmetic3A_510 = arith.shrsi %get3A_507, %shift_right_arithmetic3A_509 : vector<16xi32>
        %and3A_511 = arith.constant 31 : i32
        %and3A_512 = vector.broadcast %and3A_511 : i32 to vector<16xi32>
        %and3A_513 = arith.andi %shift_right_arithmetic3A_510, %and3A_512 : vector<16xi32>
        %sub3A_514 = arith.constant 31 : i32
        %sub3A_515 = vector.broadcast %sub3A_514 : i32 to vector<16xi32>
        %sub3A_516 = arith.subi %sub3A_515, %and3A_513 : vector<16xi32>
        tpu.vector_store_idx %arg7[%sub3A_516], %broadcast_in_dim3A_1 {add = true} : memref<4096xi32, #tpu.memory_space<vmem>>[vector<16xi32>], vector<16xi32>,
        %scan3A_517 = arith.constant 4 : i32
        %scan3A_518 = arith.addi %scan3A_460, %scan3A_517 : i32
        %mul3A_519 = arith.constant 16 : i32
        %mul3A_520 = arith.muli %scan3A_518, %mul3A_519 : i32
        %get3A_521 = arith.index_cast %mul3A_520 : i32 to index
        %get3A_522 = tpu.vector_load %arg11[%get3A_521] {strides = array<i32>} : memref<4096xi32, #tpu.memory_space<vmem>>, vector<16xi32>,
        %shift_right_arithmetic3A_523 = arith.constant 10 : i32
        %shift_right_arithmetic3A_524 = vector.broadcast %shift_right_arithmetic3A_523 : i32 to vector<16xi32>
        %shift_right_arithmetic3A_525 = arith.shrsi %get3A_522, %shift_right_arithmetic3A_524 : vector<16xi32>
        %and3A_526 = arith.constant 31 : i32
        %and3A_527 = vector.broadcast %and3A_526 : i32 to vector<16xi32>
        %and3A_528 = arith.andi %shift_right_arithmetic3A_525, %and3A_527 : vector<16xi32>
        %sub3A_529 = arith.constant 31 : i32
        %sub3A_530 = vector.broadcast %sub3A_529 : i32 to vector<16xi32>
        %sub3A_531 = arith.subi %sub3A_530, %and3A_528 : vector<16xi32>
        tpu.vector_store_idx %arg7[%sub3A_531], %broadcast_in_dim3A_1 {add = true} : memref<4096xi32, #tpu.memory_space<vmem>>[vector<16xi32>], vector<16xi32>,
        %scan3A_532 = arith.constant 5 : i32
        %scan3A_533 = arith.addi %scan3A_460, %scan3A_532 : i32
        %mul3A_534 = arith.constant 16 : i32
        %mul3A_535 = arith.muli %scan3A_533, %mul3A_534 : i32
        %get3A_536 = arith.index_cast %mul3A_535 : i32 to index
        %get3A_537 = tpu.vector_load %arg11[%get3A_536] {strides = array<i32>} : memref<4096xi32, #tpu.memory_space<vmem>>, vector<16xi32>,
        %shift_right_arithmetic3A_538 = arith.constant 10 : i32
        %shift_right_arithmetic3A_539 = vector.broadcast %shift_right_arithmetic3A_538 : i32 to vector<16xi32>
        %shift_right_arithmetic3A_540 = arith.shrsi %get3A_537, %shift_right_arithmetic3A_539 : vector<16xi32>
        %and3A_541 = arith.constant 31 : i32
        %and3A_542 = vector.broadcast %and3A_541 : i32 to vector<16xi32>
        %and3A_543 = arith.andi %shift_right_arithmetic3A_540, %and3A_542 : vector<16xi32>
        %sub3A_544 = arith.constant 31 : i32
        %sub3A_545 = vector.broadcast %sub3A_544 : i32 to vector<16xi32>
        %sub3A_546 = arith.subi %sub3A_545, %and3A_543 : vector<16xi32>
        tpu.vector_store_idx %arg7[%sub3A_546], %broadcast_in_dim3A_1 {add = true} : memref<4096xi32, #tpu.memory_space<vmem>>[vector<16xi32>], vector<16xi32>,
        %scan3A_547 = arith.constant 6 : i32
        %scan3A_548 = arith.addi %scan3A_460, %scan3A_547 : i32
        %mul3A_549 = arith.constant 16 : i32
        %mul3A_550 = arith.muli %scan3A_548, %mul3A_549 : i32
        %get3A_551 = arith.index_cast %mul3A_550 : i32 to index
        %get3A_552 = tpu.vector_load %arg11[%get3A_551] {strides = array<i32>} : memref<4096xi32, #tpu.memory_space<vmem>>, vector<16xi32>,
        %shift_right_arithmetic3A_553 = arith.constant 10 : i32
        %shift_right_arithmetic3A_554 = vector.broadcast %shift_right_arithmetic3A_553 : i32 to vector<16xi32>
        %shift_right_arithmetic3A_555 = arith.shrsi %get3A_552, %shift_right_arithmetic3A_554 : vector<16xi32>
        %and3A_556 = arith.constant 31 : i32
        %and3A_557 = vector.broadcast %and3A_556 : i32 to vector<16xi32>
        %and3A_558 = arith.andi %shift_right_arithmetic3A_555, %and3A_557 : vector<16xi32>
        %sub3A_559 = arith.constant 31 : i32
        %sub3A_560 = vector.broadcast %sub3A_559 : i32 to vector<16xi32>
        %sub3A_561 = arith.subi %sub3A_560, %and3A_558 : vector<16xi32>
        tpu.vector_store_idx %arg7[%sub3A_561], %broadcast_in_dim3A_1 {add = true} : memref<4096xi32, #tpu.memory_space<vmem>>[vector<16xi32>], vector<16xi32>,
        %scan3A_562 = arith.constant 7 : i32
        %scan3A_563 = arith.addi %scan3A_460, %scan3A_562 : i32
        %mul3A_564 = arith.constant 16 : i32
        %mul3A_565 = arith.muli %scan3A_563, %mul3A_564 : i32
        %get3A_566 = arith.index_cast %mul3A_565 : i32 to index
        %get3A_567 = tpu.vector_load %arg11[%get3A_566] {strides = array<i32>} : memref<4096xi32, #tpu.memory_space<vmem>>, vector<16xi32>,
        %shift_right_arithmetic3A_568 = arith.constant 10 : i32
        %shift_right_arithmetic3A_569 = vector.broadcast %shift_right_arithmetic3A_568 : i32 to vector<16xi32>
        %shift_right_arithmetic3A_570 = arith.shrsi %get3A_567, %shift_right_arithmetic3A_569 : vector<16xi32>
        %and3A_571 = arith.constant 31 : i32
        %and3A_572 = vector.broadcast %and3A_571 : i32 to vector<16xi32>
        %and3A_573 = arith.andi %shift_right_arithmetic3A_570, %and3A_572 : vector<16xi32>
        %sub3A_574 = arith.constant 31 : i32
        %sub3A_575 = vector.broadcast %sub3A_574 : i32 to vector<16xi32>
        %sub3A_576 = arith.subi %sub3A_575, %and3A_573 : vector<16xi32>
        tpu.vector_store_idx %arg7[%sub3A_576], %broadcast_in_dim3A_1 {add = true} : memref<4096xi32, #tpu.memory_space<vmem>>[vector<16xi32>], vector<16xi32>,
      }
      %scan3A_230 = arith.constant 256 : i32
      %get3A_231 = arith.constant 0 : index
      %get3A_232 = tpu.vector_load %arg7[%get3A_231] {strides = array<i32>} : memref<4096xi32, #tpu.memory_space<vmem>>, vector<16xi32>,
      %get3A_233 = arith.constant 16 : index
      %get3A_234 = tpu.vector_load %arg7[%get3A_233] {strides = array<i32>} : memref<4096xi32, #tpu.memory_space<vmem>>, vector<16xi32>,
      %broadcast_in_dim3A_235 = arith.constant true
      %broadcast_in_dim3A_236 = vector.broadcast %broadcast_in_dim3A_235 : i1 to vector<16xi1>
      %masked_cumsum3A_237 = tpu.scan <sum>, %get3A_232 masked %broadcast_in_dim3A_236 : vector<16xi32>, vector<16xi1> -> vector<16xi32>
      %broadcast_in_dim3A_238 = arith.constant true
      %broadcast_in_dim3A_239 = vector.broadcast %broadcast_in_dim3A_238 : i1 to vector<16xi1>
      %masked_cumsum3A_240 = tpu.scan <sum>, %get3A_234 masked %broadcast_in_dim3A_239 : vector<16xi32>, vector<16xi1> -> vector<16xi32>
      %reduce_max3A_241 = arith.constant true
      %reduce_max3A_242 = vector.broadcast %reduce_max3A_241 : i1 to vector<16xi1>
      %reduce_max3A_243 = arith.constant -2147483648 : i32
      %reduce_max3A_244 = vector.broadcast %reduce_max3A_243 : i32 to vector<16xi32>
      %reduce_max3A_245 = arith.xori %masked_cumsum3A_237, %reduce_max3A_244 : vector<16xi32>
      %reduce_max3A_246 = tpu.scan <max>, %reduce_max3A_245 masked %reduce_max3A_242 : vector<16xi32>, vector<16xi1> -> vector<16xi32>
      %reduce_max3A_247 = arith.xori %reduce_max3A_246, %reduce_max3A_244 : vector<16xi32>
      %reduce_max3A_248 = vector.extract %reduce_max3A_247[15] : i32 from vector<16xi32>
      %sub3A_249 = arith.subi %masked_cumsum3A_237, %get3A_232 : vector<16xi32>
      %swap3A_250 = arith.constant 0 : index
      %swap3A_251 = tpu.vector_load %arg7[%swap3A_250] {strides = array<i32>} : memref<4096xi32, #tpu.memory_space<vmem>>, vector<16xi32>,
      tpu.vector_store %arg7[%swap3A_250], %sub3A_249 {strides = array<i32>} : memref<4096xi32, #tpu.memory_space<vmem>>, vector<16xi32>,
      %sub3A_252 = arith.subi %masked_cumsum3A_240, %get3A_234 : vector<16xi32>
      %add3A_253 = vector.broadcast %reduce_max3A_248 : i32 to vector<16xi32>
      %add3A_254 = arith.addi %sub3A_252, %add3A_253 : vector<16xi32>
      %swap3A_255 = arith.constant 16 : index
      %swap3A_256 = tpu.vector_load %arg7[%swap3A_255] {strides = array<i32>} : memref<4096xi32, #tpu.memory_space<vmem>>, vector<16xi32>,
      tpu.vector_store %arg7[%swap3A_255], %add3A_254 {strides = array<i32>} : memref<4096xi32, #tpu.memory_space<vmem>>, vector<16xi32>,
      %scan3A_257 = arith.constant 0 : i32
      %scan3A_258 = arith.constant 0 : i32
      %scan3A_259 = arith.constant 256 : i32
      %scan3A_260 = arith.addi %scan3A_258, %scan3A_259 : i32
      %scan3A_261 = arith.constant 4 : i32
      scf.for %scan3A_460 = %scan3A_258 to %scan3A_260 step %scan3A_261  : i32 {
        %mul3A_461 = arith.constant 16 : i32
        %mul3A_462 = arith.muli %scan3A_460, %mul3A_461 : i32
        %get3A_463 = arith.index_cast %mul3A_462 : i32 to index
        %get3A_464 = tpu.vector_load %arg11[%get3A_463] {strides = array<i32>} : memref<4096xi32, #tpu.memory_space<vmem>>, vector<16xi32>,
        %mul3A_465 = arith.constant 16 : i32
        %mul3A_466 = arith.muli %scan3A_460, %mul3A_465 : i32
        %get3A_467 = arith.index_cast %mul3A_466 : i32 to index
        %get3A_468 = tpu.vector_load %arg9[%get3A_467] {strides = array<i32>} : memref<4096xi32, #tpu.memory_space<vmem>>, vector<16xi32>,
        %shift_right_arithmetic3A = arith.constant 10 : i32
        %shift_right_arithmetic3A_469 = vector.broadcast %shift_right_arithmetic3A : i32 to vector<16xi32>
        %shift_right_arithmetic3A_470 = arith.shrsi %get3A_464, %shift_right_arithmetic3A_469 : vector<16xi32>
        %and3A = arith.constant 31 : i32
        %and3A_471 = vector.broadcast %and3A : i32 to vector<16xi32>
        %and3A_472 = arith.andi %shift_right_arithmetic3A_470, %and3A_471 : vector<16xi32>
        %sub3A_473 = arith.constant 31 : i32
        %sub3A_474 = vector.broadcast %sub3A_473 : i32 to vector<16xi32>
        %sub3A_475 = arith.subi %sub3A_474, %and3A_472 : vector<16xi32>
        %broadcast_in_dim3A_476 = arith.constant true
        %broadcast_in_dim3A_477 = vector.broadcast %broadcast_in_dim3A_476 : i1 to vector<16xi1>
        %unique3A, %unique3A_478 = tpu.scan_count mask(%broadcast_in_dim3A_477 : vector<16xi1>) value(%sub3A_475 : vector<16xi32>) : vector<16xi1>, vector<16xi32>
        %sub3A_479 = arith.constant 1 : i32
        %sub3A_480 = vector.broadcast %sub3A_479 : i32 to vector<16xi32>
        %sub3A_481 = arith.subi %unique3A_478, %sub3A_480 : vector<16xi32>
        %gather3A = tpu.vector_load_idx %arg7[%sub3A_475] : memref<4096xi32, #tpu.memory_space<vmem>>[vector<16xi32>], vector<16xi32>,
        %add3A_482 = arith.addi %gather3A, %sub3A_481 : vector<16xi32>
        tpu.vector_store_idx %arg12[%add3A_482], %get3A_464 : memref<4096xi32, #tpu.memory_space<vmem>>[vector<16xi32>], vector<16xi32>,
        tpu.vector_store_idx %arg13[%add3A_482], %get3A_468 : memref<4096xi32, #tpu.memory_space<vmem>>[vector<16xi32>], vector<16xi32>,
        tpu.vector_store_idx %arg7[%sub3A_475], %broadcast_in_dim3A_1 {add = true} : memref<4096xi32, #tpu.memory_space<vmem>>[vector<16xi32>], vector<16xi32>,
        %scan3A_483 = arith.constant 1 : i32
        %scan3A_484 = arith.addi %scan3A_460, %scan3A_483 : i32
        %mul3A_485 = arith.constant 16 : i32
        %mul3A_486 = arith.muli %scan3A_484, %mul3A_485 : i32
        %get3A_487 = arith.index_cast %mul3A_486 : i32 to index
        %get3A_488 = tpu.vector_load %arg11[%get3A_487] {strides = array<i32>} : memref<4096xi32, #tpu.memory_space<vmem>>, vector<16xi32>,
        %mul3A_489 = arith.constant 16 : i32
        %mul3A_490 = arith.muli %scan3A_484, %mul3A_489 : i32
        %get3A_491 = arith.index_cast %mul3A_490 : i32 to index
        %get3A_492 = tpu.vector_load %arg9[%get3A_491] {strides = array<i32>} : memref<4096xi32, #tpu.memory_space<vmem>>, vector<16xi32>,
        %shift_right_arithmetic3A_493 = arith.constant 10 : i32
        %shift_right_arithmetic3A_494 = vector.broadcast %shift_right_arithmetic3A_493 : i32 to vector<16xi32>
        %shift_right_arithmetic3A_495 = arith.shrsi %get3A_488, %shift_right_arithmetic3A_494 : vector<16xi32>
        %and3A_496 = arith.constant 31 : i32
        %and3A_497 = vector.broadcast %and3A_496 : i32 to vector<16xi32>
        %and3A_498 = arith.andi %shift_right_arithmetic3A_495, %and3A_497 : vector<16xi32>
        %sub3A_499 = arith.constant 31 : i32
        %sub3A_500 = vector.broadcast %sub3A_499 : i32 to vector<16xi32>
        %sub3A_501 = arith.subi %sub3A_500, %and3A_498 : vector<16xi32>
        %broadcast_in_dim3A_502 = arith.constant true
        %broadcast_in_dim3A_503 = vector.broadcast %broadcast_in_dim3A_502 : i1 to vector<16xi1>
        %unique3A_504, %unique3A_505 = tpu.scan_count mask(%broadcast_in_dim3A_503 : vector<16xi1>) value(%sub3A_501 : vector<16xi32>) : vector<16xi1>, vector<16xi32>
        %sub3A_506 = arith.constant 1 : i32
        %sub3A_507 = vector.broadcast %sub3A_506 : i32 to vector<16xi32>
        %sub3A_508 = arith.subi %unique3A_505, %sub3A_507 : vector<16xi32>
        %gather3A_509 = tpu.vector_load_idx %arg7[%sub3A_501] : memref<4096xi32, #tpu.memory_space<vmem>>[vector<16xi32>], vector<16xi32>,
        %add3A_510 = arith.addi %gather3A_509, %sub3A_508 : vector<16xi32>
        tpu.vector_store_idx %arg12[%add3A_510], %get3A_488 : memref<4096xi32, #tpu.memory_space<vmem>>[vector<16xi32>], vector<16xi32>,
        tpu.vector_store_idx %arg13[%add3A_510], %get3A_492 : memref<4096xi32, #tpu.memory_space<vmem>>[vector<16xi32>], vector<16xi32>,
        tpu.vector_store_idx %arg7[%sub3A_501], %broadcast_in_dim3A_1 {add = true} : memref<4096xi32, #tpu.memory_space<vmem>>[vector<16xi32>], vector<16xi32>,
        %scan3A_511 = arith.constant 2 : i32
        %scan3A_512 = arith.addi %scan3A_460, %scan3A_511 : i32
        %mul3A_513 = arith.constant 16 : i32
        %mul3A_514 = arith.muli %scan3A_512, %mul3A_513 : i32
        %get3A_515 = arith.index_cast %mul3A_514 : i32 to index
        %get3A_516 = tpu.vector_load %arg11[%get3A_515] {strides = array<i32>} : memref<4096xi32, #tpu.memory_space<vmem>>, vector<16xi32>,
        %mul3A_517 = arith.constant 16 : i32
        %mul3A_518 = arith.muli %scan3A_512, %mul3A_517 : i32
        %get3A_519 = arith.index_cast %mul3A_518 : i32 to index
        %get3A_520 = tpu.vector_load %arg9[%get3A_519] {strides = array<i32>} : memref<4096xi32, #tpu.memory_space<vmem>>, vector<16xi32>,
        %shift_right_arithmetic3A_521 = arith.constant 10 : i32
        %shift_right_arithmetic3A_522 = vector.broadcast %shift_right_arithmetic3A_521 : i32 to vector<16xi32>
        %shift_right_arithmetic3A_523 = arith.shrsi %get3A_516, %shift_right_arithmetic3A_522 : vector<16xi32>
        %and3A_524 = arith.constant 31 : i32
        %and3A_525 = vector.broadcast %and3A_524 : i32 to vector<16xi32>
        %and3A_526 = arith.andi %shift_right_arithmetic3A_523, %and3A_525 : vector<16xi32>
        %sub3A_527 = arith.constant 31 : i32
        %sub3A_528 = vector.broadcast %sub3A_527 : i32 to vector<16xi32>
        %sub3A_529 = arith.subi %sub3A_528, %and3A_526 : vector<16xi32>
        %broadcast_in_dim3A_530 = arith.constant true
        %broadcast_in_dim3A_531 = vector.broadcast %broadcast_in_dim3A_530 : i1 to vector<16xi1>
        %unique3A_532, %unique3A_533 = tpu.scan_count mask(%broadcast_in_dim3A_531 : vector<16xi1>) value(%sub3A_529 : vector<16xi32>) : vector<16xi1>, vector<16xi32>
        %sub3A_534 = arith.constant 1 : i32
        %sub3A_535 = vector.broadcast %sub3A_534 : i32 to vector<16xi32>
        %sub3A_536 = arith.subi %unique3A_533, %sub3A_535 : vector<16xi32>
        %gather3A_537 = tpu.vector_load_idx %arg7[%sub3A_529] : memref<4096xi32, #tpu.memory_space<vmem>>[vector<16xi32>], vector<16xi32>,
        %add3A_538 = arith.addi %gather3A_537, %sub3A_536 : vector<16xi32>
        tpu.vector_store_idx %arg12[%add3A_538], %get3A_516 : memref<4096xi32, #tpu.memory_space<vmem>>[vector<16xi32>], vector<16xi32>,
        tpu.vector_store_idx %arg13[%add3A_538], %get3A_520 : memref<4096xi32, #tpu.memory_space<vmem>>[vector<16xi32>], vector<16xi32>,
        tpu.vector_store_idx %arg7[%sub3A_529], %broadcast_in_dim3A_1 {add = true} : memref<4096xi32, #tpu.memory_space<vmem>>[vector<16xi32>], vector<16xi32>,
        %scan3A_539 = arith.constant 3 : i32
        %scan3A_540 = arith.addi %scan3A_460, %scan3A_539 : i32
        %mul3A_541 = arith.constant 16 : i32
        %mul3A_542 = arith.muli %scan3A_540, %mul3A_541 : i32
        %get3A_543 = arith.index_cast %mul3A_542 : i32 to index
        %get3A_544 = tpu.vector_load %arg11[%get3A_543] {strides = array<i32>} : memref<4096xi32, #tpu.memory_space<vmem>>, vector<16xi32>,
        %mul3A_545 = arith.constant 16 : i32
        %mul3A_546 = arith.muli %scan3A_540, %mul3A_545 : i32
        %get3A_547 = arith.index_cast %mul3A_546 : i32 to index
        %get3A_548 = tpu.vector_load %arg9[%get3A_547] {strides = array<i32>} : memref<4096xi32, #tpu.memory_space<vmem>>, vector<16xi32>,
        %shift_right_arithmetic3A_549 = arith.constant 10 : i32
        %shift_right_arithmetic3A_550 = vector.broadcast %shift_right_arithmetic3A_549 : i32 to vector<16xi32>
        %shift_right_arithmetic3A_551 = arith.shrsi %get3A_544, %shift_right_arithmetic3A_550 : vector<16xi32>
        %and3A_552 = arith.constant 31 : i32
        %and3A_553 = vector.broadcast %and3A_552 : i32 to vector<16xi32>
        %and3A_554 = arith.andi %shift_right_arithmetic3A_551, %and3A_553 : vector<16xi32>
        %sub3A_555 = arith.constant 31 : i32
        %sub3A_556 = vector.broadcast %sub3A_555 : i32 to vector<16xi32>
        %sub3A_557 = arith.subi %sub3A_556, %and3A_554 : vector<16xi32>
        %broadcast_in_dim3A_558 = arith.constant true
        %broadcast_in_dim3A_559 = vector.broadcast %broadcast_in_dim3A_558 : i1 to vector<16xi1>
        %unique3A_560, %unique3A_561 = tpu.scan_count mask(%broadcast_in_dim3A_559 : vector<16xi1>) value(%sub3A_557 : vector<16xi32>) : vector<16xi1>, vector<16xi32>
        %sub3A_562 = arith.constant 1 : i32
        %sub3A_563 = vector.broadcast %sub3A_562 : i32 to vector<16xi32>
        %sub3A_564 = arith.subi %unique3A_561, %sub3A_563 : vector<16xi32>
        %gather3A_565 = tpu.vector_load_idx %arg7[%sub3A_557] : memref<4096xi32, #tpu.memory_space<vmem>>[vector<16xi32>], vector<16xi32>,
        %add3A_566 = arith.addi %gather3A_565, %sub3A_564 : vector<16xi32>
        tpu.vector_store_idx %arg12[%add3A_566], %get3A_544 : memref<4096xi32, #tpu.memory_space<vmem>>[vector<16xi32>], vector<16xi32>,
        tpu.vector_store_idx %arg13[%add3A_566], %get3A_548 : memref<4096xi32, #tpu.memory_space<vmem>>[vector<16xi32>], vector<16xi32>,
        tpu.vector_store_idx %arg7[%sub3A_557], %broadcast_in_dim3A_1 {add = true} : memref<4096xi32, #tpu.memory_space<vmem>>[vector<16xi32>], vector<16xi32>,
      }
      %scan3A_262 = arith.constant 256 : i32
      %broadcast_in_dim3A_263 = arith.constant 0 : i32
      %broadcast_in_dim3A_264 = vector.broadcast %broadcast_in_dim3A_263 : i32 to vector<16xi32>
      %swap3A_265 = arith.constant 0 : index
      %swap3A_266 = tpu.vector_load %arg7[%swap3A_265] {strides = array<i32>} : memref<4096xi32, #tpu.memory_space<vmem>>, vector<16xi32>,
      tpu.vector_store %arg7[%swap3A_265], %broadcast_in_dim3A_264 {strides = array<i32>} : memref<4096xi32, #tpu.memory_space<vmem>>, vector<16xi32>,
      %broadcast_in_dim3A_267 = arith.constant 0 : i32
      %broadcast_in_dim3A_268 = vector.broadcast %broadcast_in_dim3A_267 : i32 to vector<16xi32>
      %swap3A_269 = arith.constant 16 : index
      %swap3A_270 = tpu.vector_load %arg7[%swap3A_269] {strides = array<i32>} : memref<4096xi32, #tpu.memory_space<vmem>>, vector<16xi32>,
      tpu.vector_store %arg7[%swap3A_269], %broadcast_in_dim3A_268 {strides = array<i32>} : memref<4096xi32, #tpu.memory_space<vmem>>, vector<16xi32>,
      %scan3A_271 = arith.constant 0 : i32
      %scan3A_272 = arith.constant 0 : i32
      %scan3A_273 = arith.constant 256 : i32
      %scan3A_274 = arith.addi %scan3A_272, %scan3A_273 : i32
      %scan3A_275 = arith.constant 8 : i32
      scf.for %scan3A_460 = %scan3A_272 to %scan3A_274 step %scan3A_275  : i32 {
        %mul3A_461 = arith.constant 16 : i32
        %mul3A_462 = arith.muli %scan3A_460, %mul3A_461 : i32
        %get3A_463 = arith.index_cast %mul3A_462 : i32 to index
        %get3A_464 = tpu.vector_load %arg12[%get3A_463] {strides = array<i32>} : memref<4096xi32, #tpu.memory_space<vmem>>, vector<16xi32>,
        %shift_right_arithmetic3A = arith.constant 15 : i32
        %shift_right_arithmetic3A_465 = vector.broadcast %shift_right_arithmetic3A : i32 to vector<16xi32>
        %shift_right_arithmetic3A_466 = arith.shrsi %get3A_464, %shift_right_arithmetic3A_465 : vector<16xi32>
        %and3A = arith.constant 31 : i32
        %and3A_467 = vector.broadcast %and3A : i32 to vector<16xi32>
        %and3A_468 = arith.andi %shift_right_arithmetic3A_466, %and3A_467 : vector<16xi32>
        %sub3A_469 = arith.constant 31 : i32
        %sub3A_470 = vector.broadcast %sub3A_469 : i32 to vector<16xi32>
        %sub3A_471 = arith.subi %sub3A_470, %and3A_468 : vector<16xi32>
        tpu.vector_store_idx %arg7[%sub3A_471], %broadcast_in_dim3A_1 {add = true} : memref<4096xi32, #tpu.memory_space<vmem>>[vector<16xi32>], vector<16xi32>,
        %scan3A_472 = arith.constant 1 : i32
        %scan3A_473 = arith.addi %scan3A_460, %scan3A_472 : i32
        %mul3A_474 = arith.constant 16 : i32
        %mul3A_475 = arith.muli %scan3A_473, %mul3A_474 : i32
        %get3A_476 = arith.index_cast %mul3A_475 : i32 to index
        %get3A_477 = tpu.vector_load %arg12[%get3A_476] {strides = array<i32>} : memref<4096xi32, #tpu.memory_space<vmem>>, vector<16xi32>,
        %shift_right_arithmetic3A_478 = arith.constant 15 : i32
        %shift_right_arithmetic3A_479 = vector.broadcast %shift_right_arithmetic3A_478 : i32 to vector<16xi32>
        %shift_right_arithmetic3A_480 = arith.shrsi %get3A_477, %shift_right_arithmetic3A_479 : vector<16xi32>
        %and3A_481 = arith.constant 31 : i32
        %and3A_482 = vector.broadcast %and3A_481 : i32 to vector<16xi32>
        %and3A_483 = arith.andi %shift_right_arithmetic3A_480, %and3A_482 : vector<16xi32>
        %sub3A_484 = arith.constant 31 : i32
        %sub3A_485 = vector.broadcast %sub3A_484 : i32 to vector<16xi32>
        %sub3A_486 = arith.subi %sub3A_485, %and3A_483 : vector<16xi32>
        tpu.vector_store_idx %arg7[%sub3A_486], %broadcast_in_dim3A_1 {add = true} : memref<4096xi32, #tpu.memory_space<vmem>>[vector<16xi32>], vector<16xi32>,
        %scan3A_487 = arith.constant 2 : i32
        %scan3A_488 = arith.addi %scan3A_460, %scan3A_487 : i32
        %mul3A_489 = arith.constant 16 : i32
        %mul3A_490 = arith.muli %scan3A_488, %mul3A_489 : i32
        %get3A_491 = arith.index_cast %mul3A_490 : i32 to index
        %get3A_492 = tpu.vector_load %arg12[%get3A_491] {strides = array<i32>} : memref<4096xi32, #tpu.memory_space<vmem>>, vector<16xi32>,
        %shift_right_arithmetic3A_493 = arith.constant 15 : i32
        %shift_right_arithmetic3A_494 = vector.broadcast %shift_right_arithmetic3A_493 : i32 to vector<16xi32>
        %shift_right_arithmetic3A_495 = arith.shrsi %get3A_492, %shift_right_arithmetic3A_494 : vector<16xi32>
        %and3A_496 = arith.constant 31 : i32
        %and3A_497 = vector.broadcast %and3A_496 : i32 to vector<16xi32>
        %and3A_498 = arith.andi %shift_right_arithmetic3A_495, %and3A_497 : vector<16xi32>
        %sub3A_499 = arith.constant 31 : i32
        %sub3A_500 = vector.broadcast %sub3A_499 : i32 to vector<16xi32>
        %sub3A_501 = arith.subi %sub3A_500, %and3A_498 : vector<16xi32>
        tpu.vector_store_idx %arg7[%sub3A_501], %broadcast_in_dim3A_1 {add = true} : memref<4096xi32, #tpu.memory_space<vmem>>[vector<16xi32>], vector<16xi32>,
        %scan3A_502 = arith.constant 3 : i32
        %scan3A_503 = arith.addi %scan3A_460, %scan3A_502 : i32
        %mul3A_504 = arith.constant 16 : i32
        %mul3A_505 = arith.muli %scan3A_503, %mul3A_504 : i32
        %get3A_506 = arith.index_cast %mul3A_505 : i32 to index
        %get3A_507 = tpu.vector_load %arg12[%get3A_506] {strides = array<i32>} : memref<4096xi32, #tpu.memory_space<vmem>>, vector<16xi32>,
        %shift_right_arithmetic3A_508 = arith.constant 15 : i32
        %shift_right_arithmetic3A_509 = vector.broadcast %shift_right_arithmetic3A_508 : i32 to vector<16xi32>
        %shift_right_arithmetic3A_510 = arith.shrsi %get3A_507, %shift_right_arithmetic3A_509 : vector<16xi32>
        %and3A_511 = arith.constant 31 : i32
        %and3A_512 = vector.broadcast %and3A_511 : i32 to vector<16xi32>
        %and3A_513 = arith.andi %shift_right_arithmetic3A_510, %and3A_512 : vector<16xi32>
        %sub3A_514 = arith.constant 31 : i32
        %sub3A_515 = vector.broadcast %sub3A_514 : i32 to vector<16xi32>
        %sub3A_516 = arith.subi %sub3A_515, %and3A_513 : vector<16xi32>
        tpu.vector_store_idx %arg7[%sub3A_516], %broadcast_in_dim3A_1 {add = true} : memref<4096xi32, #tpu.memory_space<vmem>>[vector<16xi32>], vector<16xi32>,
        %scan3A_517 = arith.constant 4 : i32
        %scan3A_518 = arith.addi %scan3A_460, %scan3A_517 : i32
        %mul3A_519 = arith.constant 16 : i32
        %mul3A_520 = arith.muli %scan3A_518, %mul3A_519 : i32
        %get3A_521 = arith.index_cast %mul3A_520 : i32 to index
        %get3A_522 = tpu.vector_load %arg12[%get3A_521] {strides = array<i32>} : memref<4096xi32, #tpu.memory_space<vmem>>, vector<16xi32>,
        %shift_right_arithmetic3A_523 = arith.constant 15 : i32
        %shift_right_arithmetic3A_524 = vector.broadcast %shift_right_arithmetic3A_523 : i32 to vector<16xi32>
        %shift_right_arithmetic3A_525 = arith.shrsi %get3A_522, %shift_right_arithmetic3A_524 : vector<16xi32>
        %and3A_526 = arith.constant 31 : i32
        %and3A_527 = vector.broadcast %and3A_526 : i32 to vector<16xi32>
        %and3A_528 = arith.andi %shift_right_arithmetic3A_525, %and3A_527 : vector<16xi32>
        %sub3A_529 = arith.constant 31 : i32
        %sub3A_530 = vector.broadcast %sub3A_529 : i32 to vector<16xi32>
        %sub3A_531 = arith.subi %sub3A_530, %and3A_528 : vector<16xi32>
        tpu.vector_store_idx %arg7[%sub3A_531], %broadcast_in_dim3A_1 {add = true} : memref<4096xi32, #tpu.memory_space<vmem>>[vector<16xi32>], vector<16xi32>,
        %scan3A_532 = arith.constant 5 : i32
        %scan3A_533 = arith.addi %scan3A_460, %scan3A_532 : i32
        %mul3A_534 = arith.constant 16 : i32
        %mul3A_535 = arith.muli %scan3A_533, %mul3A_534 : i32
        %get3A_536 = arith.index_cast %mul3A_535 : i32 to index
        %get3A_537 = tpu.vector_load %arg12[%get3A_536] {strides = array<i32>} : memref<4096xi32, #tpu.memory_space<vmem>>, vector<16xi32>,
        %shift_right_arithmetic3A_538 = arith.constant 15 : i32
        %shift_right_arithmetic3A_539 = vector.broadcast %shift_right_arithmetic3A_538 : i32 to vector<16xi32>
        %shift_right_arithmetic3A_540 = arith.shrsi %get3A_537, %shift_right_arithmetic3A_539 : vector<16xi32>
        %and3A_541 = arith.constant 31 : i32
        %and3A_542 = vector.broadcast %and3A_541 : i32 to vector<16xi32>
        %and3A_543 = arith.andi %shift_right_arithmetic3A_540, %and3A_542 : vector<16xi32>
        %sub3A_544 = arith.constant 31 : i32
        %sub3A_545 = vector.broadcast %sub3A_544 : i32 to vector<16xi32>
        %sub3A_546 = arith.subi %sub3A_545, %and3A_543 : vector<16xi32>
        tpu.vector_store_idx %arg7[%sub3A_546], %broadcast_in_dim3A_1 {add = true} : memref<4096xi32, #tpu.memory_space<vmem>>[vector<16xi32>], vector<16xi32>,
        %scan3A_547 = arith.constant 6 : i32
        %scan3A_548 = arith.addi %scan3A_460, %scan3A_547 : i32
        %mul3A_549 = arith.constant 16 : i32
        %mul3A_550 = arith.muli %scan3A_548, %mul3A_549 : i32
        %get3A_551 = arith.index_cast %mul3A_550 : i32 to index
        %get3A_552 = tpu.vector_load %arg12[%get3A_551] {strides = array<i32>} : memref<4096xi32, #tpu.memory_space<vmem>>, vector<16xi32>,
        %shift_right_arithmetic3A_553 = arith.constant 15 : i32
        %shift_right_arithmetic3A_554 = vector.broadcast %shift_right_arithmetic3A_553 : i32 to vector<16xi32>
        %shift_right_arithmetic3A_555 = arith.shrsi %get3A_552, %shift_right_arithmetic3A_554 : vector<16xi32>
        %and3A_556 = arith.constant 31 : i32
        %and3A_557 = vector.broadcast %and3A_556 : i32 to vector<16xi32>
        %and3A_558 = arith.andi %shift_right_arithmetic3A_555, %and3A_557 : vector<16xi32>
        %sub3A_559 = arith.constant 31 : i32
        %sub3A_560 = vector.broadcast %sub3A_559 : i32 to vector<16xi32>
        %sub3A_561 = arith.subi %sub3A_560, %and3A_558 : vector<16xi32>
        tpu.vector_store_idx %arg7[%sub3A_561], %broadcast_in_dim3A_1 {add = true} : memref<4096xi32, #tpu.memory_space<vmem>>[vector<16xi32>], vector<16xi32>,
        %scan3A_562 = arith.constant 7 : i32
        %scan3A_563 = arith.addi %scan3A_460, %scan3A_562 : i32
        %mul3A_564 = arith.constant 16 : i32
        %mul3A_565 = arith.muli %scan3A_563, %mul3A_564 : i32
        %get3A_566 = arith.index_cast %mul3A_565 : i32 to index
        %get3A_567 = tpu.vector_load %arg12[%get3A_566] {strides = array<i32>} : memref<4096xi32, #tpu.memory_space<vmem>>, vector<16xi32>,
        %shift_right_arithmetic3A_568 = arith.constant 15 : i32
        %shift_right_arithmetic3A_569 = vector.broadcast %shift_right_arithmetic3A_568 : i32 to vector<16xi32>
        %shift_right_arithmetic3A_570 = arith.shrsi %get3A_567, %shift_right_arithmetic3A_569 : vector<16xi32>
        %and3A_571 = arith.constant 31 : i32
        %and3A_572 = vector.broadcast %and3A_571 : i32 to vector<16xi32>
        %and3A_573 = arith.andi %shift_right_arithmetic3A_570, %and3A_572 : vector<16xi32>
        %sub3A_574 = arith.constant 31 : i32
        %sub3A_575 = vector.broadcast %sub3A_574 : i32 to vector<16xi32>
        %sub3A_576 = arith.subi %sub3A_575, %and3A_573 : vector<16xi32>
        tpu.vector_store_idx %arg7[%sub3A_576], %broadcast_in_dim3A_1 {add = true} : memref<4096xi32, #tpu.memory_space<vmem>>[vector<16xi32>], vector<16xi32>,
      }
      %scan3A_276 = arith.constant 256 : i32
      %get3A_277 = arith.constant 0 : index
      %get3A_278 = tpu.vector_load %arg7[%get3A_277] {strides = array<i32>} : memref<4096xi32, #tpu.memory_space<vmem>>, vector<16xi32>,
      %get3A_279 = arith.constant 16 : index
      %get3A_280 = tpu.vector_load %arg7[%get3A_279] {strides = array<i32>} : memref<4096xi32, #tpu.memory_space<vmem>>, vector<16xi32>,
      %broadcast_in_dim3A_281 = arith.constant true
      %broadcast_in_dim3A_282 = vector.broadcast %broadcast_in_dim3A_281 : i1 to vector<16xi1>
      %masked_cumsum3A_283 = tpu.scan <sum>, %get3A_278 masked %broadcast_in_dim3A_282 : vector<16xi32>, vector<16xi1> -> vector<16xi32>
      %broadcast_in_dim3A_284 = arith.constant true
      %broadcast_in_dim3A_285 = vector.broadcast %broadcast_in_dim3A_284 : i1 to vector<16xi1>
      %masked_cumsum3A_286 = tpu.scan <sum>, %get3A_280 masked %broadcast_in_dim3A_285 : vector<16xi32>, vector<16xi1> -> vector<16xi32>
      %reduce_max3A_287 = arith.constant true
      %reduce_max3A_288 = vector.broadcast %reduce_max3A_287 : i1 to vector<16xi1>
      %reduce_max3A_289 = arith.constant -2147483648 : i32
      %reduce_max3A_290 = vector.broadcast %reduce_max3A_289 : i32 to vector<16xi32>
      %reduce_max3A_291 = arith.xori %masked_cumsum3A_283, %reduce_max3A_290 : vector<16xi32>
      %reduce_max3A_292 = tpu.scan <max>, %reduce_max3A_291 masked %reduce_max3A_288 : vector<16xi32>, vector<16xi1> -> vector<16xi32>
      %reduce_max3A_293 = arith.xori %reduce_max3A_292, %reduce_max3A_290 : vector<16xi32>
      %reduce_max3A_294 = vector.extract %reduce_max3A_293[15] : i32 from vector<16xi32>
      %sub3A_295 = arith.subi %masked_cumsum3A_283, %get3A_278 : vector<16xi32>
      %swap3A_296 = arith.constant 0 : index
      %swap3A_297 = tpu.vector_load %arg7[%swap3A_296] {strides = array<i32>} : memref<4096xi32, #tpu.memory_space<vmem>>, vector<16xi32>,
      tpu.vector_store %arg7[%swap3A_296], %sub3A_295 {strides = array<i32>} : memref<4096xi32, #tpu.memory_space<vmem>>, vector<16xi32>,
      %sub3A_298 = arith.subi %masked_cumsum3A_286, %get3A_280 : vector<16xi32>
      %add3A_299 = vector.broadcast %reduce_max3A_294 : i32 to vector<16xi32>
      %add3A_300 = arith.addi %sub3A_298, %add3A_299 : vector<16xi32>
      %swap3A_301 = arith.constant 16 : index
      %swap3A_302 = tpu.vector_load %arg7[%swap3A_301] {strides = array<i32>} : memref<4096xi32, #tpu.memory_space<vmem>>, vector<16xi32>,
      tpu.vector_store %arg7[%swap3A_301], %add3A_300 {strides = array<i32>} : memref<4096xi32, #tpu.memory_space<vmem>>, vector<16xi32>,
      %scan3A_303 = arith.constant 0 : i32
      %scan3A_304 = arith.constant 0 : i32
      %scan3A_305 = arith.constant 256 : i32
      %scan3A_306 = arith.addi %scan3A_304, %scan3A_305 : i32
      %scan3A_307 = arith.constant 4 : i32
      scf.for %scan3A_460 = %scan3A_304 to %scan3A_306 step %scan3A_307  : i32 {
        %mul3A_461 = arith.constant 16 : i32
        %mul3A_462 = arith.muli %scan3A_460, %mul3A_461 : i32
        %get3A_463 = arith.index_cast %mul3A_462 : i32 to index
        %get3A_464 = tpu.vector_load %arg12[%get3A_463] {strides = array<i32>} : memref<4096xi32, #tpu.memory_space<vmem>>, vector<16xi32>,
        %mul3A_465 = arith.constant 16 : i32
        %mul3A_466 = arith.muli %scan3A_460, %mul3A_465 : i32
        %get3A_467 = arith.index_cast %mul3A_466 : i32 to index
        %get3A_468 = tpu.vector_load %arg13[%get3A_467] {strides = array<i32>} : memref<4096xi32, #tpu.memory_space<vmem>>, vector<16xi32>,
        %shift_right_arithmetic3A = arith.constant 15 : i32
        %shift_right_arithmetic3A_469 = vector.broadcast %shift_right_arithmetic3A : i32 to vector<16xi32>
        %shift_right_arithmetic3A_470 = arith.shrsi %get3A_464, %shift_right_arithmetic3A_469 : vector<16xi32>
        %and3A = arith.constant 31 : i32
        %and3A_471 = vector.broadcast %and3A : i32 to vector<16xi32>
        %and3A_472 = arith.andi %shift_right_arithmetic3A_470, %and3A_471 : vector<16xi32>
        %sub3A_473 = arith.constant 31 : i32
        %sub3A_474 = vector.broadcast %sub3A_473 : i32 to vector<16xi32>
        %sub3A_475 = arith.subi %sub3A_474, %and3A_472 : vector<16xi32>
        %broadcast_in_dim3A_476 = arith.constant true
        %broadcast_in_dim3A_477 = vector.broadcast %broadcast_in_dim3A_476 : i1 to vector<16xi1>
        %unique3A, %unique3A_478 = tpu.scan_count mask(%broadcast_in_dim3A_477 : vector<16xi1>) value(%sub3A_475 : vector<16xi32>) : vector<16xi1>, vector<16xi32>
        %sub3A_479 = arith.constant 1 : i32
        %sub3A_480 = vector.broadcast %sub3A_479 : i32 to vector<16xi32>
        %sub3A_481 = arith.subi %unique3A_478, %sub3A_480 : vector<16xi32>
        %gather3A = tpu.vector_load_idx %arg7[%sub3A_475] : memref<4096xi32, #tpu.memory_space<vmem>>[vector<16xi32>], vector<16xi32>,
        %add3A_482 = arith.addi %gather3A, %sub3A_481 : vector<16xi32>
        tpu.vector_store_idx %arg11[%add3A_482], %get3A_464 : memref<4096xi32, #tpu.memory_space<vmem>>[vector<16xi32>], vector<16xi32>,
        tpu.vector_store_idx %arg9[%add3A_482], %get3A_468 : memref<4096xi32, #tpu.memory_space<vmem>>[vector<16xi32>], vector<16xi32>,
        tpu.vector_store_idx %arg7[%sub3A_475], %broadcast_in_dim3A_1 {add = true} : memref<4096xi32, #tpu.memory_space<vmem>>[vector<16xi32>], vector<16xi32>,
        %scan3A_483 = arith.constant 1 : i32
        %scan3A_484 = arith.addi %scan3A_460, %scan3A_483 : i32
        %mul3A_485 = arith.constant 16 : i32
        %mul3A_486 = arith.muli %scan3A_484, %mul3A_485 : i32
        %get3A_487 = arith.index_cast %mul3A_486 : i32 to index
        %get3A_488 = tpu.vector_load %arg12[%get3A_487] {strides = array<i32>} : memref<4096xi32, #tpu.memory_space<vmem>>, vector<16xi32>,
        %mul3A_489 = arith.constant 16 : i32
        %mul3A_490 = arith.muli %scan3A_484, %mul3A_489 : i32
        %get3A_491 = arith.index_cast %mul3A_490 : i32 to index
        %get3A_492 = tpu.vector_load %arg13[%get3A_491] {strides = array<i32>} : memref<4096xi32, #tpu.memory_space<vmem>>, vector<16xi32>,
        %shift_right_arithmetic3A_493 = arith.constant 15 : i32
        %shift_right_arithmetic3A_494 = vector.broadcast %shift_right_arithmetic3A_493 : i32 to vector<16xi32>
        %shift_right_arithmetic3A_495 = arith.shrsi %get3A_488, %shift_right_arithmetic3A_494 : vector<16xi32>
        %and3A_496 = arith.constant 31 : i32
        %and3A_497 = vector.broadcast %and3A_496 : i32 to vector<16xi32>
        %and3A_498 = arith.andi %shift_right_arithmetic3A_495, %and3A_497 : vector<16xi32>
        %sub3A_499 = arith.constant 31 : i32
        %sub3A_500 = vector.broadcast %sub3A_499 : i32 to vector<16xi32>
        %sub3A_501 = arith.subi %sub3A_500, %and3A_498 : vector<16xi32>
        %broadcast_in_dim3A_502 = arith.constant true
        %broadcast_in_dim3A_503 = vector.broadcast %broadcast_in_dim3A_502 : i1 to vector<16xi1>
        %unique3A_504, %unique3A_505 = tpu.scan_count mask(%broadcast_in_dim3A_503 : vector<16xi1>) value(%sub3A_501 : vector<16xi32>) : vector<16xi1>, vector<16xi32>
        %sub3A_506 = arith.constant 1 : i32
        %sub3A_507 = vector.broadcast %sub3A_506 : i32 to vector<16xi32>
        %sub3A_508 = arith.subi %unique3A_505, %sub3A_507 : vector<16xi32>
        %gather3A_509 = tpu.vector_load_idx %arg7[%sub3A_501] : memref<4096xi32, #tpu.memory_space<vmem>>[vector<16xi32>], vector<16xi32>,
        %add3A_510 = arith.addi %gather3A_509, %sub3A_508 : vector<16xi32>
        tpu.vector_store_idx %arg11[%add3A_510], %get3A_488 : memref<4096xi32, #tpu.memory_space<vmem>>[vector<16xi32>], vector<16xi32>,
        tpu.vector_store_idx %arg9[%add3A_510], %get3A_492 : memref<4096xi32, #tpu.memory_space<vmem>>[vector<16xi32>], vector<16xi32>,
        tpu.vector_store_idx %arg7[%sub3A_501], %broadcast_in_dim3A_1 {add = true} : memref<4096xi32, #tpu.memory_space<vmem>>[vector<16xi32>], vector<16xi32>,
        %scan3A_511 = arith.constant 2 : i32
        %scan3A_512 = arith.addi %scan3A_460, %scan3A_511 : i32
        %mul3A_513 = arith.constant 16 : i32
        %mul3A_514 = arith.muli %scan3A_512, %mul3A_513 : i32
        %get3A_515 = arith.index_cast %mul3A_514 : i32 to index
        %get3A_516 = tpu.vector_load %arg12[%get3A_515] {strides = array<i32>} : memref<4096xi32, #tpu.memory_space<vmem>>, vector<16xi32>,
        %mul3A_517 = arith.constant 16 : i32
        %mul3A_518 = arith.muli %scan3A_512, %mul3A_517 : i32
        %get3A_519 = arith.index_cast %mul3A_518 : i32 to index
        %get3A_520 = tpu.vector_load %arg13[%get3A_519] {strides = array<i32>} : memref<4096xi32, #tpu.memory_space<vmem>>, vector<16xi32>,
        %shift_right_arithmetic3A_521 = arith.constant 15 : i32
        %shift_right_arithmetic3A_522 = vector.broadcast %shift_right_arithmetic3A_521 : i32 to vector<16xi32>
        %shift_right_arithmetic3A_523 = arith.shrsi %get3A_516, %shift_right_arithmetic3A_522 : vector<16xi32>
        %and3A_524 = arith.constant 31 : i32
        %and3A_525 = vector.broadcast %and3A_524 : i32 to vector<16xi32>
        %and3A_526 = arith.andi %shift_right_arithmetic3A_523, %and3A_525 : vector<16xi32>
        %sub3A_527 = arith.constant 31 : i32
        %sub3A_528 = vector.broadcast %sub3A_527 : i32 to vector<16xi32>
        %sub3A_529 = arith.subi %sub3A_528, %and3A_526 : vector<16xi32>
        %broadcast_in_dim3A_530 = arith.constant true
        %broadcast_in_dim3A_531 = vector.broadcast %broadcast_in_dim3A_530 : i1 to vector<16xi1>
        %unique3A_532, %unique3A_533 = tpu.scan_count mask(%broadcast_in_dim3A_531 : vector<16xi1>) value(%sub3A_529 : vector<16xi32>) : vector<16xi1>, vector<16xi32>
        %sub3A_534 = arith.constant 1 : i32
        %sub3A_535 = vector.broadcast %sub3A_534 : i32 to vector<16xi32>
        %sub3A_536 = arith.subi %unique3A_533, %sub3A_535 : vector<16xi32>
        %gather3A_537 = tpu.vector_load_idx %arg7[%sub3A_529] : memref<4096xi32, #tpu.memory_space<vmem>>[vector<16xi32>], vector<16xi32>,
        %add3A_538 = arith.addi %gather3A_537, %sub3A_536 : vector<16xi32>
        tpu.vector_store_idx %arg11[%add3A_538], %get3A_516 : memref<4096xi32, #tpu.memory_space<vmem>>[vector<16xi32>], vector<16xi32>,
        tpu.vector_store_idx %arg9[%add3A_538], %get3A_520 : memref<4096xi32, #tpu.memory_space<vmem>>[vector<16xi32>], vector<16xi32>,
        tpu.vector_store_idx %arg7[%sub3A_529], %broadcast_in_dim3A_1 {add = true} : memref<4096xi32, #tpu.memory_space<vmem>>[vector<16xi32>], vector<16xi32>,
        %scan3A_539 = arith.constant 3 : i32
        %scan3A_540 = arith.addi %scan3A_460, %scan3A_539 : i32
        %mul3A_541 = arith.constant 16 : i32
        %mul3A_542 = arith.muli %scan3A_540, %mul3A_541 : i32
        %get3A_543 = arith.index_cast %mul3A_542 : i32 to index
        %get3A_544 = tpu.vector_load %arg12[%get3A_543] {strides = array<i32>} : memref<4096xi32, #tpu.memory_space<vmem>>, vector<16xi32>,
        %mul3A_545 = arith.constant 16 : i32
        %mul3A_546 = arith.muli %scan3A_540, %mul3A_545 : i32
        %get3A_547 = arith.index_cast %mul3A_546 : i32 to index
        %get3A_548 = tpu.vector_load %arg13[%get3A_547] {strides = array<i32>} : memref<4096xi32, #tpu.memory_space<vmem>>, vector<16xi32>,
        %shift_right_arithmetic3A_549 = arith.constant 15 : i32
        %shift_right_arithmetic3A_550 = vector.broadcast %shift_right_arithmetic3A_549 : i32 to vector<16xi32>
        %shift_right_arithmetic3A_551 = arith.shrsi %get3A_544, %shift_right_arithmetic3A_550 : vector<16xi32>
        %and3A_552 = arith.constant 31 : i32
        %and3A_553 = vector.broadcast %and3A_552 : i32 to vector<16xi32>
        %and3A_554 = arith.andi %shift_right_arithmetic3A_551, %and3A_553 : vector<16xi32>
        %sub3A_555 = arith.constant 31 : i32
        %sub3A_556 = vector.broadcast %sub3A_555 : i32 to vector<16xi32>
        %sub3A_557 = arith.subi %sub3A_556, %and3A_554 : vector<16xi32>
        %broadcast_in_dim3A_558 = arith.constant true
        %broadcast_in_dim3A_559 = vector.broadcast %broadcast_in_dim3A_558 : i1 to vector<16xi1>
        %unique3A_560, %unique3A_561 = tpu.scan_count mask(%broadcast_in_dim3A_559 : vector<16xi1>) value(%sub3A_557 : vector<16xi32>) : vector<16xi1>, vector<16xi32>
        %sub3A_562 = arith.constant 1 : i32
        %sub3A_563 = vector.broadcast %sub3A_562 : i32 to vector<16xi32>
        %sub3A_564 = arith.subi %unique3A_561, %sub3A_563 : vector<16xi32>
        %gather3A_565 = tpu.vector_load_idx %arg7[%sub3A_557] : memref<4096xi32, #tpu.memory_space<vmem>>[vector<16xi32>], vector<16xi32>,
        %add3A_566 = arith.addi %gather3A_565, %sub3A_564 : vector<16xi32>
        tpu.vector_store_idx %arg11[%add3A_566], %get3A_544 : memref<4096xi32, #tpu.memory_space<vmem>>[vector<16xi32>], vector<16xi32>,
        tpu.vector_store_idx %arg9[%add3A_566], %get3A_548 : memref<4096xi32, #tpu.memory_space<vmem>>[vector<16xi32>], vector<16xi32>,
        tpu.vector_store_idx %arg7[%sub3A_557], %broadcast_in_dim3A_1 {add = true} : memref<4096xi32, #tpu.memory_space<vmem>>[vector<16xi32>], vector<16xi32>,
      }
      %scan3A_308 = arith.constant 256 : i32
      %broadcast_in_dim3A_309 = arith.constant 0 : i32
      %broadcast_in_dim3A_310 = vector.broadcast %broadcast_in_dim3A_309 : i32 to vector<16xi32>
      %swap3A_311 = arith.constant 0 : index
      %swap3A_312 = tpu.vector_load %arg7[%swap3A_311] {strides = array<i32>} : memref<4096xi32, #tpu.memory_space<vmem>>, vector<16xi32>,
      tpu.vector_store %arg7[%swap3A_311], %broadcast_in_dim3A_310 {strides = array<i32>} : memref<4096xi32, #tpu.memory_space<vmem>>, vector<16xi32>,
      %broadcast_in_dim3A_313 = arith.constant 0 : i32
      %broadcast_in_dim3A_314 = vector.broadcast %broadcast_in_dim3A_313 : i32 to vector<16xi32>
      %swap3A_315 = arith.constant 16 : index
      %swap3A_316 = tpu.vector_load %arg7[%swap3A_315] {strides = array<i32>} : memref<4096xi32, #tpu.memory_space<vmem>>, vector<16xi32>,
      tpu.vector_store %arg7[%swap3A_315], %broadcast_in_dim3A_314 {strides = array<i32>} : memref<4096xi32, #tpu.memory_space<vmem>>, vector<16xi32>,
      %scan3A_317 = arith.constant 0 : i32
      %scan3A_318 = arith.constant 0 : i32
      %scan3A_319 = arith.constant 256 : i32
      %scan3A_320 = arith.addi %scan3A_318, %scan3A_319 : i32
      %scan3A_321 = arith.constant 8 : i32
      scf.for %scan3A_460 = %scan3A_318 to %scan3A_320 step %scan3A_321  : i32 {
        %mul3A_461 = arith.constant 16 : i32
        %mul3A_462 = arith.muli %scan3A_460, %mul3A_461 : i32
        %get3A_463 = arith.index_cast %mul3A_462 : i32 to index
        %get3A_464 = tpu.vector_load %arg11[%get3A_463] {strides = array<i32>} : memref<4096xi32, #tpu.memory_space<vmem>>, vector<16xi32>,
        %shift_right_arithmetic3A = arith.constant 20 : i32
        %shift_right_arithmetic3A_465 = vector.broadcast %shift_right_arithmetic3A : i32 to vector<16xi32>
        %shift_right_arithmetic3A_466 = arith.shrsi %get3A_464, %shift_right_arithmetic3A_465 : vector<16xi32>
        %and3A = arith.constant 31 : i32
        %and3A_467 = vector.broadcast %and3A : i32 to vector<16xi32>
        %and3A_468 = arith.andi %shift_right_arithmetic3A_466, %and3A_467 : vector<16xi32>
        %sub3A_469 = arith.constant 31 : i32
        %sub3A_470 = vector.broadcast %sub3A_469 : i32 to vector<16xi32>
        %sub3A_471 = arith.subi %sub3A_470, %and3A_468 : vector<16xi32>
        tpu.vector_store_idx %arg7[%sub3A_471], %broadcast_in_dim3A_1 {add = true} : memref<4096xi32, #tpu.memory_space<vmem>>[vector<16xi32>], vector<16xi32>,
        %scan3A_472 = arith.constant 1 : i32
        %scan3A_473 = arith.addi %scan3A_460, %scan3A_472 : i32
        %mul3A_474 = arith.constant 16 : i32
        %mul3A_475 = arith.muli %scan3A_473, %mul3A_474 : i32
        %get3A_476 = arith.index_cast %mul3A_475 : i32 to index
        %get3A_477 = tpu.vector_load %arg11[%get3A_476] {strides = array<i32>} : memref<4096xi32, #tpu.memory_space<vmem>>, vector<16xi32>,
        %shift_right_arithmetic3A_478 = arith.constant 20 : i32
        %shift_right_arithmetic3A_479 = vector.broadcast %shift_right_arithmetic3A_478 : i32 to vector<16xi32>
        %shift_right_arithmetic3A_480 = arith.shrsi %get3A_477, %shift_right_arithmetic3A_479 : vector<16xi32>
        %and3A_481 = arith.constant 31 : i32
        %and3A_482 = vector.broadcast %and3A_481 : i32 to vector<16xi32>
        %and3A_483 = arith.andi %shift_right_arithmetic3A_480, %and3A_482 : vector<16xi32>
        %sub3A_484 = arith.constant 31 : i32
        %sub3A_485 = vector.broadcast %sub3A_484 : i32 to vector<16xi32>
        %sub3A_486 = arith.subi %sub3A_485, %and3A_483 : vector<16xi32>
        tpu.vector_store_idx %arg7[%sub3A_486], %broadcast_in_dim3A_1 {add = true} : memref<4096xi32, #tpu.memory_space<vmem>>[vector<16xi32>], vector<16xi32>,
        %scan3A_487 = arith.constant 2 : i32
        %scan3A_488 = arith.addi %scan3A_460, %scan3A_487 : i32
        %mul3A_489 = arith.constant 16 : i32
        %mul3A_490 = arith.muli %scan3A_488, %mul3A_489 : i32
        %get3A_491 = arith.index_cast %mul3A_490 : i32 to index
        %get3A_492 = tpu.vector_load %arg11[%get3A_491] {strides = array<i32>} : memref<4096xi32, #tpu.memory_space<vmem>>, vector<16xi32>,
        %shift_right_arithmetic3A_493 = arith.constant 20 : i32
        %shift_right_arithmetic3A_494 = vector.broadcast %shift_right_arithmetic3A_493 : i32 to vector<16xi32>
        %shift_right_arithmetic3A_495 = arith.shrsi %get3A_492, %shift_right_arithmetic3A_494 : vector<16xi32>
        %and3A_496 = arith.constant 31 : i32
        %and3A_497 = vector.broadcast %and3A_496 : i32 to vector<16xi32>
        %and3A_498 = arith.andi %shift_right_arithmetic3A_495, %and3A_497 : vector<16xi32>
        %sub3A_499 = arith.constant 31 : i32
        %sub3A_500 = vector.broadcast %sub3A_499 : i32 to vector<16xi32>
        %sub3A_501 = arith.subi %sub3A_500, %and3A_498 : vector<16xi32>
        tpu.vector_store_idx %arg7[%sub3A_501], %broadcast_in_dim3A_1 {add = true} : memref<4096xi32, #tpu.memory_space<vmem>>[vector<16xi32>], vector<16xi32>,
        %scan3A_502 = arith.constant 3 : i32
        %scan3A_503 = arith.addi %scan3A_460, %scan3A_502 : i32
        %mul3A_504 = arith.constant 16 : i32
        %mul3A_505 = arith.muli %scan3A_503, %mul3A_504 : i32
        %get3A_506 = arith.index_cast %mul3A_505 : i32 to index
        %get3A_507 = tpu.vector_load %arg11[%get3A_506] {strides = array<i32>} : memref<4096xi32, #tpu.memory_space<vmem>>, vector<16xi32>,
        %shift_right_arithmetic3A_508 = arith.constant 20 : i32
        %shift_right_arithmetic3A_509 = vector.broadcast %shift_right_arithmetic3A_508 : i32 to vector<16xi32>
        %shift_right_arithmetic3A_510 = arith.shrsi %get3A_507, %shift_right_arithmetic3A_509 : vector<16xi32>
        %and3A_511 = arith.constant 31 : i32
        %and3A_512 = vector.broadcast %and3A_511 : i32 to vector<16xi32>
        %and3A_513 = arith.andi %shift_right_arithmetic3A_510, %and3A_512 : vector<16xi32>
        %sub3A_514 = arith.constant 31 : i32
        %sub3A_515 = vector.broadcast %sub3A_514 : i32 to vector<16xi32>
        %sub3A_516 = arith.subi %sub3A_515, %and3A_513 : vector<16xi32>
        tpu.vector_store_idx %arg7[%sub3A_516], %broadcast_in_dim3A_1 {add = true} : memref<4096xi32, #tpu.memory_space<vmem>>[vector<16xi32>], vector<16xi32>,
        %scan3A_517 = arith.constant 4 : i32
        %scan3A_518 = arith.addi %scan3A_460, %scan3A_517 : i32
        %mul3A_519 = arith.constant 16 : i32
        %mul3A_520 = arith.muli %scan3A_518, %mul3A_519 : i32
        %get3A_521 = arith.index_cast %mul3A_520 : i32 to index
        %get3A_522 = tpu.vector_load %arg11[%get3A_521] {strides = array<i32>} : memref<4096xi32, #tpu.memory_space<vmem>>, vector<16xi32>,
        %shift_right_arithmetic3A_523 = arith.constant 20 : i32
        %shift_right_arithmetic3A_524 = vector.broadcast %shift_right_arithmetic3A_523 : i32 to vector<16xi32>
        %shift_right_arithmetic3A_525 = arith.shrsi %get3A_522, %shift_right_arithmetic3A_524 : vector<16xi32>
        %and3A_526 = arith.constant 31 : i32
        %and3A_527 = vector.broadcast %and3A_526 : i32 to vector<16xi32>
        %and3A_528 = arith.andi %shift_right_arithmetic3A_525, %and3A_527 : vector<16xi32>
        %sub3A_529 = arith.constant 31 : i32
        %sub3A_530 = vector.broadcast %sub3A_529 : i32 to vector<16xi32>
        %sub3A_531 = arith.subi %sub3A_530, %and3A_528 : vector<16xi32>
        tpu.vector_store_idx %arg7[%sub3A_531], %broadcast_in_dim3A_1 {add = true} : memref<4096xi32, #tpu.memory_space<vmem>>[vector<16xi32>], vector<16xi32>,
        %scan3A_532 = arith.constant 5 : i32
        %scan3A_533 = arith.addi %scan3A_460, %scan3A_532 : i32
        %mul3A_534 = arith.constant 16 : i32
        %mul3A_535 = arith.muli %scan3A_533, %mul3A_534 : i32
        %get3A_536 = arith.index_cast %mul3A_535 : i32 to index
        %get3A_537 = tpu.vector_load %arg11[%get3A_536] {strides = array<i32>} : memref<4096xi32, #tpu.memory_space<vmem>>, vector<16xi32>,
        %shift_right_arithmetic3A_538 = arith.constant 20 : i32
        %shift_right_arithmetic3A_539 = vector.broadcast %shift_right_arithmetic3A_538 : i32 to vector<16xi32>
        %shift_right_arithmetic3A_540 = arith.shrsi %get3A_537, %shift_right_arithmetic3A_539 : vector<16xi32>
        %and3A_541 = arith.constant 31 : i32
        %and3A_542 = vector.broadcast %and3A_541 : i32 to vector<16xi32>
        %and3A_543 = arith.andi %shift_right_arithmetic3A_540, %and3A_542 : vector<16xi32>
        %sub3A_544 = arith.constant 31 : i32
        %sub3A_545 = vector.broadcast %sub3A_544 : i32 to vector<16xi32>
        %sub3A_546 = arith.subi %sub3A_545, %and3A_543 : vector<16xi32>
        tpu.vector_store_idx %arg7[%sub3A_546], %broadcast_in_dim3A_1 {add = true} : memref<4096xi32, #tpu.memory_space<vmem>>[vector<16xi32>], vector<16xi32>,
        %scan3A_547 = arith.constant 6 : i32
        %scan3A_548 = arith.addi %scan3A_460, %scan3A_547 : i32
        %mul3A_549 = arith.constant 16 : i32
        %mul3A_550 = arith.muli %scan3A_548, %mul3A_549 : i32
        %get3A_551 = arith.index_cast %mul3A_550 : i32 to index
        %get3A_552 = tpu.vector_load %arg11[%get3A_551] {strides = array<i32>} : memref<4096xi32, #tpu.memory_space<vmem>>, vector<16xi32>,
        %shift_right_arithmetic3A_553 = arith.constant 20 : i32
        %shift_right_arithmetic3A_554 = vector.broadcast %shift_right_arithmetic3A_553 : i32 to vector<16xi32>
        %shift_right_arithmetic3A_555 = arith.shrsi %get3A_552, %shift_right_arithmetic3A_554 : vector<16xi32>
        %and3A_556 = arith.constant 31 : i32
        %and3A_557 = vector.broadcast %and3A_556 : i32 to vector<16xi32>
        %and3A_558 = arith.andi %shift_right_arithmetic3A_555, %and3A_557 : vector<16xi32>
        %sub3A_559 = arith.constant 31 : i32
        %sub3A_560 = vector.broadcast %sub3A_559 : i32 to vector<16xi32>
        %sub3A_561 = arith.subi %sub3A_560, %and3A_558 : vector<16xi32>
        tpu.vector_store_idx %arg7[%sub3A_561], %broadcast_in_dim3A_1 {add = true} : memref<4096xi32, #tpu.memory_space<vmem>>[vector<16xi32>], vector<16xi32>,
        %scan3A_562 = arith.constant 7 : i32
        %scan3A_563 = arith.addi %scan3A_460, %scan3A_562 : i32
        %mul3A_564 = arith.constant 16 : i32
        %mul3A_565 = arith.muli %scan3A_563, %mul3A_564 : i32
        %get3A_566 = arith.index_cast %mul3A_565 : i32 to index
        %get3A_567 = tpu.vector_load %arg11[%get3A_566] {strides = array<i32>} : memref<4096xi32, #tpu.memory_space<vmem>>, vector<16xi32>,
        %shift_right_arithmetic3A_568 = arith.constant 20 : i32
        %shift_right_arithmetic3A_569 = vector.broadcast %shift_right_arithmetic3A_568 : i32 to vector<16xi32>
        %shift_right_arithmetic3A_570 = arith.shrsi %get3A_567, %shift_right_arithmetic3A_569 : vector<16xi32>
        %and3A_571 = arith.constant 31 : i32
        %and3A_572 = vector.broadcast %and3A_571 : i32 to vector<16xi32>
        %and3A_573 = arith.andi %shift_right_arithmetic3A_570, %and3A_572 : vector<16xi32>
        %sub3A_574 = arith.constant 31 : i32
        %sub3A_575 = vector.broadcast %sub3A_574 : i32 to vector<16xi32>
        %sub3A_576 = arith.subi %sub3A_575, %and3A_573 : vector<16xi32>
        tpu.vector_store_idx %arg7[%sub3A_576], %broadcast_in_dim3A_1 {add = true} : memref<4096xi32, #tpu.memory_space<vmem>>[vector<16xi32>], vector<16xi32>,
      }
      %scan3A_322 = arith.constant 256 : i32
      %get3A_323 = arith.constant 0 : index
      %get3A_324 = tpu.vector_load %arg7[%get3A_323] {strides = array<i32>} : memref<4096xi32, #tpu.memory_space<vmem>>, vector<16xi32>,
      %get3A_325 = arith.constant 16 : index
      %get3A_326 = tpu.vector_load %arg7[%get3A_325] {strides = array<i32>} : memref<4096xi32, #tpu.memory_space<vmem>>, vector<16xi32>,
      %broadcast_in_dim3A_327 = arith.constant true
      %broadcast_in_dim3A_328 = vector.broadcast %broadcast_in_dim3A_327 : i1 to vector<16xi1>
      %masked_cumsum3A_329 = tpu.scan <sum>, %get3A_324 masked %broadcast_in_dim3A_328 : vector<16xi32>, vector<16xi1> -> vector<16xi32>
      %broadcast_in_dim3A_330 = arith.constant true
      %broadcast_in_dim3A_331 = vector.broadcast %broadcast_in_dim3A_330 : i1 to vector<16xi1>
      %masked_cumsum3A_332 = tpu.scan <sum>, %get3A_326 masked %broadcast_in_dim3A_331 : vector<16xi32>, vector<16xi1> -> vector<16xi32>
      %reduce_max3A_333 = arith.constant true
      %reduce_max3A_334 = vector.broadcast %reduce_max3A_333 : i1 to vector<16xi1>
      %reduce_max3A_335 = arith.constant -2147483648 : i32
      %reduce_max3A_336 = vector.broadcast %reduce_max3A_335 : i32 to vector<16xi32>
      %reduce_max3A_337 = arith.xori %masked_cumsum3A_329, %reduce_max3A_336 : vector<16xi32>
      %reduce_max3A_338 = tpu.scan <max>, %reduce_max3A_337 masked %reduce_max3A_334 : vector<16xi32>, vector<16xi1> -> vector<16xi32>
      %reduce_max3A_339 = arith.xori %reduce_max3A_338, %reduce_max3A_336 : vector<16xi32>
      %reduce_max3A_340 = vector.extract %reduce_max3A_339[15] : i32 from vector<16xi32>
      %sub3A_341 = arith.subi %masked_cumsum3A_329, %get3A_324 : vector<16xi32>
      %swap3A_342 = arith.constant 0 : index
      %swap3A_343 = tpu.vector_load %arg7[%swap3A_342] {strides = array<i32>} : memref<4096xi32, #tpu.memory_space<vmem>>, vector<16xi32>,
      tpu.vector_store %arg7[%swap3A_342], %sub3A_341 {strides = array<i32>} : memref<4096xi32, #tpu.memory_space<vmem>>, vector<16xi32>,
      %sub3A_344 = arith.subi %masked_cumsum3A_332, %get3A_326 : vector<16xi32>
      %add3A_345 = vector.broadcast %reduce_max3A_340 : i32 to vector<16xi32>
      %add3A_346 = arith.addi %sub3A_344, %add3A_345 : vector<16xi32>
      %swap3A_347 = arith.constant 16 : index
      %swap3A_348 = tpu.vector_load %arg7[%swap3A_347] {strides = array<i32>} : memref<4096xi32, #tpu.memory_space<vmem>>, vector<16xi32>,
      tpu.vector_store %arg7[%swap3A_347], %add3A_346 {strides = array<i32>} : memref<4096xi32, #tpu.memory_space<vmem>>, vector<16xi32>,
      %scan3A_349 = arith.constant 0 : i32
      %scan3A_350 = arith.constant 0 : i32
      %scan3A_351 = arith.constant 256 : i32
      %scan3A_352 = arith.addi %scan3A_350, %scan3A_351 : i32
      %scan3A_353 = arith.constant 4 : i32
      scf.for %scan3A_460 = %scan3A_350 to %scan3A_352 step %scan3A_353  : i32 {
        %mul3A_461 = arith.constant 16 : i32
        %mul3A_462 = arith.muli %scan3A_460, %mul3A_461 : i32
        %get3A_463 = arith.index_cast %mul3A_462 : i32 to index
        %get3A_464 = tpu.vector_load %arg11[%get3A_463] {strides = array<i32>} : memref<4096xi32, #tpu.memory_space<vmem>>, vector<16xi32>,
        %mul3A_465 = arith.constant 16 : i32
        %mul3A_466 = arith.muli %scan3A_460, %mul3A_465 : i32
        %get3A_467 = arith.index_cast %mul3A_466 : i32 to index
        %get3A_468 = tpu.vector_load %arg9[%get3A_467] {strides = array<i32>} : memref<4096xi32, #tpu.memory_space<vmem>>, vector<16xi32>,
        %shift_right_arithmetic3A = arith.constant 20 : i32
        %shift_right_arithmetic3A_469 = vector.broadcast %shift_right_arithmetic3A : i32 to vector<16xi32>
        %shift_right_arithmetic3A_470 = arith.shrsi %get3A_464, %shift_right_arithmetic3A_469 : vector<16xi32>
        %and3A = arith.constant 31 : i32
        %and3A_471 = vector.broadcast %and3A : i32 to vector<16xi32>
        %and3A_472 = arith.andi %shift_right_arithmetic3A_470, %and3A_471 : vector<16xi32>
        %sub3A_473 = arith.constant 31 : i32
        %sub3A_474 = vector.broadcast %sub3A_473 : i32 to vector<16xi32>
        %sub3A_475 = arith.subi %sub3A_474, %and3A_472 : vector<16xi32>
        %broadcast_in_dim3A_476 = arith.constant true
        %broadcast_in_dim3A_477 = vector.broadcast %broadcast_in_dim3A_476 : i1 to vector<16xi1>
        %unique3A, %unique3A_478 = tpu.scan_count mask(%broadcast_in_dim3A_477 : vector<16xi1>) value(%sub3A_475 : vector<16xi32>) : vector<16xi1>, vector<16xi32>
        %sub3A_479 = arith.constant 1 : i32
        %sub3A_480 = vector.broadcast %sub3A_479 : i32 to vector<16xi32>
        %sub3A_481 = arith.subi %unique3A_478, %sub3A_480 : vector<16xi32>
        %gather3A = tpu.vector_load_idx %arg7[%sub3A_475] : memref<4096xi32, #tpu.memory_space<vmem>>[vector<16xi32>], vector<16xi32>,
        %add3A_482 = arith.addi %gather3A, %sub3A_481 : vector<16xi32>
        tpu.vector_store_idx %arg12[%add3A_482], %get3A_464 : memref<4096xi32, #tpu.memory_space<vmem>>[vector<16xi32>], vector<16xi32>,
        tpu.vector_store_idx %arg13[%add3A_482], %get3A_468 : memref<4096xi32, #tpu.memory_space<vmem>>[vector<16xi32>], vector<16xi32>,
        tpu.vector_store_idx %arg7[%sub3A_475], %broadcast_in_dim3A_1 {add = true} : memref<4096xi32, #tpu.memory_space<vmem>>[vector<16xi32>], vector<16xi32>,
        %scan3A_483 = arith.constant 1 : i32
        %scan3A_484 = arith.addi %scan3A_460, %scan3A_483 : i32
        %mul3A_485 = arith.constant 16 : i32
        %mul3A_486 = arith.muli %scan3A_484, %mul3A_485 : i32
        %get3A_487 = arith.index_cast %mul3A_486 : i32 to index
        %get3A_488 = tpu.vector_load %arg11[%get3A_487] {strides = array<i32>} : memref<4096xi32, #tpu.memory_space<vmem>>, vector<16xi32>,
        %mul3A_489 = arith.constant 16 : i32
        %mul3A_490 = arith.muli %scan3A_484, %mul3A_489 : i32
        %get3A_491 = arith.index_cast %mul3A_490 : i32 to index
        %get3A_492 = tpu.vector_load %arg9[%get3A_491] {strides = array<i32>} : memref<4096xi32, #tpu.memory_space<vmem>>, vector<16xi32>,
        %shift_right_arithmetic3A_493 = arith.constant 20 : i32
        %shift_right_arithmetic3A_494 = vector.broadcast %shift_right_arithmetic3A_493 : i32 to vector<16xi32>
        %shift_right_arithmetic3A_495 = arith.shrsi %get3A_488, %shift_right_arithmetic3A_494 : vector<16xi32>
        %and3A_496 = arith.constant 31 : i32
        %and3A_497 = vector.broadcast %and3A_496 : i32 to vector<16xi32>
        %and3A_498 = arith.andi %shift_right_arithmetic3A_495, %and3A_497 : vector<16xi32>
        %sub3A_499 = arith.constant 31 : i32
        %sub3A_500 = vector.broadcast %sub3A_499 : i32 to vector<16xi32>
        %sub3A_501 = arith.subi %sub3A_500, %and3A_498 : vector<16xi32>
        %broadcast_in_dim3A_502 = arith.constant true
        %broadcast_in_dim3A_503 = vector.broadcast %broadcast_in_dim3A_502 : i1 to vector<16xi1>
        %unique3A_504, %unique3A_505 = tpu.scan_count mask(%broadcast_in_dim3A_503 : vector<16xi1>) value(%sub3A_501 : vector<16xi32>) : vector<16xi1>, vector<16xi32>
        %sub3A_506 = arith.constant 1 : i32
        %sub3A_507 = vector.broadcast %sub3A_506 : i32 to vector<16xi32>
        %sub3A_508 = arith.subi %unique3A_505, %sub3A_507 : vector<16xi32>
        %gather3A_509 = tpu.vector_load_idx %arg7[%sub3A_501] : memref<4096xi32, #tpu.memory_space<vmem>>[vector<16xi32>], vector<16xi32>,
        %add3A_510 = arith.addi %gather3A_509, %sub3A_508 : vector<16xi32>
        tpu.vector_store_idx %arg12[%add3A_510], %get3A_488 : memref<4096xi32, #tpu.memory_space<vmem>>[vector<16xi32>], vector<16xi32>,
        tpu.vector_store_idx %arg13[%add3A_510], %get3A_492 : memref<4096xi32, #tpu.memory_space<vmem>>[vector<16xi32>], vector<16xi32>,
        tpu.vector_store_idx %arg7[%sub3A_501], %broadcast_in_dim3A_1 {add = true} : memref<4096xi32, #tpu.memory_space<vmem>>[vector<16xi32>], vector<16xi32>,
        %scan3A_511 = arith.constant 2 : i32
        %scan3A_512 = arith.addi %scan3A_460, %scan3A_511 : i32
        %mul3A_513 = arith.constant 16 : i32
        %mul3A_514 = arith.muli %scan3A_512, %mul3A_513 : i32
        %get3A_515 = arith.index_cast %mul3A_514 : i32 to index
        %get3A_516 = tpu.vector_load %arg11[%get3A_515] {strides = array<i32>} : memref<4096xi32, #tpu.memory_space<vmem>>, vector<16xi32>,
        %mul3A_517 = arith.constant 16 : i32
        %mul3A_518 = arith.muli %scan3A_512, %mul3A_517 : i32
        %get3A_519 = arith.index_cast %mul3A_518 : i32 to index
        %get3A_520 = tpu.vector_load %arg9[%get3A_519] {strides = array<i32>} : memref<4096xi32, #tpu.memory_space<vmem>>, vector<16xi32>,
        %shift_right_arithmetic3A_521 = arith.constant 20 : i32
        %shift_right_arithmetic3A_522 = vector.broadcast %shift_right_arithmetic3A_521 : i32 to vector<16xi32>
        %shift_right_arithmetic3A_523 = arith.shrsi %get3A_516, %shift_right_arithmetic3A_522 : vector<16xi32>
        %and3A_524 = arith.constant 31 : i32
        %and3A_525 = vector.broadcast %and3A_524 : i32 to vector<16xi32>
        %and3A_526 = arith.andi %shift_right_arithmetic3A_523, %and3A_525 : vector<16xi32>
        %sub3A_527 = arith.constant 31 : i32
        %sub3A_528 = vector.broadcast %sub3A_527 : i32 to vector<16xi32>
        %sub3A_529 = arith.subi %sub3A_528, %and3A_526 : vector<16xi32>
        %broadcast_in_dim3A_530 = arith.constant true
        %broadcast_in_dim3A_531 = vector.broadcast %broadcast_in_dim3A_530 : i1 to vector<16xi1>
        %unique3A_532, %unique3A_533 = tpu.scan_count mask(%broadcast_in_dim3A_531 : vector<16xi1>) value(%sub3A_529 : vector<16xi32>) : vector<16xi1>, vector<16xi32>
        %sub3A_534 = arith.constant 1 : i32
        %sub3A_535 = vector.broadcast %sub3A_534 : i32 to vector<16xi32>
        %sub3A_536 = arith.subi %unique3A_533, %sub3A_535 : vector<16xi32>
        %gather3A_537 = tpu.vector_load_idx %arg7[%sub3A_529] : memref<4096xi32, #tpu.memory_space<vmem>>[vector<16xi32>], vector<16xi32>,
        %add3A_538 = arith.addi %gather3A_537, %sub3A_536 : vector<16xi32>
        tpu.vector_store_idx %arg12[%add3A_538], %get3A_516 : memref<4096xi32, #tpu.memory_space<vmem>>[vector<16xi32>], vector<16xi32>,
        tpu.vector_store_idx %arg13[%add3A_538], %get3A_520 : memref<4096xi32, #tpu.memory_space<vmem>>[vector<16xi32>], vector<16xi32>,
        tpu.vector_store_idx %arg7[%sub3A_529], %broadcast_in_dim3A_1 {add = true} : memref<4096xi32, #tpu.memory_space<vmem>>[vector<16xi32>], vector<16xi32>,
        %scan3A_539 = arith.constant 3 : i32
        %scan3A_540 = arith.addi %scan3A_460, %scan3A_539 : i32
        %mul3A_541 = arith.constant 16 : i32
        %mul3A_542 = arith.muli %scan3A_540, %mul3A_541 : i32
        %get3A_543 = arith.index_cast %mul3A_542 : i32 to index
        %get3A_544 = tpu.vector_load %arg11[%get3A_543] {strides = array<i32>} : memref<4096xi32, #tpu.memory_space<vmem>>, vector<16xi32>,
        %mul3A_545 = arith.constant 16 : i32
        %mul3A_546 = arith.muli %scan3A_540, %mul3A_545 : i32
        %get3A_547 = arith.index_cast %mul3A_546 : i32 to index
        %get3A_548 = tpu.vector_load %arg9[%get3A_547] {strides = array<i32>} : memref<4096xi32, #tpu.memory_space<vmem>>, vector<16xi32>,
        %shift_right_arithmetic3A_549 = arith.constant 20 : i32
        %shift_right_arithmetic3A_550 = vector.broadcast %shift_right_arithmetic3A_549 : i32 to vector<16xi32>
        %shift_right_arithmetic3A_551 = arith.shrsi %get3A_544, %shift_right_arithmetic3A_550 : vector<16xi32>
        %and3A_552 = arith.constant 31 : i32
        %and3A_553 = vector.broadcast %and3A_552 : i32 to vector<16xi32>
        %and3A_554 = arith.andi %shift_right_arithmetic3A_551, %and3A_553 : vector<16xi32>
        %sub3A_555 = arith.constant 31 : i32
        %sub3A_556 = vector.broadcast %sub3A_555 : i32 to vector<16xi32>
        %sub3A_557 = arith.subi %sub3A_556, %and3A_554 : vector<16xi32>
        %broadcast_in_dim3A_558 = arith.constant true
        %broadcast_in_dim3A_559 = vector.broadcast %broadcast_in_dim3A_558 : i1 to vector<16xi1>
        %unique3A_560, %unique3A_561 = tpu.scan_count mask(%broadcast_in_dim3A_559 : vector<16xi1>) value(%sub3A_557 : vector<16xi32>) : vector<16xi1>, vector<16xi32>
        %sub3A_562 = arith.constant 1 : i32
        %sub3A_563 = vector.broadcast %sub3A_562 : i32 to vector<16xi32>
        %sub3A_564 = arith.subi %unique3A_561, %sub3A_563 : vector<16xi32>
        %gather3A_565 = tpu.vector_load_idx %arg7[%sub3A_557] : memref<4096xi32, #tpu.memory_space<vmem>>[vector<16xi32>], vector<16xi32>,
        %add3A_566 = arith.addi %gather3A_565, %sub3A_564 : vector<16xi32>
        tpu.vector_store_idx %arg12[%add3A_566], %get3A_544 : memref<4096xi32, #tpu.memory_space<vmem>>[vector<16xi32>], vector<16xi32>,
        tpu.vector_store_idx %arg13[%add3A_566], %get3A_548 : memref<4096xi32, #tpu.memory_space<vmem>>[vector<16xi32>], vector<16xi32>,
        tpu.vector_store_idx %arg7[%sub3A_557], %broadcast_in_dim3A_1 {add = true} : memref<4096xi32, #tpu.memory_space<vmem>>[vector<16xi32>], vector<16xi32>,
      }
      %scan3A_354 = arith.constant 256 : i32
      %broadcast_in_dim3A_355 = arith.constant 0 : i32
      %broadcast_in_dim3A_356 = vector.broadcast %broadcast_in_dim3A_355 : i32 to vector<16xi32>
      %swap3A_357 = arith.constant 0 : index
      %swap3A_358 = tpu.vector_load %arg7[%swap3A_357] {strides = array<i32>} : memref<4096xi32, #tpu.memory_space<vmem>>, vector<16xi32>,
      tpu.vector_store %arg7[%swap3A_357], %broadcast_in_dim3A_356 {strides = array<i32>} : memref<4096xi32, #tpu.memory_space<vmem>>, vector<16xi32>,
      %broadcast_in_dim3A_359 = arith.constant 0 : i32
      %broadcast_in_dim3A_360 = vector.broadcast %broadcast_in_dim3A_359 : i32 to vector<16xi32>
      %swap3A_361 = arith.constant 16 : index
      %swap3A_362 = tpu.vector_load %arg7[%swap3A_361] {strides = array<i32>} : memref<4096xi32, #tpu.memory_space<vmem>>, vector<16xi32>,
      tpu.vector_store %arg7[%swap3A_361], %broadcast_in_dim3A_360 {strides = array<i32>} : memref<4096xi32, #tpu.memory_space<vmem>>, vector<16xi32>,
      %scan3A_363 = arith.constant 0 : i32
      %scan3A_364 = arith.constant 0 : i32
      %scan3A_365 = arith.constant 256 : i32
      %scan3A_366 = arith.addi %scan3A_364, %scan3A_365 : i32
      %scan3A_367 = arith.constant 8 : i32
      scf.for %scan3A_460 = %scan3A_364 to %scan3A_366 step %scan3A_367  : i32 {
        %mul3A_461 = arith.constant 16 : i32
        %mul3A_462 = arith.muli %scan3A_460, %mul3A_461 : i32
        %get3A_463 = arith.index_cast %mul3A_462 : i32 to index
        %get3A_464 = tpu.vector_load %arg12[%get3A_463] {strides = array<i32>} : memref<4096xi32, #tpu.memory_space<vmem>>, vector<16xi32>,
        %shift_right_arithmetic3A = arith.constant 25 : i32
        %shift_right_arithmetic3A_465 = vector.broadcast %shift_right_arithmetic3A : i32 to vector<16xi32>
        %shift_right_arithmetic3A_466 = arith.shrsi %get3A_464, %shift_right_arithmetic3A_465 : vector<16xi32>
        %and3A = arith.constant 31 : i32
        %and3A_467 = vector.broadcast %and3A : i32 to vector<16xi32>
        %and3A_468 = arith.andi %shift_right_arithmetic3A_466, %and3A_467 : vector<16xi32>
        %sub3A_469 = arith.constant 31 : i32
        %sub3A_470 = vector.broadcast %sub3A_469 : i32 to vector<16xi32>
        %sub3A_471 = arith.subi %sub3A_470, %and3A_468 : vector<16xi32>
        tpu.vector_store_idx %arg7[%sub3A_471], %broadcast_in_dim3A_1 {add = true} : memref<4096xi32, #tpu.memory_space<vmem>>[vector<16xi32>], vector<16xi32>,
        %scan3A_472 = arith.constant 1 : i32
        %scan3A_473 = arith.addi %scan3A_460, %scan3A_472 : i32
        %mul3A_474 = arith.constant 16 : i32
        %mul3A_475 = arith.muli %scan3A_473, %mul3A_474 : i32
        %get3A_476 = arith.index_cast %mul3A_475 : i32 to index
        %get3A_477 = tpu.vector_load %arg12[%get3A_476] {strides = array<i32>} : memref<4096xi32, #tpu.memory_space<vmem>>, vector<16xi32>,
        %shift_right_arithmetic3A_478 = arith.constant 25 : i32
        %shift_right_arithmetic3A_479 = vector.broadcast %shift_right_arithmetic3A_478 : i32 to vector<16xi32>
        %shift_right_arithmetic3A_480 = arith.shrsi %get3A_477, %shift_right_arithmetic3A_479 : vector<16xi32>
        %and3A_481 = arith.constant 31 : i32
        %and3A_482 = vector.broadcast %and3A_481 : i32 to vector<16xi32>
        %and3A_483 = arith.andi %shift_right_arithmetic3A_480, %and3A_482 : vector<16xi32>
        %sub3A_484 = arith.constant 31 : i32
        %sub3A_485 = vector.broadcast %sub3A_484 : i32 to vector<16xi32>
        %sub3A_486 = arith.subi %sub3A_485, %and3A_483 : vector<16xi32>
        tpu.vector_store_idx %arg7[%sub3A_486], %broadcast_in_dim3A_1 {add = true} : memref<4096xi32, #tpu.memory_space<vmem>>[vector<16xi32>], vector<16xi32>,
        %scan3A_487 = arith.constant 2 : i32
        %scan3A_488 = arith.addi %scan3A_460, %scan3A_487 : i32
        %mul3A_489 = arith.constant 16 : i32
        %mul3A_490 = arith.muli %scan3A_488, %mul3A_489 : i32
        %get3A_491 = arith.index_cast %mul3A_490 : i32 to index
        %get3A_492 = tpu.vector_load %arg12[%get3A_491] {strides = array<i32>} : memref<4096xi32, #tpu.memory_space<vmem>>, vector<16xi32>,
        %shift_right_arithmetic3A_493 = arith.constant 25 : i32
        %shift_right_arithmetic3A_494 = vector.broadcast %shift_right_arithmetic3A_493 : i32 to vector<16xi32>
        %shift_right_arithmetic3A_495 = arith.shrsi %get3A_492, %shift_right_arithmetic3A_494 : vector<16xi32>
        %and3A_496 = arith.constant 31 : i32
        %and3A_497 = vector.broadcast %and3A_496 : i32 to vector<16xi32>
        %and3A_498 = arith.andi %shift_right_arithmetic3A_495, %and3A_497 : vector<16xi32>
        %sub3A_499 = arith.constant 31 : i32
        %sub3A_500 = vector.broadcast %sub3A_499 : i32 to vector<16xi32>
        %sub3A_501 = arith.subi %sub3A_500, %and3A_498 : vector<16xi32>
        tpu.vector_store_idx %arg7[%sub3A_501], %broadcast_in_dim3A_1 {add = true} : memref<4096xi32, #tpu.memory_space<vmem>>[vector<16xi32>], vector<16xi32>,
        %scan3A_502 = arith.constant 3 : i32
        %scan3A_503 = arith.addi %scan3A_460, %scan3A_502 : i32
        %mul3A_504 = arith.constant 16 : i32
        %mul3A_505 = arith.muli %scan3A_503, %mul3A_504 : i32
        %get3A_506 = arith.index_cast %mul3A_505 : i32 to index
        %get3A_507 = tpu.vector_load %arg12[%get3A_506] {strides = array<i32>} : memref<4096xi32, #tpu.memory_space<vmem>>, vector<16xi32>,
        %shift_right_arithmetic3A_508 = arith.constant 25 : i32
        %shift_right_arithmetic3A_509 = vector.broadcast %shift_right_arithmetic3A_508 : i32 to vector<16xi32>
        %shift_right_arithmetic3A_510 = arith.shrsi %get3A_507, %shift_right_arithmetic3A_509 : vector<16xi32>
        %and3A_511 = arith.constant 31 : i32
        %and3A_512 = vector.broadcast %and3A_511 : i32 to vector<16xi32>
        %and3A_513 = arith.andi %shift_right_arithmetic3A_510, %and3A_512 : vector<16xi32>
        %sub3A_514 = arith.constant 31 : i32
        %sub3A_515 = vector.broadcast %sub3A_514 : i32 to vector<16xi32>
        %sub3A_516 = arith.subi %sub3A_515, %and3A_513 : vector<16xi32>
        tpu.vector_store_idx %arg7[%sub3A_516], %broadcast_in_dim3A_1 {add = true} : memref<4096xi32, #tpu.memory_space<vmem>>[vector<16xi32>], vector<16xi32>,
        %scan3A_517 = arith.constant 4 : i32
        %scan3A_518 = arith.addi %scan3A_460, %scan3A_517 : i32
        %mul3A_519 = arith.constant 16 : i32
        %mul3A_520 = arith.muli %scan3A_518, %mul3A_519 : i32
        %get3A_521 = arith.index_cast %mul3A_520 : i32 to index
        %get3A_522 = tpu.vector_load %arg12[%get3A_521] {strides = array<i32>} : memref<4096xi32, #tpu.memory_space<vmem>>, vector<16xi32>,
        %shift_right_arithmetic3A_523 = arith.constant 25 : i32
        %shift_right_arithmetic3A_524 = vector.broadcast %shift_right_arithmetic3A_523 : i32 to vector<16xi32>
        %shift_right_arithmetic3A_525 = arith.shrsi %get3A_522, %shift_right_arithmetic3A_524 : vector<16xi32>
        %and3A_526 = arith.constant 31 : i32
        %and3A_527 = vector.broadcast %and3A_526 : i32 to vector<16xi32>
        %and3A_528 = arith.andi %shift_right_arithmetic3A_525, %and3A_527 : vector<16xi32>
        %sub3A_529 = arith.constant 31 : i32
        %sub3A_530 = vector.broadcast %sub3A_529 : i32 to vector<16xi32>
        %sub3A_531 = arith.subi %sub3A_530, %and3A_528 : vector<16xi32>
        tpu.vector_store_idx %arg7[%sub3A_531], %broadcast_in_dim3A_1 {add = true} : memref<4096xi32, #tpu.memory_space<vmem>>[vector<16xi32>], vector<16xi32>,
        %scan3A_532 = arith.constant 5 : i32
        %scan3A_533 = arith.addi %scan3A_460, %scan3A_532 : i32
        %mul3A_534 = arith.constant 16 : i32
        %mul3A_535 = arith.muli %scan3A_533, %mul3A_534 : i32
        %get3A_536 = arith.index_cast %mul3A_535 : i32 to index
        %get3A_537 = tpu.vector_load %arg12[%get3A_536] {strides = array<i32>} : memref<4096xi32, #tpu.memory_space<vmem>>, vector<16xi32>,
        %shift_right_arithmetic3A_538 = arith.constant 25 : i32
        %shift_right_arithmetic3A_539 = vector.broadcast %shift_right_arithmetic3A_538 : i32 to vector<16xi32>
        %shift_right_arithmetic3A_540 = arith.shrsi %get3A_537, %shift_right_arithmetic3A_539 : vector<16xi32>
        %and3A_541 = arith.constant 31 : i32
        %and3A_542 = vector.broadcast %and3A_541 : i32 to vector<16xi32>
        %and3A_543 = arith.andi %shift_right_arithmetic3A_540, %and3A_542 : vector<16xi32>
        %sub3A_544 = arith.constant 31 : i32
        %sub3A_545 = vector.broadcast %sub3A_544 : i32 to vector<16xi32>
        %sub3A_546 = arith.subi %sub3A_545, %and3A_543 : vector<16xi32>
        tpu.vector_store_idx %arg7[%sub3A_546], %broadcast_in_dim3A_1 {add = true} : memref<4096xi32, #tpu.memory_space<vmem>>[vector<16xi32>], vector<16xi32>,
        %scan3A_547 = arith.constant 6 : i32
        %scan3A_548 = arith.addi %scan3A_460, %scan3A_547 : i32
        %mul3A_549 = arith.constant 16 : i32
        %mul3A_550 = arith.muli %scan3A_548, %mul3A_549 : i32
        %get3A_551 = arith.index_cast %mul3A_550 : i32 to index
        %get3A_552 = tpu.vector_load %arg12[%get3A_551] {strides = array<i32>} : memref<4096xi32, #tpu.memory_space<vmem>>, vector<16xi32>,
        %shift_right_arithmetic3A_553 = arith.constant 25 : i32
        %shift_right_arithmetic3A_554 = vector.broadcast %shift_right_arithmetic3A_553 : i32 to vector<16xi32>
        %shift_right_arithmetic3A_555 = arith.shrsi %get3A_552, %shift_right_arithmetic3A_554 : vector<16xi32>
        %and3A_556 = arith.constant 31 : i32
        %and3A_557 = vector.broadcast %and3A_556 : i32 to vector<16xi32>
        %and3A_558 = arith.andi %shift_right_arithmetic3A_555, %and3A_557 : vector<16xi32>
        %sub3A_559 = arith.constant 31 : i32
        %sub3A_560 = vector.broadcast %sub3A_559 : i32 to vector<16xi32>
        %sub3A_561 = arith.subi %sub3A_560, %and3A_558 : vector<16xi32>
        tpu.vector_store_idx %arg7[%sub3A_561], %broadcast_in_dim3A_1 {add = true} : memref<4096xi32, #tpu.memory_space<vmem>>[vector<16xi32>], vector<16xi32>,
        %scan3A_562 = arith.constant 7 : i32
        %scan3A_563 = arith.addi %scan3A_460, %scan3A_562 : i32
        %mul3A_564 = arith.constant 16 : i32
        %mul3A_565 = arith.muli %scan3A_563, %mul3A_564 : i32
        %get3A_566 = arith.index_cast %mul3A_565 : i32 to index
        %get3A_567 = tpu.vector_load %arg12[%get3A_566] {strides = array<i32>} : memref<4096xi32, #tpu.memory_space<vmem>>, vector<16xi32>,
        %shift_right_arithmetic3A_568 = arith.constant 25 : i32
        %shift_right_arithmetic3A_569 = vector.broadcast %shift_right_arithmetic3A_568 : i32 to vector<16xi32>
        %shift_right_arithmetic3A_570 = arith.shrsi %get3A_567, %shift_right_arithmetic3A_569 : vector<16xi32>
        %and3A_571 = arith.constant 31 : i32
        %and3A_572 = vector.broadcast %and3A_571 : i32 to vector<16xi32>
        %and3A_573 = arith.andi %shift_right_arithmetic3A_570, %and3A_572 : vector<16xi32>
        %sub3A_574 = arith.constant 31 : i32
        %sub3A_575 = vector.broadcast %sub3A_574 : i32 to vector<16xi32>
        %sub3A_576 = arith.subi %sub3A_575, %and3A_573 : vector<16xi32>
        tpu.vector_store_idx %arg7[%sub3A_576], %broadcast_in_dim3A_1 {add = true} : memref<4096xi32, #tpu.memory_space<vmem>>[vector<16xi32>], vector<16xi32>,
      }
      %scan3A_368 = arith.constant 256 : i32
      %get3A_369 = arith.constant 0 : index
      %get3A_370 = tpu.vector_load %arg7[%get3A_369] {strides = array<i32>} : memref<4096xi32, #tpu.memory_space<vmem>>, vector<16xi32>,
      %get3A_371 = arith.constant 16 : index
      %get3A_372 = tpu.vector_load %arg7[%get3A_371] {strides = array<i32>} : memref<4096xi32, #tpu.memory_space<vmem>>, vector<16xi32>,
      %broadcast_in_dim3A_373 = arith.constant true
      %broadcast_in_dim3A_374 = vector.broadcast %broadcast_in_dim3A_373 : i1 to vector<16xi1>
      %masked_cumsum3A_375 = tpu.scan <sum>, %get3A_370 masked %broadcast_in_dim3A_374 : vector<16xi32>, vector<16xi1> -> vector<16xi32>
      %broadcast_in_dim3A_376 = arith.constant true
      %broadcast_in_dim3A_377 = vector.broadcast %broadcast_in_dim3A_376 : i1 to vector<16xi1>
      %masked_cumsum3A_378 = tpu.scan <sum>, %get3A_372 masked %broadcast_in_dim3A_377 : vector<16xi32>, vector<16xi1> -> vector<16xi32>
      %reduce_max3A_379 = arith.constant true
      %reduce_max3A_380 = vector.broadcast %reduce_max3A_379 : i1 to vector<16xi1>
      %reduce_max3A_381 = arith.constant -2147483648 : i32
      %reduce_max3A_382 = vector.broadcast %reduce_max3A_381 : i32 to vector<16xi32>
      %reduce_max3A_383 = arith.xori %masked_cumsum3A_375, %reduce_max3A_382 : vector<16xi32>
      %reduce_max3A_384 = tpu.scan <max>, %reduce_max3A_383 masked %reduce_max3A_380 : vector<16xi32>, vector<16xi1> -> vector<16xi32>
      %reduce_max3A_385 = arith.xori %reduce_max3A_384, %reduce_max3A_382 : vector<16xi32>
      %reduce_max3A_386 = vector.extract %reduce_max3A_385[15] : i32 from vector<16xi32>
      %sub3A_387 = arith.subi %masked_cumsum3A_375, %get3A_370 : vector<16xi32>
      %swap3A_388 = arith.constant 0 : index
      %swap3A_389 = tpu.vector_load %arg7[%swap3A_388] {strides = array<i32>} : memref<4096xi32, #tpu.memory_space<vmem>>, vector<16xi32>,
      tpu.vector_store %arg7[%swap3A_388], %sub3A_387 {strides = array<i32>} : memref<4096xi32, #tpu.memory_space<vmem>>, vector<16xi32>,
      %sub3A_390 = arith.subi %masked_cumsum3A_378, %get3A_372 : vector<16xi32>
      %add3A_391 = vector.broadcast %reduce_max3A_386 : i32 to vector<16xi32>
      %add3A_392 = arith.addi %sub3A_390, %add3A_391 : vector<16xi32>
      %swap3A_393 = arith.constant 16 : index
      %swap3A_394 = tpu.vector_load %arg7[%swap3A_393] {strides = array<i32>} : memref<4096xi32, #tpu.memory_space<vmem>>, vector<16xi32>,
      tpu.vector_store %arg7[%swap3A_393], %add3A_392 {strides = array<i32>} : memref<4096xi32, #tpu.memory_space<vmem>>, vector<16xi32>,
      %scan3A_395 = arith.constant 0 : i32
      %scan3A_396 = arith.constant 0 : i32
      %scan3A_397 = arith.constant 256 : i32
      %scan3A_398 = arith.addi %scan3A_396, %scan3A_397 : i32
      %scan3A_399 = arith.constant 4 : i32
      scf.for %scan3A_460 = %scan3A_396 to %scan3A_398 step %scan3A_399  : i32 {
        %mul3A_461 = arith.constant 16 : i32
        %mul3A_462 = arith.muli %scan3A_460, %mul3A_461 : i32
        %get3A_463 = arith.index_cast %mul3A_462 : i32 to index
        %get3A_464 = tpu.vector_load %arg12[%get3A_463] {strides = array<i32>} : memref<4096xi32, #tpu.memory_space<vmem>>, vector<16xi32>,
        %mul3A_465 = arith.constant 16 : i32
        %mul3A_466 = arith.muli %scan3A_460, %mul3A_465 : i32
        %get3A_467 = arith.index_cast %mul3A_466 : i32 to index
        %get3A_468 = tpu.vector_load %arg13[%get3A_467] {strides = array<i32>} : memref<4096xi32, #tpu.memory_space<vmem>>, vector<16xi32>,
        %shift_right_arithmetic3A = arith.constant 25 : i32
        %shift_right_arithmetic3A_469 = vector.broadcast %shift_right_arithmetic3A : i32 to vector<16xi32>
        %shift_right_arithmetic3A_470 = arith.shrsi %get3A_464, %shift_right_arithmetic3A_469 : vector<16xi32>
        %and3A = arith.constant 31 : i32
        %and3A_471 = vector.broadcast %and3A : i32 to vector<16xi32>
        %and3A_472 = arith.andi %shift_right_arithmetic3A_470, %and3A_471 : vector<16xi32>
        %sub3A_473 = arith.constant 31 : i32
        %sub3A_474 = vector.broadcast %sub3A_473 : i32 to vector<16xi32>
        %sub3A_475 = arith.subi %sub3A_474, %and3A_472 : vector<16xi32>
        %broadcast_in_dim3A_476 = arith.constant true
        %broadcast_in_dim3A_477 = vector.broadcast %broadcast_in_dim3A_476 : i1 to vector<16xi1>
        %unique3A, %unique3A_478 = tpu.scan_count mask(%broadcast_in_dim3A_477 : vector<16xi1>) value(%sub3A_475 : vector<16xi32>) : vector<16xi1>, vector<16xi32>
        %sub3A_479 = arith.constant 1 : i32
        %sub3A_480 = vector.broadcast %sub3A_479 : i32 to vector<16xi32>
        %sub3A_481 = arith.subi %unique3A_478, %sub3A_480 : vector<16xi32>
        %gather3A = tpu.vector_load_idx %arg7[%sub3A_475] : memref<4096xi32, #tpu.memory_space<vmem>>[vector<16xi32>], vector<16xi32>,
        %add3A_482 = arith.addi %gather3A, %sub3A_481 : vector<16xi32>
        tpu.vector_store_idx %arg11[%add3A_482], %get3A_464 : memref<4096xi32, #tpu.memory_space<vmem>>[vector<16xi32>], vector<16xi32>,
        tpu.vector_store_idx %arg9[%add3A_482], %get3A_468 : memref<4096xi32, #tpu.memory_space<vmem>>[vector<16xi32>], vector<16xi32>,
        tpu.vector_store_idx %arg7[%sub3A_475], %broadcast_in_dim3A_1 {add = true} : memref<4096xi32, #tpu.memory_space<vmem>>[vector<16xi32>], vector<16xi32>,
        %scan3A_483 = arith.constant 1 : i32
        %scan3A_484 = arith.addi %scan3A_460, %scan3A_483 : i32
        %mul3A_485 = arith.constant 16 : i32
        %mul3A_486 = arith.muli %scan3A_484, %mul3A_485 : i32
        %get3A_487 = arith.index_cast %mul3A_486 : i32 to index
        %get3A_488 = tpu.vector_load %arg12[%get3A_487] {strides = array<i32>} : memref<4096xi32, #tpu.memory_space<vmem>>, vector<16xi32>,
        %mul3A_489 = arith.constant 16 : i32
        %mul3A_490 = arith.muli %scan3A_484, %mul3A_489 : i32
        %get3A_491 = arith.index_cast %mul3A_490 : i32 to index
        %get3A_492 = tpu.vector_load %arg13[%get3A_491] {strides = array<i32>} : memref<4096xi32, #tpu.memory_space<vmem>>, vector<16xi32>,
        %shift_right_arithmetic3A_493 = arith.constant 25 : i32
        %shift_right_arithmetic3A_494 = vector.broadcast %shift_right_arithmetic3A_493 : i32 to vector<16xi32>
        %shift_right_arithmetic3A_495 = arith.shrsi %get3A_488, %shift_right_arithmetic3A_494 : vector<16xi32>
        %and3A_496 = arith.constant 31 : i32
        %and3A_497 = vector.broadcast %and3A_496 : i32 to vector<16xi32>
        %and3A_498 = arith.andi %shift_right_arithmetic3A_495, %and3A_497 : vector<16xi32>
        %sub3A_499 = arith.constant 31 : i32
        %sub3A_500 = vector.broadcast %sub3A_499 : i32 to vector<16xi32>
        %sub3A_501 = arith.subi %sub3A_500, %and3A_498 : vector<16xi32>
        %broadcast_in_dim3A_502 = arith.constant true
        %broadcast_in_dim3A_503 = vector.broadcast %broadcast_in_dim3A_502 : i1 to vector<16xi1>
        %unique3A_504, %unique3A_505 = tpu.scan_count mask(%broadcast_in_dim3A_503 : vector<16xi1>) value(%sub3A_501 : vector<16xi32>) : vector<16xi1>, vector<16xi32>
        %sub3A_506 = arith.constant 1 : i32
        %sub3A_507 = vector.broadcast %sub3A_506 : i32 to vector<16xi32>
        %sub3A_508 = arith.subi %unique3A_505, %sub3A_507 : vector<16xi32>
        %gather3A_509 = tpu.vector_load_idx %arg7[%sub3A_501] : memref<4096xi32, #tpu.memory_space<vmem>>[vector<16xi32>], vector<16xi32>,
        %add3A_510 = arith.addi %gather3A_509, %sub3A_508 : vector<16xi32>
        tpu.vector_store_idx %arg11[%add3A_510], %get3A_488 : memref<4096xi32, #tpu.memory_space<vmem>>[vector<16xi32>], vector<16xi32>,
        tpu.vector_store_idx %arg9[%add3A_510], %get3A_492 : memref<4096xi32, #tpu.memory_space<vmem>>[vector<16xi32>], vector<16xi32>,
        tpu.vector_store_idx %arg7[%sub3A_501], %broadcast_in_dim3A_1 {add = true} : memref<4096xi32, #tpu.memory_space<vmem>>[vector<16xi32>], vector<16xi32>,
        %scan3A_511 = arith.constant 2 : i32
        %scan3A_512 = arith.addi %scan3A_460, %scan3A_511 : i32
        %mul3A_513 = arith.constant 16 : i32
        %mul3A_514 = arith.muli %scan3A_512, %mul3A_513 : i32
        %get3A_515 = arith.index_cast %mul3A_514 : i32 to index
        %get3A_516 = tpu.vector_load %arg12[%get3A_515] {strides = array<i32>} : memref<4096xi32, #tpu.memory_space<vmem>>, vector<16xi32>,
        %mul3A_517 = arith.constant 16 : i32
        %mul3A_518 = arith.muli %scan3A_512, %mul3A_517 : i32
        %get3A_519 = arith.index_cast %mul3A_518 : i32 to index
        %get3A_520 = tpu.vector_load %arg13[%get3A_519] {strides = array<i32>} : memref<4096xi32, #tpu.memory_space<vmem>>, vector<16xi32>,
        %shift_right_arithmetic3A_521 = arith.constant 25 : i32
        %shift_right_arithmetic3A_522 = vector.broadcast %shift_right_arithmetic3A_521 : i32 to vector<16xi32>
        %shift_right_arithmetic3A_523 = arith.shrsi %get3A_516, %shift_right_arithmetic3A_522 : vector<16xi32>
        %and3A_524 = arith.constant 31 : i32
        %and3A_525 = vector.broadcast %and3A_524 : i32 to vector<16xi32>
        %and3A_526 = arith.andi %shift_right_arithmetic3A_523, %and3A_525 : vector<16xi32>
        %sub3A_527 = arith.constant 31 : i32
        %sub3A_528 = vector.broadcast %sub3A_527 : i32 to vector<16xi32>
        %sub3A_529 = arith.subi %sub3A_528, %and3A_526 : vector<16xi32>
        %broadcast_in_dim3A_530 = arith.constant true
        %broadcast_in_dim3A_531 = vector.broadcast %broadcast_in_dim3A_530 : i1 to vector<16xi1>
        %unique3A_532, %unique3A_533 = tpu.scan_count mask(%broadcast_in_dim3A_531 : vector<16xi1>) value(%sub3A_529 : vector<16xi32>) : vector<16xi1>, vector<16xi32>
        %sub3A_534 = arith.constant 1 : i32
        %sub3A_535 = vector.broadcast %sub3A_534 : i32 to vector<16xi32>
        %sub3A_536 = arith.subi %unique3A_533, %sub3A_535 : vector<16xi32>
        %gather3A_537 = tpu.vector_load_idx %arg7[%sub3A_529] : memref<4096xi32, #tpu.memory_space<vmem>>[vector<16xi32>], vector<16xi32>,
        %add3A_538 = arith.addi %gather3A_537, %sub3A_536 : vector<16xi32>
        tpu.vector_store_idx %arg11[%add3A_538], %get3A_516 : memref<4096xi32, #tpu.memory_space<vmem>>[vector<16xi32>], vector<16xi32>,
        tpu.vector_store_idx %arg9[%add3A_538], %get3A_520 : memref<4096xi32, #tpu.memory_space<vmem>>[vector<16xi32>], vector<16xi32>,
        tpu.vector_store_idx %arg7[%sub3A_529], %broadcast_in_dim3A_1 {add = true} : memref<4096xi32, #tpu.memory_space<vmem>>[vector<16xi32>], vector<16xi32>,
        %scan3A_539 = arith.constant 3 : i32
        %scan3A_540 = arith.addi %scan3A_460, %scan3A_539 : i32
        %mul3A_541 = arith.constant 16 : i32
        %mul3A_542 = arith.muli %scan3A_540, %mul3A_541 : i32
        %get3A_543 = arith.index_cast %mul3A_542 : i32 to index
        %get3A_544 = tpu.vector_load %arg12[%get3A_543] {strides = array<i32>} : memref<4096xi32, #tpu.memory_space<vmem>>, vector<16xi32>,
        %mul3A_545 = arith.constant 16 : i32
        %mul3A_546 = arith.muli %scan3A_540, %mul3A_545 : i32
        %get3A_547 = arith.index_cast %mul3A_546 : i32 to index
        %get3A_548 = tpu.vector_load %arg13[%get3A_547] {strides = array<i32>} : memref<4096xi32, #tpu.memory_space<vmem>>, vector<16xi32>,
        %shift_right_arithmetic3A_549 = arith.constant 25 : i32
        %shift_right_arithmetic3A_550 = vector.broadcast %shift_right_arithmetic3A_549 : i32 to vector<16xi32>
        %shift_right_arithmetic3A_551 = arith.shrsi %get3A_544, %shift_right_arithmetic3A_550 : vector<16xi32>
        %and3A_552 = arith.constant 31 : i32
        %and3A_553 = vector.broadcast %and3A_552 : i32 to vector<16xi32>
        %and3A_554 = arith.andi %shift_right_arithmetic3A_551, %and3A_553 : vector<16xi32>
        %sub3A_555 = arith.constant 31 : i32
        %sub3A_556 = vector.broadcast %sub3A_555 : i32 to vector<16xi32>
        %sub3A_557 = arith.subi %sub3A_556, %and3A_554 : vector<16xi32>
        %broadcast_in_dim3A_558 = arith.constant true
        %broadcast_in_dim3A_559 = vector.broadcast %broadcast_in_dim3A_558 : i1 to vector<16xi1>
        %unique3A_560, %unique3A_561 = tpu.scan_count mask(%broadcast_in_dim3A_559 : vector<16xi1>) value(%sub3A_557 : vector<16xi32>) : vector<16xi1>, vector<16xi32>
        %sub3A_562 = arith.constant 1 : i32
        %sub3A_563 = vector.broadcast %sub3A_562 : i32 to vector<16xi32>
        %sub3A_564 = arith.subi %unique3A_561, %sub3A_563 : vector<16xi32>
        %gather3A_565 = tpu.vector_load_idx %arg7[%sub3A_557] : memref<4096xi32, #tpu.memory_space<vmem>>[vector<16xi32>], vector<16xi32>,
        %add3A_566 = arith.addi %gather3A_565, %sub3A_564 : vector<16xi32>
        tpu.vector_store_idx %arg11[%add3A_566], %get3A_544 : memref<4096xi32, #tpu.memory_space<vmem>>[vector<16xi32>], vector<16xi32>,
        tpu.vector_store_idx %arg9[%add3A_566], %get3A_548 : memref<4096xi32, #tpu.memory_space<vmem>>[vector<16xi32>], vector<16xi32>,
        tpu.vector_store_idx %arg7[%sub3A_557], %broadcast_in_dim3A_1 {add = true} : memref<4096xi32, #tpu.memory_space<vmem>>[vector<16xi32>], vector<16xi32>,
      }
      %scan3A_400 = arith.constant 256 : i32
      %broadcast_in_dim3A_401 = arith.constant 0 : i32
      %broadcast_in_dim3A_402 = vector.broadcast %broadcast_in_dim3A_401 : i32 to vector<16xi32>
      %swap3A_403 = arith.constant 0 : index
      %swap3A_404 = tpu.vector_load %arg7[%swap3A_403] {strides = array<i32>} : memref<4096xi32, #tpu.memory_space<vmem>>, vector<16xi32>,
      tpu.vector_store %arg7[%swap3A_403], %broadcast_in_dim3A_402 {strides = array<i32>} : memref<4096xi32, #tpu.memory_space<vmem>>, vector<16xi32>,
      %broadcast_in_dim3A_405 = arith.constant 0 : i32
      %broadcast_in_dim3A_406 = vector.broadcast %broadcast_in_dim3A_405 : i32 to vector<16xi32>
      %swap3A_407 = arith.constant 16 : index
      %swap3A_408 = tpu.vector_load %arg7[%swap3A_407] {strides = array<i32>} : memref<4096xi32, #tpu.memory_space<vmem>>, vector<16xi32>,
      tpu.vector_store %arg7[%swap3A_407], %broadcast_in_dim3A_406 {strides = array<i32>} : memref<4096xi32, #tpu.memory_space<vmem>>, vector<16xi32>,
      %scan3A_409 = arith.constant 0 : i32
      %scan3A_410 = arith.constant 0 : i32
      %scan3A_411 = arith.constant 256 : i32
      %scan3A_412 = arith.addi %scan3A_410, %scan3A_411 : i32
      %scan3A_413 = arith.constant 8 : i32
      scf.for %scan3A_460 = %scan3A_410 to %scan3A_412 step %scan3A_413  : i32 {
        %mul3A_461 = arith.constant 16 : i32
        %mul3A_462 = arith.muli %scan3A_460, %mul3A_461 : i32
        %get3A_463 = arith.index_cast %mul3A_462 : i32 to index
        %get3A_464 = tpu.vector_load %arg11[%get3A_463] {strides = array<i32>} : memref<4096xi32, #tpu.memory_space<vmem>>, vector<16xi32>,
        %shift_right_arithmetic3A = arith.constant 30 : i32
        %shift_right_arithmetic3A_465 = vector.broadcast %shift_right_arithmetic3A : i32 to vector<16xi32>
        %shift_right_arithmetic3A_466 = arith.shrsi %get3A_464, %shift_right_arithmetic3A_465 : vector<16xi32>
        %and3A = arith.constant 31 : i32
        %and3A_467 = vector.broadcast %and3A : i32 to vector<16xi32>
        %and3A_468 = arith.andi %shift_right_arithmetic3A_466, %and3A_467 : vector<16xi32>
        %sub3A_469 = arith.constant 31 : i32
        %sub3A_470 = vector.broadcast %sub3A_469 : i32 to vector<16xi32>
        %sub3A_471 = arith.subi %sub3A_470, %and3A_468 : vector<16xi32>
        tpu.vector_store_idx %arg7[%sub3A_471], %broadcast_in_dim3A_1 {add = true} : memref<4096xi32, #tpu.memory_space<vmem>>[vector<16xi32>], vector<16xi32>,
        %scan3A_472 = arith.constant 1 : i32
        %scan3A_473 = arith.addi %scan3A_460, %scan3A_472 : i32
        %mul3A_474 = arith.constant 16 : i32
        %mul3A_475 = arith.muli %scan3A_473, %mul3A_474 : i32
        %get3A_476 = arith.index_cast %mul3A_475 : i32 to index
        %get3A_477 = tpu.vector_load %arg11[%get3A_476] {strides = array<i32>} : memref<4096xi32, #tpu.memory_space<vmem>>, vector<16xi32>,
        %shift_right_arithmetic3A_478 = arith.constant 30 : i32
        %shift_right_arithmetic3A_479 = vector.broadcast %shift_right_arithmetic3A_478 : i32 to vector<16xi32>
        %shift_right_arithmetic3A_480 = arith.shrsi %get3A_477, %shift_right_arithmetic3A_479 : vector<16xi32>
        %and3A_481 = arith.constant 31 : i32
        %and3A_482 = vector.broadcast %and3A_481 : i32 to vector<16xi32>
        %and3A_483 = arith.andi %shift_right_arithmetic3A_480, %and3A_482 : vector<16xi32>
        %sub3A_484 = arith.constant 31 : i32
        %sub3A_485 = vector.broadcast %sub3A_484 : i32 to vector<16xi32>
        %sub3A_486 = arith.subi %sub3A_485, %and3A_483 : vector<16xi32>
        tpu.vector_store_idx %arg7[%sub3A_486], %broadcast_in_dim3A_1 {add = true} : memref<4096xi32, #tpu.memory_space<vmem>>[vector<16xi32>], vector<16xi32>,
        %scan3A_487 = arith.constant 2 : i32
        %scan3A_488 = arith.addi %scan3A_460, %scan3A_487 : i32
        %mul3A_489 = arith.constant 16 : i32
        %mul3A_490 = arith.muli %scan3A_488, %mul3A_489 : i32
        %get3A_491 = arith.index_cast %mul3A_490 : i32 to index
        %get3A_492 = tpu.vector_load %arg11[%get3A_491] {strides = array<i32>} : memref<4096xi32, #tpu.memory_space<vmem>>, vector<16xi32>,
        %shift_right_arithmetic3A_493 = arith.constant 30 : i32
        %shift_right_arithmetic3A_494 = vector.broadcast %shift_right_arithmetic3A_493 : i32 to vector<16xi32>
        %shift_right_arithmetic3A_495 = arith.shrsi %get3A_492, %shift_right_arithmetic3A_494 : vector<16xi32>
        %and3A_496 = arith.constant 31 : i32
        %and3A_497 = vector.broadcast %and3A_496 : i32 to vector<16xi32>
        %and3A_498 = arith.andi %shift_right_arithmetic3A_495, %and3A_497 : vector<16xi32>
        %sub3A_499 = arith.constant 31 : i32
        %sub3A_500 = vector.broadcast %sub3A_499 : i32 to vector<16xi32>
        %sub3A_501 = arith.subi %sub3A_500, %and3A_498 : vector<16xi32>
        tpu.vector_store_idx %arg7[%sub3A_501], %broadcast_in_dim3A_1 {add = true} : memref<4096xi32, #tpu.memory_space<vmem>>[vector<16xi32>], vector<16xi32>,
        %scan3A_502 = arith.constant 3 : i32
        %scan3A_503 = arith.addi %scan3A_460, %scan3A_502 : i32
        %mul3A_504 = arith.constant 16 : i32
        %mul3A_505 = arith.muli %scan3A_503, %mul3A_504 : i32
        %get3A_506 = arith.index_cast %mul3A_505 : i32 to index
        %get3A_507 = tpu.vector_load %arg11[%get3A_506] {strides = array<i32>} : memref<4096xi32, #tpu.memory_space<vmem>>, vector<16xi32>,
        %shift_right_arithmetic3A_508 = arith.constant 30 : i32
        %shift_right_arithmetic3A_509 = vector.broadcast %shift_right_arithmetic3A_508 : i32 to vector<16xi32>
        %shift_right_arithmetic3A_510 = arith.shrsi %get3A_507, %shift_right_arithmetic3A_509 : vector<16xi32>
        %and3A_511 = arith.constant 31 : i32
        %and3A_512 = vector.broadcast %and3A_511 : i32 to vector<16xi32>
        %and3A_513 = arith.andi %shift_right_arithmetic3A_510, %and3A_512 : vector<16xi32>
        %sub3A_514 = arith.constant 31 : i32
        %sub3A_515 = vector.broadcast %sub3A_514 : i32 to vector<16xi32>
        %sub3A_516 = arith.subi %sub3A_515, %and3A_513 : vector<16xi32>
        tpu.vector_store_idx %arg7[%sub3A_516], %broadcast_in_dim3A_1 {add = true} : memref<4096xi32, #tpu.memory_space<vmem>>[vector<16xi32>], vector<16xi32>,
        %scan3A_517 = arith.constant 4 : i32
        %scan3A_518 = arith.addi %scan3A_460, %scan3A_517 : i32
        %mul3A_519 = arith.constant 16 : i32
        %mul3A_520 = arith.muli %scan3A_518, %mul3A_519 : i32
        %get3A_521 = arith.index_cast %mul3A_520 : i32 to index
        %get3A_522 = tpu.vector_load %arg11[%get3A_521] {strides = array<i32>} : memref<4096xi32, #tpu.memory_space<vmem>>, vector<16xi32>,
        %shift_right_arithmetic3A_523 = arith.constant 30 : i32
        %shift_right_arithmetic3A_524 = vector.broadcast %shift_right_arithmetic3A_523 : i32 to vector<16xi32>
        %shift_right_arithmetic3A_525 = arith.shrsi %get3A_522, %shift_right_arithmetic3A_524 : vector<16xi32>
        %and3A_526 = arith.constant 31 : i32
        %and3A_527 = vector.broadcast %and3A_526 : i32 to vector<16xi32>
        %and3A_528 = arith.andi %shift_right_arithmetic3A_525, %and3A_527 : vector<16xi32>
        %sub3A_529 = arith.constant 31 : i32
        %sub3A_530 = vector.broadcast %sub3A_529 : i32 to vector<16xi32>
        %sub3A_531 = arith.subi %sub3A_530, %and3A_528 : vector<16xi32>
        tpu.vector_store_idx %arg7[%sub3A_531], %broadcast_in_dim3A_1 {add = true} : memref<4096xi32, #tpu.memory_space<vmem>>[vector<16xi32>], vector<16xi32>,
        %scan3A_532 = arith.constant 5 : i32
        %scan3A_533 = arith.addi %scan3A_460, %scan3A_532 : i32
        %mul3A_534 = arith.constant 16 : i32
        %mul3A_535 = arith.muli %scan3A_533, %mul3A_534 : i32
        %get3A_536 = arith.index_cast %mul3A_535 : i32 to index
        %get3A_537 = tpu.vector_load %arg11[%get3A_536] {strides = array<i32>} : memref<4096xi32, #tpu.memory_space<vmem>>, vector<16xi32>,
        %shift_right_arithmetic3A_538 = arith.constant 30 : i32
        %shift_right_arithmetic3A_539 = vector.broadcast %shift_right_arithmetic3A_538 : i32 to vector<16xi32>
        %shift_right_arithmetic3A_540 = arith.shrsi %get3A_537, %shift_right_arithmetic3A_539 : vector<16xi32>
        %and3A_541 = arith.constant 31 : i32
        %and3A_542 = vector.broadcast %and3A_541 : i32 to vector<16xi32>
        %and3A_543 = arith.andi %shift_right_arithmetic3A_540, %and3A_542 : vector<16xi32>
        %sub3A_544 = arith.constant 31 : i32
        %sub3A_545 = vector.broadcast %sub3A_544 : i32 to vector<16xi32>
        %sub3A_546 = arith.subi %sub3A_545, %and3A_543 : vector<16xi32>
        tpu.vector_store_idx %arg7[%sub3A_546], %broadcast_in_dim3A_1 {add = true} : memref<4096xi32, #tpu.memory_space<vmem>>[vector<16xi32>], vector<16xi32>,
        %scan3A_547 = arith.constant 6 : i32
        %scan3A_548 = arith.addi %scan3A_460, %scan3A_547 : i32
        %mul3A_549 = arith.constant 16 : i32
        %mul3A_550 = arith.muli %scan3A_548, %mul3A_549 : i32
        %get3A_551 = arith.index_cast %mul3A_550 : i32 to index
        %get3A_552 = tpu.vector_load %arg11[%get3A_551] {strides = array<i32>} : memref<4096xi32, #tpu.memory_space<vmem>>, vector<16xi32>,
        %shift_right_arithmetic3A_553 = arith.constant 30 : i32
        %shift_right_arithmetic3A_554 = vector.broadcast %shift_right_arithmetic3A_553 : i32 to vector<16xi32>
        %shift_right_arithmetic3A_555 = arith.shrsi %get3A_552, %shift_right_arithmetic3A_554 : vector<16xi32>
        %and3A_556 = arith.constant 31 : i32
        %and3A_557 = vector.broadcast %and3A_556 : i32 to vector<16xi32>
        %and3A_558 = arith.andi %shift_right_arithmetic3A_555, %and3A_557 : vector<16xi32>
        %sub3A_559 = arith.constant 31 : i32
        %sub3A_560 = vector.broadcast %sub3A_559 : i32 to vector<16xi32>
        %sub3A_561 = arith.subi %sub3A_560, %and3A_558 : vector<16xi32>
        tpu.vector_store_idx %arg7[%sub3A_561], %broadcast_in_dim3A_1 {add = true} : memref<4096xi32, #tpu.memory_space<vmem>>[vector<16xi32>], vector<16xi32>,
        %scan3A_562 = arith.constant 7 : i32
        %scan3A_563 = arith.addi %scan3A_460, %scan3A_562 : i32
        %mul3A_564 = arith.constant 16 : i32
        %mul3A_565 = arith.muli %scan3A_563, %mul3A_564 : i32
        %get3A_566 = arith.index_cast %mul3A_565 : i32 to index
        %get3A_567 = tpu.vector_load %arg11[%get3A_566] {strides = array<i32>} : memref<4096xi32, #tpu.memory_space<vmem>>, vector<16xi32>,
        %shift_right_arithmetic3A_568 = arith.constant 30 : i32
        %shift_right_arithmetic3A_569 = vector.broadcast %shift_right_arithmetic3A_568 : i32 to vector<16xi32>
        %shift_right_arithmetic3A_570 = arith.shrsi %get3A_567, %shift_right_arithmetic3A_569 : vector<16xi32>
        %and3A_571 = arith.constant 31 : i32
        %and3A_572 = vector.broadcast %and3A_571 : i32 to vector<16xi32>
        %and3A_573 = arith.andi %shift_right_arithmetic3A_570, %and3A_572 : vector<16xi32>
        %sub3A_574 = arith.constant 31 : i32
        %sub3A_575 = vector.broadcast %sub3A_574 : i32 to vector<16xi32>
        %sub3A_576 = arith.subi %sub3A_575, %and3A_573 : vector<16xi32>
        tpu.vector_store_idx %arg7[%sub3A_576], %broadcast_in_dim3A_1 {add = true} : memref<4096xi32, #tpu.memory_space<vmem>>[vector<16xi32>], vector<16xi32>,
      }
      %scan3A_414 = arith.constant 256 : i32
      %get3A_415 = arith.constant 0 : index
      %get3A_416 = tpu.vector_load %arg7[%get3A_415] {strides = array<i32>} : memref<4096xi32, #tpu.memory_space<vmem>>, vector<16xi32>,
      %get3A_417 = arith.constant 16 : index
      %get3A_418 = tpu.vector_load %arg7[%get3A_417] {strides = array<i32>} : memref<4096xi32, #tpu.memory_space<vmem>>, vector<16xi32>,
      %broadcast_in_dim3A_419 = arith.constant true
      %broadcast_in_dim3A_420 = vector.broadcast %broadcast_in_dim3A_419 : i1 to vector<16xi1>
      %masked_cumsum3A_421 = tpu.scan <sum>, %get3A_416 masked %broadcast_in_dim3A_420 : vector<16xi32>, vector<16xi1> -> vector<16xi32>
      %broadcast_in_dim3A_422 = arith.constant true
      %broadcast_in_dim3A_423 = vector.broadcast %broadcast_in_dim3A_422 : i1 to vector<16xi1>
      %masked_cumsum3A_424 = tpu.scan <sum>, %get3A_418 masked %broadcast_in_dim3A_423 : vector<16xi32>, vector<16xi1> -> vector<16xi32>
      %reduce_max3A_425 = arith.constant true
      %reduce_max3A_426 = vector.broadcast %reduce_max3A_425 : i1 to vector<16xi1>
      %reduce_max3A_427 = arith.constant -2147483648 : i32
      %reduce_max3A_428 = vector.broadcast %reduce_max3A_427 : i32 to vector<16xi32>
      %reduce_max3A_429 = arith.xori %masked_cumsum3A_421, %reduce_max3A_428 : vector<16xi32>
      %reduce_max3A_430 = tpu.scan <max>, %reduce_max3A_429 masked %reduce_max3A_426 : vector<16xi32>, vector<16xi1> -> vector<16xi32>
      %reduce_max3A_431 = arith.xori %reduce_max3A_430, %reduce_max3A_428 : vector<16xi32>
      %reduce_max3A_432 = vector.extract %reduce_max3A_431[15] : i32 from vector<16xi32>
      %sub3A_433 = arith.subi %masked_cumsum3A_421, %get3A_416 : vector<16xi32>
      %swap3A_434 = arith.constant 0 : index
      %swap3A_435 = tpu.vector_load %arg7[%swap3A_434] {strides = array<i32>} : memref<4096xi32, #tpu.memory_space<vmem>>, vector<16xi32>,
      tpu.vector_store %arg7[%swap3A_434], %sub3A_433 {strides = array<i32>} : memref<4096xi32, #tpu.memory_space<vmem>>, vector<16xi32>,
      %sub3A_436 = arith.subi %masked_cumsum3A_424, %get3A_418 : vector<16xi32>
      %add3A_437 = vector.broadcast %reduce_max3A_432 : i32 to vector<16xi32>
      %add3A_438 = arith.addi %sub3A_436, %add3A_437 : vector<16xi32>
      %swap3A_439 = arith.constant 16 : index
      %swap3A_440 = tpu.vector_load %arg7[%swap3A_439] {strides = array<i32>} : memref<4096xi32, #tpu.memory_space<vmem>>, vector<16xi32>,
      tpu.vector_store %arg7[%swap3A_439], %add3A_438 {strides = array<i32>} : memref<4096xi32, #tpu.memory_space<vmem>>, vector<16xi32>,
      %scan3A_441 = arith.constant 0 : i32
      %scan3A_442 = arith.constant 0 : i32
      %scan3A_443 = arith.constant 256 : i32
      %scan3A_444 = arith.addi %scan3A_442, %scan3A_443 : i32
      %scan3A_445 = arith.constant 4 : i32
      scf.for %scan3A_460 = %scan3A_442 to %scan3A_444 step %scan3A_445  : i32 {
        %mul3A_461 = arith.constant 16 : i32
        %mul3A_462 = arith.muli %scan3A_460, %mul3A_461 : i32
        %get3A_463 = arith.index_cast %mul3A_462 : i32 to index
        %get3A_464 = tpu.vector_load %arg11[%get3A_463] {strides = array<i32>} : memref<4096xi32, #tpu.memory_space<vmem>>, vector<16xi32>,
        %mul3A_465 = arith.constant 16 : i32
        %mul3A_466 = arith.muli %scan3A_460, %mul3A_465 : i32
        %get3A_467 = arith.index_cast %mul3A_466 : i32 to index
        %get3A_468 = tpu.vector_load %arg9[%get3A_467] {strides = array<i32>} : memref<4096xi32, #tpu.memory_space<vmem>>, vector<16xi32>,
        %shift_right_arithmetic3A = arith.constant 30 : i32
        %shift_right_arithmetic3A_469 = vector.broadcast %shift_right_arithmetic3A : i32 to vector<16xi32>
        %shift_right_arithmetic3A_470 = arith.shrsi %get3A_464, %shift_right_arithmetic3A_469 : vector<16xi32>
        %and3A = arith.constant 31 : i32
        %and3A_471 = vector.broadcast %and3A : i32 to vector<16xi32>
        %and3A_472 = arith.andi %shift_right_arithmetic3A_470, %and3A_471 : vector<16xi32>
        %sub3A_473 = arith.constant 31 : i32
        %sub3A_474 = vector.broadcast %sub3A_473 : i32 to vector<16xi32>
        %sub3A_475 = arith.subi %sub3A_474, %and3A_472 : vector<16xi32>
        %broadcast_in_dim3A_476 = arith.constant true
        %broadcast_in_dim3A_477 = vector.broadcast %broadcast_in_dim3A_476 : i1 to vector<16xi1>
        %unique3A, %unique3A_478 = tpu.scan_count mask(%broadcast_in_dim3A_477 : vector<16xi1>) value(%sub3A_475 : vector<16xi32>) : vector<16xi1>, vector<16xi32>
        %sub3A_479 = arith.constant 1 : i32
        %sub3A_480 = vector.broadcast %sub3A_479 : i32 to vector<16xi32>
        %sub3A_481 = arith.subi %unique3A_478, %sub3A_480 : vector<16xi32>
        %gather3A = tpu.vector_load_idx %arg7[%sub3A_475] : memref<4096xi32, #tpu.memory_space<vmem>>[vector<16xi32>], vector<16xi32>,
        %add3A_482 = arith.addi %gather3A, %sub3A_481 : vector<16xi32>
        tpu.vector_store_idx %arg12[%add3A_482], %get3A_464 : memref<4096xi32, #tpu.memory_space<vmem>>[vector<16xi32>], vector<16xi32>,
        tpu.vector_store_idx %arg13[%add3A_482], %get3A_468 : memref<4096xi32, #tpu.memory_space<vmem>>[vector<16xi32>], vector<16xi32>,
        tpu.vector_store_idx %arg7[%sub3A_475], %broadcast_in_dim3A_1 {add = true} : memref<4096xi32, #tpu.memory_space<vmem>>[vector<16xi32>], vector<16xi32>,
        %scan3A_483 = arith.constant 1 : i32
        %scan3A_484 = arith.addi %scan3A_460, %scan3A_483 : i32
        %mul3A_485 = arith.constant 16 : i32
        %mul3A_486 = arith.muli %scan3A_484, %mul3A_485 : i32
        %get3A_487 = arith.index_cast %mul3A_486 : i32 to index
        %get3A_488 = tpu.vector_load %arg11[%get3A_487] {strides = array<i32>} : memref<4096xi32, #tpu.memory_space<vmem>>, vector<16xi32>,
        %mul3A_489 = arith.constant 16 : i32
        %mul3A_490 = arith.muli %scan3A_484, %mul3A_489 : i32
        %get3A_491 = arith.index_cast %mul3A_490 : i32 to index
        %get3A_492 = tpu.vector_load %arg9[%get3A_491] {strides = array<i32>} : memref<4096xi32, #tpu.memory_space<vmem>>, vector<16xi32>,
        %shift_right_arithmetic3A_493 = arith.constant 30 : i32
        %shift_right_arithmetic3A_494 = vector.broadcast %shift_right_arithmetic3A_493 : i32 to vector<16xi32>
        %shift_right_arithmetic3A_495 = arith.shrsi %get3A_488, %shift_right_arithmetic3A_494 : vector<16xi32>
        %and3A_496 = arith.constant 31 : i32
        %and3A_497 = vector.broadcast %and3A_496 : i32 to vector<16xi32>
        %and3A_498 = arith.andi %shift_right_arithmetic3A_495, %and3A_497 : vector<16xi32>
        %sub3A_499 = arith.constant 31 : i32
        %sub3A_500 = vector.broadcast %sub3A_499 : i32 to vector<16xi32>
        %sub3A_501 = arith.subi %sub3A_500, %and3A_498 : vector<16xi32>
        %broadcast_in_dim3A_502 = arith.constant true
        %broadcast_in_dim3A_503 = vector.broadcast %broadcast_in_dim3A_502 : i1 to vector<16xi1>
        %unique3A_504, %unique3A_505 = tpu.scan_count mask(%broadcast_in_dim3A_503 : vector<16xi1>) value(%sub3A_501 : vector<16xi32>) : vector<16xi1>, vector<16xi32>
        %sub3A_506 = arith.constant 1 : i32
        %sub3A_507 = vector.broadcast %sub3A_506 : i32 to vector<16xi32>
        %sub3A_508 = arith.subi %unique3A_505, %sub3A_507 : vector<16xi32>
        %gather3A_509 = tpu.vector_load_idx %arg7[%sub3A_501] : memref<4096xi32, #tpu.memory_space<vmem>>[vector<16xi32>], vector<16xi32>,
        %add3A_510 = arith.addi %gather3A_509, %sub3A_508 : vector<16xi32>
        tpu.vector_store_idx %arg12[%add3A_510], %get3A_488 : memref<4096xi32, #tpu.memory_space<vmem>>[vector<16xi32>], vector<16xi32>,
        tpu.vector_store_idx %arg13[%add3A_510], %get3A_492 : memref<4096xi32, #tpu.memory_space<vmem>>[vector<16xi32>], vector<16xi32>,
        tpu.vector_store_idx %arg7[%sub3A_501], %broadcast_in_dim3A_1 {add = true} : memref<4096xi32, #tpu.memory_space<vmem>>[vector<16xi32>], vector<16xi32>,
        %scan3A_511 = arith.constant 2 : i32
        %scan3A_512 = arith.addi %scan3A_460, %scan3A_511 : i32
        %mul3A_513 = arith.constant 16 : i32
        %mul3A_514 = arith.muli %scan3A_512, %mul3A_513 : i32
        %get3A_515 = arith.index_cast %mul3A_514 : i32 to index
        %get3A_516 = tpu.vector_load %arg11[%get3A_515] {strides = array<i32>} : memref<4096xi32, #tpu.memory_space<vmem>>, vector<16xi32>,
        %mul3A_517 = arith.constant 16 : i32
        %mul3A_518 = arith.muli %scan3A_512, %mul3A_517 : i32
        %get3A_519 = arith.index_cast %mul3A_518 : i32 to index
        %get3A_520 = tpu.vector_load %arg9[%get3A_519] {strides = array<i32>} : memref<4096xi32, #tpu.memory_space<vmem>>, vector<16xi32>,
        %shift_right_arithmetic3A_521 = arith.constant 30 : i32
        %shift_right_arithmetic3A_522 = vector.broadcast %shift_right_arithmetic3A_521 : i32 to vector<16xi32>
        %shift_right_arithmetic3A_523 = arith.shrsi %get3A_516, %shift_right_arithmetic3A_522 : vector<16xi32>
        %and3A_524 = arith.constant 31 : i32
        %and3A_525 = vector.broadcast %and3A_524 : i32 to vector<16xi32>
        %and3A_526 = arith.andi %shift_right_arithmetic3A_523, %and3A_525 : vector<16xi32>
        %sub3A_527 = arith.constant 31 : i32
        %sub3A_528 = vector.broadcast %sub3A_527 : i32 to vector<16xi32>
        %sub3A_529 = arith.subi %sub3A_528, %and3A_526 : vector<16xi32>
        %broadcast_in_dim3A_530 = arith.constant true
        %broadcast_in_dim3A_531 = vector.broadcast %broadcast_in_dim3A_530 : i1 to vector<16xi1>
        %unique3A_532, %unique3A_533 = tpu.scan_count mask(%broadcast_in_dim3A_531 : vector<16xi1>) value(%sub3A_529 : vector<16xi32>) : vector<16xi1>, vector<16xi32>
        %sub3A_534 = arith.constant 1 : i32
        %sub3A_535 = vector.broadcast %sub3A_534 : i32 to vector<16xi32>
        %sub3A_536 = arith.subi %unique3A_533, %sub3A_535 : vector<16xi32>
        %gather3A_537 = tpu.vector_load_idx %arg7[%sub3A_529] : memref<4096xi32, #tpu.memory_space<vmem>>[vector<16xi32>], vector<16xi32>,
        %add3A_538 = arith.addi %gather3A_537, %sub3A_536 : vector<16xi32>
        tpu.vector_store_idx %arg12[%add3A_538], %get3A_516 : memref<4096xi32, #tpu.memory_space<vmem>>[vector<16xi32>], vector<16xi32>,
        tpu.vector_store_idx %arg13[%add3A_538], %get3A_520 : memref<4096xi32, #tpu.memory_space<vmem>>[vector<16xi32>], vector<16xi32>,
        tpu.vector_store_idx %arg7[%sub3A_529], %broadcast_in_dim3A_1 {add = true} : memref<4096xi32, #tpu.memory_space<vmem>>[vector<16xi32>], vector<16xi32>,
        %scan3A_539 = arith.constant 3 : i32
        %scan3A_540 = arith.addi %scan3A_460, %scan3A_539 : i32
        %mul3A_541 = arith.constant 16 : i32
        %mul3A_542 = arith.muli %scan3A_540, %mul3A_541 : i32
        %get3A_543 = arith.index_cast %mul3A_542 : i32 to index
        %get3A_544 = tpu.vector_load %arg11[%get3A_543] {strides = array<i32>} : memref<4096xi32, #tpu.memory_space<vmem>>, vector<16xi32>,
        %mul3A_545 = arith.constant 16 : i32
        %mul3A_546 = arith.muli %scan3A_540, %mul3A_545 : i32
        %get3A_547 = arith.index_cast %mul3A_546 : i32 to index
        %get3A_548 = tpu.vector_load %arg9[%get3A_547] {strides = array<i32>} : memref<4096xi32, #tpu.memory_space<vmem>>, vector<16xi32>,
        %shift_right_arithmetic3A_549 = arith.constant 30 : i32
        %shift_right_arithmetic3A_550 = vector.broadcast %shift_right_arithmetic3A_549 : i32 to vector<16xi32>
        %shift_right_arithmetic3A_551 = arith.shrsi %get3A_544, %shift_right_arithmetic3A_550 : vector<16xi32>
        %and3A_552 = arith.constant 31 : i32
        %and3A_553 = vector.broadcast %and3A_552 : i32 to vector<16xi32>
        %and3A_554 = arith.andi %shift_right_arithmetic3A_551, %and3A_553 : vector<16xi32>
        %sub3A_555 = arith.constant 31 : i32
        %sub3A_556 = vector.broadcast %sub3A_555 : i32 to vector<16xi32>
        %sub3A_557 = arith.subi %sub3A_556, %and3A_554 : vector<16xi32>
        %broadcast_in_dim3A_558 = arith.constant true
        %broadcast_in_dim3A_559 = vector.broadcast %broadcast_in_dim3A_558 : i1 to vector<16xi1>
        %unique3A_560, %unique3A_561 = tpu.scan_count mask(%broadcast_in_dim3A_559 : vector<16xi1>) value(%sub3A_557 : vector<16xi32>) : vector<16xi1>, vector<16xi32>
        %sub3A_562 = arith.constant 1 : i32
        %sub3A_563 = vector.broadcast %sub3A_562 : i32 to vector<16xi32>
        %sub3A_564 = arith.subi %unique3A_561, %sub3A_563 : vector<16xi32>
        %gather3A_565 = tpu.vector_load_idx %arg7[%sub3A_557] : memref<4096xi32, #tpu.memory_space<vmem>>[vector<16xi32>], vector<16xi32>,
        %add3A_566 = arith.addi %gather3A_565, %sub3A_564 : vector<16xi32>
        tpu.vector_store_idx %arg12[%add3A_566], %get3A_544 : memref<4096xi32, #tpu.memory_space<vmem>>[vector<16xi32>], vector<16xi32>,
        tpu.vector_store_idx %arg13[%add3A_566], %get3A_548 : memref<4096xi32, #tpu.memory_space<vmem>>[vector<16xi32>], vector<16xi32>,
        tpu.vector_store_idx %arg7[%sub3A_557], %broadcast_in_dim3A_1 {add = true} : memref<4096xi32, #tpu.memory_space<vmem>>[vector<16xi32>], vector<16xi32>,
      }
      %scan3A_446 = arith.constant 256 : i32
      %scan3A_447 = arith.constant 0 : i32
      %scan3A_448 = arith.constant 0 : i32
      %scan3A_449 = arith.constant 128 : i32
      %scan3A_450 = arith.addi %scan3A_448, %scan3A_449 : i32
      %scan3A_451 = arith.constant 8 : i32
      scf.for %scan3A_460 = %scan3A_448 to %scan3A_450 step %scan3A_451  : i32 {
        %mul3A_461 = arith.constant 16 : i32
        %mul3A_462 = arith.muli %scan3A_460, %mul3A_461 : i32
        %get3A_463 = arith.index_cast %mul3A_462 : i32 to index
        %get3A_464 = tpu.vector_load %arg12[%get3A_463] {strides = array<i32>} : memref<4096xi32, #tpu.memory_space<vmem>>, vector<16xi32>,
        %lt3A = arith.constant 0 : i32
        %lt3A_465 = vector.broadcast %lt3A : i32 to vector<16xi32>
        %lt3A_466 = arith.cmpi slt, %get3A_464, %lt3A_465 : vector<16xi32>
        %xor3A = arith.constant -2147483648 : i32
        %xor3A_467 = vector.broadcast %xor3A : i32 to vector<16xi32>
        %xor3A_468 = arith.xori %get3A_464, %xor3A_467 : vector<16xi32>
        %not3A = arith.constant dense<-1> : vector<16xi32>
        %not3A_469 = arith.xori %get3A_464, %not3A : vector<16xi32>
        %select_n3A_470 = arith.select %lt3A_466, %xor3A_468, %not3A_469 : vector<16xi1>, vector<16xi32>
        %bitcast_convert_type3A = tpu.bitcast %select_n3A_470 : vector<16xi32> -> vector<16xf32>
        %mul3A_471 = arith.constant 16 : i32
        %mul3A_472 = arith.muli %scan3A_460, %mul3A_471 : i32
        %swap3A_473 = arith.index_cast %mul3A_472 : i32 to index
        %swap3A_474 = tpu.vector_load %arg8[%swap3A_473] {strides = array<i32>} : memref<4096xf32, #tpu.memory_space<vmem>>, vector<16xf32>,
        tpu.vector_store %arg8[%swap3A_473], %bitcast_convert_type3A {strides = array<i32>} : memref<4096xf32, #tpu.memory_space<vmem>>, vector<16xf32>,
        %scan3A_475 = arith.constant 1 : i32
        %scan3A_476 = arith.addi %scan3A_460, %scan3A_475 : i32
        %mul3A_477 = arith.constant 16 : i32
        %mul3A_478 = arith.muli %scan3A_476, %mul3A_477 : i32
        %get3A_479 = arith.index_cast %mul3A_478 : i32 to index
        %get3A_480 = tpu.vector_load %arg12[%get3A_479] {strides = array<i32>} : memref<4096xi32, #tpu.memory_space<vmem>>, vector<16xi32>,
        %lt3A_481 = arith.constant 0 : i32
        %lt3A_482 = vector.broadcast %lt3A_481 : i32 to vector<16xi32>
        %lt3A_483 = arith.cmpi slt, %get3A_480, %lt3A_482 : vector<16xi32>
        %xor3A_484 = arith.constant -2147483648 : i32
        %xor3A_485 = vector.broadcast %xor3A_484 : i32 to vector<16xi32>
        %xor3A_486 = arith.xori %get3A_480, %xor3A_485 : vector<16xi32>
        %not3A_487 = arith.constant dense<-1> : vector<16xi32>
        %not3A_488 = arith.xori %get3A_480, %not3A_487 : vector<16xi32>
        %select_n3A_489 = arith.select %lt3A_483, %xor3A_486, %not3A_488 : vector<16xi1>, vector<16xi32>
        %bitcast_convert_type3A_490 = tpu.bitcast %select_n3A_489 : vector<16xi32> -> vector<16xf32>
        %mul3A_491 = arith.constant 16 : i32
        %mul3A_492 = arith.muli %scan3A_476, %mul3A_491 : i32
        %swap3A_493 = arith.index_cast %mul3A_492 : i32 to index
        %swap3A_494 = tpu.vector_load %arg8[%swap3A_493] {strides = array<i32>} : memref<4096xf32, #tpu.memory_space<vmem>>, vector<16xf32>,
        tpu.vector_store %arg8[%swap3A_493], %bitcast_convert_type3A_490 {strides = array<i32>} : memref<4096xf32, #tpu.memory_space<vmem>>, vector<16xf32>,
        %scan3A_495 = arith.constant 2 : i32
        %scan3A_496 = arith.addi %scan3A_460, %scan3A_495 : i32
        %mul3A_497 = arith.constant 16 : i32
        %mul3A_498 = arith.muli %scan3A_496, %mul3A_497 : i32
        %get3A_499 = arith.index_cast %mul3A_498 : i32 to index
        %get3A_500 = tpu.vector_load %arg12[%get3A_499] {strides = array<i32>} : memref<4096xi32, #tpu.memory_space<vmem>>, vector<16xi32>,
        %lt3A_501 = arith.constant 0 : i32
        %lt3A_502 = vector.broadcast %lt3A_501 : i32 to vector<16xi32>
        %lt3A_503 = arith.cmpi slt, %get3A_500, %lt3A_502 : vector<16xi32>
        %xor3A_504 = arith.constant -2147483648 : i32
        %xor3A_505 = vector.broadcast %xor3A_504 : i32 to vector<16xi32>
        %xor3A_506 = arith.xori %get3A_500, %xor3A_505 : vector<16xi32>
        %not3A_507 = arith.constant dense<-1> : vector<16xi32>
        %not3A_508 = arith.xori %get3A_500, %not3A_507 : vector<16xi32>
        %select_n3A_509 = arith.select %lt3A_503, %xor3A_506, %not3A_508 : vector<16xi1>, vector<16xi32>
        %bitcast_convert_type3A_510 = tpu.bitcast %select_n3A_509 : vector<16xi32> -> vector<16xf32>
        %mul3A_511 = arith.constant 16 : i32
        %mul3A_512 = arith.muli %scan3A_496, %mul3A_511 : i32
        %swap3A_513 = arith.index_cast %mul3A_512 : i32 to index
        %swap3A_514 = tpu.vector_load %arg8[%swap3A_513] {strides = array<i32>} : memref<4096xf32, #tpu.memory_space<vmem>>, vector<16xf32>,
        tpu.vector_store %arg8[%swap3A_513], %bitcast_convert_type3A_510 {strides = array<i32>} : memref<4096xf32, #tpu.memory_space<vmem>>, vector<16xf32>,
        %scan3A_515 = arith.constant 3 : i32
        %scan3A_516 = arith.addi %scan3A_460, %scan3A_515 : i32
        %mul3A_517 = arith.constant 16 : i32
        %mul3A_518 = arith.muli %scan3A_516, %mul3A_517 : i32
        %get3A_519 = arith.index_cast %mul3A_518 : i32 to index
        %get3A_520 = tpu.vector_load %arg12[%get3A_519] {strides = array<i32>} : memref<4096xi32, #tpu.memory_space<vmem>>, vector<16xi32>,
        %lt3A_521 = arith.constant 0 : i32
        %lt3A_522 = vector.broadcast %lt3A_521 : i32 to vector<16xi32>
        %lt3A_523 = arith.cmpi slt, %get3A_520, %lt3A_522 : vector<16xi32>
        %xor3A_524 = arith.constant -2147483648 : i32
        %xor3A_525 = vector.broadcast %xor3A_524 : i32 to vector<16xi32>
        %xor3A_526 = arith.xori %get3A_520, %xor3A_525 : vector<16xi32>
        %not3A_527 = arith.constant dense<-1> : vector<16xi32>
        %not3A_528 = arith.xori %get3A_520, %not3A_527 : vector<16xi32>
        %select_n3A_529 = arith.select %lt3A_523, %xor3A_526, %not3A_528 : vector<16xi1>, vector<16xi32>
        %bitcast_convert_type3A_530 = tpu.bitcast %select_n3A_529 : vector<16xi32> -> vector<16xf32>
        %mul3A_531 = arith.constant 16 : i32
        %mul3A_532 = arith.muli %scan3A_516, %mul3A_531 : i32
        %swap3A_533 = arith.index_cast %mul3A_532 : i32 to index
        %swap3A_534 = tpu.vector_load %arg8[%swap3A_533] {strides = array<i32>} : memref<4096xf32, #tpu.memory_space<vmem>>, vector<16xf32>,
        tpu.vector_store %arg8[%swap3A_533], %bitcast_convert_type3A_530 {strides = array<i32>} : memref<4096xf32, #tpu.memory_space<vmem>>, vector<16xf32>,
        %scan3A_535 = arith.constant 4 : i32
        %scan3A_536 = arith.addi %scan3A_460, %scan3A_535 : i32
        %mul3A_537 = arith.constant 16 : i32
        %mul3A_538 = arith.muli %scan3A_536, %mul3A_537 : i32
        %get3A_539 = arith.index_cast %mul3A_538 : i32 to index
        %get3A_540 = tpu.vector_load %arg12[%get3A_539] {strides = array<i32>} : memref<4096xi32, #tpu.memory_space<vmem>>, vector<16xi32>,
        %lt3A_541 = arith.constant 0 : i32
        %lt3A_542 = vector.broadcast %lt3A_541 : i32 to vector<16xi32>
        %lt3A_543 = arith.cmpi slt, %get3A_540, %lt3A_542 : vector<16xi32>
        %xor3A_544 = arith.constant -2147483648 : i32
        %xor3A_545 = vector.broadcast %xor3A_544 : i32 to vector<16xi32>
        %xor3A_546 = arith.xori %get3A_540, %xor3A_545 : vector<16xi32>
        %not3A_547 = arith.constant dense<-1> : vector<16xi32>
        %not3A_548 = arith.xori %get3A_540, %not3A_547 : vector<16xi32>
        %select_n3A_549 = arith.select %lt3A_543, %xor3A_546, %not3A_548 : vector<16xi1>, vector<16xi32>
        %bitcast_convert_type3A_550 = tpu.bitcast %select_n3A_549 : vector<16xi32> -> vector<16xf32>
        %mul3A_551 = arith.constant 16 : i32
        %mul3A_552 = arith.muli %scan3A_536, %mul3A_551 : i32
        %swap3A_553 = arith.index_cast %mul3A_552 : i32 to index
        %swap3A_554 = tpu.vector_load %arg8[%swap3A_553] {strides = array<i32>} : memref<4096xf32, #tpu.memory_space<vmem>>, vector<16xf32>,
        tpu.vector_store %arg8[%swap3A_553], %bitcast_convert_type3A_550 {strides = array<i32>} : memref<4096xf32, #tpu.memory_space<vmem>>, vector<16xf32>,
        %scan3A_555 = arith.constant 5 : i32
        %scan3A_556 = arith.addi %scan3A_460, %scan3A_555 : i32
        %mul3A_557 = arith.constant 16 : i32
        %mul3A_558 = arith.muli %scan3A_556, %mul3A_557 : i32
        %get3A_559 = arith.index_cast %mul3A_558 : i32 to index
        %get3A_560 = tpu.vector_load %arg12[%get3A_559] {strides = array<i32>} : memref<4096xi32, #tpu.memory_space<vmem>>, vector<16xi32>,
        %lt3A_561 = arith.constant 0 : i32
        %lt3A_562 = vector.broadcast %lt3A_561 : i32 to vector<16xi32>
        %lt3A_563 = arith.cmpi slt, %get3A_560, %lt3A_562 : vector<16xi32>
        %xor3A_564 = arith.constant -2147483648 : i32
        %xor3A_565 = vector.broadcast %xor3A_564 : i32 to vector<16xi32>
        %xor3A_566 = arith.xori %get3A_560, %xor3A_565 : vector<16xi32>
        %not3A_567 = arith.constant dense<-1> : vector<16xi32>
        %not3A_568 = arith.xori %get3A_560, %not3A_567 : vector<16xi32>
        %select_n3A_569 = arith.select %lt3A_563, %xor3A_566, %not3A_568 : vector<16xi1>, vector<16xi32>
        %bitcast_convert_type3A_570 = tpu.bitcast %select_n3A_569 : vector<16xi32> -> vector<16xf32>
        %mul3A_571 = arith.constant 16 : i32
        %mul3A_572 = arith.muli %scan3A_556, %mul3A_571 : i32
        %swap3A_573 = arith.index_cast %mul3A_572 : i32 to index
        %swap3A_574 = tpu.vector_load %arg8[%swap3A_573] {strides = array<i32>} : memref<4096xf32, #tpu.memory_space<vmem>>, vector<16xf32>,
        tpu.vector_store %arg8[%swap3A_573], %bitcast_convert_type3A_570 {strides = array<i32>} : memref<4096xf32, #tpu.memory_space<vmem>>, vector<16xf32>,
        %scan3A_575 = arith.constant 6 : i32
        %scan3A_576 = arith.addi %scan3A_460, %scan3A_575 : i32
        %mul3A_577 = arith.constant 16 : i32
        %mul3A_578 = arith.muli %scan3A_576, %mul3A_577 : i32
        %get3A_579 = arith.index_cast %mul3A_578 : i32 to index
        %get3A_580 = tpu.vector_load %arg12[%get3A_579] {strides = array<i32>} : memref<4096xi32, #tpu.memory_space<vmem>>, vector<16xi32>,
        %lt3A_581 = arith.constant 0 : i32
        %lt3A_582 = vector.broadcast %lt3A_581 : i32 to vector<16xi32>
        %lt3A_583 = arith.cmpi slt, %get3A_580, %lt3A_582 : vector<16xi32>
        %xor3A_584 = arith.constant -2147483648 : i32
        %xor3A_585 = vector.broadcast %xor3A_584 : i32 to vector<16xi32>
        %xor3A_586 = arith.xori %get3A_580, %xor3A_585 : vector<16xi32>
        %not3A_587 = arith.constant dense<-1> : vector<16xi32>
        %not3A_588 = arith.xori %get3A_580, %not3A_587 : vector<16xi32>
        %select_n3A_589 = arith.select %lt3A_583, %xor3A_586, %not3A_588 : vector<16xi1>, vector<16xi32>
        %bitcast_convert_type3A_590 = tpu.bitcast %select_n3A_589 : vector<16xi32> -> vector<16xf32>
        %mul3A_591 = arith.constant 16 : i32
        %mul3A_592 = arith.muli %scan3A_576, %mul3A_591 : i32
        %swap3A_593 = arith.index_cast %mul3A_592 : i32 to index
        %swap3A_594 = tpu.vector_load %arg8[%swap3A_593] {strides = array<i32>} : memref<4096xf32, #tpu.memory_space<vmem>>, vector<16xf32>,
        tpu.vector_store %arg8[%swap3A_593], %bitcast_convert_type3A_590 {strides = array<i32>} : memref<4096xf32, #tpu.memory_space<vmem>>, vector<16xf32>,
        %scan3A_595 = arith.constant 7 : i32
        %scan3A_596 = arith.addi %scan3A_460, %scan3A_595 : i32
        %mul3A_597 = arith.constant 16 : i32
        %mul3A_598 = arith.muli %scan3A_596, %mul3A_597 : i32
        %get3A_599 = arith.index_cast %mul3A_598 : i32 to index
        %get3A_600 = tpu.vector_load %arg12[%get3A_599] {strides = array<i32>} : memref<4096xi32, #tpu.memory_space<vmem>>, vector<16xi32>,
        %lt3A_601 = arith.constant 0 : i32
        %lt3A_602 = vector.broadcast %lt3A_601 : i32 to vector<16xi32>
        %lt3A_603 = arith.cmpi slt, %get3A_600, %lt3A_602 : vector<16xi32>
        %xor3A_604 = arith.constant -2147483648 : i32
        %xor3A_605 = vector.broadcast %xor3A_604 : i32 to vector<16xi32>
        %xor3A_606 = arith.xori %get3A_600, %xor3A_605 : vector<16xi32>
        %not3A_607 = arith.constant dense<-1> : vector<16xi32>
        %not3A_608 = arith.xori %get3A_600, %not3A_607 : vector<16xi32>
        %select_n3A_609 = arith.select %lt3A_603, %xor3A_606, %not3A_608 : vector<16xi1>, vector<16xi32>
        %bitcast_convert_type3A_610 = tpu.bitcast %select_n3A_609 : vector<16xi32> -> vector<16xf32>
        %mul3A_611 = arith.constant 16 : i32
        %mul3A_612 = arith.muli %scan3A_596, %mul3A_611 : i32
        %swap3A_613 = arith.index_cast %mul3A_612 : i32 to index
        %swap3A_614 = tpu.vector_load %arg8[%swap3A_613] {strides = array<i32>} : memref<4096xf32, #tpu.memory_space<vmem>>, vector<16xf32>,
        tpu.vector_store %arg8[%swap3A_613], %bitcast_convert_type3A_610 {strides = array<i32>} : memref<4096xf32, #tpu.memory_space<vmem>>, vector<16xf32>,
      }
      %scan3A_452 = arith.constant 128 : i32
      %mul3A_453 = arith.constant 2048 : i32
      %mul3A_454 = arith.muli %add3A_18, %mul3A_453 : i32
      "tpu.region"() ({
        %run_scoped3A = tpu.sem_alloc : memref<!tpu.dma_semaphore, #tpu.memory_space<semaphore_mem>>
        %dma_start3A_460 = arith.constant 0 : i32
        %dma_start3A_461 = tpu.memref_slice %arg8[%dma_start3A_460] : memref<4096xf32, #tpu.memory_space<vmem>> -> memref<2048xf32, #tpu.memory_space<vmem>>
        %dma_start3A_462 = tpu.memref_slice %arg3[%mul3A_454] : memref<262144xf32, #tpu.memory_space<hbm>> -> memref<2048xf32, #tpu.memory_space<hbm>>
        %dma_start3A_463 = tpu.memref_slice %arg3[%mul3A_454] : memref<262144xf32, #tpu.memory_space<hbm>> -> memref<2048xf32, #tpu.memory_space<hbm>>
        %dma_start3A_464 = arith.constant 0 : i32
        %dma_start3A_465 = tpu.memref_slice %arg8[%dma_start3A_464] : memref<4096xf32, #tpu.memory_space<vmem>> -> memref<2048xf32, #tpu.memory_space<vmem>>
        tpu.enqueue_dma source(%dma_start3A_465 : memref<2048xf32, #tpu.memory_space<vmem>>) target(%dma_start3A_463 : memref<2048xf32, #tpu.memory_space<hbm>>) target_semaphore(%run_scoped3A : memref<!tpu.dma_semaphore, #tpu.memory_space<semaphore_mem>>)
        %dma_wait3A = arith.constant 0 : i32
        %dma_wait3A_466 = tpu.memref_slice %arg8[%dma_wait3A] : memref<4096xf32, #tpu.memory_space<vmem>> -> memref<2048xf32, #tpu.memory_space<vmem>>
        %dma_wait3A_467 = tpu.memref_slice %arg3[%mul3A_454] : memref<262144xf32, #tpu.memory_space<hbm>> -> memref<2048xf32, #tpu.memory_space<hbm>>
        %dma_wait3A_468 = tpu.memref_slice %arg3[%mul3A_454] : memref<262144xf32, #tpu.memory_space<hbm>> -> memref<2048xf32, #tpu.memory_space<hbm>>
        %dma_wait3A_469 = arith.constant 0 : i32
        %dma_wait3A_470 = tpu.memref_slice %arg8[%dma_wait3A_469] : memref<4096xf32, #tpu.memory_space<vmem>> -> memref<2048xf32, #tpu.memory_space<vmem>>
        tpu.wait_dma2 semaphore(%run_scoped3A : memref<!tpu.dma_semaphore, #tpu.memory_space<semaphore_mem>>) src(%dma_wait3A_470 : memref<2048xf32, #tpu.memory_space<vmem>>) dst(%dma_wait3A_468 : memref<2048xf32, #tpu.memory_space<hbm>>)
        tpu.yield
      }) : () -> ()
      %mul3A_455 = arith.constant 2048 : i32
      %mul3A_456 = arith.muli %add3A_18, %mul3A_455 : i32
      "tpu.region"() ({
        %run_scoped3A = tpu.sem_alloc : memref<!tpu.dma_semaphore, #tpu.memory_space<semaphore_mem>>
        %dma_start3A_460 = arith.constant 0 : i32
        %dma_start3A_461 = tpu.memref_slice %arg13[%dma_start3A_460] : memref<4096xi32, #tpu.memory_space<vmem>> -> memref<2048xi32, #tpu.memory_space<vmem>>
        %dma_start3A_462 = tpu.memref_slice %arg4[%mul3A_456] : memref<262144xi32, #tpu.memory_space<hbm>> -> memref<2048xi32, #tpu.memory_space<hbm>>
        %dma_start3A_463 = tpu.memref_slice %arg4[%mul3A_456] : memref<262144xi32, #tpu.memory_space<hbm>> -> memref<2048xi32, #tpu.memory_space<hbm>>
        %dma_start3A_464 = arith.constant 0 : i32
        %dma_start3A_465 = tpu.memref_slice %arg13[%dma_start3A_464] : memref<4096xi32, #tpu.memory_space<vmem>> -> memref<2048xi32, #tpu.memory_space<vmem>>
        tpu.enqueue_dma source(%dma_start3A_465 : memref<2048xi32, #tpu.memory_space<vmem>>) target(%dma_start3A_463 : memref<2048xi32, #tpu.memory_space<hbm>>) target_semaphore(%run_scoped3A : memref<!tpu.dma_semaphore, #tpu.memory_space<semaphore_mem>>)
        %dma_wait3A = arith.constant 0 : i32
        %dma_wait3A_466 = tpu.memref_slice %arg13[%dma_wait3A] : memref<4096xi32, #tpu.memory_space<vmem>> -> memref<2048xi32, #tpu.memory_space<vmem>>
        %dma_wait3A_467 = tpu.memref_slice %arg4[%mul3A_456] : memref<262144xi32, #tpu.memory_space<hbm>> -> memref<2048xi32, #tpu.memory_space<hbm>>
        %dma_wait3A_468 = tpu.memref_slice %arg4[%mul3A_456] : memref<262144xi32, #tpu.memory_space<hbm>> -> memref<2048xi32, #tpu.memory_space<hbm>>
        %dma_wait3A_469 = arith.constant 0 : i32
        %dma_wait3A_470 = tpu.memref_slice %arg13[%dma_wait3A_469] : memref<4096xi32, #tpu.memory_space<vmem>> -> memref<2048xi32, #tpu.memory_space<vmem>>
        tpu.wait_dma2 semaphore(%run_scoped3A : memref<!tpu.dma_semaphore, #tpu.memory_space<semaphore_mem>>) src(%dma_wait3A_470 : memref<2048xi32, #tpu.memory_space<vmem>>) dst(%dma_wait3A_468 : memref<2048xi32, #tpu.memory_space<hbm>>)
        tpu.yield
      }) : () -> ()
      %mul3A_457 = arith.constant 16 : i32
      %mul3A_458 = arith.muli %add3A_18, %mul3A_457 : i32
      "tpu.region"() ({
        %run_scoped3A = tpu.sem_alloc : memref<!tpu.dma_semaphore, #tpu.memory_space<semaphore_mem>>
        %dma_start3A_460 = tpu.memref_slice %arg5[%mul3A_458] : memref<2048xf32, #tpu.memory_space<hbm>> -> memref<16xf32, #tpu.memory_space<hbm>>
        %dma_start3A_461 = tpu.memref_slice %arg5[%mul3A_458] : memref<2048xf32, #tpu.memory_space<hbm>> -> memref<16xf32, #tpu.memory_space<hbm>>
        tpu.enqueue_dma source(%arg10 : memref<16xf32, #tpu.memory_space<vmem>>) target(%dma_start3A_461 : memref<16xf32, #tpu.memory_space<hbm>>) target_semaphore(%run_scoped3A : memref<!tpu.dma_semaphore, #tpu.memory_space<semaphore_mem>>)
        %dma_wait3A = tpu.memref_slice %arg5[%mul3A_458] : memref<2048xf32, #tpu.memory_space<hbm>> -> memref<16xf32, #tpu.memory_space<hbm>>
        %dma_wait3A_462 = tpu.memref_slice %arg5[%mul3A_458] : memref<2048xf32, #tpu.memory_space<hbm>> -> memref<16xf32, #tpu.memory_space<hbm>>
        tpu.wait_dma2 semaphore(%run_scoped3A : memref<!tpu.dma_semaphore, #tpu.memory_space<semaphore_mem>>) src(%arg10 : memref<16xf32, #tpu.memory_space<vmem>>) dst(%dma_wait3A_462 : memref<16xf32, #tpu.memory_space<hbm>>)
        tpu.yield
      }) : () -> ()
      %scan3A_459 = arith.constant 0 : i32
      scf.yield %scan3A_459 : i32
    }
    %scan3A_13 = arith.constant 4 : i32
    return
  }
}

module attributes {stable_mosaic.version = 14 : i64} {
  func.func @_tc_body(%arg0: i32, %arg1: memref<8x2048xf32, #tpu.memory_space<vmem>>, %arg2: memref<8x2048xi32, #tpu.memory_space<vmem>>, %arg3: memref<8x16xf32, #tpu.memory_space<vmem>>, %arg4: memref<8x1xf32, #tpu.memory_space<vmem>>, %arg5: memref<8x1xi32, #tpu.memory_space<vmem>>, %arg6: memref<8x1xf32, #tpu.memory_space<vmem>>, %arg7: memref<8x1xi32, #tpu.memory_space<vmem>>, %arg8: memref<8x2048xf32, #tpu.memory_space<vmem>>, %arg9: memref<8x2048xf32, #tpu.memory_space<vmem>>, %arg10: memref<8x2048xi32, #tpu.memory_space<vmem>>, %arg11: memref<8x1xi32, #tpu.memory_space<vmem>>) attributes {dimension_semantics = [#tpu.dimension_semantics<arbitrary>], iteration_bounds = array<i64: 16>, scalar_prefetch = 0 : i64, scratch_operands = 0 : i64, tpu.core_type = #tpu.core_type<tc>, window_params = [{transform_indices = @transform_0, window_bounds = array<i64: 8, 2048>}, {transform_indices = @transform_1, window_bounds = array<i64: 8, 2048>}, {transform_indices = @transform_2, window_bounds = array<i64: 8, 16>}, {transform_indices = @transform_3, window_bounds = array<i64: 8, 1>}, {transform_indices = @transform_4, window_bounds = array<i64: 8, 1>}, {transform_indices = @transform_5, window_bounds = array<i64: 8, 1>}, {transform_indices = @transform_6, window_bounds = array<i64: 8, 1>}, {transform_indices = @transform_7, window_bounds = array<i64: 8, 2048>}, {transform_indices = @transform_8, window_bounds = array<i64: 8, 2048>}, {transform_indices = @transform_9, window_bounds = array<i64: 8, 2048>}, {transform_indices = @transform_10, window_bounds = array<i64: 8, 1>}]} {
    %get3A = arith.constant 0 : index
    %get3A_0 = arith.constant 0 : index
    %get3A_1 = vector.load %arg1[%get3A, %get3A_0] : memref<8x2048xf32, #tpu.memory_space<vmem>>, vector<8x2048xf32>
    %get3A_2 = arith.constant 0 : index
    %get3A_3 = arith.constant 0 : index
    %get3A_4 = vector.load %arg3[%get3A_2, %get3A_3] : memref<8x16xf32, #tpu.memory_space<vmem>>, vector<8x1xf32>
    %sub3A = vector.broadcast %get3A_4 : vector<8x1xf32> to vector<8x2048xf32>
    %sub3A_5 = arith.subf %get3A_1, %sub3A : vector<8x2048xf32>
    %exp3A = math.exp %sub3A_5 : vector<8x2048xf32>
    %get3A_6 = arith.constant 0 : index
    %get3A_7 = arith.constant 1 : index
    %get3A_8 = vector.load %arg3[%get3A_6, %get3A_7] : memref<8x16xf32, #tpu.memory_space<vmem>>, vector<8x1xf32>
    %div3A = vector.broadcast %get3A_8 : vector<8x1xf32> to vector<8x2048xf32>
    %div3A_9 = arith.divf %exp3A, %div3A : vector<8x2048xf32>
    %get3A_10 = arith.constant 0 : index
    %get3A_11 = arith.constant 0 : index
    %get3A_12 = vector.load %arg2[%get3A_10, %get3A_11] : memref<8x2048xi32, #tpu.memory_space<vmem>>, vector<8x2048xi32>
    %broadcast_in_dim3A = arith.constant 0.000000e+00 : f32
    %broadcast_in_dim3A_13 = vector.broadcast %broadcast_in_dim3A : f32 to vector<8x1xf32>
    %slice3A = vector.extract_strided_slice %div3A_9 {offsets = [0, 0], sizes = [8, 2047], strides = [1, 1]} : vector<8x2048xf32> to vector<8x2047xf32>
    %concatenate3A = tpu.concatenate %broadcast_in_dim3A_13, %slice3A in 1 : vector<8x1xf32>, vector<8x2047xf32> -> vector<8x2048xf32>
    %add3A = arith.addf %div3A_9, %concatenate3A : vector<8x2048xf32>
    %broadcast_in_dim3A_14 = arith.constant 0.000000e+00 : f32
    %broadcast_in_dim3A_15 = vector.broadcast %broadcast_in_dim3A_14 : f32 to vector<8x2xf32>
    %slice3A_16 = vector.extract_strided_slice %add3A {offsets = [0, 0], sizes = [8, 2046], strides = [1, 1]} : vector<8x2048xf32> to vector<8x2046xf32>
    %concatenate3A_17 = tpu.concatenate %broadcast_in_dim3A_15, %slice3A_16 in 1 : vector<8x2xf32>, vector<8x2046xf32> -> vector<8x2048xf32>
    %add3A_18 = arith.addf %add3A, %concatenate3A_17 : vector<8x2048xf32>
    %broadcast_in_dim3A_19 = arith.constant 0.000000e+00 : f32
    %broadcast_in_dim3A_20 = vector.broadcast %broadcast_in_dim3A_19 : f32 to vector<8x4xf32>
    %slice3A_21 = vector.extract_strided_slice %add3A_18 {offsets = [0, 0], sizes = [8, 2044], strides = [1, 1]} : vector<8x2048xf32> to vector<8x2044xf32>
    %concatenate3A_22 = tpu.concatenate %broadcast_in_dim3A_20, %slice3A_21 in 1 : vector<8x4xf32>, vector<8x2044xf32> -> vector<8x2048xf32>
    %add3A_23 = arith.addf %add3A_18, %concatenate3A_22 : vector<8x2048xf32>
    %broadcast_in_dim3A_24 = arith.constant 0.000000e+00 : f32
    %broadcast_in_dim3A_25 = vector.broadcast %broadcast_in_dim3A_24 : f32 to vector<8x8xf32>
    %slice3A_26 = vector.extract_strided_slice %add3A_23 {offsets = [0, 0], sizes = [8, 2040], strides = [1, 1]} : vector<8x2048xf32> to vector<8x2040xf32>
    %concatenate3A_27 = tpu.concatenate %broadcast_in_dim3A_25, %slice3A_26 in 1 : vector<8x8xf32>, vector<8x2040xf32> -> vector<8x2048xf32>
    %add3A_28 = arith.addf %add3A_23, %concatenate3A_27 : vector<8x2048xf32>
    %broadcast_in_dim3A_29 = arith.constant 0.000000e+00 : f32
    %broadcast_in_dim3A_30 = vector.broadcast %broadcast_in_dim3A_29 : f32 to vector<8x16xf32>
    %slice3A_31 = vector.extract_strided_slice %add3A_28 {offsets = [0, 0], sizes = [8, 2032], strides = [1, 1]} : vector<8x2048xf32> to vector<8x2032xf32>
    %concatenate3A_32 = tpu.concatenate %broadcast_in_dim3A_30, %slice3A_31 in 1 : vector<8x16xf32>, vector<8x2032xf32> -> vector<8x2048xf32>
    %add3A_33 = arith.addf %add3A_28, %concatenate3A_32 : vector<8x2048xf32>
    %broadcast_in_dim3A_34 = arith.constant 0.000000e+00 : f32
    %broadcast_in_dim3A_35 = vector.broadcast %broadcast_in_dim3A_34 : f32 to vector<8x32xf32>
    %slice3A_36 = vector.extract_strided_slice %add3A_33 {offsets = [0, 0], sizes = [8, 2016], strides = [1, 1]} : vector<8x2048xf32> to vector<8x2016xf32>
    %concatenate3A_37 = tpu.concatenate %broadcast_in_dim3A_35, %slice3A_36 in 1 : vector<8x32xf32>, vector<8x2016xf32> -> vector<8x2048xf32>
    %add3A_38 = arith.addf %add3A_33, %concatenate3A_37 : vector<8x2048xf32>
    %broadcast_in_dim3A_39 = arith.constant 0.000000e+00 : f32
    %broadcast_in_dim3A_40 = vector.broadcast %broadcast_in_dim3A_39 : f32 to vector<8x64xf32>
    %slice3A_41 = vector.extract_strided_slice %add3A_38 {offsets = [0, 0], sizes = [8, 1984], strides = [1, 1]} : vector<8x2048xf32> to vector<8x1984xf32>
    %concatenate3A_42 = tpu.concatenate %broadcast_in_dim3A_40, %slice3A_41 in 1 : vector<8x64xf32>, vector<8x1984xf32> -> vector<8x2048xf32>
    %add3A_43 = arith.addf %add3A_38, %concatenate3A_42 : vector<8x2048xf32>
    %broadcast_in_dim3A_44 = arith.constant 0.000000e+00 : f32
    %broadcast_in_dim3A_45 = vector.broadcast %broadcast_in_dim3A_44 : f32 to vector<8x128xf32>
    %slice3A_46 = vector.extract_strided_slice %add3A_43 {offsets = [0, 0], sizes = [8, 1920], strides = [1, 1]} : vector<8x2048xf32> to vector<8x1920xf32>
    %concatenate3A_47 = tpu.concatenate %broadcast_in_dim3A_45, %slice3A_46 in 1 : vector<8x128xf32>, vector<8x1920xf32> -> vector<8x2048xf32>
    %add3A_48 = arith.addf %add3A_43, %concatenate3A_47 : vector<8x2048xf32>
    %broadcast_in_dim3A_49 = arith.constant 0.000000e+00 : f32
    %broadcast_in_dim3A_50 = vector.broadcast %broadcast_in_dim3A_49 : f32 to vector<8x256xf32>
    %slice3A_51 = vector.extract_strided_slice %add3A_48 {offsets = [0, 0], sizes = [8, 1792], strides = [1, 1]} : vector<8x2048xf32> to vector<8x1792xf32>
    %concatenate3A_52 = tpu.concatenate %broadcast_in_dim3A_50, %slice3A_51 in 1 : vector<8x256xf32>, vector<8x1792xf32> -> vector<8x2048xf32>
    %add3A_53 = arith.addf %add3A_48, %concatenate3A_52 : vector<8x2048xf32>
    %broadcast_in_dim3A_54 = arith.constant 0.000000e+00 : f32
    %broadcast_in_dim3A_55 = vector.broadcast %broadcast_in_dim3A_54 : f32 to vector<8x512xf32>
    %slice3A_56 = vector.extract_strided_slice %add3A_53 {offsets = [0, 0], sizes = [8, 1536], strides = [1, 1]} : vector<8x2048xf32> to vector<8x1536xf32>
    %concatenate3A_57 = tpu.concatenate %broadcast_in_dim3A_55, %slice3A_56 in 1 : vector<8x512xf32>, vector<8x1536xf32> -> vector<8x2048xf32>
    %add3A_58 = arith.addf %add3A_53, %concatenate3A_57 : vector<8x2048xf32>
    %broadcast_in_dim3A_59 = arith.constant 0.000000e+00 : f32
    %broadcast_in_dim3A_60 = vector.broadcast %broadcast_in_dim3A_59 : f32 to vector<8x1024xf32>
    %slice3A_61 = vector.extract_strided_slice %add3A_58 {offsets = [0, 0], sizes = [8, 1024], strides = [1, 1]} : vector<8x2048xf32> to vector<8x1024xf32>
    %concatenate3A_62 = tpu.concatenate %broadcast_in_dim3A_60, %slice3A_61 in 1 : vector<8x1024xf32>, vector<8x1024xf32> -> vector<8x2048xf32>
    %add3A_63 = arith.addf %add3A_58, %concatenate3A_62 : vector<8x2048xf32>
    %iota3A = tpu.iota {dimensions = array<i32: 1>} : vector<8x2048xi32>
    %get3A_64 = arith.constant 0 : index
    %get3A_65 = arith.constant 0 : index
    %get3A_66 = vector.load %arg5[%get3A_64, %get3A_65] : memref<8x1xi32, #tpu.memory_space<vmem>>, vector<8x1xi32>
    %max3A = arith.constant 1 : i32
    %max3A_67 = vector.broadcast %max3A : i32 to vector<8x1xi32>
    %max3A_68 = arith.maxsi %get3A_66, %max3A_67 : vector<8x1xi32>
    %get3A_69 = arith.constant 0 : index
    %get3A_70 = arith.constant 0 : index
    %get3A_71 = vector.load %arg4[%get3A_69, %get3A_70] : memref<8x1xf32, #tpu.memory_space<vmem>>, vector<8x1xf32>
    %get3A_72 = arith.constant 0 : index
    %get3A_73 = arith.constant 0 : index
    %get3A_74 = vector.load %arg6[%get3A_72, %get3A_73] : memref<8x1xf32, #tpu.memory_space<vmem>>, vector<8x1xf32>
    %gt3A = arith.constant 0.000000e+00 : f32
    %gt3A_75 = vector.broadcast %gt3A : f32 to vector<8x1xf32>
    %gt3A_76 = arith.cmpf ogt, %get3A_74, %gt3A_75 : vector<8x1xf32>
    %lt3A = vector.broadcast %max3A_68 : vector<8x1xi32> to vector<8x2048xi32>
    %lt3A_77 = arith.cmpi slt, %iota3A, %lt3A : vector<8x2048xi32>
    %sub3A_78 = arith.subf %add3A_63, %div3A_9 : vector<8x2048xf32>
    %gt3A_79 = vector.broadcast %get3A_71 : vector<8x1xf32> to vector<8x2048xf32>
    %gt3A_80 = arith.cmpf ogt, %sub3A_78, %gt3A_79 : vector<8x2048xf32>
    %not3A = arith.constant dense<true> : vector<8x2048xi1>
    %not3A_81 = arith.xori %gt3A_80, %not3A : vector<8x2048xi1>
    %slice3A_82 = vector.extract_strided_slice %div3A_9 {offsets = [0, 0], sizes = [8, 1], strides = [1, 1]} : vector<8x2048xf32> to vector<8x1xf32>
    %mul3A = arith.mulf %slice3A_82, %get3A_74 : vector<8x1xf32>
    %jit3A = arith.constant 0.000000e+00 : f32
    %broadcast_in_dim3A_83 = vector.broadcast %jit3A : f32 to vector<8x1xf32>
    %select_n3A = arith.select %gt3A_76, %mul3A, %broadcast_in_dim3A_83 : vector<8x1xi1>, vector<8x1xf32>
    %and3A = arith.andi %lt3A_77, %not3A_81 : vector<8x2048xi1>
    %lt3A_84 = vector.broadcast %select_n3A : vector<8x1xf32> to vector<8x2048xf32>
    %lt3A_85 = arith.cmpf olt, %div3A_9, %lt3A_84 : vector<8x2048xf32>
    %and3A_86 = vector.broadcast %gt3A_76 : vector<8x1xi1> to vector<8x2048xi1>
    %and3A_87 = arith.andi %and3A_86, %lt3A_85 : vector<8x2048xi1>
    %not3A_88 = arith.constant dense<true> : vector<8x2048xi1>
    %not3A_89 = arith.xori %and3A_87, %not3A_88 : vector<8x2048xi1>
    %and3A_90 = arith.andi %and3A, %not3A_89 : vector<8x2048xi1>
    %jit3A_91 = arith.constant 0.000000e+00 : f32
    %broadcast_in_dim3A_92 = vector.broadcast %jit3A_91 : f32 to vector<8x2048xf32>
    %select_n3A_93 = arith.select %and3A_90, %div3A_9, %broadcast_in_dim3A_92 : vector<8x2048xi1>, vector<8x2048xf32>
    %reduce_sum3A = arith.constant dense<0.000000e+00> : vector<8xf32>
    %reduce_sum3A_94 = vector.multi_reduction <add>, %select_n3A_93, %reduce_sum3A [1] : vector<8x2048xf32> to vector<8xf32>
    %broadcast_in_dim3A_95 = vector.shape_cast %reduce_sum3A_94 : vector<8xf32> to vector<8x1xf32>
    %eq3A = arith.constant 0.000000e+00 : f32
    %eq3A_96 = vector.broadcast %eq3A : f32 to vector<8x1xf32>
    %eq3A_97 = arith.cmpf oeq, %broadcast_in_dim3A_95, %eq3A_96 : vector<8x1xf32>
    %jit3A_98 = arith.constant 1.000000e+00 : f32
    %broadcast_in_dim3A_99 = vector.broadcast %jit3A_98 : f32 to vector<8x1xf32>
    %select_n3A_100 = arith.select %eq3A_97, %broadcast_in_dim3A_99, %broadcast_in_dim3A_95 : vector<8x1xi1>, vector<8x1xf32>
    %div3A_101 = vector.broadcast %select_n3A_100 : vector<8x1xf32> to vector<8x2048xf32>
    %div3A_102 = arith.divf %select_n3A_93, %div3A_101 : vector<8x2048xf32>
    %eq3A_103 = arith.constant 0.000000e+00 : f32
    %eq3A_104 = vector.broadcast %eq3A_103 : f32 to vector<8x1xf32>
    %eq3A_105 = arith.cmpf oeq, %broadcast_in_dim3A_95, %eq3A_104 : vector<8x1xf32>
    %eq3A_106 = arith.constant 0 : i32
    %eq3A_107 = vector.broadcast %eq3A_106 : i32 to vector<8x2048xi32>
    %eq3A_108 = arith.cmpi eq, %iota3A, %eq3A_107 : vector<8x2048xi32>
    %and3A_109 = vector.broadcast %eq3A_105 : vector<8x1xi1> to vector<8x2048xi1>
    %and3A_110 = arith.andi %and3A_109, %eq3A_108 : vector<8x2048xi1>
    %jit3A_111 = arith.constant 1.000000e+00 : f32
    %broadcast_in_dim3A_112 = vector.broadcast %jit3A_111 : f32 to vector<8x2048xf32>
    %select_n3A_113 = arith.select %and3A_110, %broadcast_in_dim3A_112, %div3A_102 : vector<8x2048xi1>, vector<8x2048xf32>
    %gt3A_114 = arith.constant 0.000000e+00 : f32
    %gt3A_115 = vector.broadcast %gt3A_114 : f32 to vector<8x2048xf32>
    %gt3A_116 = arith.cmpf ogt, %select_n3A_113, %gt3A_115 : vector<8x2048xf32>
    %max3A_117 = arith.constant 9.99999935E-39 : f32
    %max3A_118 = vector.broadcast %max3A_117 : f32 to vector<8x2048xf32>
    %max3A_119 = arith.maximumf %select_n3A_113, %max3A_118 : vector<8x2048xf32>
    %log3A = math.log %max3A_119 : vector<8x2048xf32>
    %jit3A_120 = arith.constant 0xFF800000 : f32
    %broadcast_in_dim3A_121 = vector.broadcast %jit3A_120 : f32 to vector<8x2048xf32>
    %select_n3A_122 = arith.select %gt3A_116, %log3A, %broadcast_in_dim3A_121 : vector<8x2048xi1>, vector<8x2048xf32>
    %get3A_123 = arith.constant 0 : index
    %get3A_124 = arith.constant 0 : index
    %get3A_125 = vector.load %arg8[%get3A_123, %get3A_124] : memref<8x2048xf32, #tpu.memory_space<vmem>>, vector<8x2048xf32>
    %add3A_126 = arith.addf %select_n3A_122, %get3A_125 : vector<8x2048xf32>
    %reduce_max3A = arith.constant dense<0xFF800000> : vector<8xf32>
    %reduce_max3A_127 = vector.multi_reduction <maximumf>, %add3A_126, %reduce_max3A [1] : vector<8x2048xf32> to vector<8xf32>
    %broadcast_in_dim3A_128 = vector.shape_cast %reduce_max3A_127 : vector<8xf32> to vector<8x1xf32>
    %eq3A_129 = vector.broadcast %broadcast_in_dim3A_128 : vector<8x1xf32> to vector<8x2048xf32>
    %eq3A_130 = arith.cmpf oeq, %add3A_126, %eq3A_129 : vector<8x2048xf32>
    %jit3A_131 = arith.constant 2048 : i32
    %broadcast_in_dim3A_132 = vector.broadcast %jit3A_131 : i32 to vector<8x2048xi32>
    %select_n3A_133 = arith.select %eq3A_130, %iota3A, %broadcast_in_dim3A_132 : vector<8x2048xi1>, vector<8x2048xi32>
    %reduce_min3A = arith.constant dense<2147483647> : vector<8xi32>
    %reduce_min3A_134 = vector.multi_reduction <minsi>, %select_n3A_133, %reduce_min3A [1] : vector<8x2048xi32> to vector<8xi32>
    %broadcast_in_dim3A_135 = vector.shape_cast %reduce_min3A_134 : vector<8xi32> to vector<8x1xi32>
    %eq3A_136 = vector.broadcast %broadcast_in_dim3A_135 : vector<8x1xi32> to vector<8x2048xi32>
    %eq3A_137 = arith.cmpi eq, %iota3A, %eq3A_136 : vector<8x2048xi32>
    %jit3A_138 = arith.constant 0 : i32
    %broadcast_in_dim3A_139 = vector.broadcast %jit3A_138 : i32 to vector<8x2048xi32>
    %select_n3A_140 = arith.select %eq3A_137, %get3A_12, %broadcast_in_dim3A_139 : vector<8x2048xi1>, vector<8x2048xi32>
    %reduce_sum3A_141 = arith.constant dense<0> : vector<8xi32>
    %reduce_sum3A_142 = vector.multi_reduction <add>, %select_n3A_140, %reduce_sum3A_141 [1] : vector<8x2048xi32> to vector<8xi32>
    %broadcast_in_dim3A_143 = vector.shape_cast %reduce_sum3A_142 : vector<8xi32> to vector<8x1xi32>
    %jit3A_144 = arith.constant 1.000000e+00 : f32
    %jit3A_145 = arith.constant 0.000000e+00 : f32
    %broadcast_in_dim3A_146 = vector.broadcast %jit3A_144 : f32 to vector<8x2048xf32>
    %broadcast_in_dim3A_147 = vector.broadcast %jit3A_145 : f32 to vector<8x2048xf32>
    %select_n3A_148 = arith.select %eq3A_137, %broadcast_in_dim3A_146, %broadcast_in_dim3A_147 : vector<8x2048xi1>, vector<8x2048xf32>
    %jit3A_149 = arith.constant 0 : i32
    %broadcast_in_dim3A_150 = vector.shape_cast %broadcast_in_dim3A_143 : vector<8x1xi32> to vector<8x1xi32>
    %broadcast_in_dim3A_151 = vector.broadcast %broadcast_in_dim3A_150 : vector<8x1xi32> to vector<8x2048xi32>
    %broadcast_in_dim3A_152 = vector.broadcast %jit3A_149 : i32 to vector<8x2048xi32>
    %select_n3A_153 = arith.select %eq3A_137, %broadcast_in_dim3A_151, %broadcast_in_dim3A_152 : vector<8x2048xi1>, vector<8x2048xi32>
    %get3A_154 = arith.constant 0 : index
    %get3A_155 = arith.constant 0 : index
    %get3A_156 = vector.load %arg7[%get3A_154, %get3A_155] : memref<8x1xi32, #tpu.memory_space<vmem>>, vector<8x1xi32>
    %ne3A = arith.constant 0 : i32
    %ne3A_157 = vector.broadcast %ne3A : i32 to vector<8x1xi32>
    %ne3A_158 = arith.cmpi ne, %get3A_156, %ne3A_157 : vector<8x1xi32>
    %broadcast_in_dim3A_159 = vector.shape_cast %ne3A_158 : vector<8x1xi1> to vector<8x1xi1>
    %broadcast_in_dim3A_160 = vector.broadcast %broadcast_in_dim3A_159 : vector<8x1xi1> to vector<8x2048xi1>
    %select_n3A_161 = arith.select %broadcast_in_dim3A_160, %select_n3A_113, %select_n3A_148 : vector<8x2048xi1>, vector<8x2048xf32>
    %swap3A = arith.constant 0 : index
    %swap3A_162 = arith.constant 0 : index
    %swap3A_163 = vector.load %arg9[%swap3A, %swap3A_162] : memref<8x2048xf32, #tpu.memory_space<vmem>>, vector<8x2048xf32>
    tpu.vector_store %arg9[%swap3A, %swap3A_162], %select_n3A_161 {strides = array<i32>} : memref<8x2048xf32, #tpu.memory_space<vmem>>, vector<8x2048xf32>,
    %broadcast_in_dim3A_164 = vector.shape_cast %ne3A_158 : vector<8x1xi1> to vector<8x1xi1>
    %broadcast_in_dim3A_165 = vector.broadcast %broadcast_in_dim3A_164 : vector<8x1xi1> to vector<8x2048xi1>
    %select_n3A_166 = arith.select %broadcast_in_dim3A_165, %get3A_12, %select_n3A_153 : vector<8x2048xi1>, vector<8x2048xi32>
    %swap3A_167 = arith.constant 0 : index
    %swap3A_168 = arith.constant 0 : index
    %swap3A_169 = vector.load %arg10[%swap3A_167, %swap3A_168] : memref<8x2048xi32, #tpu.memory_space<vmem>>, vector<8x2048xi32>
    tpu.vector_store %arg10[%swap3A_167, %swap3A_168], %select_n3A_166 {strides = array<i32>} : memref<8x2048xi32, #tpu.memory_space<vmem>>, vector<8x2048xi32>,
    %swap3A_170 = arith.constant 0 : index
    %swap3A_171 = arith.constant 0 : index
    %swap3A_172 = vector.load %arg11[%swap3A_170, %swap3A_171] : memref<8x1xi32, #tpu.memory_space<vmem>>, vector<8x1xi32>
    tpu.vector_store %arg11[%swap3A_170, %swap3A_171], %broadcast_in_dim3A_143 {strides = array<i32>} : memref<8x1xi32, #tpu.memory_space<vmem>>, vector<8x1xi32>,
    return
  }
  func.func @transform_0(%arg0: i32) -> (i32, i32) {
    %c0_i32 = arith.constant 0 : i32
    %c0_i32_0 = arith.constant 0 : i32
    return %arg0, %c0_i32 : i32, i32
  }
  func.func @transform_1(%arg0: i32) -> (i32, i32) {
    %c0_i32 = arith.constant 0 : i32
    %c0_i32_0 = arith.constant 0 : i32
    return %arg0, %c0_i32 : i32, i32
  }
  func.func @transform_2(%arg0: i32) -> (i32, i32) {
    %c0_i32 = arith.constant 0 : i32
    %c0_i32_0 = arith.constant 0 : i32
    return %arg0, %c0_i32 : i32, i32
  }
  func.func @transform_3(%arg0: i32) -> (i32, i32) {
    %c0_i32 = arith.constant 0 : i32
    %c0_i32_0 = arith.constant 0 : i32
    return %arg0, %c0_i32 : i32, i32
  }
  func.func @transform_4(%arg0: i32) -> (i32, i32) {
    %c0_i32 = arith.constant 0 : i32
    %c0_i32_0 = arith.constant 0 : i32
    return %arg0, %c0_i32 : i32, i32
  }
  func.func @transform_5(%arg0: i32) -> (i32, i32) {
    %c0_i32 = arith.constant 0 : i32
    %c0_i32_0 = arith.constant 0 : i32
    return %arg0, %c0_i32 : i32, i32
  }
  func.func @transform_6(%arg0: i32) -> (i32, i32) {
    %c0_i32 = arith.constant 0 : i32
    %c0_i32_0 = arith.constant 0 : i32
    return %arg0, %c0_i32 : i32, i32
  }
  func.func @transform_7(%arg0: i32) -> (i32, i32) {
    %c0_i32 = arith.constant 0 : i32
    %c0_i32_0 = arith.constant 0 : i32
    return %arg0, %c0_i32 : i32, i32
  }
  func.func @transform_8(%arg0: i32) -> (i32, i32) {
    %c0_i32 = arith.constant 0 : i32
    %c0_i32_0 = arith.constant 0 : i32
    return %arg0, %c0_i32 : i32, i32
  }
  func.func @transform_9(%arg0: i32) -> (i32, i32) {
    %c0_i32 = arith.constant 0 : i32
    %c0_i32_0 = arith.constant 0 : i32
    return %arg0, %c0_i32 : i32, i32
  }
  func.func @transform_10(%arg0: i32) -> (i32, i32) {
    %c0_i32 = arith.constant 0 : i32
    %c0_i32_0 = arith.constant 0 : i32
    return %arg0, %c0_i32 : i32, i32
  }
}

</mosaic_0001>

<sc_bundles>
// kernel: kernel.4.cloned.1.call-start
scs
__scs_entry_jumppad:
0x0: {  	(pc) =	sbr.rel $0x88, $3  }
0x1: {  	(tag) =	ssettag $0x0;
	lr =	simm.s32 $0x1  }
0x2: {  	[smem:$0x3F9C] =	sst lr;
	_ =	strace $0xD0000000  }
0x3: {  	_ = 	snop  }
0x4: {  	_ = 	snop  }
0x5: {  	_ = 	snop  }
0x6: {  	_ = 	snop  }
0x7: {  	_ = 	snop  }
__scs_overlays_trampoline_lowered:
0x8: {  	[smem:$0x3FAB] =	sst s0  }
0x9: {  	[smem:$0x3FAC] =	sst s1  }
0xa: {  	[smem:$0x3FAD] =	sst s2  }
0xb: {  	[smem:$0x3FAE] =	sst s3  }
0xc: {  	[smem:$0x3FAF] =	sst s4  }
0xd: {  	[smem:$0x3FB0] =	sst s5  }
0xe: {  	[smem:$0x3FB1] =	sst s6  }
0xf: {  	[smem:$0x3FB2] =	sst s7  }
0x10: {  	[smem:$0x3FB3] =	sst s8  }
0x11: {  	[smem:$0x3FB4] =	sst s9;
	s0 =	simm.s32 @!p0 $0x0  }
0x12: {  	s1 =	sld [smem:$0x3F9A];
	s0 =	simm.s32 @p0 $0x1  }
0x13: {  	[smem:$0x3FB5] =	sst s0;
	s0 =	simm.s32 @!p1 $0x0  }
0x14: {  	s2 =	sld [smem:$0x3F99];
	s0 =	simm.s32 @p1 $0x1  }
0x15: {  	[smem:$0x3FB6] =	sst s0;
	s0 =	simm.s32 @!p2 $0x0  }
0x16: {  	s3 =	sld [smem:$0x3FDB];
	s0 =	simm.s32 @p2 $0x1  }
0x17: {  	s4 =	simm.s32 $0x1BF5;
	[smem:$0x3FB8] =	sst s0  }
0x18: {  	s0 =	sld [smem:$0x3F9B];
	_ =	swait.ge [sflag:s4], $0x0  }
0x19: {  	s7 =	sld [smem:$0x3F9C]  }
0x1a: {  	s8 =	sadd.s32 $0xFFFFE003, lr  }
0x1b: {  	s9 =	sadd.s32 $0xFFFFFEF7, lr;
	s5 =	simm.s32 $0xFFFFFFFF;
	p2 =	slt.u32 s8, $0xFFFFF086  }
0x1c: {  	p1 =	slt.u32 s9, $0xF7A;
	s5 =	simm.s32 @!p2 $0x0  }
0x1d: {  	s5 =	simm.s32 @p1 $0x1;
	p0 =	seq.s32 s7, s2  }
0x1e: {  	s7 =	smul.u32 @!p0 $0xF7A, s2;
	p2 =	seq.s32 @!p0 s5, $0x0  }
0x1f: {  	s9 =	smul.u32 $0xF7A, s1;
	s8 =	simm.s32 @!p0 $0x1BF5;
	p2 =	por !p2, p0  }
0x20: {  	[sflag:s8] =	ssyncset.s32 @!p0 $0xFFFFF086;
	s6 =	sadd.s32 @!p0 s3, s7;
	s7 =	simm.s32 @!p0 $0x108  }
0x21: {  	s3 =	sadd.s32 s3, s9;
	s6 =	sadd.s32 @!p0 $0x88, s6;
	s7 =	simm.s32 @p2 $0x1082  }
0x22: {  	[simem:s7], [sflag:s8] =	dma.local @!p0 [hbm:s6], $0xF7A  }
0x23: {  	s9 =	sor.u32 $0xD0000000, s2;
	s6 =	simm.s32 $0x108;
	_ =	swait.ge @!p0 [sflag:s8], $0x0  }
0x24: {  	s3 =	sadd.s32 $0x88, s3;
	s6 =	simm.s32 @!p1 $0x1082;
	[sflag:s4] =	ssyncset.s32 $0xFFFFF086  }
0x25: {  	[simem:s6], [sflag:s4] =	dma.local [hbm:s3], $0xF7A  }
0x26: {  	[smem:$0x3F9C] =	sst s1;
	(tag) =	ssettag s2;
	_ =	strace s9  }
0x27: {  	s1 =	sld [smem:$0x3FAC]  }
0x28: {  	s2 =	sld [smem:$0x3FAD]  }
0x29: {  	s4 =	sld [smem:$0x3FAF]  }
0x2a: {  	p0 =	seq.s32 s5, $0x0;
	s5 =	sld [smem:$0x3FB0]  }
0x2b: {  	s6 =	sld [smem:$0x3FB1]  }
0x2c: {  	s7 =	sld [smem:$0x3FB2]  }
0x2d: {  	s3 =	simm.s32 $0x108;
	s8 =	sld [smem:$0x3FB3]  }
0x2e: {  	s3 =	simm.s32 @!p0 $0x1082;
	s9 =	sld [smem:$0x3FB4]  }
0x2f: {  	lr =	sadd.s32 s0, s3;
	s0 =	sld [smem:$0x3FAB]  }
0x30: {  	s3 =	sld [smem:$0x3FAE]  }
0x31: {  	[smem:$0x3FB7] =	sst s10  }
0x32: {  	s10 =	sld [smem:$0x3FB5];
	_ =	sdelay $0x3  }
0x33: {  	p0 =	seq.s32 s10, $0x1;
	s10 =	sld [smem:$0x3FB7];
	_ =	sdelay $0x3  }
0x34: {  	[smem:$0x3FB7] =	sst s10  }
0x35: {  	s10 =	sld [smem:$0x3FB6];
	_ =	sdelay $0x3  }
0x36: {  	p1 =	seq.s32 s10, $0x1;
	s10 =	sld [smem:$0x3FB7];
	_ =	sdelay $0x3  }
0x37: {  	[smem:$0x3FB7] =	sst s10  }
0x38: {  	s10 =	sld [smem:$0x3FB8]  }
0x39: {  	_ = 	snop;
	(pc) =	sbr.ind lr, $3  }
0x3a: {  	_ = 	snop  }
0x3b: {  	_ = 	snop  }
0x3c: {  	p2 =	seq.s32 s10, $0x1;
	s10 =	sld [smem:$0x3FB7]  }
0x3d: {  	_ =	shalt  }
0x3e: {  	_ =	shalt  }
0x3f: {  	_ =	shalt  }
0x40: {  	_ =	shalt  }
0x41: {  	_ =	shalt  }
0x42: {  	_ =	shalt  }
0x43: {  	_ =	shalt  }
0x44: {  	_ =	shalt  }
0x45: {  	_ =	shalt  }
0x46: {  	_ =	shalt  }
0x47: {  	_ =	shalt  }
0x48: {  	_ =	shalt  }
0x49: {  	_ =	shalt  }
0x4a: {  	_ =	shalt  }
0x4b: {  	_ =	shalt  }
0x4c: {  	_ =	shalt  }
0x4d: {  	_ =	shalt  }
0x4e: {  	_ =	shalt  }
0x4f: {  	_ =	shalt  }
0x50: {  	_ =	shalt  }
0x51: {  	_ =	shalt  }
0x52: {  	_ =	shalt  }
0x53: {  	_ =	shalt  }
0x54: {  	_ =	shalt  }
0x55: {  	_ =	shalt  }
0x56: {  	_ =	shalt  }
0x57: {  	_ =	shalt  }
0x58: {  	_ =	shalt  }
0x59: {  	_ =	shalt  }
0x5a: {  	_ =	shalt  }
0x5b: {  	_ =	shalt  }
0x5c: {  	_ =	shalt  }
0x5d: {  	_ =	shalt  }
0x5e: {  	_ =	shalt  }
0x5f: {  	_ =	shalt  }
0x60: {  	_ =	shalt  }
0x61: {  	_ =	shalt  }
0x62: {  	_ =	shalt  }
0x63: {  	_ =	shalt  }
0x64: {  	_ =	shalt  }
0x65: {  	_ =	shalt  }
0x66: {  	_ =	shalt  }
0x67: {  	_ =	shalt  }
0x68: {  	_ =	shalt  }
0x69: {  	_ =	shalt  }
0x6a: {  	_ =	shalt  }
0x6b: {  	_ =	shalt  }
0x6c: {  	_ =	shalt  }
0x6d: {  	_ =	shalt  }
0x6e: {  	_ =	shalt  }
0x6f: {  	_ =	shalt  }
0x70: {  	_ =	shalt  }
0x71: {  	_ =	shalt  }
0x72: {  	_ =	shalt  }
0x73: {  	_ =	shalt  }
0x74: {  	_ =	shalt  }
0x75: {  	_ =	shalt  }
0x76: {  	_ =	shalt  }
0x77: {  	_ =	shalt  }
0x78: {  	_ =	shalt  }
0x79: {  	_ =	shalt  }
0x7a: {  	_ =	shalt  }
0x7b: {  	_ =	shalt  }
0x7c: {  	_ =	shalt  }
0x7d: {  	_ =	shalt  }
0x7e: {  	_ =	shalt  }
0x7f: {  	_ =	shalt  }
0x80: {  	_ =	shalt  }
0x81: {  	_ =	shalt  }
0x82: {  	_ =	shalt  }
0x83: {  	_ =	shalt  }
0x84: {  	_ =	shalt  }
0x85: {  	_ =	shalt  }
0x86: {  	_ =	shalt  }
0x87: {  	_ =	shalt  }
.Lfunc_end0:
.L_simem_size_0:
called_computation.1_lowered:
.L_overlay_start_0:
0x88: {  	s2 =	sld [smem:$0x3FD9]  }
0x89: {  	s3 =	sld [smem:$0x3FFE];
	_ =	sdelay $0x1  }
0x8a: {  	s1 =	srdreg.scid  }
0x8b: {  	s0 =	sand.u32 $0x1, s1  }
0x8c: {  	s14 =	sshll.u32 s0, $0xA;
	s2 =	sadd.s32 s3, s2  }
0x8d: {  	s2 =	sadd.s32 s2, s14  }
0x8e: {  	[smem:$0x3FC3] =	sst s2  }
0x8f: {  	_ = 	snop  }
0x90: {  	s2 =	sld [smem:$0x3FD0];
	_ =	sdelay $0x2  }
0x91: {  	s15 =	simm.s32 $0xA;
	s4 =	simm.s32 $0x10  }
0x92: {  	[smem:s4], [sflag:s15] =	dma.local [hbm:s2], $0x1  }
0x93: {  	_ =	swait.eq [sflag:s15], $0x1  }
0x94: {  	[sflag:s15] =	ssyncset.done $0x0  }
0x95: {  	s16 =	sld [smem:$0x10];
	[sflag:s15] =	ssyncadd.s32 $0xFFFFFFFF  }
0x96: {  	s17 =	sld [smem:$0x11];
	(tm) =	ssettm $0x1  }
0x97: {  	s18 =	sld [smem:$0x3FFB];
	_ =	sdelay $0x3  }
0x98: {  	_ =	strace s18  }
0x99: {  	s4 =	sld [smem:$0x3FFC];
	_ =	sdelay $0x3  }
0x9a: {  	_ =	strace s4  }
0x9b: {  	s4 =	sld [smem:$0x3FFD];
	_ =	sdelay $0x3  }
0x9c: {  	_ =	strace s4  }
0x9d: {  	_ =	strace $0x8FFFFFFF  }
0x9e: {  	s19 =	sld [smem:$0x3FDB];
	_ =	sdelay $0x1  }
0x9f: {  	s5 =	simm.s32 $_scs_section_size  }
0xa0: {  	s6 =	simm.s32 $_size__tile_overlayer_lowered;
	s7 =	simm.s32 $_tile_overlayer_lowered  }
0xa1: {  	s22 =	simm.s32 $0x1BFF;
	s21 =	sshll.u32 s7, $0x1;
	s4 =	sadd.s32 s5, s19  }
0xa2: {  	s8 =	simm.s32 $0x0;
	s20 =	sshll.u32 s6, $0x1;
	s6 =	sadd.s32 s21, s4  }
0xa3: {  	[timem:s8], [sflag:s22] =	dma.local [hbm:s6], s20  }
0xa4: {  	_ =	swait.ge [sflag:s22], s20  }
0xa5: {  	s5 =	ssub.s32 $0x0, s20;
	[sflag:s22] =	ssyncset.done $0x0  }
0xa6: {  	[sflag:s22] =	ssyncadd.s32 s5;
	_ =	sdelay $0x1  }
0xa7: {  	s23 =	simm.s32 $0x1B8B  }
0xa8: {  	_ =	swait.ge [sflag:s23], $0x1  }
0xa9: {  	[sflag:s23] =	ssyncset.done $0x0  }
0xaa: {  	s25 =	simm.s32 $0x1B8E;
	s24 =	sld [smem:$0x3FFE];
	[sflag:s23] =	ssyncadd.s32 $0xFFFFFFFF  }
0xab: {  	s26 =	simm.s32 $execute0_lowered;
	[smem:$0x3FD2] =	sst s25  }
0xac: {  	s6 =	sshll.u32 s26, $0x1;
	_ =	strace $0x80000049;
	[dreg:$0x1] =	wrdreg $0xFFFFFFFF  }
0xad: {  	s28 =	simm.s32 $_size_execute0_lowered;
	s4 =	sadd.s32 s4, s6;
	[dreg:$0x0] =	wrdreg $0x0  }
0xae: {  	s6 =	sshll.u32 s28, $0x1;
	[dreg:$0x2] =	wrdreg s4  }
0xaf: {  	[dreg:$0x3] =	wrdreg s6  }
0xb0: {  	[dreg:$0x4] =	wrdreg $0xC0  }
0xb1: {  	_ =	task [dreg:s8], $0x5FFFF  }
0xb2: {  	[dreg:$0x1] =	wrdreg $0xFFFFFFFF  }
0xb3: {  	[dreg:$0x0] =	wrdreg $0x60  }
0xb4: {  	[dreg:$0x2] =	wrdreg s24  }
0xb5: {  	[dreg:$0x3] =	wrdreg s17  }
0xb6: {  	[dreg:$0x4] =	wrdreg s16  }
0xb7: {  	[dreg:$0x5] =	wrdreg $0x9  }
0xb8: {  	_ =	task.clear_ibuf [dreg:s8], $0x6FFFF;
	_ =	strace $0x90000049  }
0xb9: {  	s29 =	simm.s32 $0x9;
	_ =	strace $0x8000004B  }
0xba: {  	_ =	swait.ge [sflag:s29], $0x1  }
0xbb: {  	[sflag:s29] =	ssyncadd.s32 $0xFFFFFFFF  }
0xbc: {  	_ =	strace $0x9000004B  }
0xbd: {  	_ =	sfence  }
0xbe: {  	s30 =	sld [smem:$0x0];
	_ =	sdelay $0x2  }
0xbf: {  	s31 =	sshll.u32 s1, $0xD;
	s1 =	sshrl.u32 s1, $0x2  }
0xc0: {  	s3 =	sand.u32 $0x4000, s31;
	s1 =	sadd.s32 s1, s30  }
0xc1: {  	s0 =	sor.u32 s3, s0;
	s1 =	sshll.u32 s1, $0x11  }
0xc2: {  	s0 =	sor.u32 s1, s0  }
0xc3: {  	s0 =	sadd.s32 $0x8F2B, s0  }
0xc4: {  	[sflag:s0] =	ssyncadd.remote.s32 $0x1  }
0xc5: {  	_ =	sfence.sel $0xFFFF  }
0xc6: {  	[dreg:$0x0] =	wrdreg $0xFFFFFFFF;
	(pc) =	sbr.abs _section_cstart, $3  }
0xc7: {  	[dreg:$0x1] =	wrdreg $0xFFFFFFFF  }
0xc8: {  	_ =	task.clear_ibuf [dreg:s8], $0x2FFFF;
	_ =	strace $0x9FFFFFFF  }
0xc9: {  	(tm) =	ssettm $0x7FFFFFFF  }
tec
execute0_lowered:
.L_overlay_start_1:
0x0: {  	(tag) =	ssettag $0x1  }
0x1: {  	s6 =	rddreg [dreg:$0x0]  }
0x2: {  	s1 =	rddreg [dreg:$0x1]  }
0x3: {  	s2 =	rddreg [dreg:$0x2]  }
0x4: {  	s3 =	simm.s32 $0x0;
	s4 =	srdreg.scid;
	s10 =	simm.s32 $0x5000  }
0x5: {  	s11 =	simm.s32 $0x7800;
	s12 =	simm.s32 $0x19000;
	s13 =	simm.s32 $0x1D080  }
0x6: {  	s14 =	simm.s32 $0x1E080;
	s15 =	simm.s32 $0x1C080;
	s16 =	simm.s32 $0x1B000  }
0x7: {  	s17 =	simm.s32 $0x1A000;
	s18 =	simm.s32 $0x5;
	s19 =	simm.s32 $0x1C000  }
0x8: {  	s20 =	simm.s32 $0x0;
	[smem:$0x7FF] =	sst s3;
	s7 =	sand.u32 $0x1, s4  }
0x9: {  	s5 =	sadd.s32 $0x318400, s6;
	s4 =	stileid.u32;
	s8 =	ssub.s32 $0x2, s7  }
0xa: {  	s6 =	sadd.s32 $0x1400, s6;
	_ =	strace $0x8000004A;
	s9 =	sshrl.u32 s8, $0x1  }
0xb: {  	v0 =	vimm.s32 $0x0;
	v1 =	vimm.s32 $0x1;
	v2 =	vlaneseq.u32;
	s31 =	sshll.u32 s4, $0x3;
	s7 =	sshll.u32 s7, $0x2;
	s8 =	ssub.s32 s8, s9  }
0xc: {  	vm0 =	vcmask $0x704;
	vm1 =	vcmask $0x3F04;
	v3 =	vimm.s32 $0x80000000;
	s7 =	sor.u32 s7, s31;
	s9 =	simm.s32 $0x2800;
	s8 =	smax.u32 s8, $0x1  }
.LBB2_1:
0xd: {  	s21 =	simm.s32 $0x40;
	s22 =	simm.s32 $0x0  }
.LBB2_2:
0xe: {  	p0 =	sne.s32 s21, $0x3FC0;
	[tilespmem:s22+$0x19000] =	vst v0;
	s22 =	smov.u32 s21;
	s21 =	sadd.s32 $0x40, s21  }
.Ltmp0:
0xf: {  	(pc) =	sbr.rel @p0 .LBB2_2-.Ltmp0, $2  }
0x10: {  	_ =	sdelay $0x2  }
0x11: {  	s22 =	sshra.s32 s22, $0x2  }
0x12: {  	[tilespmem:s22+$0x19000] =	vst v0;
	s21 =	simm.s32 $0x0;
	s22 =	simm.s32 $0x0  }
.LBB2_4:
0x13: {  	s23 =	sadd.s32 s7, s22  }
0x14: {  	s24 =	smul.u32 $0x3200, s23  }
0x15: {  	s25 =	smul.u32 $0x19000, s23;
	_ =	sdelay $0x1  }
0x16: {  	s24 =	sadd.s32 s5, s24;
	s29 =	sshrl.u32 s25, $0x3  }
0x17: {  	[tilespmem:s21], [sflag:$0x1] =	stream.linear.gather [hbm4b:s24+s21], $0x2800, $0x38;
	[tilespmem:$0x1F080] =	vst v63  }
0x18: {  	s24 =	sadd.s32 s5, s29  }
0x19: {  	s30 =	sadd.s32 $0x500, s24  }
0x1a: {  	[tilespmem:s9], [sflag:$0x2] =	stream.linear.gather [hbm4b:s30+s21], $0x2800, $0x38;
	[tilespmem:$0x1F080] =	vst v63  }
0x1b: {  	s31 =	sadd.s32 $0xA00, s24  }
0x1c: {  	[tilespmem:s10], [sflag:$0x3] =	stream.linear.gather [hbm4b:s31+s21], $0x2800, $0x38;
	[tilespmem:$0x1F080] =	vst v63  }
0x1d: {  	s24 =	sadd.s32 $0xF00, s24  }
0x1e: {  	[tilespmem:s11], [sflag:$0x4] =	stream.linear.gather [hbm4b:s24+s21], $0x2800, $0x38;
	[tilespmem:$0x1F080] =	vst v63  }
0x1f: {  	v4 =	vimm.f32 $-Inf;
	s26 =	simm.s32 $0x0;
	s25 =	simm.s32 $0x40;
	s24 =	smul.u32 $0x320, s23  }
.LBB2_5:
0x20: {  	p0 =	slt.u32 s26, $0x6  }
0x21: {  	s28 =	sadd.s32 @p0 $0x4, s26  }
0x22: {  	s29 =	smul.u32 @p0 $0x50, s28;
	_ =	sdelay $0x1  }
0x23: {  	s28 =	smul.u32 @p0 $0xA000, s28;
	s29 =	sadd.s32 @p0 s24, s29  }
0x24: {  	s30 =	sand.u32 @p0 $0x3, s26;
	s0 =	simm.s32 @p0 $0x0;
	s29 =	sshll.u32 @p0 s29, $0x4  }
0x25: {  	s31 =	sadd.s32 @p0 $0x1, s30;
	s28 =	sshra.s32 @p0 s28, $0x2;
	s29 =	sadd.s32 @p0 s5, s29  }
0x26: {  	[tilespmem:s28], [sflag:s31] =	stream.linear.gather @p0 [hbm4b:s29+s0], $0x2800, $0x38;
	[tilespmem:$0x1F080] =	vst v63  }
0x27: {  	s0 =	sand.u32 @!p0 $0x3, s26  }
0x28: {  	s0 =	smov.u32 @p0 s30  }
0x29: {  	s0 =	sadd.s32 $0x1, s0  }
0x2a: {  	_ =	swait.ge [sflag:s0], $0x2800  }
0x2b: {  	[sflag:s0] =	ssyncset.done $0x0  }
0x2c: {  	s28 =	simm.s32 $0xFFFFFFF8;
	s29 =	smov.u32 s25;
	[sflag:s0] =	ssyncadd.s32 $0xFFFFD800  }
.LBB2_6:
0x2d: {  	v5 =	vld [tilespmem:s29+$0xFFFFFFC0];
	_ =	sdelay $0x4  }
0x2e: {  	v6 =	vshra.s32 v5, $0x1F  }
0x2f: {  	v6 =	vand.u32 $0x7FF00000, v6  }
0x30: {  	v6 =	vxor.u32 v5, v6  }
0x31: {  	v6 =	vshra.s32 v6, $0x14  }
0x32: {  	v6 =	vadd.s32 $0x800, v6;
	_ =	sdelay $0x4  }
0x33: {  	[tilespmem:v6+s12+$0x0] =	vst.idx.add.s32.msk $0xffff, v1  }
0x34: {  	v6 =	vld [tilespmem:s29+$0xFFFFFFD0];
	_ =	sdelay $0x4  }
0x35: {  	v7 =	vshra.s32 v6, $0x1F  }
0x36: {  	v7 =	vand.u32 $0x7FF00000, v7  }
0x37: {  	v7 =	vxor.u32 v6, v7  }
0x38: {  	v7 =	vshra.s32 v7, $0x14  }
0x39: {  	v7 =	vadd.s32 $0x800, v7;
	_ =	sdelay $0x4  }
0x3a: {  	[tilespmem:v7+s12+$0x0] =	vst.idx.add.s32.msk $0xffff, v1  }
0x3b: {  	v7 =	vld [tilespmem:s29+$0xFFFFFFE0];
	_ =	sdelay $0x4  }
0x3c: {  	v8 =	vshra.s32 v7, $0x1F  }
0x3d: {  	v8 =	vand.u32 $0x7FF00000, v8  }
0x3e: {  	v8 =	vxor.u32 v7, v8  }
0x3f: {  	v8 =	vshra.s32 v8, $0x14  }
0x40: {  	v8 =	vadd.s32 $0x800, v8;
	_ =	sdelay $0x4  }
0x41: {  	[tilespmem:v8+s12+$0x0] =	vst.idx.add.s32.msk $0xffff, v1  }
0x42: {  	v8 =	vld [tilespmem:s29+$0xFFFFFFF0];
	_ =	sdelay $0x4  }
0x43: {  	v9 =	vshra.s32 v8, $0x1F  }
0x44: {  	v9 =	vand.u32 $0x7FF00000, v9  }
0x45: {  	v9 =	vxor.u32 v8, v9  }
0x46: {  	v9 =	vshra.s32 v9, $0x14  }
0x47: {  	v9 =	vadd.s32 $0x800, v9;
	_ =	sdelay $0x4  }
0x48: {  	[tilespmem:v9+s12+$0x0] =	vst.idx.add.s32.msk $0xffff, v1  }
0x49: {  	v9 =	vld [tilespmem:s29+$0x0];
	_ =	sdelay $0x4  }
0x4a: {  	v10 =	vshra.s32 v9, $0x1F  }
0x4b: {  	v10 =	vand.u32 $0x7FF00000, v10  }
0x4c: {  	v10 =	vxor.u32 v9, v10  }
0x4d: {  	v10 =	vshra.s32 v10, $0x14  }
0x4e: {  	v10 =	vadd.s32 $0x800, v10;
	_ =	sdelay $0x4  }
0x4f: {  	[tilespmem:v10+s12+$0x0] =	vst.idx.add.s32.msk $0xffff, v1  }
0x50: {  	v10 =	vld [tilespmem:s29+$0x10];
	_ =	sdelay $0x4  }
0x51: {  	v11 =	vshra.s32 v10, $0x1F  }
0x52: {  	v11 =	vand.u32 $0x7FF00000, v11  }
0x53: {  	v11 =	vxor.u32 v10, v11  }
0x54: {  	v11 =	vshra.s32 v11, $0x14  }
0x55: {  	v11 =	vadd.s32 $0x800, v11;
	_ =	sdelay $0x4  }
0x56: {  	[tilespmem:v11+s12+$0x0] =	vst.idx.add.s32.msk $0xffff, v1  }
0x57: {  	v11 =	vld [tilespmem:s29+$0x20];
	_ =	sdelay $0x4  }
0x58: {  	v12 =	vshra.s32 v11, $0x1F  }
0x59: {  	v12 =	vand.u32 $0x7FF00000, v12  }
0x5a: {  	v12 =	vxor.u32 v11, v12  }
0x5b: {  	v12 =	vshra.s32 v12, $0x14  }
0x5c: {  	v12 =	vadd.s32 $0x800, v12;
	_ =	sdelay $0x4  }
0x5d: {  	[tilespmem:v12+s12+$0x0] =	vst.idx.add.s32.msk $0xffff, v1  }
0x5e: {  	v12 =	vld [tilespmem:s29+$0x30];
	_ =	sdelay $0x4  }
0x5f: {  	v13 =	vshra.s32 v12, $0x1F  }
0x60: {  	v13 =	vand.u32 $0x7FF00000, v13  }
0x61: {  	v4 =	vmax.f32 v4, v5;
	v5 =	vxor.u32 v12, v13  }
0x62: {  	s28 =	sadd.s32 $0x8, s28;
	v4 =	vmax.f32 v4, v6;
	v5 =	vshra.s32 v5, $0x14  }
0x63: {  	p0 =	slt.u32 s28, $0x278;
	v4 =	vmax.f32 v4, v7;
	v5 =	vadd.s32 $0x800, v5  }
.Ltmp1:
0x64: {  	v4 =	vmax.f32 v4, v8;
	(pc) =	sbr.rel @p0 .LBB2_6-.Ltmp1, $4  }
0x65: {  	v4 =	vmax.f32 v4, v9  }
0x66: {  	v4 =	vmax.f32 v4, v10  }
0x67: {  	v4 =	vmax.f32 v4, v11  }
0x68: {  	s29 =	sadd.s32 $0x80, s29;
	v4 =	vmax.f32 v4, v12;
	[tilespmem:v5+s12+$0x0] =	vst.idx.add.s32.msk $0xffff, v1  }
0x69: {  	s26 =	sadd.s32 $0x1, s26  }
0x6a: {  	p0 =	sne.s32 s26, $0xA  }
.Ltmp2:
0x6b: {  	_ = 	snop;
	(pc) =	sbr.rel @p0 .LBB2_5-.Ltmp2, $2  }
0x6c: {  	_ =	sdelay $0x2  }
0x6d: {  	s25 =	sadd.s32 $0x2800, s25  }
0x6e: {  	s24 =	simm.s32 $0x0;
	p0 =	por $0x0, $0x0  }
0x6f: {  	s25 =	simm.s32 $0x80000FEF;
	s26 =	simm.s32 $0x19FF0;
	s28 =	simm.s32 $0x0  }
.LBB2_9:
0x70: {  	v5 =	vld [tilespmem:s26+$0x0];
	_ =	sdelay $0x4  }
0x71: {  	(xrf0) =	vadd.scan.msk.s32 $0xffff, v5;
	_ =	sdelay $0x5  }
0x72: {  	v6, _, _ =	vpop (xrf0)  }
0x73: {  	v7 =	vxor.u32 $0x80000000, v6  }
0x74: {  	(xrf0) =	vmax.scan.msk.u32 $0xffff, v7;
	_ =	sdelay $0x5  }
0x75: {  	v7, _, _ =	vpop (xrf0)  }
0x76: {  	(v2sf) =	vpush v7, $0xF;
	_ =	sdelay $0xe  }
0x77: {  	v5 =	vadd.s32 s28, v5;
	s0 =	spop (v2sf)  }
0x78: {  	v5 =	vsub.s32 v5, v6;
	s0 =	sxor.u32 $0x80000000, s0  }
0x79: {  	v5 =	vadd.s32 s0, v5  }
0x7a: {  	vm2 =	vgt.s32 v5, $0x7FF  }
0x7b: {  	v5 =	vmpcnt.ones.xlane vm2;
	_ =	sdelay $0x1  }
0x7c: {  	v5 =	vxor.u32 $0x80000000, v5  }
0x7d: {  	(xrf0) =	vmax.scan.msk.u32 $0xffff, v5;
	_ =	sdelay $0x5  }
0x7e: {  	v5, _, _ =	vpop (xrf0)  }
0x7f: {  	(v2sf) =	vpush v5, $0xF;
	_ =	sdelay $0xe  }
0x80: {  	s29 =	spop (v2sf)  }
0x81: {  	s30 =	sxor.u32 $0x80000000, s29;
	s29 =	sadd.s32 s25, s29  }
0x82: {  	p1 =	sgt.s32 s30, $0x0;
	s29 =	smov.u32 @p0 s24  }
0x83: {  	s24 =	smov.u32 @p1 s29;
	p0 =	por p0, p1;
	p1 =	seq.s32 s25, $0x7FFFFFFF  }
.Ltmp3:
0x84: {  	_ = 	snop;
	(pc) =	sbr.rel @!p1 .LBB2_9-.Ltmp3, $2  }
0x85: {  	_ =	sdelay $0x2  }
0x86: {  	[tilespmem:s26+$0x0] =	vst v0;
	s26 =	sadd.s32 $0xFFFFFFF0, s26;
	s28 =	sadd.s32 s28, s0;
	s25 =	sadd.s32 $0xFFFFFFF0, s25  }
0x87: {  	s25 =	simm.s32 $0x40;
	s26 =	simm.s32 $0x0  }
.LBB2_11:
0x88: {  	p0 =	seq.s32 s25, $0x3FC0;
	[tilespmem:s26+$0x1C080] =	vst v0;
	s0 =	smov.u32 s25;
	s25 =	sadd.s32 $0x40, s25  }
.Ltmp4:
0x89: {  	[tilespmem:s26+$0x1B000] =	vst v0;
	(pc) =	sbr.rel @!p0 .LBB2_11-.Ltmp4, $2  }
0x8a: {  	_ =	sdelay $0x2  }
0x8b: {  	s26 =	sshra.s32 s0, $0x2  }
0x8c: {  	[tilespmem:s26+$0x1C080] =	vst v0  }
0x8d: {  	[tilespmem:s26+$0x1B000] =	vst v0;
	s25 =	simm.s32 $0x40  }
0x8e: {  	v7 =	vld [tilespmem:s25+$0xFFFFFFC0];
	_ =	sdelay $0x4  }
0x8f: {  	v8 =	vshra.s32 v7, $0x1F  }
0x90: {  	v8 =	vand.u32 $0x7FFFFFFF, v8  }
0x91: {  	v8 =	vxor.u32 v7, v8  }
0x92: {  	(xrf0) =	vmax.scan.msk.f32 $0xffff, v4;
	v9 =	vshra.s32 v8, $0x14  }
0x93: {  	v5 =	vmov s24;
	v9 =	vadd.s32 $0x800, v9  }
0x94: {  	s29 =	simm.s32 $0x0;
	s0 =	simm.s32 $0x0;
	v8 =	vxor.u32 $0x80000000, v8;
	vm2 =	vge.s32 v9, v5  }
0x95: {  	[tilespmem:s29+$0x1C080] =	vst.msk vm2, v8;
	v8 =	vor.u32 s0, v2;
	v9 =	vmpcnt.ones.xlane vm2  }
0x96: {  	[tilespmem:s29+$0x1B000] =	vst.msk vm2, v8  }
0x97: {  	v9 =	vxor.u32 $0x80000000, v9;
	v8 =	vld [tilespmem:s25+$0xFFFFFFD0]  }
0x98: {  	v4, _, _ =	vpop (xrf0);
	(xrf0) =	vmax.scan.msk.u32 $0xffff, v9;
	_ =	sdelay $0x3  }
0x99: {  	v9 =	vshra.s32 v8, $0x1F  }
0x9a: {  	v9 =	vand.u32 $0x7FFFFFFF, v9  }
0x9b: {  	v9 =	vxor.u32 v8, v9;
	v10, _, _ =	vpop (xrf0)  }
0x9c: {  	v11 =	vshra.s32 v9, $0x14;
	(v2sf) =	vpush v10, $0xF  }
0x9d: {  	v10 =	vadd.s32 $0x800, v11  }
0x9e: {  	vm2 =	vge.s32 v10, v5  }
0x9f: {  	v10 =	vmpcnt.ones.xlane vm2;
	_ =	sdelay $0x1  }
0xa0: {  	v10 =	vxor.u32 $0x80000000, v10  }
0xa1: {  	(xrf0) =	vmax.scan.msk.u32 $0xffff, v10;
	_ =	sdelay $0x5  }
0xa2: {  	v10, _, _ =	vpop (xrf0)  }
0xa3: {  	(v2sf) =	vpush v10, $0xF;
	_ =	sdelay $0x1  }
0xa4: {  	s30 =	spop (v2sf)  }
0xa5: {  	s0 =	sadd.s32 $0x0, s30  }
0xa6: {  	s0 =	sadd.s32 $0x80000000, s0  }
0xa7: {  	p0 =	slt.s32 s0, $0xFF0  }
0xa8: {  	s31 =	simm.s32 $0x10;
	v9 =	vxor.u32 $0x80000000, v9;
	s0 =	simm.s32 @!p0 $0xFF0  }
0xa9: {  	[tilespmem:s0+$0x1C080] =	vst.msk vm2, v9;
	v9 =	vor.u32 s31, v2  }
0xaa: {  	[tilespmem:s0+$0x1B000] =	vst.msk vm2, v9  }
0xab: {  	v9 =	vld [tilespmem:s25+$0xFFFFFFE0];
	_ =	sdelay $0x4  }
0xac: {  	v10 =	vshra.s32 v9, $0x1F  }
0xad: {  	v10 =	vand.u32 $0x7FFFFFFF, v10;
	s29 =	spop (v2sf)  }
0xae: {  	s0 =	sadd.s32 s29, s0;
	v10 =	vxor.u32 v9, v10  }
0xaf: {  	s0 =	sadd.s32 $0x80000000, s0;
	v11 =	vshra.s32 v10, $0x14  }
0xb0: {  	p0 =	slt.s32 s0, $0xFF0;
	v11 =	vadd.s32 $0x800, v11  }
0xb1: {  	s30 =	simm.s32 $0x20;
	v10 =	vxor.u32 $0x80000000, v10;
	s0 =	simm.s32 @!p0 $0xFF0;
	vm2 =	vge.s32 v11, v5  }
0xb2: {  	[tilespmem:s0+$0x1C080] =	vst.msk vm2, v10;
	v10 =	vor.u32 s30, v2;
	v11 =	vmpcnt.ones.xlane vm2  }
0xb3: {  	[tilespmem:s0+$0x1B000] =	vst.msk vm2, v10  }
0xb4: {  	v10 =	vxor.u32 $0x80000000, v11;
	v11 =	vld [tilespmem:s25+$0xFFFFFFF0]  }
0xb5: {  	(xrf0) =	vmax.scan.msk.u32 $0xffff, v10;
	_ =	sdelay $0x3  }
0xb6: {  	v10 =	vshra.s32 v11, $0x1F  }
0xb7: {  	v10 =	vand.u32 $0x7FFFFFFF, v10  }
0xb8: {  	v10 =	vxor.u32 v11, v10;
	v12, _, _ =	vpop (xrf0)  }
0xb9: {  	v13 =	vshra.s32 v10, $0x14;
	(v2sf) =	vpush v12, $0xF  }
0xba: {  	v48 =	vadd.s32 $0x800, v13  }
0xbb: {  	vm2 =	vge.s32 v48, v5  }
0xbc: {  	v12 =	vmpcnt.ones.xlane vm2;
	_ =	sdelay $0x1  }
0xbd: {  	v12 =	vxor.u32 $0x80000000, v12  }
0xbe: {  	(xrf0) =	vmax.scan.msk.u32 $0xffff, v12;
	_ =	sdelay $0x5  }
0xbf: {  	v12, _, _ =	vpop (xrf0)  }
0xc0: {  	(v2sf) =	vpush v12, $0xF;
	_ =	sdelay $0x1  }
0xc1: {  	s31 =	spop (v2sf)  }
0xc2: {  	s0 =	sadd.s32 s31, s0  }
0xc3: {  	s0 =	sadd.s32 $0x80000000, s0  }
0xc4: {  	p0 =	slt.s32 s0, $0xFF0  }
0xc5: {  	s29 =	simm.s32 $0x30;
	v10 =	vxor.u32 $0x80000000, v10;
	s0 =	simm.s32 @!p0 $0xFF0  }
0xc6: {  	[tilespmem:s0+$0x1C080] =	vst.msk vm2, v10;
	v10 =	vor.u32 s29, v2  }
0xc7: {  	[tilespmem:s0+$0x1B000] =	vst.msk vm2, v10  }
0xc8: {  	v10 =	vld [tilespmem:s25+$0x0];
	_ =	sdelay $0x4  }
0xc9: {  	v49 =	vshra.s32 v10, $0x1F  }
0xca: {  	v12 =	vand.u32 $0x7FFFFFFF, v49;
	s30 =	spop (v2sf)  }
0xcb: {  	s0 =	sadd.s32 s30, s0;
	v12 =	vxor.u32 v10, v12  }
0xcc: {  	s0 =	sadd.s32 $0x80000000, s0;
	v50 =	vshra.s32 v12, $0x14  }
0xcd: {  	p0 =	slt.s32 s0, $0xFF0;
	v13 =	vadd.s32 $0x800, v50  }
0xce: {  	s31 =	simm.s32 $0x40;
	v12 =	vxor.u32 $0x80000000, v12;
	s0 =	simm.s32 @!p0 $0xFF0;
	vm2 =	vge.s32 v13, v5  }
0xcf: {  	v51 =	vor.u32 s31, v2;
	[tilespmem:s0+$0x1C080] =	vst.msk vm2, v12;
	v13 =	vmpcnt.ones.xlane vm2  }
0xd0: {  	[tilespmem:s0+$0x1B000] =	vst.msk vm2, v51  }
0xd1: {  	v52 =	vxor.u32 $0x80000000, v13;
	v53 =	vld [tilespmem:s25+$0x10]  }
0xd2: {  	(xrf0) =	vmax.scan.msk.u32 $0xffff, v52;
	_ =	sdelay $0x3  }
0xd3: {  	v54 =	vshra.s32 v53, $0x1F  }
0xd4: {  	v12 =	vand.u32 $0x7FFFFFFF, v54  }
0xd5: {  	v12 =	vxor.u32 v53, v12;
	v14, _, _ =	vpop (xrf0)  }
0xd6: {  	v15 =	vshra.s32 v12, $0x14;
	(v2sf) =	vpush v14, $0xF  }
0xd7: {  	v55 =	vadd.s32 $0x800, v15  }
0xd8: {  	vm2 =	vge.s32 v55, v5  }
0xd9: {  	v14 =	vmpcnt.ones.xlane vm2;
	_ =	sdelay $0x1  }
0xda: {  	v14 =	vxor.u32 $0x80000000, v14  }
0xdb: {  	(xrf0) =	vmax.scan.msk.u32 $0xffff, v14;
	_ =	sdelay $0x5  }
0xdc: {  	v14, _, _ =	vpop (xrf0)  }
0xdd: {  	(v2sf) =	vpush v14, $0xF;
	_ =	sdelay $0x1  }
0xde: {  	s29 =	spop (v2sf)  }
0xdf: {  	s0 =	sadd.s32 s29, s0  }
0xe0: {  	s0 =	sadd.s32 $0x80000000, s0  }
0xe1: {  	p0 =	slt.s32 s0, $0xFF0  }
0xe2: {  	s30 =	simm.s32 $0x50;
	v12 =	vxor.u32 $0x80000000, v12;
	s0 =	simm.s32 @!p0 $0xFF0  }
0xe3: {  	v56 =	vor.u32 s30, v2;
	[tilespmem:s0+$0x1C080] =	vst.msk vm2, v12  }
0xe4: {  	[tilespmem:s0+$0x1B000] =	vst.msk vm2, v56  }
0xe5: {  	v12 =	vld [tilespmem:s25+$0x20];
	_ =	sdelay $0x4  }
0xe6: {  	v57 =	vshra.s32 v12, $0x1F  }
0xe7: {  	v14 =	vand.u32 $0x7FFFFFFF, v57;
	s31 =	spop (v2sf)  }
0xe8: {  	s0 =	sadd.s32 s31, s0;
	v14 =	vxor.u32 v12, v14  }
0xe9: {  	s0 =	sadd.s32 $0x80000000, s0;
	v58 =	vshra.s32 v14, $0x14  }
0xea: {  	p0 =	slt.s32 s0, $0xFF0;
	v15 =	vadd.s32 $0x800, v58  }
0xeb: {  	s29 =	simm.s32 $0x60;
	v14 =	vxor.u32 $0x80000000, v14;
	s0 =	simm.s32 @!p0 $0xFF0;
	vm2 =	vge.s32 v15, v5  }
0xec: {  	v59 =	vor.u32 s29, v2;
	[tilespmem:s0+$0x1C080] =	vst.msk vm2, v14;
	v15 =	vmpcnt.ones.xlane vm2  }
0xed: {  	[tilespmem:s0+$0x1B000] =	vst.msk vm2, v59  }
0xee: {  	v60 =	vxor.u32 $0x80000000, v15;
	v61 =	vld [tilespmem:s25+$0x30]  }
0xef: {  	(xrf0) =	vmax.scan.msk.u32 $0xffff, v60;
	_ =	sdelay $0x3  }
0xf0: {  	v62 =	vshra.s32 v61, $0x1F  }
0xf1: {  	v4 =	vbroadcast v4, $0xF;
	v14 =	vand.u32 $0x7FFFFFFF, v62  }
0xf2: {  	v14 =	vxor.u32 v61, v14;
	v16, _, _ =	vpop (xrf0)  }
0xf3: {  	v7 =	vsub.f32 v7, v4;
	(v2sf) =	vpush v16, $0xF;
	v63 =	vshra.s32 v14, $0x14  }
0xf4: {  	v16 =	vadd.s32 $0x800, v63  }
0xf5: {  	v7 =	vmul.f32 $1.442695020e+00, v7;
	v8 =	vsub.f32 v8, v4;
	vm2 =	vge.s32 v16, v5  }
0xf6: {  	v16 =	vmpcnt.ones.xlane vm2  }
0xf7: {  	(erf) = vpow2.f32 v7;
	v7 =	vmul.f32 $1.442695020e+00, v8;
	v8 =	vsub.f32 v9, v4  }
0xf8: {  	v16 =	vxor.u32 $0x80000000, v16  }
0xf9: {  	(erf) = vpow2.f32 v7;
	v7 =	vmul.f32 $1.442695020e+00, v8;
	v8 =	vsub.f32 v11, v4;
	(xrf0) =	vmax.scan.msk.u32 $0xffff, v16;
	_ =	sdelay $0x1  }
0xfa: {  	(erf) = vpow2.f32 v7;
	v7 =	vmul.f32 $1.442695020e+00, v8;
	v8 =	vsub.f32 v10, v4;
	_ =	sdelay $0x2  }
0xfb: {  	v9 =	vsub.f32 v53, v4  }
0xfc: {  	(erf) = vpow2.f32 v7;
	v7 =	vmul.f32 $1.442695020e+00, v8;
	v8, _, _ =	vpop (xrf0)  }
0xfd: {  	v9 =	vmul.f32 $1.442695020e+00, v9;
	(v2sf) =	vpush v8, $0xF  }
0xfe: {  	v6 =	vimm.f32 $0.0e+00;
	(erf) = vpow2.f32 v7;
	v7 =	vsub.f32 v12, v4;
	v8 =	vpop (erf)  }
0xff: {  	v6 =	vadd.f32 v8, v6;
	v8 =	vsub.f32 v61, v4;
	s30 =	spop (v2sf)  }
0x100: {  	v7 =	vmul.f32 $1.442695020e+00, v7;
	(erf) = vpow2.f32 v9;
	s0 =	sadd.s32 s30, s0  }
0x101: {  	v9 =	vpop (erf);
	s0 =	sadd.s32 $0x80000000, s0  }
0x102: {  	(erf) = vpow2.f32 v7;
	v6 =	vadd.f32 v9, v6;
	v7 =	vmul.f32 $1.442695020e+00, v8;
	p0 =	slt.s32 s0, $0xFF0  }
0x103: {  	s24 =	simm.s32 $0x70;
	v9 =	vxor.u32 $0x80000000, v14;
	v8 =	vpop (erf);
	s0 =	simm.s32 @!p0 $0xFF0  }
0x104: {  	(erf) = vpow2.f32 v7;
	v7 =	vor.u32 s24, v2;
	v6 =	vadd.f32 v8, v6;
	[tilespmem:s0+$0x1C080] =	vst.msk vm2, v9  }
0x105: {  	s25 =	simm.s32 $0xC0;
	v8 =	vpop (erf);
	[tilespmem:s0+$0x1B000] =	vst.msk vm2, v7  }
0x106: {  	v6 =	vadd.f32 v8, v6;
	v7 =	vld [tilespmem:s25+$0xFFFFFFC0]  }
0x107: {  	v8 =	vpop (erf)  }
0x108: {  	v6 =	vadd.f32 v8, v6  }
0x109: {  	v8 =	vpop (erf)  }
0x10a: {  	v6 =	vadd.f32 v8, v6  }
0x10b: {  	v8 =	vpop (erf);
	v9 =	vshra.s32 v7, $0x1F;
	v10 =	vsub.f32 v7, v4  }
0x10c: {  	v6 =	vadd.f32 v8, v6;
	v8 =	vand.u32 $0x7FFFFFFF, v9;
	s31 =	spop (v2sf)  }
0x10d: {  	v7 =	vxor.u32 v7, v8;
	v10 =	vmul.f32 $1.442695020e+00, v10;
	s0 =	sadd.s32 s31, s0  }
0x10e: {  	v9 =	vpop (erf);
	v8 =	vshra.s32 v7, $0x14;
	s28 =	sadd.s32 $0x80000000, s0;
	v7 =	vxor.u32 $0x80000000, v7  }
0x10f: {  	s26 =	simm.s32 $0x8;
	s24 =	simm.s32 $0xF0;
	v6 =	vadd.f32 v9, v6;
	v8 =	vadd.s32 $0x800, v8;
	(erf) = vpow2.f32 v10;
	p1 =	slt.s32 s28, $0xFF0  }
.LBB2_13:
0x110: {  	s26 =	sadd.s32 $0x8, s26;
	vm2 =	vge.s32 v8, v5;
	s0 =	sadd.s32 $0xFFFFFF90, s24;
	s28 =	simm.s32 @!p1 $0xFF0  }
0x111: {  	p0 =	slt.u32 s26, $0x18F8;
	[tilespmem:s28+$0x1C080] =	vst.msk vm2, v7;
	v7 =	vor.u32 s0, v2;
	v8 =	vmpcnt.ones.xlane vm2  }
0x112: {  	[tilespmem:s28+$0x1B000] =	vst.msk vm2, v7  }
0x113: {  	v7 =	vxor.u32 $0x80000000, v8;
	v8 =	vld [tilespmem:s25+$0xFFFFFFD0]  }
0x114: {  	(xrf0) =	vmax.scan.msk.u32 $0xffff, v7;
	_ =	sdelay $0x3  }
0x115: {  	v9 =	vshra.s32 v8, $0x1F;
	v11 =	vsub.f32 v8, v4;
	v7 =	vpop (erf)  }
0x116: {  	v9 =	vand.u32 $0x7FFFFFFF, v9  }
0x117: {  	v9 =	vxor.u32 v8, v9;
	v8 =	vmul.f32 $1.442695020e+00, v11;
	v10, _, _ =	vpop (xrf0)  }
0x118: {  	v11 =	vshra.s32 v9, $0x14;
	(v2sf) =	vpush v10, $0xF  }
0x119: {  	v10 =	vadd.s32 $0x800, v11;
	(erf) = vpow2.f32 v8  }
0x11a: {  	vm2 =	vge.s32 v10, v5  }
0x11b: {  	v8 =	vmpcnt.ones.xlane vm2;
	_ =	sdelay $0x1  }
0x11c: {  	v8 =	vxor.u32 $0x80000000, v8  }
0x11d: {  	(xrf0) =	vmax.scan.msk.u32 $0xffff, v8;
	_ =	sdelay $0x3  }
0x11e: {  	v8 =	vpop (erf);
	_ =	sdelay $0x1  }
0x11f: {  	v10, _, _ =	vpop (xrf0)  }
0x120: {  	(v2sf) =	vpush v10, $0xF;
	_ =	sdelay $0x1  }
0x121: {  	s0 =	spop (v2sf)  }
0x122: {  	s0 =	sadd.s32 s0, s28  }
0x123: {  	s0 =	sadd.s32 $0x80000000, s0  }
0x124: {  	p1 =	slt.s32 s0, $0xFF0  }
0x125: {  	v9 =	vxor.u32 $0x80000000, v9;
	s28 =	sadd.s32 $0xFFFFFFA0, s24;
	s0 =	simm.s32 @!p1 $0xFF0  }
0x126: {  	[tilespmem:s0+$0x1C080] =	vst.msk vm2, v9;
	v9 =	vor.u32 s28, v2  }
0x127: {  	[tilespmem:s0+$0x1B000] =	vst.msk vm2, v9  }
0x128: {  	v9 =	vld [tilespmem:s25+$0xFFFFFFE0];
	_ =	sdelay $0x4  }
0x129: {  	v10 =	vshra.s32 v9, $0x1F;
	v11 =	vsub.f32 v9, v4  }
0x12a: {  	v10 =	vand.u32 $0x7FFFFFFF, v10;
	s28 =	spop (v2sf)  }
0x12b: {  	s0 =	sadd.s32 s28, s0;
	v9 =	vxor.u32 v9, v10;
	v10 =	vmul.f32 $1.442695020e+00, v11  }
0x12c: {  	s28 =	sadd.s32 $0x80000000, s0;
	v11 =	vshra.s32 v9, $0x14  }
0x12d: {  	p1 =	slt.s32 s28, $0xFF0;
	v11 =	vadd.s32 $0x800, v11;
	(erf) = vpow2.f32 v10  }
0x12e: {  	v9 =	vxor.u32 $0x80000000, v9;
	s0 =	sadd.s32 $0xFFFFFFB0, s24;
	s28 =	simm.s32 @!p1 $0xFF0;
	vm2 =	vge.s32 v11, v5  }
0x12f: {  	[tilespmem:s28+$0x1C080] =	vst.msk vm2, v9;
	v9 =	vor.u32 s0, v2;
	v10 =	vmpcnt.ones.xlane vm2  }
0x130: {  	[tilespmem:s28+$0x1B000] =	vst.msk vm2, v9  }
0x131: {  	v9 =	vxor.u32 $0x80000000, v10;
	v10 =	vld [tilespmem:s25+$0xFFFFFFF0]  }
0x132: {  	(xrf0) =	vmax.scan.msk.u32 $0xffff, v9;
	_ =	sdelay $0x3  }
0x133: {  	v11 =	vshra.s32 v10, $0x1F;
	v13 =	vsub.f32 v10, v4;
	v9 =	vpop (erf)  }
0x134: {  	v11 =	vand.u32 $0x7FFFFFFF, v11  }
0x135: {  	v11 =	vxor.u32 v10, v11;
	v10 =	vmul.f32 $1.442695020e+00, v13;
	v12, _, _ =	vpop (xrf0)  }
0x136: {  	v13 =	vshra.s32 v11, $0x14;
	(v2sf) =	vpush v12, $0xF  }
0x137: {  	v12 =	vadd.s32 $0x800, v13;
	(erf) = vpow2.f32 v10  }
0x138: {  	vm2 =	vge.s32 v12, v5  }
0x139: {  	v10 =	vmpcnt.ones.xlane vm2;
	_ =	sdelay $0x1  }
0x13a: {  	v10 =	vxor.u32 $0x80000000, v10  }
0x13b: {  	(xrf0) =	vmax.scan.msk.u32 $0xffff, v10;
	_ =	sdelay $0x3  }
0x13c: {  	v10 =	vpop (erf);
	_ =	sdelay $0x1  }
0x13d: {  	v12, _, _ =	vpop (xrf0)  }
0x13e: {  	(v2sf) =	vpush v12, $0xF;
	_ =	sdelay $0x1  }
0x13f: {  	s0 =	spop (v2sf)  }
0x140: {  	s0 =	sadd.s32 s0, s28  }
0x141: {  	s0 =	sadd.s32 $0x80000000, s0  }
0x142: {  	p1 =	slt.s32 s0, $0xFF0  }
0x143: {  	v11 =	vxor.u32 $0x80000000, v11;
	s28 =	sadd.s32 $0xFFFFFFC0, s24;
	s0 =	simm.s32 @!p1 $0xFF0  }
0x144: {  	[tilespmem:s0+$0x1C080] =	vst.msk vm2, v11;
	v11 =	vor.u32 s28, v2  }
0x145: {  	[tilespmem:s0+$0x1B000] =	vst.msk vm2, v11  }
0x146: {  	v11 =	vld [tilespmem:s25+$0x0];
	_ =	sdelay $0x4  }
0x147: {  	v12 =	vshra.s32 v11, $0x1F;
	v13 =	vsub.f32 v11, v4  }
0x148: {  	v12 =	vand.u32 $0x7FFFFFFF, v12;
	s28 =	spop (v2sf)  }
0x149: {  	s0 =	sadd.s32 s28, s0;
	v11 =	vxor.u32 v11, v12;
	v12 =	vmul.f32 $1.442695020e+00, v13  }
0x14a: {  	s28 =	sadd.s32 $0x80000000, s0;
	v13 =	vshra.s32 v11, $0x14  }
0x14b: {  	p1 =	slt.s32 s28, $0xFF0;
	v13 =	vadd.s32 $0x800, v13;
	(erf) = vpow2.f32 v12  }
0x14c: {  	v11 =	vxor.u32 $0x80000000, v11;
	s0 =	sadd.s32 $0xFFFFFFD0, s24;
	s28 =	simm.s32 @!p1 $0xFF0;
	vm2 =	vge.s32 v13, v5  }
0x14d: {  	[tilespmem:s28+$0x1C080] =	vst.msk vm2, v11;
	v11 =	vor.u32 s0, v2;
	v12 =	vmpcnt.ones.xlane vm2  }
0x14e: {  	[tilespmem:s28+$0x1B000] =	vst.msk vm2, v11  }
0x14f: {  	v11 =	vxor.u32 $0x80000000, v12;
	v12 =	vld [tilespmem:s25+$0x10]  }
0x150: {  	(xrf0) =	vmax.scan.msk.u32 $0xffff, v11;
	_ =	sdelay $0x3  }
0x151: {  	v11 =	vshra.s32 v12, $0x1F;
	v15 =	vsub.f32 v12, v4;
	v14 =	vpop (erf)  }
0x152: {  	v11 =	vand.u32 $0x7FFFFFFF, v11  }
0x153: {  	v11 =	vxor.u32 v12, v11;
	v12 =	vmul.f32 $1.442695020e+00, v15;
	v13, _, _ =	vpop (xrf0)  }
0x154: {  	v15 =	vshra.s32 v11, $0x14;
	(v2sf) =	vpush v13, $0xF  }
0x155: {  	v13 =	vadd.s32 $0x800, v15;
	(erf) = vpow2.f32 v12  }
0x156: {  	vm2 =	vge.s32 v13, v5  }
0x157: {  	v12 =	vmpcnt.ones.xlane vm2;
	_ =	sdelay $0x1  }
0x158: {  	v12 =	vxor.u32 $0x80000000, v12  }
0x159: {  	(xrf0) =	vmax.scan.msk.u32 $0xffff, v12;
	_ =	sdelay $0x3  }
0x15a: {  	v12 =	vpop (erf);
	_ =	sdelay $0x1  }
0x15b: {  	v13, _, _ =	vpop (xrf0)  }
0x15c: {  	(v2sf) =	vpush v13, $0xF;
	_ =	sdelay $0x1  }
0x15d: {  	s0 =	spop (v2sf)  }
0x15e: {  	s0 =	sadd.s32 s0, s28  }
0x15f: {  	s0 =	sadd.s32 $0x80000000, s0  }
0x160: {  	p1 =	slt.s32 s0, $0xFF0  }
0x161: {  	v11 =	vxor.u32 $0x80000000, v11;
	s28 =	sadd.s32 $0xFFFFFFE0, s24;
	s0 =	simm.s32 @!p1 $0xFF0  }
0x162: {  	[tilespmem:s0+$0x1C080] =	vst.msk vm2, v11;
	v11 =	vor.u32 s28, v2  }
0x163: {  	[tilespmem:s0+$0x1B000] =	vst.msk vm2, v11  }
0x164: {  	v11 =	vld [tilespmem:s25+$0x20];
	_ =	sdelay $0x4  }
0x165: {  	v13 =	vshra.s32 v11, $0x1F;
	v15 =	vsub.f32 v11, v4  }
0x166: {  	v13 =	vand.u32 $0x7FFFFFFF, v13;
	s28 =	spop (v2sf)  }
0x167: {  	s0 =	sadd.s32 s28, s0;
	v11 =	vxor.u32 v11, v13;
	v13 =	vmul.f32 $1.442695020e+00, v15  }
0x168: {  	s28 =	sadd.s32 $0x80000000, s0;
	v15 =	vshra.s32 v11, $0x14  }
0x169: {  	p1 =	slt.s32 s28, $0xFF0;
	v15 =	vadd.s32 $0x800, v15;
	(erf) = vpow2.f32 v13  }
0x16a: {  	v11 =	vxor.u32 $0x80000000, v11;
	s0 =	sadd.s32 $0xFFFFFFF0, s24;
	s28 =	simm.s32 @!p1 $0xFF0;
	vm2 =	vge.s32 v15, v5  }
0x16b: {  	[tilespmem:s28+$0x1C080] =	vst.msk vm2, v11;
	v11 =	vor.u32 s0, v2;
	v13 =	vmpcnt.ones.xlane vm2  }
0x16c: {  	[tilespmem:s28+$0x1B000] =	vst.msk vm2, v11  }
0x16d: {  	v11 =	vxor.u32 $0x80000000, v13;
	v13 =	vld [tilespmem:s25+$0x30]  }
0x16e: {  	(xrf0) =	vmax.scan.msk.u32 $0xffff, v11;
	_ =	sdelay $0x3  }
0x16f: {  	v6 =	vadd.f32 v7, v6;
	v7 =	vshra.s32 v13, $0x1F;
	v16 =	vsub.f32 v13, v4;
	v15 =	vpop (erf)  }
0x170: {  	v7 =	vand.u32 $0x7FFFFFFF, v7  }
0x171: {  	v6 =	vadd.f32 v8, v6;
	v7 =	vxor.u32 v13, v7;
	v8 =	vmul.f32 $1.442695020e+00, v16;
	v11, _, _ =	vpop (xrf0)  }
0x172: {  	v13 =	vshra.s32 v7, $0x14;
	(v2sf) =	vpush v11, $0xF  }
0x173: {  	v6 =	vadd.f32 v9, v6;
	v9 =	vadd.s32 $0x800, v13;
	(erf) = vpow2.f32 v8  }
0x174: {  	vm2 =	vge.s32 v9, v5  }
0x175: {  	v6 =	vadd.f32 v10, v6;
	v8 =	vmpcnt.ones.xlane vm2;
	_ =	sdelay $0x1  }
0x176: {  	v6 =	vadd.f32 v14, v6;
	v8 =	vxor.u32 $0x80000000, v8  }
0x177: {  	(xrf0) =	vmax.scan.msk.u32 $0xffff, v8  }
0x178: {  	v6 =	vadd.f32 v12, v6;
	_ =	sdelay $0x1  }
0x179: {  	v6 =	vadd.f32 v15, v6  }
0x17a: {  	v8 =	vpop (erf)  }
0x17b: {  	v6 =	vadd.f32 v8, v6  }
0x17c: {  	v8, _, _ =	vpop (xrf0)  }
0x17d: {  	(v2sf) =	vpush v8, $0xF;
	_ =	sdelay $0x1  }
0x17e: {  	s0 =	spop (v2sf)  }
0x17f: {  	s0 =	sadd.s32 s0, s28  }
0x180: {  	s0 =	sadd.s32 $0x80000000, s0  }
0x181: {  	p1 =	slt.s32 s0, $0xFF0  }
0x182: {  	v7 =	vxor.u32 $0x80000000, v7;
	s0 =	simm.s32 @!p1 $0xFF0  }
0x183: {  	[tilespmem:s0+$0x1C080] =	vst.msk vm2, v7;
	v7 =	vor.u32 s24, v2  }
0x184: {  	s25 =	sadd.s32 $0x80, s25;
	[tilespmem:s0+$0x1B000] =	vst.msk vm2, v7  }
0x185: {  	v7 =	vld [tilespmem:s25+$0xFFFFFFC0];
	_ =	sdelay $0x4  }
.Ltmp5:
0x186: {  	v8 =	vshra.s32 v7, $0x1F;
	v9 =	vsub.f32 v7, v4;
	(pc) =	sbr.rel @p0 .LBB2_13-.Ltmp5, $4  }
0x187: {  	v8 =	vand.u32 $0x7FFFFFFF, v8;
	s28 =	spop (v2sf)  }
0x188: {  	v7 =	vxor.u32 v7, v8;
	v9 =	vmul.f32 $1.442695020e+00, v9;
	s0 =	sadd.s32 s28, s0  }
0x189: {  	v8 =	vshra.s32 v7, $0x14;
	v7 =	vxor.u32 $0x80000000, v7;
	s28 =	sadd.s32 $0x80000000, s0  }
0x18a: {  	s24 =	sadd.s32 $0x80, s24;
	v8 =	vadd.s32 $0x800, v8;
	(erf) = vpow2.f32 v9;
	p1 =	slt.s32 s28, $0xFF0  }
0x18b: {  	vm2 =	vge.s32 v8, v5;
	s0 =	sadd.s32 $0xFFFFFF90, s24;
	s28 =	simm.s32 @!p1 $0xFF0  }
0x18c: {  	[tilespmem:s28+$0x1C080] =	vst.msk vm2, v7;
	v18 =	vor.u32 s0, v2;
	v8 =	vmpcnt.ones.xlane vm2  }
0x18d: {  	[tilespmem:s28+$0x1B000] =	vst.msk vm2, v18  }
0x18e: {  	v19 =	vxor.u32 $0x80000000, v8;
	v20 =	vld [tilespmem:s25+$0xFFFFFFD0]  }
0x18f: {  	(xrf0) =	vmax.scan.msk.u32 $0xffff, v19;
	_ =	sdelay $0x3  }
0x190: {  	v21 =	vshra.s32 v20, $0x1F  }
0x191: {  	v7 =	vand.u32 $0x7FFFFFFF, v21  }
0x192: {  	v7 =	vxor.u32 v20, v7;
	v9, _, _ =	vpop (xrf0)  }
0x193: {  	v10 =	vshra.s32 v7, $0x14;
	(v2sf) =	vpush v9, $0xF  }
0x194: {  	v22 =	vadd.s32 $0x800, v10  }
0x195: {  	vm2 =	vge.s32 v22, v5  }
0x196: {  	v9 =	vmpcnt.ones.xlane vm2;
	_ =	sdelay $0x1  }
0x197: {  	v9 =	vxor.u32 $0x80000000, v9  }
0x198: {  	(xrf0) =	vmax.scan.msk.u32 $0xffff, v9;
	_ =	sdelay $0x5  }
0x199: {  	v9, _, _ =	vpop (xrf0)  }
0x19a: {  	(v2sf) =	vpush v9, $0xF;
	_ =	sdelay $0x1  }
0x19b: {  	s26 =	spop (v2sf)  }
0x19c: {  	s0 =	sadd.s32 s26, s28  }
0x19d: {  	s0 =	sadd.s32 $0x80000000, s0  }
0x19e: {  	p0 =	slt.s32 s0, $0xFF0  }
0x19f: {  	v7 =	vxor.u32 $0x80000000, v7;
	s26 =	sadd.s32 $0xFFFFFFA0, s24;
	s0 =	simm.s32 @!p0 $0xFF0  }
0x1a0: {  	v23 =	vor.u32 s26, v2;
	[tilespmem:s0+$0x1C080] =	vst.msk vm2, v7  }
0x1a1: {  	[tilespmem:s0+$0x1B000] =	vst.msk vm2, v23  }
0x1a2: {  	v7 =	vld [tilespmem:s25+$0xFFFFFFE0];
	_ =	sdelay $0x4  }
0x1a3: {  	v24 =	vshra.s32 v7, $0x1F  }
0x1a4: {  	v9 =	vand.u32 $0x7FFFFFFF, v24;
	s28 =	spop (v2sf)  }
0x1a5: {  	s0 =	sadd.s32 s28, s0;
	v9 =	vxor.u32 v7, v9  }
0x1a6: {  	s0 =	sadd.s32 $0x80000000, s0;
	v25 =	vshra.s32 v9, $0x14  }
0x1a7: {  	p0 =	slt.s32 s0, $0xFF0;
	v10 =	vadd.s32 $0x800, v25  }
0x1a8: {  	s29 =	sadd.s32 $0xFFFFFFB0, s24;
	v9 =	vxor.u32 $0x80000000, v9;
	s0 =	simm.s32 @!p0 $0xFF0;
	vm2 =	vge.s32 v10, v5  }
0x1a9: {  	v26 =	vor.u32 s29, v2;
	[tilespmem:s0+$0x1C080] =	vst.msk vm2, v9;
	v10 =	vmpcnt.ones.xlane vm2  }
0x1aa: {  	[tilespmem:s0+$0x1B000] =	vst.msk vm2, v26  }
0x1ab: {  	v27 =	vxor.u32 $0x80000000, v10;
	v28 =	vld [tilespmem:s25+$0xFFFFFFF0]  }
0x1ac: {  	(xrf0) =	vmax.scan.msk.u32 $0xffff, v27;
	_ =	sdelay $0x3  }
0x1ad: {  	v29 =	vshra.s32 v28, $0x1F  }
0x1ae: {  	v9 =	vand.u32 $0x7FFFFFFF, v29  }
0x1af: {  	v9 =	vxor.u32 v28, v9;
	v11, _, _ =	vpop (xrf0)  }
0x1b0: {  	v12 =	vshra.s32 v9, $0x14;
	(v2sf) =	vpush v11, $0xF  }
0x1b1: {  	v30 =	vadd.s32 $0x800, v12  }
0x1b2: {  	vm2 =	vge.s32 v30, v5  }
0x1b3: {  	v11 =	vmpcnt.ones.xlane vm2;
	_ =	sdelay $0x1  }
0x1b4: {  	v11 =	vxor.u32 $0x80000000, v11  }
0x1b5: {  	(xrf0) =	vmax.scan.msk.u32 $0xffff, v11;
	_ =	sdelay $0x5  }
0x1b6: {  	v11, _, _ =	vpop (xrf0)  }
0x1b7: {  	(v2sf) =	vpush v11, $0xF;
	_ =	sdelay $0x1  }
0x1b8: {  	s30 =	spop (v2sf)  }
0x1b9: {  	s0 =	sadd.s32 s30, s0  }
0x1ba: {  	s0 =	sadd.s32 $0x80000000, s0  }
0x1bb: {  	p0 =	slt.s32 s0, $0xFF0  }
0x1bc: {  	s31 =	sadd.s32 $0xFFFFFFC0, s24;
	v9 =	vxor.u32 $0x80000000, v9;
	s0 =	simm.s32 @!p0 $0xFF0  }
0x1bd: {  	v31 =	vor.u32 s31, v2;
	[tilespmem:s0+$0x1C080] =	vst.msk vm2, v9  }
0x1be: {  	[tilespmem:s0+$0x1B000] =	vst.msk vm2, v31  }
0x1bf: {  	v9 =	vld [tilespmem:s25+$0x0];
	_ =	sdelay $0x4  }
0x1c0: {  	v32 =	vshra.s32 v9, $0x1F  }
0x1c1: {  	v11 =	vand.u32 $0x7FFFFFFF, v32;
	s28 =	spop (v2sf)  }
0x1c2: {  	s0 =	sadd.s32 s28, s0;
	v11 =	vxor.u32 v9, v11  }
0x1c3: {  	s0 =	sadd.s32 $0x80000000, s0;
	v33 =	vshra.s32 v11, $0x14  }
0x1c4: {  	p0 =	slt.s32 s0, $0xFF0;
	v12 =	vadd.s32 $0x800, v33  }
0x1c5: {  	s29 =	sadd.s32 $0xFFFFFFD0, s24;
	v11 =	vxor.u32 $0x80000000, v11;
	s0 =	simm.s32 @!p0 $0xFF0;
	vm2 =	vge.s32 v12, v5  }
0x1c6: {  	v34 =	vor.u32 s29, v2;
	[tilespmem:s0+$0x1C080] =	vst.msk vm2, v11;
	v12 =	vmpcnt.ones.xlane vm2  }
0x1c7: {  	[tilespmem:s0+$0x1B000] =	vst.msk vm2, v34  }
0x1c8: {  	v35 =	vxor.u32 $0x80000000, v12;
	v36 =	vld [tilespmem:s25+$0x10]  }
0x1c9: {  	(xrf0) =	vmax.scan.msk.u32 $0xffff, v35;
	_ =	sdelay $0x3  }
0x1ca: {  	v37 =	vshra.s32 v36, $0x1F  }
0x1cb: {  	v11 =	vand.u32 $0x7FFFFFFF, v37  }
0x1cc: {  	v11 =	vxor.u32 v36, v11;
	v13, _, _ =	vpop (xrf0)  }
0x1cd: {  	v14 =	vshra.s32 v11, $0x14;
	(v2sf) =	vpush v13, $0xF  }
0x1ce: {  	v38 =	vadd.s32 $0x800, v14  }
0x1cf: {  	vm2 =	vge.s32 v38, v5  }
0x1d0: {  	v13 =	vmpcnt.ones.xlane vm2;
	_ =	sdelay $0x1  }
0x1d1: {  	v13 =	vxor.u32 $0x80000000, v13  }
0x1d2: {  	(xrf0) =	vmax.scan.msk.u32 $0xffff, v13;
	_ =	sdelay $0x5  }
0x1d3: {  	v13, _, _ =	vpop (xrf0)  }
0x1d4: {  	(v2sf) =	vpush v13, $0xF;
	_ =	sdelay $0x1  }
0x1d5: {  	s30 =	spop (v2sf)  }
0x1d6: {  	s0 =	sadd.s32 s30, s0  }
0x1d7: {  	s0 =	sadd.s32 $0x80000000, s0  }
0x1d8: {  	p0 =	slt.s32 s0, $0xFF0  }
0x1d9: {  	s31 =	sadd.s32 $0xFFFFFFE0, s24;
	v11 =	vxor.u32 $0x80000000, v11;
	s0 =	simm.s32 @!p0 $0xFF0  }
0x1da: {  	v39 =	vor.u32 s31, v2;
	[tilespmem:s0+$0x1C080] =	vst.msk vm2, v11  }
0x1db: {  	[tilespmem:s0+$0x1B000] =	vst.msk vm2, v39  }
0x1dc: {  	v11 =	vld [tilespmem:s25+$0x20];
	_ =	sdelay $0x4  }
0x1dd: {  	v8 =	vsub.f32 v20, v4;
	v40 =	vshra.s32 v11, $0x1F  }
0x1de: {  	v13 =	vand.u32 $0x7FFFFFFF, v40;
	s28 =	spop (v2sf)  }
0x1df: {  	v8 =	vmul.f32 $1.442695020e+00, v8;
	v7 =	vsub.f32 v7, v4;
	s0 =	sadd.s32 s28, s0;
	v13 =	vxor.u32 v11, v13  }
0x1e0: {  	s26 =	sadd.s32 $0x80000000, s0;
	v41 =	vshra.s32 v13, $0x14  }
0x1e1: {  	(erf) = vpow2.f32 v8;
	v7 =	vmul.f32 $1.442695020e+00, v7;
	p0 =	slt.s32 s26, $0xFF0;
	v42 =	vadd.s32 $0x800, v41  }
0x1e2: {  	s29 =	sadd.s32 $0xFFFFFFF0, s24;
	v10 =	vsub.f32 v28, v4;
	v13 =	vxor.u32 $0x80000000, v13;
	s26 =	simm.s32 @!p0 $0xFF0;
	vm2 =	vge.s32 v42, v5  }
0x1e3: {  	v43 =	vor.u32 s29, v2;
	[tilespmem:s26+$0x1C080] =	vst.msk vm2, v13  }
0x1e4: {  	(erf) = vpow2.f32 v7;
	v44 =	vmul.f32 $1.442695020e+00, v10;
	v9 =	vsub.f32 v9, v4;
	[tilespmem:s26+$0x1B000] =	vst.msk vm2, v43  }
0x1e5: {  	v46 =	vsub.f32 v36, v4;
	v8 =	vld [tilespmem:s25+$0x30]  }
0x1e6: {  	(erf) = vpow2.f32 v44;
	v45 =	vmul.f32 $1.442695020e+00, v9  }
0x1e7: {  	v48 =	vmul.f32 $1.442695020e+00, v46  }
0x1e8: {  	v49 =	vpop (erf);
	(erf) = vpow2.f32 v45;
	v47 =	vsub.f32 v11, v4  }
0x1e9: {  	v6 =	vadd.f32 v49, v6;
	(erf) = vpow2.f32 v48  }
0x1ea: {  	v52 =	vpop (erf);
	v10 =	vmul.f32 $1.442695020e+00, v47;
	v50 =	vmpcnt.ones.xlane vm2;
	v51 =	vsub.f32 v8, v4  }
0x1eb: {  	v6 =	vadd.f32 v52, v6  }
0x1ec: {  	(erf) = vpow2.f32 v10;
	v53 =	vxor.u32 $0x80000000, v50;
	v7 =	vmul.f32 $1.442695020e+00, v51  }
0x1ed: {  	v55 =	vpop (erf);
	(xrf0) =	vmax.scan.msk.u32 $0xffff, v53;
	v54 =	vshra.s32 v8, $0x1F  }
0x1ee: {  	v6 =	vadd.f32 v55, v6;
	v10 =	vand.u32 $0x7FFFFFFF, v54;
	(erf) = vpow2.f32 v7  }
0x1ef: {  	v56 =	vpop (erf);
	v8 =	vxor.u32 v8, v10  }
0x1f0: {  	v6 =	vadd.f32 v56, v6;
	v57 =	vshra.s32 v8, $0x14  }
0x1f1: {  	v58 =	vpop (erf);
	v9 =	vadd.s32 $0x800, v57  }
0x1f2: {  	v6 =	vadd.f32 v58, v6;
	v59 =	vpop (erf);
	vm2 =	vge.s32 v9, v5  }
0x1f3: {  	v5, _, _ =	vpop (xrf0);
	v9 =	vmpcnt.ones.xlane vm2  }
0x1f4: {  	v6 =	vadd.f32 v59, v6;
	(v2sf) =	vpush v5, $0xF  }
0x1f5: {  	v60 =	vpop (erf);
	v5 =	vxor.u32 $0x80000000, v9  }
0x1f6: {  	(xrf0) =	vmax.scan.msk.u32 $0xffff, v5;
	v5 =	vadd.f32 v60, v6  }
0x1f7: {  	v61 =	vpop (erf)  }
0x1f8: {  	v5 =	vadd.f32 v61, v5;
	_ =	sdelay $0x3  }
0x1f9: {  	(xrf2) =	vadd.scan.msk.f32 $0xffff, v5;
	v5, _, _ =	vpop (xrf0)  }
0x1fa: {  	(v2sf) =	vpush v5, $0xF;
	_ =	sdelay $0x5  }
0x1fb: {  	s30 =	spop (v2sf)  }
0x1fc: {  	s0 =	sadd.s32 s30, s26  }
0x1fd: {  	s0 =	sadd.s32 $0x80000000, s0  }
0x1fe: {  	p0 =	slt.s32 s0, $0xFF0  }
0x1ff: {  	v62 =	vxor.u32 $0x80000000, v8;
	s0 =	simm.s32 @!p0 $0xFF0;
	v5, _, _ =	vpop (xrf2)  }
0x200: {  	v63 =	vor.u32 s24, v2;
	[tilespmem:s0+$0x1C080] =	vst.msk vm2, v62;
	v5 =	vbroadcast v5, $0xF  }
0x201: {  	[tilespmem:s0+$0x1B000] =	vst.msk vm2, v63  }
0x202: {  	[tilespmem:$0x19000] =	vst v0;
	v5 =	vnsel vm0, $0x0, v5  }
0x203: {  	[tilespmem:$0x19010] =	vst v0;
	v4 =	vsel vm1, v5, v4  }
0x204: {  	s24 =	simm.s32 $0xFFFFFFF8;
	s25 =	simm.s32 $0x1C0C0;
	[tilespmem:$0x1C000] =	vst v4;
	s31 =	spop (v2sf)  }
.LBB2_15:
0x205: {  	v4 =	vld [tilespmem:s25+$0xFFFFFFC0];
	_ =	sdelay $0x4  }
0x206: {  	v4 =	vandn.u32 $0x1F, v4;
	_ =	sdelay $0x4  }
0x207: {  	[tilespmem:v4+s12+$0x0] =	vst.idx.add.s32.msk $0xffff, v1  }
0x208: {  	v4 =	vld [tilespmem:s25+$0xFFFFFFD0];
	_ =	sdelay $0x4  }
0x209: {  	v4 =	vandn.u32 $0x1F, v4;
	_ =	sdelay $0x4  }
0x20a: {  	[tilespmem:v4+s12+$0x0] =	vst.idx.add.s32.msk $0xffff, v1  }
0x20b: {  	v4 =	vld [tilespmem:s25+$0xFFFFFFE0];
	_ =	sdelay $0x4  }
0x20c: {  	v4 =	vandn.u32 $0x1F, v4;
	_ =	sdelay $0x4  }
0x20d: {  	[tilespmem:v4+s12+$0x0] =	vst.idx.add.s32.msk $0xffff, v1  }
0x20e: {  	v4 =	vld [tilespmem:s25+$0xFFFFFFF0];
	_ =	sdelay $0x4  }
0x20f: {  	v4 =	vandn.u32 $0x1F, v4;
	_ =	sdelay $0x4  }
0x210: {  	[tilespmem:v4+s12+$0x0] =	vst.idx.add.s32.msk $0xffff, v1  }
0x211: {  	v4 =	vld [tilespmem:s25+$0x0];
	_ =	sdelay $0x4  }
0x212: {  	v4 =	vandn.u32 $0x1F, v4;
	_ =	sdelay $0x4  }
0x213: {  	[tilespmem:v4+s12+$0x0] =	vst.idx.add.s32.msk $0xffff, v1  }
0x214: {  	v4 =	vld [tilespmem:s25+$0x10];
	_ =	sdelay $0x4  }
0x215: {  	v4 =	vandn.u32 $0x1F, v4;
	_ =	sdelay $0x4  }
0x216: {  	[tilespmem:v4+s12+$0x0] =	vst.idx.add.s32.msk $0xffff, v1  }
0x217: {  	v4 =	vld [tilespmem:s25+$0x20];
	_ =	sdelay $0x4  }
0x218: {  	v4 =	vandn.u32 $0x1F, v4;
	_ =	sdelay $0x4  }
0x219: {  	[tilespmem:v4+s12+$0x0] =	vst.idx.add.s32.msk $0xffff, v1  }
0x21a: {  	v4 =	vld [tilespmem:s25+$0x30];
	_ =	sdelay $0x3  }
0x21b: {  	s24 =	sadd.s32 $0x8, s24  }
0x21c: {  	p0 =	slt.u32 s24, $0xF8;
	v4 =	vandn.u32 $0x1F, v4  }
.Ltmp6:
0x21d: {  	_ = 	snop;
	(pc) =	sbr.rel @p0 .LBB2_15-.Ltmp6, $2  }
0x21e: {  	_ =	sdelay $0x2  }
0x21f: {  	s25 =	sadd.s32 $0x80, s25;
	[tilespmem:v4+s12+$0x0] =	vst.idx.add.s32.msk $0xffff, v1  }
0x220: {  	v4 =	vld [tilespmem:$0x19000];
	_ =	sdelay $0x4  }
0x221: {  	(xrf0) =	vadd.scan.msk.s32 $0xffff, v4;
	_ =	sdelay $0x1  }
0x222: {  	v5 =	vld [tilespmem:$0x19010];
	_ =	sdelay $0x3  }
0x223: {  	v6, _, _ =	vpop (xrf0)  }
0x224: {  	(xrf0) =	vadd.scan.msk.s32 $0xffff, v5;
	v7 =	vxor.u32 $0x80000000, v6  }
0x225: {  	(xrf0) =	vmax.scan.msk.u32 $0xffff, v7;
	_ =	sdelay $0x4  }
0x226: {  	v63, _, _ =	vpop (xrf0)  }
0x227: {  	v8, _, _ =	vpop (xrf0)  }
0x228: {  	(v2sf) =	vpush v8, $0xF;
	_ =	sdelay $0xe  }
0x229: {  	s0 =	spop (v2sf)  }
0x22a: {  	v4 =	vsub.s32 v6, v4;
	v5 =	vsub.s32 v63, v5;
	s0 =	sxor.u32 $0x80000000, s0  }
0x22b: {  	[tilespmem:$0x19000] =	vst v4;
	v4 =	vadd.s32 s0, v5  }
0x22c: {  	s24 =	simm.s32 $0xFFFFFFFC;
	s25 =	simm.s32 $0x1B020;
	s26 =	simm.s32 $0x1C0A0;
	[tilespmem:$0x19010] =	vst v4  }
.LBB2_17:
0x22d: {  	v4 =	vld [tilespmem:s26+$0xFFFFFFE0];
	_ =	sdelay $0x4  }
0x22e: {  	v5 =	vandn.u32 $0x1F, v4  }
0x22f: {  	(xrf1) =	vunique.msk.u32 $0xffff, v5;
	_ =	sdelay $0x9  }
0x230: {  	v6 =	vld.idx.msk [tilespmem:v5+s12+$0x0], $0xffff;
	_ =	sdelay $0x3  }
0x231: {  	_, v7, _ =	vpop (xrf1)  }
0x232: {  	v6 =	vadd.s32 v7, v6  }
0x233: {  	v6 =	vadd.s32 $0xFFFFFFFF, v6  }
0x234: {  	v57 =	vld [tilespmem:s25+$0xFFFFFFE0];
	_ =	sdelay $0x3  }
0x235: {  	[tilespmem:v6+s13+$0x0] =	vst.idx.msk $0xffff, v4  }
0x236: {  	[tilespmem:v6+s14+$0x0] =	vst.idx.msk $0xffff, v57  }
0x237: {  	[tilespmem:v5+s12+$0x0] =	vst.idx.add.s32.msk $0xffff, v1  }
0x238: {  	v4 =	vld [tilespmem:s26+$0xFFFFFFF0];
	_ =	sdelay $0x4  }
0x239: {  	v5 =	vandn.u32 $0x1F, v4  }
0x23a: {  	(xrf1) =	vunique.msk.u32 $0xffff, v5;
	_ =	sdelay $0x9  }
0x23b: {  	v6 =	vld.idx.msk [tilespmem:v5+s12+$0x0], $0xffff;
	_ =	sdelay $0x3  }
0x23c: {  	_, v58, _ =	vpop (xrf1)  }
0x23d: {  	v6 =	vadd.s32 v58, v6  }
0x23e: {  	v6 =	vadd.s32 $0xFFFFFFFF, v6  }
0x23f: {  	v59 =	vld [tilespmem:s25+$0xFFFFFFF0];
	_ =	sdelay $0x3  }
0x240: {  	[tilespmem:v6+s13+$0x0] =	vst.idx.msk $0xffff, v4  }
0x241: {  	[tilespmem:v6+s14+$0x0] =	vst.idx.msk $0xffff, v59  }
0x242: {  	[tilespmem:v5+s12+$0x0] =	vst.idx.add.s32.msk $0xffff, v1  }
0x243: {  	v4 =	vld [tilespmem:s26+$0x0];
	_ =	sdelay $0x4  }
0x244: {  	v5 =	vandn.u32 $0x1F, v4  }
0x245: {  	(xrf1) =	vunique.msk.u32 $0xffff, v5;
	_ =	sdelay $0x9  }
0x246: {  	v6 =	vld.idx.msk [tilespmem:v5+s12+$0x0], $0xffff;
	_ =	sdelay $0x3  }
0x247: {  	_, v60, _ =	vpop (xrf1)  }
0x248: {  	v6 =	vadd.s32 v60, v6  }
0x249: {  	v6 =	vadd.s32 $0xFFFFFFFF, v6  }
0x24a: {  	v61 =	vld [tilespmem:s25+$0x0];
	_ =	sdelay $0x3  }
0x24b: {  	[tilespmem:v6+s13+$0x0] =	vst.idx.msk $0xffff, v4  }
0x24c: {  	[tilespmem:v6+s14+$0x0] =	vst.idx.msk $0xffff, v61  }
0x24d: {  	[tilespmem:v5+s12+$0x0] =	vst.idx.add.s32.msk $0xffff, v1  }
0x24e: {  	v4 =	vld [tilespmem:s26+$0x10];
	_ =	sdelay $0x4  }
0x24f: {  	v5 =	vandn.u32 $0x1F, v4  }
0x250: {  	(xrf1) =	vunique.msk.u32 $0xffff, v5;
	_ =	sdelay $0x9  }
0x251: {  	v6 =	vld.idx.msk [tilespmem:v5+s12+$0x0], $0xffff;
	_ =	sdelay $0x3  }
0x252: {  	_, v62, _ =	vpop (xrf1)  }
0x253: {  	v6 =	vadd.s32 v62, v6  }
0x254: {  	v6 =	vadd.s32 $0xFFFFFFFF, v6  }
0x255: {  	s24 =	sadd.s32 $0x4, s24;
	v63 =	vld [tilespmem:s25+$0x10]  }
0x256: {  	p0 =	slt.u32 s24, $0xFC  }
.Ltmp7:
0x257: {  	_ = 	snop;
	(pc) =	sbr.rel @p0 .LBB2_17-.Ltmp7, $4  }
0x258: {  	_ = 	snop  }
0x259: {  	[tilespmem:v6+s13+$0x0] =	vst.idx.msk $0xffff, v4  }
0x25a: {  	[tilespmem:v6+s14+$0x0] =	vst.idx.msk $0xffff, v63  }
0x25b: {  	s25 =	sadd.s32 $0x40, s25;
	s26 =	sadd.s32 $0x40, s26;
	[tilespmem:v5+s12+$0x0] =	vst.idx.add.s32.msk $0xffff, v1  }
0x25c: {  	[tilespmem:$0x19000] =	vst v0  }
0x25d: {  	[tilespmem:$0x19010] =	vst v0;
	s24 =	simm.s32 $0xFFFFFFF8;
	s25 =	simm.s32 $0x1D0C0  }
.LBB2_19:
0x25e: {  	v4 =	vld [tilespmem:s25+$0xFFFFFFC0];
	_ =	sdelay $0x4  }
0x25f: {  	v4 =	vxor.u32 $0xFFFFFFFF, v4  }
0x260: {  	v4 =	vshrl.u32 v4, $0x5  }
0x261: {  	v4 =	vand.u32 $0x1F, v4;
	_ =	sdelay $0x4  }
0x262: {  	[tilespmem:v4+s12+$0x0] =	vst.idx.add.s32.msk $0xffff, v1  }
0x263: {  	v4 =	vld [tilespmem:s25+$0xFFFFFFD0];
	_ =	sdelay $0x4  }
0x264: {  	v4 =	vxor.u32 $0xFFFFFFFF, v4  }
0x265: {  	v4 =	vshrl.u32 v4, $0x5  }
0x266: {  	v4 =	vand.u32 $0x1F, v4;
	_ =	sdelay $0x4  }
0x267: {  	[tilespmem:v4+s12+$0x0] =	vst.idx.add.s32.msk $0xffff, v1  }
0x268: {  	v4 =	vld [tilespmem:s25+$0xFFFFFFE0];
	_ =	sdelay $0x4  }
0x269: {  	v4 =	vxor.u32 $0xFFFFFFFF, v4  }
0x26a: {  	v4 =	vshrl.u32 v4, $0x5  }
0x26b: {  	v4 =	vand.u32 $0x1F, v4;
	_ =	sdelay $0x4  }
0x26c: {  	[tilespmem:v4+s12+$0x0] =	vst.idx.add.s32.msk $0xffff, v1  }
0x26d: {  	v4 =	vld [tilespmem:s25+$0xFFFFFFF0];
	_ =	sdelay $0x4  }
0x26e: {  	v4 =	vxor.u32 $0xFFFFFFFF, v4  }
0x26f: {  	v4 =	vshrl.u32 v4, $0x5  }
0x270: {  	v4 =	vand.u32 $0x1F, v4;
	_ =	sdelay $0x4  }
0x271: {  	[tilespmem:v4+s12+$0x0] =	vst.idx.add.s32.msk $0xffff, v1  }
0x272: {  	v4 =	vld [tilespmem:s25+$0x0];
	_ =	sdelay $0x4  }
0x273: {  	v4 =	vxor.u32 $0xFFFFFFFF, v4  }
0x274: {  	v4 =	vshrl.u32 v4, $0x5  }
0x275: {  	v4 =	vand.u32 $0x1F, v4;
	_ =	sdelay $0x4  }
0x276: {  	[tilespmem:v4+s12+$0x0] =	vst.idx.add.s32.msk $0xffff, v1  }
0x277: {  	v4 =	vld [tilespmem:s25+$0x10];
	_ =	sdelay $0x4  }
0x278: {  	v4 =	vxor.u32 $0xFFFFFFFF, v4  }
0x279: {  	v4 =	vshrl.u32 v4, $0x5  }
0x27a: {  	v4 =	vand.u32 $0x1F, v4;
	_ =	sdelay $0x4  }
0x27b: {  	[tilespmem:v4+s12+$0x0] =	vst.idx.add.s32.msk $0xffff, v1  }
0x27c: {  	v4 =	vld [tilespmem:s25+$0x20];
	_ =	sdelay $0x4  }
0x27d: {  	v4 =	vxor.u32 $0xFFFFFFFF, v4  }
0x27e: {  	v4 =	vshrl.u32 v4, $0x5  }
0x27f: {  	v4 =	vand.u32 $0x1F, v4;
	_ =	sdelay $0x4  }
0x280: {  	[tilespmem:v4+s12+$0x0] =	vst.idx.add.s32.msk $0xffff, v1  }
0x281: {  	v4 =	vld [tilespmem:s25+$0x30];
	_ =	sdelay $0x4  }
0x282: {  	v4 =	vxor.u32 $0xFFFFFFFF, v4  }
0x283: {  	s24 =	sadd.s32 $0x8, s24;
	v4 =	vshrl.u32 v4, $0x5  }
0x284: {  	p0 =	slt.u32 s24, $0xF8;
	v4 =	vand.u32 $0x1F, v4  }
.Ltmp8:
0x285: {  	_ = 	snop;
	(pc) =	sbr.rel @p0 .LBB2_19-.Ltmp8, $2  }
0x286: {  	_ =	sdelay $0x2  }
0x287: {  	s25 =	sadd.s32 $0x80, s25;
	[tilespmem:v4+s12+$0x0] =	vst.idx.add.s32.msk $0xffff, v1  }
0x288: {  	v4 =	vld [tilespmem:$0x19000];
	_ =	sdelay $0x4  }
0x289: {  	(xrf0) =	vadd.scan.msk.s32 $0xffff, v4;
	_ =	sdelay $0x1  }
0x28a: {  	v5 =	vld [tilespmem:$0x19010];
	_ =	sdelay $0x3  }
0x28b: {  	v6, _, _ =	vpop (xrf0)  }
0x28c: {  	(xrf0) =	vadd.scan.msk.s32 $0xffff, v5;
	v7 =	vxor.u32 $0x80000000, v6  }
0x28d: {  	(xrf0) =	vmax.scan.msk.u32 $0xffff, v7;
	_ =	sdelay $0x4  }
0x28e: {  	v63, _, _ =	vpop (xrf0)  }
0x28f: {  	v8, _, _ =	vpop (xrf0)  }
0x290: {  	(v2sf) =	vpush v8, $0xF;
	_ =	sdelay $0xe  }
0x291: {  	s0 =	spop (v2sf)  }
0x292: {  	v4 =	vsub.s32 v6, v4;
	v5 =	vsub.s32 v63, v5;
	s0 =	sxor.u32 $0x80000000, s0  }
0x293: {  	[tilespmem:$0x19000] =	vst v4;
	v4 =	vadd.s32 s0, v5  }
0x294: {  	s24 =	simm.s32 $0xFFFFFFFC;
	s25 =	simm.s32 $0x1E0A0;
	s26 =	simm.s32 $0x1D0A0;
	[tilespmem:$0x19010] =	vst v4  }
.LBB2_21:
0x295: {  	v4 =	vld [tilespmem:s26+$0xFFFFFFE0];
	_ =	sdelay $0x4  }
0x296: {  	v5 =	vxor.u32 $0xFFFFFFFF, v4  }
0x297: {  	v5 =	vshrl.u32 v5, $0x5  }
0x298: {  	v5 =	vand.u32 $0x1F, v5  }
0x299: {  	(xrf1) =	vunique.msk.u32 $0xffff, v5;
	_ =	sdelay $0x9  }
0x29a: {  	v6 =	vld.idx.msk [tilespmem:v5+s12+$0x0], $0xffff;
	_ =	sdelay $0x3  }
0x29b: {  	_, v7, _ =	vpop (xrf1)  }
0x29c: {  	v6 =	vadd.s32 v7, v6  }
0x29d: {  	v6 =	vadd.s32 $0xFFFFFFFF, v6  }
0x29e: {  	v57 =	vld [tilespmem:s25+$0xFFFFFFE0];
	_ =	sdelay $0x3  }
0x29f: {  	[tilespmem:v6+s15+$0x0] =	vst.idx.msk $0xffff, v4  }
0x2a0: {  	[tilespmem:v6+s16+$0x0] =	vst.idx.msk $0xffff, v57  }
0x2a1: {  	[tilespmem:v5+s12+$0x0] =	vst.idx.add.s32.msk $0xffff, v1  }
0x2a2: {  	v4 =	vld [tilespmem:s26+$0xFFFFFFF0];
	_ =	sdelay $0x4  }
0x2a3: {  	v5 =	vxor.u32 $0xFFFFFFFF, v4  }
0x2a4: {  	v5 =	vshrl.u32 v5, $0x5  }
0x2a5: {  	v5 =	vand.u32 $0x1F, v5  }
0x2a6: {  	(xrf1) =	vunique.msk.u32 $0xffff, v5;
	_ =	sdelay $0x9  }
0x2a7: {  	v6 =	vld.idx.msk [tilespmem:v5+s12+$0x0], $0xffff;
	_ =	sdelay $0x3  }
0x2a8: {  	_, v58, _ =	vpop (xrf1)  }
0x2a9: {  	v6 =	vadd.s32 v58, v6  }
0x2aa: {  	v6 =	vadd.s32 $0xFFFFFFFF, v6  }
0x2ab: {  	v59 =	vld [tilespmem:s25+$0xFFFFFFF0];
	_ =	sdelay $0x3  }
0x2ac: {  	[tilespmem:v6+s15+$0x0] =	vst.idx.msk $0xffff, v4  }
0x2ad: {  	[tilespmem:v6+s16+$0x0] =	vst.idx.msk $0xffff, v59  }
0x2ae: {  	[tilespmem:v5+s12+$0x0] =	vst.idx.add.s32.msk $0xffff, v1  }
0x2af: {  	v4 =	vld [tilespmem:s26+$0x0];
	_ =	sdelay $0x4  }
0x2b0: {  	v5 =	vxor.u32 $0xFFFFFFFF, v4  }
0x2b1: {  	v5 =	vshrl.u32 v5, $0x5  }
0x2b2: {  	v5 =	vand.u32 $0x1F, v5  }
0x2b3: {  	(xrf1) =	vunique.msk.u32 $0xffff, v5;
	_ =	sdelay $0x9  }
0x2b4: {  	v6 =	vld.idx.msk [tilespmem:v5+s12+$0x0], $0xffff;
	_ =	sdelay $0x3  }
0x2b5: {  	_, v60, _ =	vpop (xrf1)  }
0x2b6: {  	v6 =	vadd.s32 v60, v6  }
0x2b7: {  	v6 =	vadd.s32 $0xFFFFFFFF, v6  }
0x2b8: {  	v61 =	vld [tilespmem:s25+$0x0];
	_ =	sdelay $0x3  }
0x2b9: {  	[tilespmem:v6+s15+$0x0] =	vst.idx.msk $0xffff, v4  }
0x2ba: {  	[tilespmem:v6+s16+$0x0] =	vst.idx.msk $0xffff, v61  }
0x2bb: {  	[tilespmem:v5+s12+$0x0] =	vst.idx.add.s32.msk $0xffff, v1  }
0x2bc: {  	v4 =	vld [tilespmem:s26+$0x10];
	_ =	sdelay $0x4  }
0x2bd: {  	v5 =	vxor.u32 $0xFFFFFFFF, v4  }
0x2be: {  	v5 =	vshrl.u32 v5, $0x5  }
0x2bf: {  	v5 =	vand.u32 $0x1F, v5  }
0x2c0: {  	(xrf1) =	vunique.msk.u32 $0xffff, v5;
	_ =	sdelay $0x9  }
0x2c1: {  	v6 =	vld.idx.msk [tilespmem:v5+s12+$0x0], $0xffff;
	_ =	sdelay $0x3  }
0x2c2: {  	_, v62, _ =	vpop (xrf1)  }
0x2c3: {  	v6 =	vadd.s32 v62, v6  }
0x2c4: {  	v6 =	vadd.s32 $0xFFFFFFFF, v6  }
0x2c5: {  	s24 =	sadd.s32 $0x4, s24;
	v63 =	vld [tilespmem:s25+$0x10]  }
0x2c6: {  	p0 =	slt.u32 s24, $0xFC  }
.Ltmp9:
0x2c7: {  	_ = 	snop;
	(pc) =	sbr.rel @p0 .LBB2_21-.Ltmp9, $4  }
0x2c8: {  	_ = 	snop  }
0x2c9: {  	[tilespmem:v6+s15+$0x0] =	vst.idx.msk $0xffff, v4  }
0x2ca: {  	[tilespmem:v6+s16+$0x0] =	vst.idx.msk $0xffff, v63  }
0x2cb: {  	s25 =	sadd.s32 $0x40, s25;
	s26 =	sadd.s32 $0x40, s26;
	[tilespmem:v5+s12+$0x0] =	vst.idx.add.s32.msk $0xffff, v1  }
0x2cc: {  	[tilespmem:$0x19000] =	vst v0  }
0x2cd: {  	[tilespmem:$0x19010] =	vst v0;
	s24 =	simm.s32 $0xFFFFFFF8;
	s25 =	simm.s32 $0x1C0C0  }
.LBB2_23:
0x2ce: {  	v4 =	vld [tilespmem:s25+$0xFFFFFFC0];
	_ =	sdelay $0x4  }
0x2cf: {  	v4 =	vxor.u32 $0xFFFFFFFF, v4  }
0x2d0: {  	v4 =	vshrl.u32 v4, $0xA  }
0x2d1: {  	v4 =	vand.u32 $0x1F, v4;
	_ =	sdelay $0x4  }
0x2d2: {  	[tilespmem:v4+s12+$0x0] =	vst.idx.add.s32.msk $0xffff, v1  }
0x2d3: {  	v4 =	vld [tilespmem:s25+$0xFFFFFFD0];
	_ =	sdelay $0x4  }
0x2d4: {  	v4 =	vxor.u32 $0xFFFFFFFF, v4  }
0x2d5: {  	v4 =	vshrl.u32 v4, $0xA  }
0x2d6: {  	v4 =	vand.u32 $0x1F, v4;
	_ =	sdelay $0x4  }
0x2d7: {  	[tilespmem:v4+s12+$0x0] =	vst.idx.add.s32.msk $0xffff, v1  }
0x2d8: {  	v4 =	vld [tilespmem:s25+$0xFFFFFFE0];
	_ =	sdelay $0x4  }
0x2d9: {  	v4 =	vxor.u32 $0xFFFFFFFF, v4  }
0x2da: {  	v4 =	vshrl.u32 v4, $0xA  }
0x2db: {  	v4 =	vand.u32 $0x1F, v4;
	_ =	sdelay $0x4  }
0x2dc: {  	[tilespmem:v4+s12+$0x0] =	vst.idx.add.s32.msk $0xffff, v1  }
0x2dd: {  	v4 =	vld [tilespmem:s25+$0xFFFFFFF0];
	_ =	sdelay $0x4  }
0x2de: {  	v4 =	vxor.u32 $0xFFFFFFFF, v4  }
0x2df: {  	v4 =	vshrl.u32 v4, $0xA  }
0x2e0: {  	v4 =	vand.u32 $0x1F, v4;
	_ =	sdelay $0x4  }
0x2e1: {  	[tilespmem:v4+s12+$0x0] =	vst.idx.add.s32.msk $0xffff, v1  }
0x2e2: {  	v4 =	vld [tilespmem:s25+$0x0];
	_ =	sdelay $0x4  }
0x2e3: {  	v4 =	vxor.u32 $0xFFFFFFFF, v4  }
0x2e4: {  	v4 =	vshrl.u32 v4, $0xA  }
0x2e5: {  	v4 =	vand.u32 $0x1F, v4;
	_ =	sdelay $0x4  }
0x2e6: {  	[tilespmem:v4+s12+$0x0] =	vst.idx.add.s32.msk $0xffff, v1  }
0x2e7: {  	v4 =	vld [tilespmem:s25+$0x10];
	_ =	sdelay $0x4  }
0x2e8: {  	v4 =	vxor.u32 $0xFFFFFFFF, v4  }
0x2e9: {  	v4 =	vshrl.u32 v4, $0xA  }
0x2ea: {  	v4 =	vand.u32 $0x1F, v4;
	_ =	sdelay $0x4  }
0x2eb: {  	[tilespmem:v4+s12+$0x0] =	vst.idx.add.s32.msk $0xffff, v1  }
0x2ec: {  	v4 =	vld [tilespmem:s25+$0x20];
	_ =	sdelay $0x4  }
0x2ed: {  	v4 =	vxor.u32 $0xFFFFFFFF, v4  }
0x2ee: {  	v4 =	vshrl.u32 v4, $0xA  }
0x2ef: {  	v4 =	vand.u32 $0x1F, v4;
	_ =	sdelay $0x4  }
0x2f0: {  	[tilespmem:v4+s12+$0x0] =	vst.idx.add.s32.msk $0xffff, v1  }
0x2f1: {  	v4 =	vld [tilespmem:s25+$0x30];
	_ =	sdelay $0x4  }
0x2f2: {  	v4 =	vxor.u32 $0xFFFFFFFF, v4  }
0x2f3: {  	s24 =	sadd.s32 $0x8, s24;
	v4 =	vshrl.u32 v4, $0xA  }
0x2f4: {  	p0 =	slt.u32 s24, $0xF8;
	v4 =	vand.u32 $0x1F, v4  }
.Ltmp10:
0x2f5: {  	_ = 	snop;
	(pc) =	sbr.rel @p0 .LBB2_23-.Ltmp10, $2  }
0x2f6: {  	_ =	sdelay $0x2  }
0x2f7: {  	s25 =	sadd.s32 $0x80, s25;
	[tilespmem:v4+s12+$0x0] =	vst.idx.add.s32.msk $0xffff, v1  }
0x2f8: {  	v4 =	vld [tilespmem:$0x19000];
	_ =	sdelay $0x4  }
0x2f9: {  	(xrf0) =	vadd.scan.msk.s32 $0xffff, v4;
	_ =	sdelay $0x1  }
0x2fa: {  	v5 =	vld [tilespmem:$0x19010];
	_ =	sdelay $0x3  }
0x2fb: {  	v6, _, _ =	vpop (xrf0)  }
0x2fc: {  	(xrf0) =	vadd.scan.msk.s32 $0xffff, v5;
	v7 =	vxor.u32 $0x80000000, v6  }
0x2fd: {  	(xrf0) =	vmax.scan.msk.u32 $0xffff, v7;
	_ =	sdelay $0x4  }
0x2fe: {  	v63, _, _ =	vpop (xrf0)  }
0x2ff: {  	v8, _, _ =	vpop (xrf0)  }
0x300: {  	(v2sf) =	vpush v8, $0xF;
	_ =	sdelay $0xe  }
0x301: {  	s0 =	spop (v2sf)  }
0x302: {  	v4 =	vsub.s32 v6, v4;
	v5 =	vsub.s32 v63, v5;
	s0 =	sxor.u32 $0x80000000, s0  }
0x303: {  	[tilespmem:$0x19000] =	vst v4;
	v4 =	vadd.s32 s0, v5  }
0x304: {  	s24 =	simm.s32 $0xFFFFFFFC;
	s25 =	simm.s32 $0x1B020;
	s26 =	simm.s32 $0x1C0A0;
	[tilespmem:$0x19010] =	vst v4  }
.LBB2_25:
0x305: {  	v4 =	vld [tilespmem:s26+$0xFFFFFFE0];
	_ =	sdelay $0x4  }
0x306: {  	v5 =	vxor.u32 $0xFFFFFFFF, v4  }
0x307: {  	v5 =	vshrl.u32 v5, $0xA  }
0x308: {  	v5 =	vand.u32 $0x1F, v5  }
0x309: {  	(xrf1) =	vunique.msk.u32 $0xffff, v5;
	_ =	sdelay $0x9  }
0x30a: {  	v6 =	vld.idx.msk [tilespmem:v5+s12+$0x0], $0xffff;
	_ =	sdelay $0x3  }
0x30b: {  	_, v7, _ =	vpop (xrf1)  }
0x30c: {  	v6 =	vadd.s32 v7, v6  }
0x30d: {  	v6 =	vadd.s32 $0xFFFFFFFF, v6  }
0x30e: {  	v57 =	vld [tilespmem:s25+$0xFFFFFFE0];
	_ =	sdelay $0x3  }
0x30f: {  	[tilespmem:v6+s13+$0x0] =	vst.idx.msk $0xffff, v4  }
0x310: {  	[tilespmem:v6+s14+$0x0] =	vst.idx.msk $0xffff, v57  }
0x311: {  	[tilespmem:v5+s12+$0x0] =	vst.idx.add.s32.msk $0xffff, v1  }
0x312: {  	v4 =	vld [tilespmem:s26+$0xFFFFFFF0];
	_ =	sdelay $0x4  }
0x313: {  	v5 =	vxor.u32 $0xFFFFFFFF, v4  }
0x314: {  	v5 =	vshrl.u32 v5, $0xA  }
0x315: {  	v5 =	vand.u32 $0x1F, v5  }
0x316: {  	(xrf1) =	vunique.msk.u32 $0xffff, v5;
	_ =	sdelay $0x9  }
0x317: {  	v6 =	vld.idx.msk [tilespmem:v5+s12+$0x0], $0xffff;
	_ =	sdelay $0x3  }
0x318: {  	_, v58, _ =	vpop (xrf1)  }
0x319: {  	v6 =	vadd.s32 v58, v6  }
0x31a: {  	v6 =	vadd.s32 $0xFFFFFFFF, v6  }
0x31b: {  	v59 =	vld [tilespmem:s25+$0xFFFFFFF0];
	_ =	sdelay $0x3  }
0x31c: {  	[tilespmem:v6+s13+$0x0] =	vst.idx.msk $0xffff, v4  }
0x31d: {  	[tilespmem:v6+s14+$0x0] =	vst.idx.msk $0xffff, v59  }
0x31e: {  	[tilespmem:v5+s12+$0x0] =	vst.idx.add.s32.msk $0xffff, v1  }
0x31f: {  	v4 =	vld [tilespmem:s26+$0x0];
	_ =	sdelay $0x4  }
0x320: {  	v5 =	vxor.u32 $0xFFFFFFFF, v4  }
0x321: {  	v5 =	vshrl.u32 v5, $0xA  }
0x322: {  	v5 =	vand.u32 $0x1F, v5  }
0x323: {  	(xrf1) =	vunique.msk.u32 $0xffff, v5;
	_ =	sdelay $0x9  }
0x324: {  	v6 =	vld.idx.msk [tilespmem:v5+s12+$0x0], $0xffff;
	_ =	sdelay $0x3  }
0x325: {  	_, v60, _ =	vpop (xrf1)  }
0x326: {  	v6 =	vadd.s32 v60, v6  }
0x327: {  	v6 =	vadd.s32 $0xFFFFFFFF, v6  }
0x328: {  	v61 =	vld [tilespmem:s25+$0x0];
	_ =	sdelay $0x3  }
0x329: {  	[tilespmem:v6+s13+$0x0] =	vst.idx.msk $0xffff, v4  }
0x32a: {  	[tilespmem:v6+s14+$0x0] =	vst.idx.msk $0xffff, v61  }
0x32b: {  	[tilespmem:v5+s12+$0x0] =	vst.idx.add.s32.msk $0xffff, v1  }
0x32c: {  	v4 =	vld [tilespmem:s26+$0x10];
	_ =	sdelay $0x4  }
0x32d: {  	v5 =	vxor.u32 $0xFFFFFFFF, v4  }
0x32e: {  	v5 =	vshrl.u32 v5, $0xA  }
0x32f: {  	v5 =	vand.u32 $0x1F, v5  }
0x330: {  	(xrf1) =	vunique.msk.u32 $0xffff, v5;
	_ =	sdelay $0x9  }
0x331: {  	v6 =	vld.idx.msk [tilespmem:v5+s12+$0x0], $0xffff;
	_ =	sdelay $0x3  }
0x332: {  	_, v62, _ =	vpop (xrf1)  }
0x333: {  	v6 =	vadd.s32 v62, v6  }
0x334: {  	v6 =	vadd.s32 $0xFFFFFFFF, v6  }
0x335: {  	s24 =	sadd.s32 $0x4, s24;
	v63 =	vld [tilespmem:s25+$0x10]  }
0x336: {  	p0 =	slt.u32 s24, $0xFC  }
.Ltmp11:
0x337: {  	_ = 	snop;
	(pc) =	sbr.rel @p0 .LBB2_25-.Ltmp11, $4  }
0x338: {  	_ = 	snop  }
0x339: {  	[tilespmem:v6+s13+$0x0] =	vst.idx.msk $0xffff, v4  }
0x33a: {  	[tilespmem:v6+s14+$0x0] =	vst.idx.msk $0xffff, v63  }
0x33b: {  	s25 =	sadd.s32 $0x40, s25;
	s26 =	sadd.s32 $0x40, s26;
	[tilespmem:v5+s12+$0x0] =	vst.idx.add.s32.msk $0xffff, v1  }
0x33c: {  	[tilespmem:$0x19000] =	vst v0  }
0x33d: {  	[tilespmem:$0x19010] =	vst v0;
	s24 =	simm.s32 $0xFFFFFFF8;
	s25 =	simm.s32 $0x1D0C0  }
.LBB2_27:
0x33e: {  	v4 =	vld [tilespmem:s25+$0xFFFFFFC0];
	_ =	sdelay $0x4  }
0x33f: {  	v4 =	vxor.u32 $0xFFFFFFFF, v4  }
0x340: {  	v4 =	vshrl.u32 v4, $0xF  }
0x341: {  	v4 =	vand.u32 $0x1F, v4;
	_ =	sdelay $0x4  }
0x342: {  	[tilespmem:v4+s12+$0x0] =	vst.idx.add.s32.msk $0xffff, v1  }
0x343: {  	v4 =	vld [tilespmem:s25+$0xFFFFFFD0];
	_ =	sdelay $0x4  }
0x344: {  	v4 =	vxor.u32 $0xFFFFFFFF, v4  }
0x345: {  	v4 =	vshrl.u32 v4, $0xF  }
0x346: {  	v4 =	vand.u32 $0x1F, v4;
	_ =	sdelay $0x4  }
0x347: {  	[tilespmem:v4+s12+$0x0] =	vst.idx.add.s32.msk $0xffff, v1  }
0x348: {  	v4 =	vld [tilespmem:s25+$0xFFFFFFE0];
	_ =	sdelay $0x4  }
0x349: {  	v4 =	vxor.u32 $0xFFFFFFFF, v4  }
0x34a: {  	v4 =	vshrl.u32 v4, $0xF  }
0x34b: {  	v4 =	vand.u32 $0x1F, v4;
	_ =	sdelay $0x4  }
0x34c: {  	[tilespmem:v4+s12+$0x0] =	vst.idx.add.s32.msk $0xffff, v1  }
0x34d: {  	v4 =	vld [tilespmem:s25+$0xFFFFFFF0];
	_ =	sdelay $0x4  }
0x34e: {  	v4 =	vxor.u32 $0xFFFFFFFF, v4  }
0x34f: {  	v4 =	vshrl.u32 v4, $0xF  }
0x350: {  	v4 =	vand.u32 $0x1F, v4;
	_ =	sdelay $0x4  }
0x351: {  	[tilespmem:v4+s12+$0x0] =	vst.idx.add.s32.msk $0xffff, v1  }
0x352: {  	v4 =	vld [tilespmem:s25+$0x0];
	_ =	sdelay $0x4  }
0x353: {  	v4 =	vxor.u32 $0xFFFFFFFF, v4  }
0x354: {  	v4 =	vshrl.u32 v4, $0xF  }
0x355: {  	v4 =	vand.u32 $0x1F, v4;
	_ =	sdelay $0x4  }
0x356: {  	[tilespmem:v4+s12+$0x0] =	vst.idx.add.s32.msk $0xffff, v1  }
0x357: {  	v4 =	vld [tilespmem:s25+$0x10];
	_ =	sdelay $0x4  }
0x358: {  	v4 =	vxor.u32 $0xFFFFFFFF, v4  }
0x359: {  	v4 =	vshrl.u32 v4, $0xF  }
0x35a: {  	v4 =	vand.u32 $0x1F, v4;
	_ =	sdelay $0x4  }
0x35b: {  	[tilespmem:v4+s12+$0x0] =	vst.idx.add.s32.msk $0xffff, v1  }
0x35c: {  	v4 =	vld [tilespmem:s25+$0x20];
	_ =	sdelay $0x4  }
0x35d: {  	v4 =	vxor.u32 $0xFFFFFFFF, v4  }
0x35e: {  	v4 =	vshrl.u32 v4, $0xF  }
0x35f: {  	v4 =	vand.u32 $0x1F, v4;
	_ =	sdelay $0x4  }
0x360: {  	[tilespmem:v4+s12+$0x0] =	vst.idx.add.s32.msk $0xffff, v1  }
0x361: {  	v4 =	vld [tilespmem:s25+$0x30];
	_ =	sdelay $0x4  }
0x362: {  	v4 =	vxor.u32 $0xFFFFFFFF, v4  }
0x363: {  	s24 =	sadd.s32 $0x8, s24;
	v4 =	vshrl.u32 v4, $0xF  }
0x364: {  	p0 =	slt.u32 s24, $0xF8;
	v4 =	vand.u32 $0x1F, v4  }
.Ltmp12:
0x365: {  	_ = 	snop;
	(pc) =	sbr.rel @p0 .LBB2_27-.Ltmp12, $2  }
0x366: {  	_ =	sdelay $0x2  }
0x367: {  	s25 =	sadd.s32 $0x80, s25;
	[tilespmem:v4+s12+$0x0] =	vst.idx.add.s32.msk $0xffff, v1  }
0x368: {  	v4 =	vld [tilespmem:$0x19000];
	_ =	sdelay $0x4  }
0x369: {  	(xrf0) =	vadd.scan.msk.s32 $0xffff, v4;
	_ =	sdelay $0x1  }
0x36a: {  	v5 =	vld [tilespmem:$0x19010];
	_ =	sdelay $0x3  }
0x36b: {  	v6, _, _ =	vpop (xrf0)  }
0x36c: {  	(xrf0) =	vadd.scan.msk.s32 $0xffff, v5;
	v7 =	vxor.u32 $0x80000000, v6  }
0x36d: {  	(xrf0) =	vmax.scan.msk.u32 $0xffff, v7;
	_ =	sdelay $0x4  }
0x36e: {  	v63, _, _ =	vpop (xrf0)  }
0x36f: {  	v8, _, _ =	vpop (xrf0)  }
0x370: {  	(v2sf) =	vpush v8, $0xF;
	_ =	sdelay $0xe  }
0x371: {  	s0 =	spop (v2sf)  }
0x372: {  	v4 =	vsub.s32 v6, v4;
	v5 =	vsub.s32 v63, v5;
	s0 =	sxor.u32 $0x80000000, s0  }
0x373: {  	[tilespmem:$0x19000] =	vst v4;
	v4 =	vadd.s32 s0, v5  }
0x374: {  	s24 =	simm.s32 $0xFFFFFFFC;
	s25 =	simm.s32 $0x1E0A0;
	s26 =	simm.s32 $0x1D0A0;
	[tilespmem:$0x19010] =	vst v4  }
.LBB2_29:
0x375: {  	v4 =	vld [tilespmem:s26+$0xFFFFFFE0];
	_ =	sdelay $0x4  }
0x376: {  	v5 =	vxor.u32 $0xFFFFFFFF, v4  }
0x377: {  	v5 =	vshrl.u32 v5, $0xF  }
0x378: {  	v5 =	vand.u32 $0x1F, v5  }
0x379: {  	(xrf1) =	vunique.msk.u32 $0xffff, v5;
	_ =	sdelay $0x9  }
0x37a: {  	v6 =	vld.idx.msk [tilespmem:v5+s12+$0x0], $0xffff;
	_ =	sdelay $0x3  }
0x37b: {  	_, v7, _ =	vpop (xrf1)  }
0x37c: {  	v6 =	vadd.s32 v7, v6  }
0x37d: {  	v6 =	vadd.s32 $0xFFFFFFFF, v6  }
0x37e: {  	v57 =	vld [tilespmem:s25+$0xFFFFFFE0];
	_ =	sdelay $0x3  }
0x37f: {  	[tilespmem:v6+s15+$0x0] =	vst.idx.msk $0xffff, v4  }
0x380: {  	[tilespmem:v6+s16+$0x0] =	vst.idx.msk $0xffff, v57  }
0x381: {  	[tilespmem:v5+s12+$0x0] =	vst.idx.add.s32.msk $0xffff, v1  }
0x382: {  	v4 =	vld [tilespmem:s26+$0xFFFFFFF0];
	_ =	sdelay $0x4  }
0x383: {  	v5 =	vxor.u32 $0xFFFFFFFF, v4  }
0x384: {  	v5 =	vshrl.u32 v5, $0xF  }
0x385: {  	v5 =	vand.u32 $0x1F, v5  }
0x386: {  	(xrf1) =	vunique.msk.u32 $0xffff, v5;
	_ =	sdelay $0x9  }
0x387: {  	v6 =	vld.idx.msk [tilespmem:v5+s12+$0x0], $0xffff;
	_ =	sdelay $0x3  }
0x388: {  	_, v58, _ =	vpop (xrf1)  }
0x389: {  	v6 =	vadd.s32 v58, v6  }
0x38a: {  	v6 =	vadd.s32 $0xFFFFFFFF, v6  }
0x38b: {  	v59 =	vld [tilespmem:s25+$0xFFFFFFF0];
	_ =	sdelay $0x3  }
0x38c: {  	[tilespmem:v6+s15+$0x0] =	vst.idx.msk $0xffff, v4  }
0x38d: {  	[tilespmem:v6+s16+$0x0] =	vst.idx.msk $0xffff, v59  }
0x38e: {  	[tilespmem:v5+s12+$0x0] =	vst.idx.add.s32.msk $0xffff, v1  }
0x38f: {  	v4 =	vld [tilespmem:s26+$0x0];
	_ =	sdelay $0x4  }
0x390: {  	v5 =	vxor.u32 $0xFFFFFFFF, v4  }
0x391: {  	v5 =	vshrl.u32 v5, $0xF  }
0x392: {  	v5 =	vand.u32 $0x1F, v5  }
0x393: {  	(xrf1) =	vunique.msk.u32 $0xffff, v5;
	_ =	sdelay $0x9  }
0x394: {  	v6 =	vld.idx.msk [tilespmem:v5+s12+$0x0], $0xffff;
	_ =	sdelay $0x3  }
0x395: {  	_, v60, _ =	vpop (xrf1)  }
0x396: {  	v6 =	vadd.s32 v60, v6  }
0x397: {  	v6 =	vadd.s32 $0xFFFFFFFF, v6  }
0x398: {  	v61 =	vld [tilespmem:s25+$0x0];
	_ =	sdelay $0x3  }
0x399: {  	[tilespmem:v6+s15+$0x0] =	vst.idx.msk $0xffff, v4  }
0x39a: {  	[tilespmem:v6+s16+$0x0] =	vst.idx.msk $0xffff, v61  }
0x39b: {  	[tilespmem:v5+s12+$0x0] =	vst.idx.add.s32.msk $0xffff, v1  }
0x39c: {  	v4 =	vld [tilespmem:s26+$0x10];
	_ =	sdelay $0x4  }
0x39d: {  	v5 =	vxor.u32 $0xFFFFFFFF, v4  }
0x39e: {  	v5 =	vshrl.u32 v5, $0xF  }
0x39f: {  	v5 =	vand.u32 $0x1F, v5  }
0x3a0: {  	(xrf1) =	vunique.msk.u32 $0xffff, v5;
	_ =	sdelay $0x9  }
0x3a1: {  	v6 =	vld.idx.msk [tilespmem:v5+s12+$0x0], $0xffff;
	_ =	sdelay $0x3  }
0x3a2: {  	_, v62, _ =	vpop (xrf1)  }
0x3a3: {  	v6 =	vadd.s32 v62, v6  }
0x3a4: {  	v6 =	vadd.s32 $0xFFFFFFFF, v6  }
0x3a5: {  	s24 =	sadd.s32 $0x4, s24;
	v63 =	vld [tilespmem:s25+$0x10]  }
0x3a6: {  	p0 =	slt.u32 s24, $0xFC  }
.Ltmp13:
0x3a7: {  	_ = 	snop;
	(pc) =	sbr.rel @p0 .LBB2_29-.Ltmp13, $4  }
0x3a8: {  	_ = 	snop  }
0x3a9: {  	[tilespmem:v6+s15+$0x0] =	vst.idx.msk $0xffff, v4  }
0x3aa: {  	[tilespmem:v6+s16+$0x0] =	vst.idx.msk $0xffff, v63  }
0x3ab: {  	s25 =	sadd.s32 $0x40, s25;
	s26 =	sadd.s32 $0x40, s26;
	[tilespmem:v5+s12+$0x0] =	vst.idx.add.s32.msk $0xffff, v1  }
0x3ac: {  	[tilespmem:$0x19000] =	vst v0  }
0x3ad: {  	[tilespmem:$0x19010] =	vst v0;
	s24 =	simm.s32 $0xFFFFFFF8;
	s25 =	simm.s32 $0x1C0C0  }
.LBB2_31:
0x3ae: {  	v4 =	vld [tilespmem:s25+$0xFFFFFFC0];
	_ =	sdelay $0x4  }
0x3af: {  	v4 =	vxor.u32 $0xFFFFFFFF, v4  }
0x3b0: {  	v4 =	vshrl.u32 v4, $0x14  }
0x3b1: {  	v4 =	vand.u32 $0x1F, v4;
	_ =	sdelay $0x4  }
0x3b2: {  	[tilespmem:v4+s12+$0x0] =	vst.idx.add.s32.msk $0xffff, v1  }
0x3b3: {  	v4 =	vld [tilespmem:s25+$0xFFFFFFD0];
	_ =	sdelay $0x4  }
0x3b4: {  	v4 =	vxor.u32 $0xFFFFFFFF, v4  }
0x3b5: {  	v4 =	vshrl.u32 v4, $0x14  }
0x3b6: {  	v4 =	vand.u32 $0x1F, v4;
	_ =	sdelay $0x4  }
0x3b7: {  	[tilespmem:v4+s12+$0x0] =	vst.idx.add.s32.msk $0xffff, v1  }
0x3b8: {  	v4 =	vld [tilespmem:s25+$0xFFFFFFE0];
	_ =	sdelay $0x4  }
0x3b9: {  	v4 =	vxor.u32 $0xFFFFFFFF, v4  }
0x3ba: {  	v4 =	vshrl.u32 v4, $0x14  }
0x3bb: {  	v4 =	vand.u32 $0x1F, v4;
	_ =	sdelay $0x4  }
0x3bc: {  	[tilespmem:v4+s12+$0x0] =	vst.idx.add.s32.msk $0xffff, v1  }
0x3bd: {  	v4 =	vld [tilespmem:s25+$0xFFFFFFF0];
	_ =	sdelay $0x4  }
0x3be: {  	v4 =	vxor.u32 $0xFFFFFFFF, v4  }
0x3bf: {  	v4 =	vshrl.u32 v4, $0x14  }
0x3c0: {  	v4 =	vand.u32 $0x1F, v4;
	_ =	sdelay $0x4  }
0x3c1: {  	[tilespmem:v4+s12+$0x0] =	vst.idx.add.s32.msk $0xffff, v1  }
0x3c2: {  	v4 =	vld [tilespmem:s25+$0x0];
	_ =	sdelay $0x4  }
0x3c3: {  	v4 =	vxor.u32 $0xFFFFFFFF, v4  }
0x3c4: {  	v4 =	vshrl.u32 v4, $0x14  }
0x3c5: {  	v4 =	vand.u32 $0x1F, v4;
	_ =	sdelay $0x4  }
0x3c6: {  	[tilespmem:v4+s12+$0x0] =	vst.idx.add.s32.msk $0xffff, v1  }
0x3c7: {  	v4 =	vld [tilespmem:s25+$0x10];
	_ =	sdelay $0x4  }
0x3c8: {  	v4 =	vxor.u32 $0xFFFFFFFF, v4  }
0x3c9: {  	v4 =	vshrl.u32 v4, $0x14  }
0x3ca: {  	v4 =	vand.u32 $0x1F, v4;
	_ =	sdelay $0x4  }
0x3cb: {  	[tilespmem:v4+s12+$0x0] =	vst.idx.add.s32.msk $0xffff, v1  }
0x3cc: {  	v4 =	vld [tilespmem:s25+$0x20];
	_ =	sdelay $0x4  }
0x3cd: {  	v4 =	vxor.u32 $0xFFFFFFFF, v4  }
0x3ce: {  	v4 =	vshrl.u32 v4, $0x14  }
0x3cf: {  	v4 =	vand.u32 $0x1F, v4;
	_ =	sdelay $0x4  }
0x3d0: {  	[tilespmem:v4+s12+$0x0] =	vst.idx.add.s32.msk $0xffff, v1  }
0x3d1: {  	v4 =	vld [tilespmem:s25+$0x30];
	_ =	sdelay $0x4  }
0x3d2: {  	v4 =	vxor.u32 $0xFFFFFFFF, v4  }
0x3d3: {  	s24 =	sadd.s32 $0x8, s24;
	v4 =	vshrl.u32 v4, $0x14  }
0x3d4: {  	p0 =	slt.u32 s24, $0xF8;
	v4 =	vand.u32 $0x1F, v4  }
.Ltmp14:
0x3d5: {  	_ = 	snop;
	(pc) =	sbr.rel @p0 .LBB2_31-.Ltmp14, $2  }
0x3d6: {  	_ =	sdelay $0x2  }
0x3d7: {  	s25 =	sadd.s32 $0x80, s25;
	[tilespmem:v4+s12+$0x0] =	vst.idx.add.s32.msk $0xffff, v1  }
0x3d8: {  	v4 =	vld [tilespmem:$0x19000];
	_ =	sdelay $0x4  }
0x3d9: {  	(xrf0) =	vadd.scan.msk.s32 $0xffff, v4;
	_ =	sdelay $0x1  }
0x3da: {  	v5 =	vld [tilespmem:$0x19010];
	_ =	sdelay $0x3  }
0x3db: {  	v6, _, _ =	vpop (xrf0)  }
0x3dc: {  	(xrf0) =	vadd.scan.msk.s32 $0xffff, v5;
	v7 =	vxor.u32 $0x80000000, v6  }
0x3dd: {  	(xrf0) =	vmax.scan.msk.u32 $0xffff, v7;
	_ =	sdelay $0x4  }
0x3de: {  	v63, _, _ =	vpop (xrf0)  }
0x3df: {  	v8, _, _ =	vpop (xrf0)  }
0x3e0: {  	(v2sf) =	vpush v8, $0xF;
	_ =	sdelay $0xe  }
0x3e1: {  	s0 =	spop (v2sf)  }
0x3e2: {  	v4 =	vsub.s32 v6, v4;
	v5 =	vsub.s32 v63, v5;
	s0 =	sxor.u32 $0x80000000, s0  }
0x3e3: {  	[tilespmem:$0x19000] =	vst v4;
	v4 =	vadd.s32 s0, v5  }
0x3e4: {  	s24 =	simm.s32 $0xFFFFFFFC;
	s25 =	simm.s32 $0x1B020;
	s26 =	simm.s32 $0x1C0A0;
	[tilespmem:$0x19010] =	vst v4  }
.LBB2_33:
0x3e5: {  	v4 =	vld [tilespmem:s26+$0xFFFFFFE0];
	_ =	sdelay $0x4  }
0x3e6: {  	v5 =	vxor.u32 $0xFFFFFFFF, v4  }
0x3e7: {  	v5 =	vshrl.u32 v5, $0x14  }
0x3e8: {  	v5 =	vand.u32 $0x1F, v5  }
0x3e9: {  	(xrf1) =	vunique.msk.u32 $0xffff, v5;
	_ =	sdelay $0x9  }
0x3ea: {  	v6 =	vld.idx.msk [tilespmem:v5+s12+$0x0], $0xffff;
	_ =	sdelay $0x3  }
0x3eb: {  	_, v7, _ =	vpop (xrf1)  }
0x3ec: {  	v6 =	vadd.s32 v7, v6  }
0x3ed: {  	v6 =	vadd.s32 $0xFFFFFFFF, v6  }
0x3ee: {  	v57 =	vld [tilespmem:s25+$0xFFFFFFE0];
	_ =	sdelay $0x3  }
0x3ef: {  	[tilespmem:v6+s13+$0x0] =	vst.idx.msk $0xffff, v4  }
0x3f0: {  	[tilespmem:v6+s14+$0x0] =	vst.idx.msk $0xffff, v57  }
0x3f1: {  	[tilespmem:v5+s12+$0x0] =	vst.idx.add.s32.msk $0xffff, v1  }
0x3f2: {  	v4 =	vld [tilespmem:s26+$0xFFFFFFF0];
	_ =	sdelay $0x4  }
0x3f3: {  	v5 =	vxor.u32 $0xFFFFFFFF, v4  }
0x3f4: {  	v5 =	vshrl.u32 v5, $0x14  }
0x3f5: {  	v5 =	vand.u32 $0x1F, v5  }
0x3f6: {  	(xrf1) =	vunique.msk.u32 $0xffff, v5;
	_ =	sdelay $0x9  }
0x3f7: {  	v6 =	vld.idx.msk [tilespmem:v5+s12+$0x0], $0xffff;
	_ =	sdelay $0x3  }
0x3f8: {  	_, v58, _ =	vpop (xrf1)  }
0x3f9: {  	v6 =	vadd.s32 v58, v6  }
0x3fa: {  	v6 =	vadd.s32 $0xFFFFFFFF, v6  }
0x3fb: {  	v59 =	vld [tilespmem:s25+$0xFFFFFFF0];
	_ =	sdelay $0x3  }
0x3fc: {  	[tilespmem:v6+s13+$0x0] =	vst.idx.msk $0xffff, v4  }
0x3fd: {  	[tilespmem:v6+s14+$0x0] =	vst.idx.msk $0xffff, v59  }
0x3fe: {  	[tilespmem:v5+s12+$0x0] =	vst.idx.add.s32.msk $0xffff, v1  }
0x3ff: {  	v4 =	vld [tilespmem:s26+$0x0];
	_ =	sdelay $0x4  }
0x400: {  	v5 =	vxor.u32 $0xFFFFFFFF, v4  }
0x401: {  	v5 =	vshrl.u32 v5, $0x14  }
0x402: {  	v5 =	vand.u32 $0x1F, v5  }
0x403: {  	(xrf1) =	vunique.msk.u32 $0xffff, v5;
	_ =	sdelay $0x9  }
0x404: {  	v6 =	vld.idx.msk [tilespmem:v5+s12+$0x0], $0xffff;
	_ =	sdelay $0x3  }
0x405: {  	_, v60, _ =	vpop (xrf1)  }
0x406: {  	v6 =	vadd.s32 v60, v6  }
0x407: {  	v6 =	vadd.s32 $0xFFFFFFFF, v6  }
0x408: {  	v61 =	vld [tilespmem:s25+$0x0];
	_ =	sdelay $0x3  }
0x409: {  	[tilespmem:v6+s13+$0x0] =	vst.idx.msk $0xffff, v4  }
0x40a: {  	[tilespmem:v6+s14+$0x0] =	vst.idx.msk $0xffff, v61  }
0x40b: {  	[tilespmem:v5+s12+$0x0] =	vst.idx.add.s32.msk $0xffff, v1  }
0x40c: {  	v4 =	vld [tilespmem:s26+$0x10];
	_ =	sdelay $0x4  }
0x40d: {  	v5 =	vxor.u32 $0xFFFFFFFF, v4  }
0x40e: {  	v5 =	vshrl.u32 v5, $0x14  }
0x40f: {  	v5 =	vand.u32 $0x1F, v5  }
0x410: {  	(xrf1) =	vunique.msk.u32 $0xffff, v5;
	_ =	sdelay $0x9  }
0x411: {  	v6 =	vld.idx.msk [tilespmem:v5+s12+$0x0], $0xffff;
	_ =	sdelay $0x3  }
0x412: {  	_, v62, _ =	vpop (xrf1)  }
0x413: {  	v6 =	vadd.s32 v62, v6  }
0x414: {  	v6 =	vadd.s32 $0xFFFFFFFF, v6  }
0x415: {  	s24 =	sadd.s32 $0x4, s24;
	v63 =	vld [tilespmem:s25+$0x10]  }
0x416: {  	p0 =	slt.u32 s24, $0xFC  }
.Ltmp15:
0x417: {  	_ = 	snop;
	(pc) =	sbr.rel @p0 .LBB2_33-.Ltmp15, $4  }
0x418: {  	_ = 	snop  }
0x419: {  	[tilespmem:v6+s13+$0x0] =	vst.idx.msk $0xffff, v4  }
0x41a: {  	[tilespmem:v6+s14+$0x0] =	vst.idx.msk $0xffff, v63  }
0x41b: {  	s25 =	sadd.s32 $0x40, s25;
	s26 =	sadd.s32 $0x40, s26;
	[tilespmem:v5+s12+$0x0] =	vst.idx.add.s32.msk $0xffff, v1  }
0x41c: {  	[tilespmem:$0x19000] =	vst v0  }
0x41d: {  	[tilespmem:$0x19010] =	vst v0;
	s24 =	simm.s32 $0xFFFFFFF8;
	s25 =	simm.s32 $0x1D0C0  }
.LBB2_35:
0x41e: {  	v4 =	vld [tilespmem:s25+$0xFFFFFFC0];
	_ =	sdelay $0x4  }
0x41f: {  	v4 =	vxor.u32 $0xFFFFFFFF, v4  }
0x420: {  	v4 =	vshrl.u32 v4, $0x19  }
0x421: {  	v4 =	vand.u32 $0x1F, v4;
	_ =	sdelay $0x4  }
0x422: {  	[tilespmem:v4+s12+$0x0] =	vst.idx.add.s32.msk $0xffff, v1  }
0x423: {  	v4 =	vld [tilespmem:s25+$0xFFFFFFD0];
	_ =	sdelay $0x4  }
0x424: {  	v4 =	vxor.u32 $0xFFFFFFFF, v4  }
0x425: {  	v4 =	vshrl.u32 v4, $0x19  }
0x426: {  	v4 =	vand.u32 $0x1F, v4;
	_ =	sdelay $0x4  }
0x427: {  	[tilespmem:v4+s12+$0x0] =	vst.idx.add.s32.msk $0xffff, v1  }
0x428: {  	v4 =	vld [tilespmem:s25+$0xFFFFFFE0];
	_ =	sdelay $0x4  }
0x429: {  	v4 =	vxor.u32 $0xFFFFFFFF, v4  }
0x42a: {  	v4 =	vshrl.u32 v4, $0x19  }
0x42b: {  	v4 =	vand.u32 $0x1F, v4;
	_ =	sdelay $0x4  }
0x42c: {  	[tilespmem:v4+s12+$0x0] =	vst.idx.add.s32.msk $0xffff, v1  }
0x42d: {  	v4 =	vld [tilespmem:s25+$0xFFFFFFF0];
	_ =	sdelay $0x4  }
0x42e: {  	v4 =	vxor.u32 $0xFFFFFFFF, v4  }
0x42f: {  	v4 =	vshrl.u32 v4, $0x19  }
0x430: {  	v4 =	vand.u32 $0x1F, v4;
	_ =	sdelay $0x4  }
0x431: {  	[tilespmem:v4+s12+$0x0] =	vst.idx.add.s32.msk $0xffff, v1  }
0x432: {  	v4 =	vld [tilespmem:s25+$0x0];
	_ =	sdelay $0x4  }
0x433: {  	v4 =	vxor.u32 $0xFFFFFFFF, v4  }
0x434: {  	v4 =	vshrl.u32 v4, $0x19  }
0x435: {  	v4 =	vand.u32 $0x1F, v4;
	_ =	sdelay $0x4  }
0x436: {  	[tilespmem:v4+s12+$0x0] =	vst.idx.add.s32.msk $0xffff, v1  }
0x437: {  	v4 =	vld [tilespmem:s25+$0x10];
	_ =	sdelay $0x4  }
0x438: {  	v4 =	vxor.u32 $0xFFFFFFFF, v4  }
0x439: {  	v4 =	vshrl.u32 v4, $0x19  }
0x43a: {  	v4 =	vand.u32 $0x1F, v4;
	_ =	sdelay $0x4  }
0x43b: {  	[tilespmem:v4+s12+$0x0] =	vst.idx.add.s32.msk $0xffff, v1  }
0x43c: {  	v4 =	vld [tilespmem:s25+$0x20];
	_ =	sdelay $0x4  }
0x43d: {  	v4 =	vxor.u32 $0xFFFFFFFF, v4  }
0x43e: {  	v4 =	vshrl.u32 v4, $0x19  }
0x43f: {  	v4 =	vand.u32 $0x1F, v4;
	_ =	sdelay $0x4  }
0x440: {  	[tilespmem:v4+s12+$0x0] =	vst.idx.add.s32.msk $0xffff, v1  }
0x441: {  	v4 =	vld [tilespmem:s25+$0x30];
	_ =	sdelay $0x4  }
0x442: {  	v4 =	vxor.u32 $0xFFFFFFFF, v4  }
0x443: {  	s24 =	sadd.s32 $0x8, s24;
	v4 =	vshrl.u32 v4, $0x19  }
0x444: {  	p0 =	slt.u32 s24, $0xF8;
	v4 =	vand.u32 $0x1F, v4  }
.Ltmp16:
0x445: {  	_ = 	snop;
	(pc) =	sbr.rel @p0 .LBB2_35-.Ltmp16, $2  }
0x446: {  	_ =	sdelay $0x2  }
0x447: {  	s25 =	sadd.s32 $0x80, s25;
	[tilespmem:v4+s12+$0x0] =	vst.idx.add.s32.msk $0xffff, v1  }
0x448: {  	v4 =	vld [tilespmem:$0x19000];
	_ =	sdelay $0x4  }
0x449: {  	(xrf0) =	vadd.scan.msk.s32 $0xffff, v4;
	_ =	sdelay $0x1  }
0x44a: {  	v5 =	vld [tilespmem:$0x19010];
	_ =	sdelay $0x3  }
0x44b: {  	v6, _, _ =	vpop (xrf0)  }
0x44c: {  	(xrf0) =	vadd.scan.msk.s32 $0xffff, v5;
	v7 =	vxor.u32 $0x80000000, v6  }
0x44d: {  	(xrf0) =	vmax.scan.msk.u32 $0xffff, v7;
	_ =	sdelay $0x4  }
0x44e: {  	v63, _, _ =	vpop (xrf0)  }
0x44f: {  	v8, _, _ =	vpop (xrf0)  }
0x450: {  	(v2sf) =	vpush v8, $0xF;
	_ =	sdelay $0xe  }
0x451: {  	s0 =	spop (v2sf)  }
0x452: {  	v4 =	vsub.s32 v6, v4;
	v5 =	vsub.s32 v63, v5;
	s0 =	sxor.u32 $0x80000000, s0  }
0x453: {  	[tilespmem:$0x19000] =	vst v4;
	v4 =	vadd.s32 s0, v5  }
0x454: {  	s24 =	simm.s32 $0xFFFFFFFC;
	s25 =	simm.s32 $0x1E0A0;
	s26 =	simm.s32 $0x1D0A0;
	[tilespmem:$0x19010] =	vst v4  }
.LBB2_37:
0x455: {  	v4 =	vld [tilespmem:s26+$0xFFFFFFE0];
	_ =	sdelay $0x4  }
0x456: {  	v5 =	vxor.u32 $0xFFFFFFFF, v4  }
0x457: {  	v5 =	vshrl.u32 v5, $0x19  }
0x458: {  	v5 =	vand.u32 $0x1F, v5  }
0x459: {  	(xrf1) =	vunique.msk.u32 $0xffff, v5;
	_ =	sdelay $0x9  }
0x45a: {  	v6 =	vld.idx.msk [tilespmem:v5+s12+$0x0], $0xffff;
	_ =	sdelay $0x3  }
0x45b: {  	_, v7, _ =	vpop (xrf1)  }
0x45c: {  	v6 =	vadd.s32 v7, v6  }
0x45d: {  	v6 =	vadd.s32 $0xFFFFFFFF, v6  }
0x45e: {  	v57 =	vld [tilespmem:s25+$0xFFFFFFE0];
	_ =	sdelay $0x3  }
0x45f: {  	[tilespmem:v6+s15+$0x0] =	vst.idx.msk $0xffff, v4  }
0x460: {  	[tilespmem:v6+s16+$0x0] =	vst.idx.msk $0xffff, v57  }
0x461: {  	[tilespmem:v5+s12+$0x0] =	vst.idx.add.s32.msk $0xffff, v1  }
0x462: {  	v4 =	vld [tilespmem:s26+$0xFFFFFFF0];
	_ =	sdelay $0x4  }
0x463: {  	v5 =	vxor.u32 $0xFFFFFFFF, v4  }
0x464: {  	v5 =	vshrl.u32 v5, $0x19  }
0x465: {  	v5 =	vand.u32 $0x1F, v5  }
0x466: {  	(xrf1) =	vunique.msk.u32 $0xffff, v5;
	_ =	sdelay $0x9  }
0x467: {  	v6 =	vld.idx.msk [tilespmem:v5+s12+$0x0], $0xffff;
	_ =	sdelay $0x3  }
0x468: {  	_, v58, _ =	vpop (xrf1)  }
0x469: {  	v6 =	vadd.s32 v58, v6  }
0x46a: {  	v6 =	vadd.s32 $0xFFFFFFFF, v6  }
0x46b: {  	v59 =	vld [tilespmem:s25+$0xFFFFFFF0];
	_ =	sdelay $0x3  }
0x46c: {  	[tilespmem:v6+s15+$0x0] =	vst.idx.msk $0xffff, v4  }
0x46d: {  	[tilespmem:v6+s16+$0x0] =	vst.idx.msk $0xffff, v59  }
0x46e: {  	[tilespmem:v5+s12+$0x0] =	vst.idx.add.s32.msk $0xffff, v1  }
0x46f: {  	v4 =	vld [tilespmem:s26+$0x0];
	_ =	sdelay $0x4  }
0x470: {  	v5 =	vxor.u32 $0xFFFFFFFF, v4  }
0x471: {  	v5 =	vshrl.u32 v5, $0x19  }
0x472: {  	v5 =	vand.u32 $0x1F, v5  }
0x473: {  	(xrf1) =	vunique.msk.u32 $0xffff, v5;
	_ =	sdelay $0x9  }
0x474: {  	v6 =	vld.idx.msk [tilespmem:v5+s12+$0x0], $0xffff;
	_ =	sdelay $0x3  }
0x475: {  	_, v60, _ =	vpop (xrf1)  }
0x476: {  	v6 =	vadd.s32 v60, v6  }
0x477: {  	v6 =	vadd.s32 $0xFFFFFFFF, v6  }
0x478: {  	v61 =	vld [tilespmem:s25+$0x0];
	_ =	sdelay $0x3  }
0x479: {  	[tilespmem:v6+s15+$0x0] =	vst.idx.msk $0xffff, v4  }
0x47a: {  	[tilespmem:v6+s16+$0x0] =	vst.idx.msk $0xffff, v61  }
0x47b: {  	[tilespmem:v5+s12+$0x0] =	vst.idx.add.s32.msk $0xffff, v1  }
0x47c: {  	v4 =	vld [tilespmem:s26+$0x10];
	_ =	sdelay $0x4  }
0x47d: {  	v5 =	vxor.u32 $0xFFFFFFFF, v4  }
0x47e: {  	v5 =	vshrl.u32 v5, $0x19  }
0x47f: {  	v5 =	vand.u32 $0x1F, v5  }
0x480: {  	(xrf1) =	vunique.msk.u32 $0xffff, v5;
	_ =	sdelay $0x9  }
0x481: {  	v6 =	vld.idx.msk [tilespmem:v5+s12+$0x0], $0xffff;
	_ =	sdelay $0x3  }
0x482: {  	_, v62, _ =	vpop (xrf1)  }
0x483: {  	v6 =	vadd.s32 v62, v6  }
0x484: {  	v6 =	vadd.s32 $0xFFFFFFFF, v6  }
0x485: {  	s24 =	sadd.s32 $0x4, s24;
	v63 =	vld [tilespmem:s25+$0x10]  }
0x486: {  	p0 =	slt.u32 s24, $0xFC  }
.Ltmp17:
0x487: {  	_ = 	snop;
	(pc) =	sbr.rel @p0 .LBB2_37-.Ltmp17, $4  }
0x488: {  	_ = 	snop  }
0x489: {  	[tilespmem:v6+s15+$0x0] =	vst.idx.msk $0xffff, v4  }
0x48a: {  	[tilespmem:v6+s16+$0x0] =	vst.idx.msk $0xffff, v63  }
0x48b: {  	s25 =	sadd.s32 $0x40, s25;
	s26 =	sadd.s32 $0x40, s26;
	[tilespmem:v5+s12+$0x0] =	vst.idx.add.s32.msk $0xffff, v1  }
0x48c: {  	[tilespmem:$0x19000] =	vst v0  }
0x48d: {  	[tilespmem:$0x19010] =	vst v0;
	s24 =	simm.s32 $0xFFFFFFF8;
	s25 =	simm.s32 $0x1C0C0  }
.LBB2_39:
0x48e: {  	v4 =	vld [tilespmem:s25+$0xFFFFFFC0];
	_ =	sdelay $0x4  }
0x48f: {  	v4 =	vshra.s32 v4, $0x1E  }
0x490: {  	v4 =	vandn.u32 $0x1F, v4;
	_ =	sdelay $0x4  }
0x491: {  	[tilespmem:v4+s12+$0x0] =	vst.idx.add.s32.msk $0xffff, v1  }
0x492: {  	v4 =	vld [tilespmem:s25+$0xFFFFFFD0];
	_ =	sdelay $0x4  }
0x493: {  	v4 =	vshra.s32 v4, $0x1E  }
0x494: {  	v4 =	vandn.u32 $0x1F, v4;
	_ =	sdelay $0x4  }
0x495: {  	[tilespmem:v4+s12+$0x0] =	vst.idx.add.s32.msk $0xffff, v1  }
0x496: {  	v4 =	vld [tilespmem:s25+$0xFFFFFFE0];
	_ =	sdelay $0x4  }
0x497: {  	v4 =	vshra.s32 v4, $0x1E  }
0x498: {  	v4 =	vandn.u32 $0x1F, v4;
	_ =	sdelay $0x4  }
0x499: {  	[tilespmem:v4+s12+$0x0] =	vst.idx.add.s32.msk $0xffff, v1  }
0x49a: {  	v4 =	vld [tilespmem:s25+$0xFFFFFFF0];
	_ =	sdelay $0x4  }
0x49b: {  	v4 =	vshra.s32 v4, $0x1E  }
0x49c: {  	v4 =	vandn.u32 $0x1F, v4;
	_ =	sdelay $0x4  }
0x49d: {  	[tilespmem:v4+s12+$0x0] =	vst.idx.add.s32.msk $0xffff, v1  }
0x49e: {  	v4 =	vld [tilespmem:s25+$0x0];
	_ =	sdelay $0x4  }
0x49f: {  	v4 =	vshra.s32 v4, $0x1E  }
0x4a0: {  	v4 =	vandn.u32 $0x1F, v4;
	_ =	sdelay $0x4  }
0x4a1: {  	[tilespmem:v4+s12+$0x0] =	vst.idx.add.s32.msk $0xffff, v1  }
0x4a2: {  	v4 =	vld [tilespmem:s25+$0x10];
	_ =	sdelay $0x4  }
0x4a3: {  	v4 =	vshra.s32 v4, $0x1E  }
0x4a4: {  	v4 =	vandn.u32 $0x1F, v4;
	_ =	sdelay $0x4  }
0x4a5: {  	[tilespmem:v4+s12+$0x0] =	vst.idx.add.s32.msk $0xffff, v1  }
0x4a6: {  	v4 =	vld [tilespmem:s25+$0x20];
	_ =	sdelay $0x4  }
0x4a7: {  	v4 =	vshra.s32 v4, $0x1E  }
0x4a8: {  	v4 =	vandn.u32 $0x1F, v4;
	_ =	sdelay $0x4  }
0x4a9: {  	[tilespmem:v4+s12+$0x0] =	vst.idx.add.s32.msk $0xffff, v1  }
0x4aa: {  	v4 =	vld [tilespmem:s25+$0x30];
	_ =	sdelay $0x4  }
0x4ab: {  	s24 =	sadd.s32 $0x8, s24;
	v4 =	vshra.s32 v4, $0x1E  }
0x4ac: {  	p0 =	slt.u32 s24, $0xF8;
	v4 =	vandn.u32 $0x1F, v4  }
.Ltmp18:
0x4ad: {  	_ = 	snop;
	(pc) =	sbr.rel @p0 .LBB2_39-.Ltmp18, $2  }
0x4ae: {  	_ =	sdelay $0x2  }
0x4af: {  	s25 =	sadd.s32 $0x80, s25;
	[tilespmem:v4+s12+$0x0] =	vst.idx.add.s32.msk $0xffff, v1  }
0x4b0: {  	v4 =	vld [tilespmem:$0x19000];
	_ =	sdelay $0x4  }
0x4b1: {  	(xrf0) =	vadd.scan.msk.s32 $0xffff, v4;
	_ =	sdelay $0x1  }
0x4b2: {  	v5 =	vld [tilespmem:$0x19010];
	_ =	sdelay $0x3  }
0x4b3: {  	v6, _, _ =	vpop (xrf0)  }
0x4b4: {  	(xrf0) =	vadd.scan.msk.s32 $0xffff, v5;
	v7 =	vxor.u32 $0x80000000, v6  }
0x4b5: {  	(xrf0) =	vmax.scan.msk.u32 $0xffff, v7;
	_ =	sdelay $0x4  }
0x4b6: {  	v63, _, _ =	vpop (xrf0)  }
0x4b7: {  	v8, _, _ =	vpop (xrf0)  }
0x4b8: {  	(v2sf) =	vpush v8, $0xF;
	_ =	sdelay $0xe  }
0x4b9: {  	s0 =	spop (v2sf)  }
0x4ba: {  	v4 =	vsub.s32 v6, v4;
	v5 =	vsub.s32 v63, v5;
	s0 =	sxor.u32 $0x80000000, s0  }
0x4bb: {  	[tilespmem:$0x19000] =	vst v4;
	v4 =	vadd.s32 s0, v5  }
0x4bc: {  	s25 =	simm.s32 $0xFFFFFFFC;
	s26 =	simm.s32 $0x1B020;
	s28 =	simm.s32 $0x1C0A0;
	[tilespmem:$0x19010] =	vst v4  }
.LBB2_41:
0x4bd: {  	v4 =	vld [tilespmem:s28+$0xFFFFFFE0];
	_ =	sdelay $0x4  }
0x4be: {  	v5 =	vshra.s32 v4, $0x1E  }
0x4bf: {  	v5 =	vandn.u32 $0x1F, v5  }
0x4c0: {  	(xrf1) =	vunique.msk.u32 $0xffff, v5;
	_ =	sdelay $0x9  }
0x4c1: {  	v6 =	vld.idx.msk [tilespmem:v5+s12+$0x0], $0xffff;
	_ =	sdelay $0x3  }
0x4c2: {  	_, v7, _ =	vpop (xrf1)  }
0x4c3: {  	v6 =	vadd.s32 v7, v6  }
0x4c4: {  	v6 =	vadd.s32 $0xFFFFFFFF, v6  }
0x4c5: {  	v57 =	vld [tilespmem:s26+$0xFFFFFFE0];
	_ =	sdelay $0x3  }
0x4c6: {  	[tilespmem:v6+s13+$0x0] =	vst.idx.msk $0xffff, v4  }
0x4c7: {  	[tilespmem:v6+s14+$0x0] =	vst.idx.msk $0xffff, v57  }
0x4c8: {  	[tilespmem:v5+s12+$0x0] =	vst.idx.add.s32.msk $0xffff, v1  }
0x4c9: {  	v4 =	vld [tilespmem:s28+$0xFFFFFFF0];
	_ =	sdelay $0x4  }
0x4ca: {  	v5 =	vshra.s32 v4, $0x1E  }
0x4cb: {  	v5 =	vandn.u32 $0x1F, v5  }
0x4cc: {  	(xrf1) =	vunique.msk.u32 $0xffff, v5;
	_ =	sdelay $0x9  }
0x4cd: {  	v6 =	vld.idx.msk [tilespmem:v5+s12+$0x0], $0xffff;
	_ =	sdelay $0x3  }
0x4ce: {  	_, v58, _ =	vpop (xrf1)  }
0x4cf: {  	v6 =	vadd.s32 v58, v6  }
0x4d0: {  	v6 =	vadd.s32 $0xFFFFFFFF, v6  }
0x4d1: {  	v59 =	vld [tilespmem:s26+$0xFFFFFFF0];
	_ =	sdelay $0x3  }
0x4d2: {  	[tilespmem:v6+s13+$0x0] =	vst.idx.msk $0xffff, v4  }
0x4d3: {  	[tilespmem:v6+s14+$0x0] =	vst.idx.msk $0xffff, v59  }
0x4d4: {  	[tilespmem:v5+s12+$0x0] =	vst.idx.add.s32.msk $0xffff, v1  }
0x4d5: {  	v4 =	vld [tilespmem:s28+$0x0];
	_ =	sdelay $0x4  }
0x4d6: {  	v5 =	vshra.s32 v4, $0x1E  }
0x4d7: {  	v5 =	vandn.u32 $0x1F, v5  }
0x4d8: {  	(xrf1) =	vunique.msk.u32 $0xffff, v5;
	_ =	sdelay $0x9  }
0x4d9: {  	v6 =	vld.idx.msk [tilespmem:v5+s12+$0x0], $0xffff;
	_ =	sdelay $0x3  }
0x4da: {  	_, v60, _ =	vpop (xrf1)  }
0x4db: {  	v6 =	vadd.s32 v60, v6  }
0x4dc: {  	v6 =	vadd.s32 $0xFFFFFFFF, v6  }
0x4dd: {  	v61 =	vld [tilespmem:s26+$0x0];
	_ =	sdelay $0x3  }
0x4de: {  	[tilespmem:v6+s13+$0x0] =	vst.idx.msk $0xffff, v4  }
0x4df: {  	[tilespmem:v6+s14+$0x0] =	vst.idx.msk $0xffff, v61  }
0x4e0: {  	[tilespmem:v5+s12+$0x0] =	vst.idx.add.s32.msk $0xffff, v1  }
0x4e1: {  	v4 =	vld [tilespmem:s28+$0x10];
	_ =	sdelay $0x4  }
0x4e2: {  	v5 =	vshra.s32 v4, $0x1E  }
0x4e3: {  	v5 =	vandn.u32 $0x1F, v5  }
0x4e4: {  	(xrf1) =	vunique.msk.u32 $0xffff, v5;
	_ =	sdelay $0x9  }
0x4e5: {  	v6 =	vld.idx.msk [tilespmem:v5+s12+$0x0], $0xffff;
	_ =	sdelay $0x3  }
0x4e6: {  	_, v62, _ =	vpop (xrf1)  }
0x4e7: {  	v6 =	vadd.s32 v62, v6  }
0x4e8: {  	v6 =	vadd.s32 $0xFFFFFFFF, v6  }
0x4e9: {  	s25 =	sadd.s32 $0x4, s25;
	v63 =	vld [tilespmem:s26+$0x10]  }
0x4ea: {  	p0 =	slt.u32 s25, $0xFC  }
.Ltmp19:
0x4eb: {  	_ = 	snop;
	(pc) =	sbr.rel @p0 .LBB2_41-.Ltmp19, $4  }
0x4ec: {  	_ = 	snop  }
0x4ed: {  	[tilespmem:v6+s13+$0x0] =	vst.idx.msk $0xffff, v4  }
0x4ee: {  	s30 =	simm.s32 $0xFFFFFFF8;
	s29 =	simm.s32 $0x1D0C0;
	[tilespmem:v6+s14+$0x0] =	vst.idx.msk $0xffff, v63  }
0x4ef: {  	s24 =	simm.s32 $0x1A040;
	s26 =	sadd.s32 $0x40, s26;
	s28 =	sadd.s32 $0x40, s28;
	[tilespmem:v5+s12+$0x0] =	vst.idx.add.s32.msk $0xffff, v1  }
0x4f0: {  	v4 =	vld [tilespmem:s29+$0xFFFFFFC0];
	_ =	sdelay $0x4  }
0x4f1: {  	vm2 =	vgt.s32 v4, $0xFFFFFFFF  }
0x4f2: {  	v5 =	vsel vm2, $0xFFFFFFFF, v3  }
0x4f3: {  	v4 =	vxor.u32 v4, v5  }
0x4f4: {  	[tilespmem:s24+$0xFFFFFFC0] =	vst v4  }
0x4f5: {  	v4 =	vld [tilespmem:s29+$0xFFFFFFD0];
	_ =	sdelay $0x4  }
0x4f6: {  	vm2 =	vgt.s32 v4, $0xFFFFFFFF  }
0x4f7: {  	v5 =	vsel vm2, $0xFFFFFFFF, v3  }
0x4f8: {  	v4 =	vxor.u32 v4, v5  }
0x4f9: {  	[tilespmem:s24+$0xFFFFFFD0] =	vst v4  }
0x4fa: {  	v4 =	vld [tilespmem:s29+$0xFFFFFFE0];
	_ =	sdelay $0x4  }
0x4fb: {  	vm2 =	vgt.s32 v4, $0xFFFFFFFF  }
0x4fc: {  	v5 =	vsel vm2, $0xFFFFFFFF, v3  }
0x4fd: {  	v4 =	vxor.u32 v4, v5  }
0x4fe: {  	[tilespmem:s24+$0xFFFFFFE0] =	vst v4  }
0x4ff: {  	v4 =	vld [tilespmem:s29+$0xFFFFFFF0];
	_ =	sdelay $0x4  }
0x500: {  	vm2 =	vgt.s32 v4, $0xFFFFFFFF  }
0x501: {  	v5 =	vsel vm2, $0xFFFFFFFF, v3  }
0x502: {  	v4 =	vxor.u32 v4, v5  }
0x503: {  	[tilespmem:s24+$0xFFFFFFF0] =	vst v4  }
0x504: {  	v4 =	vld [tilespmem:s29+$0x0];
	_ =	sdelay $0x4  }
0x505: {  	vm2 =	vgt.s32 v4, $0xFFFFFFFF  }
0x506: {  	v5 =	vsel vm2, $0xFFFFFFFF, v3  }
0x507: {  	v4 =	vxor.u32 v4, v5  }
0x508: {  	[tilespmem:s24+$0x0] =	vst v4  }
0x509: {  	v4 =	vld [tilespmem:s29+$0x10];
	_ =	sdelay $0x4  }
0x50a: {  	vm2 =	vgt.s32 v4, $0xFFFFFFFF  }
0x50b: {  	v5 =	vsel vm2, $0xFFFFFFFF, v3  }
0x50c: {  	v4 =	vxor.u32 v4, v5  }
0x50d: {  	[tilespmem:s24+$0x10] =	vst v4  }
0x50e: {  	v4 =	vld [tilespmem:s29+$0x20];
	_ =	sdelay $0x4  }
0x50f: {  	vm2 =	vgt.s32 v4, $0xFFFFFFFF  }
0x510: {  	v5 =	vsel vm2, $0xFFFFFFFF, v3  }
0x511: {  	v4 =	vxor.u32 v4, v5  }
0x512: {  	[tilespmem:s24+$0x20] =	vst v4  }
0x513: {  	v4 =	vld [tilespmem:s29+$0x30];
	_ =	sdelay $0x4  }
0x514: {  	vm2 =	vgt.s32 v4, $0xFFFFFFFF  }
0x515: {  	v5 =	vsel vm2, $0xFFFFFFFF, v3  }
0x516: {  	v4 =	vxor.u32 v4, v5  }
0x517: {  	s25 =	sadd.s32 $0x8, s30;
	s26 =	sadd.s32 $0x80, s29;
	[tilespmem:s24+$0x30] =	vst v4  }
.LBB2_43:
0x518: {  	v4 =	vld [tilespmem:s26+$0xFFFFFFC0];
	s25 =	sadd.s32 $0x8, s25  }
0x519: {  	p0 =	slt.u32 s25, $0x78;
	_ =	sdelay $0x3  }
0x51a: {  	vm2 =	vgt.s32 v4, $0xFFFFFFFF  }
0x51b: {  	v5 =	vsel vm2, $0xFFFFFFFF, v3  }
0x51c: {  	s24 =	sadd.s32 $0x80, s24;
	v4 =	vxor.u32 v4, v5  }
0x51d: {  	[tilespmem:s24+$0xFFFFFFC0] =	vst v4  }
0x51e: {  	v4 =	vld [tilespmem:s26+$0xFFFFFFD0];
	_ =	sdelay $0x4  }
0x51f: {  	vm2 =	vgt.s32 v4, $0xFFFFFFFF  }
0x520: {  	v5 =	vsel vm2, $0xFFFFFFFF, v3  }
0x521: {  	v4 =	vxor.u32 v4, v5  }
0x522: {  	[tilespmem:s24+$0xFFFFFFD0] =	vst v4  }
0x523: {  	v4 =	vld [tilespmem:s26+$0xFFFFFFE0];
	_ =	sdelay $0x4  }
0x524: {  	vm2 =	vgt.s32 v4, $0xFFFFFFFF  }
0x525: {  	v5 =	vsel vm2, $0xFFFFFFFF, v3  }
0x526: {  	v4 =	vxor.u32 v4, v5  }
0x527: {  	[tilespmem:s24+$0xFFFFFFE0] =	vst v4  }
0x528: {  	v4 =	vld [tilespmem:s26+$0xFFFFFFF0];
	_ =	sdelay $0x4  }
0x529: {  	vm2 =	vgt.s32 v4, $0xFFFFFFFF  }
0x52a: {  	v5 =	vsel vm2, $0xFFFFFFFF, v3  }
0x52b: {  	v4 =	vxor.u32 v4, v5  }
0x52c: {  	[tilespmem:s24+$0xFFFFFFF0] =	vst v4  }
0x52d: {  	v4 =	vld [tilespmem:s26+$0x0];
	_ =	sdelay $0x4  }
0x52e: {  	vm2 =	vgt.s32 v4, $0xFFFFFFFF  }
0x52f: {  	v5 =	vsel vm2, $0xFFFFFFFF, v3  }
0x530: {  	v4 =	vxor.u32 v4, v5  }
0x531: {  	[tilespmem:s24+$0x0] =	vst v4  }
0x532: {  	v4 =	vld [tilespmem:s26+$0x10];
	_ =	sdelay $0x4  }
0x533: {  	vm2 =	vgt.s32 v4, $0xFFFFFFFF  }
0x534: {  	v5 =	vsel vm2, $0xFFFFFFFF, v3  }
0x535: {  	v4 =	vxor.u32 v4, v5  }
0x536: {  	[tilespmem:s24+$0x10] =	vst v4  }
0x537: {  	v4 =	vld [tilespmem:s26+$0x20];
	_ =	sdelay $0x4  }
0x538: {  	vm2 =	vgt.s32 v4, $0xFFFFFFFF  }
0x539: {  	v5 =	vsel vm2, $0xFFFFFFFF, v3  }
0x53a: {  	v4 =	vxor.u32 v4, v5  }
0x53b: {  	[tilespmem:s24+$0x20] =	vst v4  }
0x53c: {  	v4 =	vld [tilespmem:s26+$0x30];
	_ =	sdelay $0x3  }
.Ltmp20:
0x53d: {  	(pc) =	sbr.rel @p0 .LBB2_43-.Ltmp20, $4  }
0x53e: {  	vm2 =	vgt.s32 v4, $0xFFFFFFFF  }
0x53f: {  	v5 =	vsel vm2, $0xFFFFFFFF, v3  }
0x540: {  	v4 =	vxor.u32 v4, v5  }
0x541: {  	s26 =	sadd.s32 $0x80, s26;
	[tilespmem:s24+$0x30] =	vst v4  }
0x542: {  	s0 =	sshll.u32 s23, $0x8  }
0x543: {  	s24 =	sadd.s32 s1, s0  }
0x544: {  	[hbm4b:s24+s3] =	stream.linear.scatter [tilespmem:s17], [sflag:$0x5], $0x800, $0x38;
	[tilespmem:$0x1F080] =	vst v63  }
0x545: {  	_ =	swait.ge [sflag:s18], $0x800  }
0x546: {  	[sflag:s18] =	ssyncset.done $0x0  }
0x547: {  	s0 =	sadd.s32 s2, s0;
	[sflag:s18] =	ssyncadd.s32 $0xFFFFF800  }
0x548: {  	[hbm4b:s0+s3] =	stream.linear.scatter [tilespmem:s14], [sflag:$0x5], $0x800, $0x38;
	[tilespmem:$0x1F080] =	vst v63  }
0x549: {  	s22 =	sadd.s32 $0x1, s22;
	_ =	swait.ge [sflag:s18], $0x800  }
0x54a: {  	s31 =	sshll.u32 s23, $0x1;
	p0 =	sne.s32 s22, $0x4;
	[sflag:s18] =	ssyncset.done $0x0  }
.Ltmp21:
0x54b: {  	s0 =	sadd.s32 s6, s31;
	[sflag:s18] =	ssyncadd.s32 $0xFFFFF800;
	(pc) =	sbr.rel @p0 .LBB2_4-.Ltmp21, $4  }
0x54c: {  	[hbm4b:s0+s3] =	stream.linear.scatter [tilespmem:s19], [sflag:$0x5], $0x10, $0x38;
	[tilespmem:$0x1F080] =	vst v63  }
0x54d: {  	_ =	swait.ge [sflag:s18], $0x10  }
0x54e: {  	[sflag:s18] =	ssyncset.done $0x0  }
0x54f: {  	[sflag:s18] =	ssyncadd.s32 $0xFFFFFFF0  }
0x550: {  	s20 =	sadd.s32 $0x1, s20  }
0x551: {  	p0 =	sne.s32 s20, s8  }
.Ltmp22:
0x552: {  	_ = 	snop;
	(pc) =	sbr.rel @p0 .LBB2_1-.Ltmp22, $1  }
0x553: {  	_ =	sdelay $0x3  }
0x554: {  	_ =	sfence.sel $0x180000  }
0x555: {  	[bflag:$0x0] =	sbarrier.arrive $0xFFFF  }
0x556: {  	_ =	strace $0x9000004A  }
0x557: {  	[bflag:$0x2] =	sbarrier.arrive $0xFFFF  }
0x558: {  	p0 =	sne.s32 s4, $0x0;
	s0 =	rddreg [dreg:$0x3]  }
0x559: {  	s0 =	sadd.s32 @!p0 $0x100000, s0  }
0x55a: {  	[sflag:s0] =	ssyncadd.tile.s32 @!p0 $0x1;
	_ =	shalt  }
.Lfunc_end2:
_tile_overlayer_lowered:
.L_overlay_start_2:
0x55b: {  	(tag) =	ssettag $0x2  }
0x55c: {  	s0 =	rddreg [dreg:$0x0];
	s2 =	stileid.u32  }
0x55d: {  	s1 =	rddreg [dreg:$0x1];
	p0 =	sne.s32 s2, $0x0  }
0x55e: {  	s3 =	rddreg [dreg:$0x2];
	[bflag:$0x3] =	sbarrier.arrive $0xFFFF;
	s2 =	simm.s32 @!p0 $0x1C05  }
0x55f: {  	[timem:s3], [sflag:s2] =	dma.local @!p0 [hbm:s0], s1  }
0x560: {  	s0 =	simm.s32 @!p0 $0x5  }
0x561: {  	_ =	swait.ge @!p0 [sflag:s0], s1  }
0x562: {  	s1 =	ssub.s32 @!p0 $0x0, s1;
	[sflag:s0] =	ssyncset.done @!p0 $0x0  }
0x563: {  	[sflag:s0] =	ssyncadd.s32 @!p0 s1  }
0x564: {  	[bflag:$0x3] =	sbarrier.arrive $0xFFFF  }
0x565: {  	_ =	shalt  }

// kernel: sparse-core-data-format-call.cloned.1.call-start
scs
called_computation_lowered:
.L_overlay_start_0:
0x0: {  	s2 =	sld [smem:$0x3FD9]  }
0x1: {  	s3 =	sld [smem:$0x3FFE];
	_ =	sdelay $0x1  }
0x2: {  	s1 =	srdreg.scid  }
0x3: {  	s0 =	sand.u32 $0x1, s1  }
0x4: {  	s18 =	sshll.u32 s0, $0xA;
	s2 =	sadd.s32 s3, s2  }
0x5: {  	s2 =	sadd.s32 s2, s18  }
0x6: {  	[smem:$0x3FC3] =	sst s2  }
0x7: {  	_ = 	snop  }
0x8: {  	s2 =	sld [smem:$0x3FC9];
	(tm) =	ssettm $0x1  }
0x9: {  	s19 =	sld [smem:$0x3FFB];
	_ =	sdelay $0x3  }
0xa: {  	_ =	strace s19  }
0xb: {  	s3 =	sld [smem:$0x3FFC];
	_ =	sdelay $0x3  }
0xc: {  	_ =	strace s3  }
0xd: {  	s3 =	sld [smem:$0x3FFD];
	_ =	sdelay $0x3  }
0xe: {  	_ =	strace s3  }
0xf: {  	_ =	strace $0x8FFFFFFF  }
0x10: {  	s20 =	sld [smem:$0x3FDB];
	_ =	sdelay $0x1  }
0x11: {  	s4 =	simm.s32 $_scs_section_size  }
0x12: {  	s5 =	simm.s32 $_size__tile_overlayer_lowered;
	s6 =	simm.s32 $_tile_overlayer_lowered  }
0x13: {  	s23 =	simm.s32 $0x1BFF;
	s22 =	sshll.u32 s6, $0x1;
	s3 =	sadd.s32 s4, s20  }
0x14: {  	s7 =	simm.s32 $0x0;
	s21 =	sshll.u32 s5, $0x1;
	s5 =	sadd.s32 s22, s3  }
0x15: {  	[timem:s7], [sflag:s23] =	dma.local [hbm:s5], s21  }
0x16: {  	_ =	swait.ge [sflag:s23], s21  }
0x17: {  	s4 =	ssub.s32 $0x0, s21;
	[sflag:s23] =	ssyncset.done $0x0  }
0x18: {  	[sflag:s23] =	ssyncadd.s32 s4;
	_ =	sdelay $0x1  }
0x19: {  	s24 =	simm.s32 $0x1B8B  }
0x1a: {  	_ =	swait.ge [sflag:s24], $0x1  }
0x1b: {  	[sflag:s24] =	ssyncset.done $0x0  }
0x1c: {  	s26 =	simm.s32 $0x1B8E;
	s25 =	sld [smem:$0x3FFE];
	[sflag:s24] =	ssyncadd.s32 $0xFFFFFFFF  }
0x1d: {  	s27 =	simm.s32 $execute0_lowered;
	[smem:$0x3FD2] =	sst s26  }
0x1e: {  	s5 =	sshll.u32 s27, $0x1;
	_ =	strace $0x80000046;
	[dreg:$0x1] =	wrdreg $0xFFFFFFFF  }
0x1f: {  	s28 =	simm.s32 $_size_execute0_lowered;
	s3 =	sadd.s32 s3, s5;
	[dreg:$0x0] =	wrdreg $0x0  }
0x20: {  	s5 =	sshll.u32 s28, $0x1;
	[dreg:$0x2] =	wrdreg s3  }
0x21: {  	[dreg:$0x3] =	wrdreg s5  }
0x22: {  	[dreg:$0x4] =	wrdreg $0xC0  }
0x23: {  	_ =	task [dreg:s7], $0x5FFFF  }
0x24: {  	[dreg:$0x1] =	wrdreg $0xFFFFFFFF  }
0x25: {  	[dreg:$0x0] =	wrdreg $0x60  }
0x26: {  	[dreg:$0x2] =	wrdreg s2  }
0x27: {  	[dreg:$0x3] =	wrdreg s25  }
0x28: {  	[dreg:$0x4] =	wrdreg $0x9  }
0x29: {  	_ =	task.clear_ibuf [dreg:s7], $0x5FFFF;
	_ =	strace $0x90000046  }
0x2a: {  	s29 =	simm.s32 $0x9;
	_ =	strace $0x80000048  }
0x2b: {  	_ =	swait.ge [sflag:s29], $0x1  }
0x2c: {  	[sflag:s29] =	ssyncadd.s32 $0xFFFFFFFF  }
0x2d: {  	_ =	strace $0x90000048  }
0x2e: {  	_ =	sfence  }
0x2f: {  	s30 =	sld [smem:$0x0];
	_ =	sdelay $0x2  }
0x30: {  	s31 =	sshll.u32 s1, $0xD;
	s1 =	sshrl.u32 s1, $0x2  }
0x31: {  	s3 =	sand.u32 $0x4000, s31;
	s1 =	sadd.s32 s1, s30  }
0x32: {  	s0 =	sor.u32 s3, s0;
	s1 =	sshll.u32 s1, $0x11  }
0x33: {  	s0 =	sor.u32 s1, s0  }
0x34: {  	s0 =	sadd.s32 $0x8F2B, s0  }
0x35: {  	[sflag:s0] =	ssyncadd.remote.s32 $0x1  }
0x36: {  	_ =	sfence.sel $0xFFFF  }
0x37: {  	[dreg:$0x0] =	wrdreg $0xFFFFFFFF;
	(pc) =	sbr.abs _section_cstart, $3  }
0x38: {  	[dreg:$0x1] =	wrdreg $0xFFFFFFFF  }
0x39: {  	_ =	task.clear_ibuf [dreg:s7], $0x2FFFF;
	_ =	strace $0x9FFFFFFF  }
0x3a: {  	(tm) =	ssettm $0x7FFFFFFF  }
0x3b: {  	_ =	shalt  }
tec
execute0_lowered:
.L_overlay_start_1:
0x0: {  	(tag) =	ssettag $0x1  }
0x1: {  	s2 =	rddreg [dreg:$0x0]  }
0x2: {  	s0 =	srdreg.scid;
	s4 =	rddreg [dreg:$0x1]  }
0x3: {  	s1 =	stileid.u32;
	s5 =	simm.s32 $0x1;
	s0 =	sshll.u32 s0, $0x4  }
0x4: {  	s7 =	simm.s32 $0x2;
	s11 =	simm.s32 $0x0;
	s3 =	sand.u32 $0x10, s0  }
.Ltmp0:
0x5: {  	p0 =	por $0x0, $0x0;
	s3 =	sor.u32 s1, s3;
	(pc) =	sbr.rel .LBB1_1-.Ltmp0, $4  }
0x6: {  	s8 =	simm.s32 $0xC3800;
	s10 =	simm.s32 $0x0;
	s3 =	sshll.u32 s3, $0x7  }
0x7: {  	s0 =	rddreg [dreg:$0x2];
	_ =	strace $0x80000047;
	s6 =	ssub.s32 $0x18680, s3  }
0x8: {  	s4 =	sadd.s32 $0x1400, s4;
	[sflag:s5] =	ssyncpa.u1 $0x0;
	s6 =	sshrl.u32 s6, $0xC  }
0x9: {  	[sflag:s7] =	ssyncpa.u1 $0x0;
	s9 =	smov.u32 s3;
	s7 =	sadd.s32 $0x2, s6  }
.LBB1_5:
0xa: {  	s13 =	sadd.s32 $0x1000, s9  }
0xb: {  	p2 =	sgt.s32 s13, $0x1869F  }
0xc: {  	s13 =	smov.u32 @p2 s3;
	p2 =	sne.s32 s10, s7  }
.Ltmp1:
0xd: {  	p1 =	slt.u32 s10, $0x2;
	(pc) =	sbr.rel @!p2 .LBB1_6-.Ltmp1, $4  }
0xe: {  	s12 =	simm.s32 @!p1 $0x2  }
0xf: {  	s14 =	sadd.s32 $0x1, s10;
	_ =	swait.ge @!p1 [sflag:s12], $0x4000  }
0x10: {  	s11 =	smov.u32 s9;
	p0 =	por !p0, !p0;
	[sflag:s12] =	ssyncset.done @!p1 $0x0  }
0x11: {  	s10 =	smov.u32 s14;
	s9 =	smov.u32 s13;
	[sflag:s12] =	ssyncadd.s32 @!p1 $0xFFFFC000  }
.LBB1_1:
0x12: {  	p1 =	sgt.u32 s10, s6  }
0x13: {  	s12 =	sand.u32 @!p1 $0x1FFFFFF, s9  }
0x14: {  	p2 =	sgt.s32 @!p1 s9, $0x18620;
	s13 =	smulhi.u32 @!p1 $0x14F8B59, s12  }
0x15: {  	s14 =	smov.u32 s9;
	s15 =	sshra.s32 @!p1 s9, $0x1F;
	p2 =	por !p2, p1  }
0x16: {  	s15 =	sand.u32 @!p1 s15, s9;
	s14 =	simm.s32 @p2 $0x18620;
	s13 =	sshrl.u32 @!p1 s13, $0x9  }
0x17: {  	s14 =	ssub.s32 @!p1 s14, s15;
	s13 =	smul.u32 @!p1 $0x186A0, s13  }
0x18: {  	s15 =	sxor.u32 @!p1 $0xFFFFFFFF, s10;
	s14 =	sadd.s32 @!p1 $0xFFFE79E0, s14  }
0x19: {  	s15 =	sshll.u32 @!p1 s15, $0xE;
	s12 =	ssub.s32 @!p1 s12, s13;
	s13 =	sshll.u32 @!p1 s14, $0x9  }
0x1a: {  	s15 =	sand.u32 @!p1 $0x4000, s15;
	p2 =	sgt.s32 @!p1 s14, $0x7F;
	s13 =	ssub.s32 @!p1 $0x10000, s13  }
0x1b: {  	p2 =	por !p2, p1;
	s12 =	sshll.u32 @!p1 s12, $0x4;
	s13 =	sshrl.u32 @!p1 s13, $0x2  }
0x1c: {  	s14 =	simm.s32 @!p1 $0x0;
	s12 =	sadd.s32 @!p1 s2, s12;
	s13 =	simm.s32 @!p2 $0x0  }
0x1d: {  	[tilespmem:s15], [sflag:$0x1] =	stream.linear.gather @!p1 [hbm4b:s12+s14], s13, $0x38;
	[tilespmem:$0x10100] =	vst v63  }
0x1e: {  	p1 =	seq.s32 s10, $0x0  }
0x1f: {  	p2 =	sge.u32 @!p1 s10, s7  }
0x20: {  	p1 =	por p1, p2  }
.Ltmp2:
0x21: {  	_ = 	snop;
	(pc) =	sbr.rel @p1 .LBB1_5-.Ltmp2, $1  }
0x22: {  	_ =	sdelay $0x3  }
0x23: {  	p1 =	sgt.s32 s11, $0x18620;
	s12 =	smov.u32 s11;
	s13 =	sshra.s32 s11, $0x1F  }
0x24: {  	s12 =	simm.s32 @!p1 $0x18620;
	s13 =	sand.u32 s13, s11  }
0x25: {  	s12 =	ssub.s32 s12, s13  }
0x26: {  	s12 =	sadd.s32 $0xFFFE79E0, s12  }
0x27: {  	s29 =	sshll.u32 s12, $0x9  }
0x28: {  	s13 =	ssub.s32 $0x10000, s29  }
0x29: {  	p1 =	sgt.s32 s12, $0x7F;
	s12 =	sshrl.u32 s13, $0x2  }
0x2a: {  	s13 =	simm.s32 $0x1;
	s12 =	simm.s32 @p1 $0x0  }
0x2b: {  	s13 =	simm.s32 @!p0 $0x0;
	_ =	swait.ge [sflag:s5], s12  }
0x2c: {  	s14 =	sshll.u32 s13, $0xE;
	s12 =	ssub.s32 $0x0, s12;
	[sflag:s5] =	ssyncset.done $0x0  }
0x2d: {  	s15 =	sor.u32 $0x40, s14;
	[sflag:s5] =	ssyncadd.s32 s12  }
0x2e: {  	s30 =	smul.u32 $0x10200, s13;
	v0 =	vld [tilespmem:s15+$0x30]  }
0x2f: {  	v1 =	vld [tilespmem:s15+$0xFFFFFFD0]  }
0x30: {  	s12 =	sshrl.u32 s30, $0x2;
	v5 =	vld [tilespmem:s15+$0xFFFFFFE0]  }
0x31: {  	s13 =	sor.u32 $0x8000, s12;
	v6 =	vld [tilespmem:s15+$0xFFFFFFF0]  }
0x32: {  	s31 =	sand.u32 $0x1, s10;
	v3 =	vld [tilespmem:s15+$0x0];
	s14 =	sadd.s32 $0x0, s13  }
0x33: {  	s12 =	smul.u32 $0x10200, s31;
	v4 =	vld [tilespmem:s15+$0x10];
	[tilespmem:s14+$0x3870 ss:$0x81] =	vst.msk $0xffff, v0  }
0x34: {  	v2 =	vld [tilespmem:s15+$0x20];
	[tilespmem:s14+$0x810 ss:$0x81] =	vst.msk $0xffff, v1  }
0x35: {  	s12 =	sshrl.u32 s12, $0x2;
	v0 =	vld [tilespmem:s15+$0xFFFFFFC0];
	[tilespmem:s14+$0x1020 ss:$0x81] =	vst.msk $0xffff, v5;
	s15 =	sadd.s32 $0x80, s15  }
0x36: {  	s16 =	simm.s32 $0x4;
	s17 =	simm.s32 $0x8;
	s12 =	sor.u32 $0x8000, s12;
	[tilespmem:s14+$0x1830 ss:$0x81] =	vst.msk $0xffff, v6;
	v1 =	vld [tilespmem:s15+$0x30]  }
.LBB1_3:
0x37: {  	p1 =	sne.s32 s17, $0x1FC;
	v5 =	vld [tilespmem:s15+$0xFFFFFFD0];
	[tilespmem:s14+$0x2040 ss:$0x81] =	vst.msk $0xffff, v3  }
0x38: {  	v6 =	vld [tilespmem:s15+$0xFFFFFFE0];
	[tilespmem:s14+$0x2850 ss:$0x81] =	vst.msk $0xffff, v4  }
0x39: {  	s18 =	sshra.s32 s16, $0x2;
	s16 =	smov.u32 s17;
	v7 =	vld [tilespmem:s15+$0xFFFFFFF0];
	[tilespmem:s14+$0x3060 ss:$0x81] =	vst.msk $0xffff, v2  }
.Ltmp3:
0x3a: {  	v3 =	vld [tilespmem:s15+$0x0];
	[tilespmem:s14+$0x0 ss:$0x81] =	vst.msk $0xffff, v0;
	s14 =	sadd.s32 s18, s13;
	(pc) =	sbr.rel @p1 .LBB1_3-.Ltmp3, $4  }
0x3b: {  	v4 =	vld [tilespmem:s15+$0x10];
	[tilespmem:s14+$0x3870 ss:$0x81] =	vst.msk $0xffff, v1  }
0x3c: {  	[tilespmem:s14+$0x810 ss:$0x81] =	vst.msk $0xffff, v5;
	v2 =	vld [tilespmem:s15+$0x20]  }
0x3d: {  	v0 =	vld [tilespmem:s15+$0xFFFFFFC0];
	[tilespmem:s14+$0x1020 ss:$0x81] =	vst.msk $0xffff, v6;
	s15 =	sadd.s32 $0x80, s15  }
0x3e: {  	s17 =	sadd.s32 $0x4, s17;
	v1 =	vld [tilespmem:s15+$0x30];
	[tilespmem:s14+$0x1830 ss:$0x81] =	vst.msk $0xffff, v7  }
0x3f: {  	v5 =	vld [tilespmem:s15+$0xFFFFFFD0];
	[tilespmem:s14+$0x2040 ss:$0x81] =	vst.msk $0xffff, v3;
	s17 =	sshll.u32 s11, $0x3  }
0x40: {  	v58 =	vld [tilespmem:s15+$0xFFFFFFE0];
	s25 =	sand.u32 $0x7F, s11;
	[tilespmem:s14+$0x2850 ss:$0x81] =	vst.msk $0xffff, v4;
	s17 =	sand.u32 $0xFFFFFC00, s17  }
0x41: {  	s16 =	sshra.s32 s16, $0x2;
	v59 =	vld [tilespmem:s15+$0xFFFFFFF0];
	[tilespmem:s14+$0x3060 ss:$0x81] =	vst.msk $0xffff, v2;
	s11 =	sor.u32 s25, s17  }
0x42: {  	v60 =	vld [tilespmem:s15+$0x0];
	s13 =	sadd.s32 s16, s13;
	[tilespmem:s14+$0x0 ss:$0x81] =	vst.msk $0xffff, v0;
	s26 =	smulhi.u32 $0xA79C7B17, s11  }
0x43: {  	v61 =	vld [tilespmem:s15+$0x10];
	[tilespmem:s13+$0x3870 ss:$0x81] =	vst.msk $0xffff, v1  }
0x44: {  	v62 =	vld [tilespmem:s15+$0x20];
	s27 =	smulhi.u32 $0xA79C7B17, s17;
	[tilespmem:s13+$0x810 ss:$0x81] =	vst.msk $0xffff, v5;
	s14 =	sshrl.u32 s26, $0x10  }
0x45: {  	v63 =	vld [tilespmem:s15+$0xFFFFFFC0];
	[tilespmem:s13+$0x1020 ss:$0x81] =	vst.msk $0xffff, v58;
	s14 =	smul.u32 $0x18700, s14  }
0x46: {  	s28 =	sshrl.u32 s27, $0x10;
	[tilespmem:s13+$0x1830 ss:$0x81] =	vst.msk $0xffff, v59  }
.Ltmp4:
0x47: {  	[tilespmem:s13+$0x2040 ss:$0x81] =	vst.msk $0xffff, v60;
	s29 =	sand.u32 $0x7F, s28;
	s11 =	ssub.s32 s11, s14;
	(pc) =	sbr.rel .LBB1_5-.Ltmp4, $4  }
0x48: {  	[tilespmem:s13+$0x2850 ss:$0x81] =	vst.msk $0xffff, v61;
	s14 =	smul.u32 $0x30E0, s29;
	s30 =	sshrl.u32 s11, $0x3;
	s11 =	sand.u32 $0x7, s11  }
0x49: {  	[tilespmem:s13+$0x3060 ss:$0x81] =	vst.msk $0xffff, v62;
	s15 =	sadd.s32 s4, s30;
	s11 =	sshll.u32 s11, $0x12  }
0x4a: {  	[tilespmem:s13+$0x0 ss:$0x81] =	vst.msk $0xffff, v63;
	s31 =	sadd.s32 s14, s15;
	s11 =	sor.u32 $0x400, s11  }
0x4b: {  	[hbm4b:s31+s11] =	stream.strided.scatter [tilespmem:s12], [sflag:$0x2], $0x4000, s8, s11, $0x20;
	[tilespmem:$0x10100] =	vst v63  }
.LBB1_6:
0x4c: {  	_ =	sfence.sel $0x180000  }
0x4d: {  	s2 =	simm.s32 $0x1;
	[bflag:$0x0] =	sbarrier.arrive $0xFFFF  }
0x4e: {  	s31 =	simm.s32 $0x2;
	[sflag:s2] =	ssyncpa.u1 $0x1  }
0x4f: {  	[sflag:s31] =	ssyncpa.u1 $0x1  }
0x50: {  	p0 =	sne.s32 s1, $0x0;
	_ =	strace $0x90000047  }
0x51: {  	s0 =	sadd.s32 @!p0 $0x100000, s0;
	[bflag:$0x2] =	sbarrier.arrive $0xFFFF  }
0x52: {  	[sflag:s0] =	ssyncadd.tile.s32 @!p0 $0x1;
	_ =	shalt  }
.Lfunc_end1:
_tile_overlayer_lowered:
.L_overlay_start_2:
0x53: {  	(tag) =	ssettag $0x2  }
0x54: {  	s0 =	rddreg [dreg:$0x0];
	s2 =	stileid.u32  }
0x55: {  	s1 =	rddreg [dreg:$0x1];
	p0 =	sne.s32 s2, $0x0  }
0x56: {  	s3 =	rddreg [dreg:$0x2];
	[bflag:$0x3] =	sbarrier.arrive $0xFFFF;
	s2 =	simm.s32 @!p0 $0x1C01  }
0x57: {  	[timem:s3], [sflag:s2] =	dma.local @!p0 [hbm:s0], s1  }
0x58: {  	s0 =	simm.s32 @!p0 $0x1  }
0x59: {  	_ =	swait.ge @!p0 [sflag:s0], s1  }
0x5a: {  	s1 =	ssub.s32 @!p0 $0x0, s1;
	[sflag:s0] =	ssyncset.done @!p0 $0x0  }
0x5b: {  	[sflag:s0] =	ssyncadd.s32 @!p0 s1  }
0x5c: {  	[bflag:$0x3] =	sbarrier.arrive $0xFFFF  }
0x5d: {  	_ =	shalt  }

</sc_bundles>
